<compile_context>
chip_gen: v7x
topology: tpu7x:2x2x1
jax: 0.10.2.dev20260603
libtpu: 0.0.44.dev20260713+nightly
codegen_flags: <defaults>
</compile_context>

<pallas_src>
import jax
import jax.numpy as jnp
from jax import lax
from jax.experimental import pallas as pl
from jax.experimental.pallas import tpu as pltpu

GS = 8
TOPK = 3


def _pool_body(xp_ref, xw_ref, d_ref):
    xv = xp_ref[0]
    gw = xv.shape[1] // GS
    c = xv.shape[2]
    p = GS * GS
    xs = jnp.concatenate(
        [xv[:, j * GS:(j + 1) * GS, :].reshape(p, c) for j in range(gw)],
        axis=0).reshape(gw, p, c)
    xw_ref[...] = xs
    d_ref[...] = jnp.max(xs, axis=1)


def _topk_body(d_rows_ref, d_all_ref, val_ref, idx_ref):
    s = lax.dot_general(d_rows_ref[...], d_all_ref[...],
                        (((1,), (1,)), ((), ())),
                        preferred_element_type=jnp.float32)
    iota = lax.broadcasted_iota(jnp.int32, s.shape, 1)
    vals, idxs = [], []
    for _ in range(TOPK):
        v = jnp.max(s, axis=1, keepdims=True)
        i = jnp.min(jnp.where(s >= v, iota, jnp.int32(2 ** 30)),
                    axis=1, keepdims=True)
        vals.append(v)
        idxs.append(i)
        s = jnp.where(iota == i, -jnp.inf, s)
    r = s.shape[0]
    val_ref[...] = jnp.concatenate(
        vals + [jnp.full((r, 8 - TOPK), -1e30, jnp.float32)], axis=1)
    idx_ref[...] = jnp.concatenate(
        idxs + [jnp.zeros((r, 8 - TOPK), jnp.int32)], axis=1)


def _attn_body(*refs):
    (sidx_ref, xs_ref), rest = refs[:2], refs[2:]
    wb = (len(rest) - 4) // TOPK
    nrefs = rest[:TOPK * wb]
    sv_ref, wcat_ref, misc_ref, out_ref = rest[TOPK * wb:]
    p_dim = GS * GS
    c_dim = xs_ref.shape[-1]
    rows = wb * p_dim

    xs = xs_ref[...].reshape(rows, c_dim)

    sv = sv_ref[...].reshape(wb, 8)
    lane = lax.broadcasted_iota(jnp.int32, sv.shape, 1)
    m3 = jnp.max(jnp.where(lane < TOPK, sv, -jnp.inf), axis=1, keepdims=True)
    e = jnp.where(lane < TOPK, jnp.exp(sv - m3), 0.0)
    w = e / jnp.sum(e, axis=1, keepdims=True)

    ctx = jnp.concatenate([
        sum(w[j:j + 1, k:k + 1] * nrefs[TOPK * j + k][0] for k in range(TOPK))
        for j in range(wb)], axis=0)

    def mm(a, b, dims):
        return lax.dot_general(a, b, (dims, ((), ())),
                               preferred_element_type=jnp.float32)

    wcat = wcat_ref[...]
    misc = misc_ref[...]
    q = mm(xs, wcat[0:c_dim], ((1,), (1,))) + misc[0:1]
    kk = mm(ctx, wcat[c_dim:2 * c_dim], ((1,), (1,))) + misc[1:2]
    vv = mm(ctx, wcat[2 * c_dim:3 * c_dim], ((1,), (1,))) + misc[2:3]

    pvec = lax.broadcasted_iota(jnp.int32, (rows, 1), 0)
    yy = (pvec % p_dim) // GS
    xx = pvec % GS
    acc = jnp.zeros((rows, c_dim), jnp.float32)
    for ky in range(3):
        for kx in range(3):
            dy, dx = ky - 1, kx - 1
            s = GS * dy + dx
            sh = xs if s == 0 else jnp.roll(xs, -s, axis=0)
            valid = ((yy + dy >= 0) & (yy + dy < GS)
                     & (xx + dx >= 0) & (xx + dx < GS))
            t = 3 * ky + kx
            acc = acc + jnp.where(valid, sh, 0.0) * misc[4 + t:5 + t, :]
    lepe = acc + misc[13:14]

    scale = c_dim ** -0.5
    attn = jnp.concatenate(
        [mm(q[j * p_dim:(j + 1) * p_dim], kk[j * p_dim:(j + 1) * p_dim],
            ((1,), (1,))) for j in range(wb)], axis=0) * scale
    mrow = jnp.max(attn, axis=1, keepdims=True)
    pexp = jnp.exp(attn - mrow)
    pnorm = pexp / jnp.sum(pexp, axis=1, keepdims=True)
    o = jnp.concatenate(
        [mm(pnorm[j * p_dim:(j + 1) * p_dim], vv[j * p_dim:(j + 1) * p_dim],
            ((1,), (0,))) for j in range(wb)], axis=0) + lepe
    res = mm(o, wcat[3 * c_dim:4 * c_dim], ((1,), (1,))) + misc[3:4]
    out_ref[0] = jnp.concatenate(
        [res[j * p_dim:(j + 1) * p_dim].reshape(GS, GS, c_dim)
         for j in range(wb)], axis=1)


def kernel(x, Wq, bq, Wk, bk, Wv, bv, Wp, bp, lepe_w, lepe_b):
    b, c, h, w = x.shape
    gh, gw = h // GS, w // GS
    n = b * gh * gw
    p = GS * GS

    xp = jnp.transpose(x, (0, 2, 3, 1))

    xw, d = pl.pallas_call(
        _pool_body,
        grid=(gh,),
        in_specs=[pl.BlockSpec((1, GS, w, c), lambda i: (0, i, 0, 0))],
        out_specs=[pl.BlockSpec((gw, p, c), lambda i: (i, 0, 0)),
                   pl.BlockSpec((gw, c), lambda i: (i, 0))],
        out_shape=[jax.ShapeDtypeStruct((n, p, c), jnp.float32),
                   jax.ShapeDtypeStruct((n, c), jnp.float32)],
    )(xp)

    r = min(256, n)
    sval, sidx = pl.pallas_call(
        _topk_body,
        grid=(n // r,),
        in_specs=[pl.BlockSpec((r, c), lambda i: (i, 0)),
                  pl.BlockSpec((n, c), lambda i: (0, 0))],
        out_specs=[pl.BlockSpec((r, 8), lambda i: (i, 0)),
                   pl.BlockSpec((r, 8), lambda i: (i, 0))],
        out_shape=[jax.ShapeDtypeStruct((n, 8), jnp.float32),
                   jax.ShapeDtypeStruct((n, 8), jnp.int32)],
    )(d, d)

    sidx_flat = sidx[:, :TOPK].reshape(-1)
    sval3 = sval.reshape(n, 1, 8)
    lt = lepe_w.reshape(c, 9).transpose(1, 0)
    wcat = jnp.concatenate([Wq, Wk, Wv, Wp], axis=0)
    misc = jnp.concatenate(
        [bq.reshape(1, c), bk.reshape(1, c), bv.reshape(1, c),
         bp.reshape(1, c), lt, lepe_b.reshape(1, c),
         jnp.zeros((2, c), jnp.float32)], axis=0)

    wb = gw
    nspec = lambda t: pl.BlockSpec(
        (1, p, c), lambda i, si, t=t: (si[TOPK * wb * i + t], 0, 0))
    grid_spec = pltpu.PrefetchScalarGridSpec(
        num_scalar_prefetch=1,
        grid=(gh,),
        in_specs=[
            pl.BlockSpec((wb, p, c), lambda i, si: (i, 0, 0)),
            *[nspec(t) for t in range(TOPK * wb)],
            pl.BlockSpec((wb, 1, 8), lambda i, si: (i, 0, 0)),
            pl.BlockSpec((4 * c, c), lambda i, si: (0, 0)),
            pl.BlockSpec((16, c), lambda i, si: (0, 0)),
        ],
        out_specs=pl.BlockSpec((1, GS, w, c), lambda i, si: (0, i, 0, 0)),
    )
    out_xp = pl.pallas_call(
        _attn_body,
        grid_spec=grid_spec,
        out_shape=jax.ShapeDtypeStruct((b, h, w, c), jnp.float32),
    )(sidx_flat, xw, *([xw] * (TOPK * wb)), sval3, wcat, misc)

    return jnp.transpose(out_xp, (0, 3, 1, 2))

# --- scband reference (transcript-rebuilt; emitter-appended) ---
"""Pipeline reference for scband-lhsbv2-40381282517306 (READ-ONLY COPY).

The authoritative reference and input builder live on the scoring server;
editing this copy changes nothing except your own understanding.
"""

import jax, jax.numpy as jnp
import numpy as np

B, C, H, W = 1, 96, 512, 512
GS, CS, TOPK = 8, 64, 3


def setup_inputs(seed: int = 0) -> dict:
    key = jax.random.key(seed)
    ks = jax.random.split(key, 12)
    s = 1.0 / np.sqrt(C)
    x = jax.random.normal(ks[0], (B, C, H, W), dtype=jnp.float32)
    Wq = jax.random.normal(ks[1], (C, C), dtype=jnp.float32) * s
    bq = jnp.zeros((C,), dtype=jnp.float32)
    Wk = jax.random.normal(ks[2], (C, C), dtype=jnp.float32) * s
    bk = jnp.zeros((C,), dtype=jnp.float32)
    Wv = jax.random.normal(ks[3], (C, C), dtype=jnp.float32) * s
    bv = jnp.zeros((C,), dtype=jnp.float32)
    Wp = jax.random.normal(ks[4], (C, C), dtype=jnp.float32) * s
    bp = jnp.zeros((C,), dtype=jnp.float32)
    lepe_w = jax.random.normal(ks[5], (C, 1, 3, 3), dtype=jnp.float32) * 0.1
    lepe_b = jnp.zeros((C,), dtype=jnp.float32)
    return {"x": x, "Wq": Wq, "bq": bq, "Wk": Wk, "bk": bk, "Wv": Wv, "bv": bv, "Wp": Wp, "bp": bp, "lepe_w": lepe_w, "lepe_b": lepe_b}


def reference(x, Wq, bq, Wk, bk, Wv, bv, Wp, bp, lepe_w, lepe_b):
    b, c, h, w = x.shape
    gh, gw = h // GS, w // GS
    # adaptive_max_pool2d to (gh, gw): exact 8x8 block max
    dsx = x.reshape(b, c, gh, GS, gw, GS).max(axis=(3, 5))  # [b, c, gh, gw]
    itr = (b * gh * gw) // CS
    dsx = jnp.transpose(dsx, (0, 2, 3, 1)).reshape(itr, CS, c)
    # all-pairs cluster similarity, per-(i,j) topk then merge (faithful to two-stage topk)
    A = jnp.einsum('icd,jed->ijce', dsx, dsx)  # [itr, itr, CS, CS]
    sc, ix = jax.lax.top_k(A, TOPK)            # [itr, itr, CS, TOPK]
    gidx = ix + (jnp.arange(itr) * CS)[None, :, None, None]
    cat_score = jnp.transpose(sc, (0, 2, 1, 3)).reshape(itr, CS, itr * TOPK)
    cat_index = jnp.transpose(gidx, (0, 2, 1, 3)).reshape(itr, CS, itr * TOPK)
    fval, fpos = jax.lax.top_k(cat_score, TOPK)
    fidx = jnp.take_along_axis(cat_index, fpos, axis=-1)
    sim_score = fval.reshape(itr * CS, TOPK)
    sim_index = fidx.reshape(itr * CS, TOPK)
    # window partition: [b*gh*gw, GS*GS, c]
    xp = jnp.transpose(x, (0, 2, 3, 1))
    xw = xp.reshape(b, gh, GS, gw, GS, c).transpose((0, 1, 3, 2, 4, 5)).reshape(-1, GS * GS, c)
    wts = jax.nn.softmax(sim_score, axis=-1)  # [N, TOPK]
    neigh = xw[sim_index]                      # gather: [N, TOPK, P, c]
    context = jnp.sum(neigh * wts[:, :, None, None], axis=1)  # [N, P, c]
    q = xw @ Wq.T + bq
    kk = context @ Wk.T + bk
    vv = context @ Wv.T + bv
    # lepe depthwise conv on Q windows
    ximg = xw.reshape(-1, GS, GS, c).transpose((0, 3, 1, 2))
    lepe = jax.lax.conv_general_dilated(ximg, lepe_w, (1, 1), 'SAME', dimension_numbers=('NCHW', 'OIHW', 'NCHW'), feature_group_count=c)
    lepe = lepe + lepe_b[None, :, None, None]
    lepe = lepe.reshape(-1, c, GS * GS).transpose((0, 2, 1))
    scale = c ** (-0.5)
    attn = jnp.einsum('npc,nqc->npq', q, kk) * scale
    attn = jax.nn.softmax(attn, axis=-1)
    out = jnp.einsum('npq,nqc->npc', attn, vv) + lepe
    out = out @ Wp.T + bp
    out = out.reshape(b, gh, gw, GS, GS, c).transpose((0, 5, 1, 3, 2, 4)).reshape(b, c, h, w)
    return out

if __name__ == "__main__":
    import jax
    _d = setup_inputs()
    print(jax.jit(kernel)(*tuple(_d.values())))

</pallas_src>

<mosaic_0001>
module attributes {stable_mosaic.version = 14 : i64} {
  func.func @_topk_body(%arg0: i32, %arg1: memref<256x96xf32, #tpu.memory_space<vmem>>, %arg2: memref<4096x96xf32, #tpu.memory_space<vmem>>, %arg3: memref<256x8xf32, #tpu.memory_space<vmem>>, %arg4: memref<256x8xi32, #tpu.memory_space<vmem>>) attributes {dimension_semantics = [#tpu.dimension_semantics<arbitrary>], iteration_bounds = array<i64: 16>, scalar_prefetch = 0 : i64, scratch_operands = 0 : i64, tpu.core_type = #tpu.core_type<tc>, window_params = [{transform_indices = @transform_0, window_bounds = array<i64: 256, 96>}, {pipeline_mode = #tpu.pipeline_mode<synchronous>, transform_indices = @transform_1, window_bounds = array<i64: 4096, 96>}, {transform_indices = @transform_2, window_bounds = array<i64: 256, 8>}, {transform_indices = @transform_3, window_bounds = array<i64: 256, 8>}]} {
    %get3A = arith.constant 0 : index
    %get3A_0 = arith.constant 0 : index
    %get3A_1 = vector.load %arg1[%get3A, %get3A_0] : memref<256x96xf32, #tpu.memory_space<vmem>>, vector<256x96xf32>
    %get3A_2 = arith.constant 0 : index
    %get3A_3 = arith.constant 0 : index
    %get3A_4 = vector.load %arg2[%get3A_2, %get3A_3] : memref<4096x96xf32, #tpu.memory_space<vmem>>, vector<4096x96xf32>
    %dot_general3A = arith.constant dense<0.000000e+00> : vector<256x4096xf32>
    %dot_general3A_5 = tpu.matmul %get3A_1, %get3A_4, %dot_general3A {dimension_numbers = #tpu.dot_dimension_numbers<[1], [1], [0], [0], [0, 0, 1, 0], [], []>, transpose_lhs_hint = false} : vector<256x96xf32>, vector<4096x96xf32>, vector<256x4096xf32> -> vector<256x4096xf32>
    %iota3A = tpu.iota {dimensions = array<i32: 1>} : vector<256x4096xi32>
    %reduce_max3A = arith.constant dense<0xFF800000> : vector<256xf32>
    %reduce_max3A_6 = vector.multi_reduction <maximumf>, %dot_general3A_5, %reduce_max3A [1] : vector<256x4096xf32> to vector<256xf32>
    %broadcast_in_dim3A = vector.shape_cast %reduce_max3A_6 : vector<256xf32> to vector<256x1xf32>
    %ge3A = vector.broadcast %broadcast_in_dim3A : vector<256x1xf32> to vector<256x4096xf32>
    %ge3A_7 = arith.cmpf oge, %dot_general3A_5, %ge3A : vector<256x4096xf32>
    %jit3A = arith.constant 1073741824 : i32
    %broadcast_in_dim3A_8 = vector.broadcast %jit3A : i32 to vector<256x4096xi32>
    %select_n3A = arith.select %ge3A_7, %iota3A, %broadcast_in_dim3A_8 : vector<256x4096xi1>, vector<256x4096xi32>
    %reduce_min3A = arith.constant dense<2147483647> : vector<256xi32>
    %reduce_min3A_9 = vector.multi_reduction <minsi>, %select_n3A, %reduce_min3A [1] : vector<256x4096xi32> to vector<256xi32>
    %broadcast_in_dim3A_10 = vector.shape_cast %reduce_min3A_9 : vector<256xi32> to vector<256x1xi32>
    %eq3A = vector.broadcast %broadcast_in_dim3A_10 : vector<256x1xi32> to vector<256x4096xi32>
    %eq3A_11 = arith.cmpi eq, %iota3A, %eq3A : vector<256x4096xi32>
    %jit3A_12 = arith.constant 0xFF800000 : f32
    %broadcast_in_dim3A_13 = vector.broadcast %jit3A_12 : f32 to vector<256x4096xf32>
    %select_n3A_14 = arith.select %eq3A_11, %broadcast_in_dim3A_13, %dot_general3A_5 : vector<256x4096xi1>, vector<256x4096xf32>
    %reduce_max3A_15 = arith.constant dense<0xFF800000> : vector<256xf32>
    %reduce_max3A_16 = vector.multi_reduction <maximumf>, %select_n3A_14, %reduce_max3A_15 [1] : vector<256x4096xf32> to vector<256xf32>
    %broadcast_in_dim3A_17 = vector.shape_cast %reduce_max3A_16 : vector<256xf32> to vector<256x1xf32>
    %ge3A_18 = vector.broadcast %broadcast_in_dim3A_17 : vector<256x1xf32> to vector<256x4096xf32>
    %ge3A_19 = arith.cmpf oge, %select_n3A_14, %ge3A_18 : vector<256x4096xf32>
    %jit3A_20 = arith.constant 1073741824 : i32
    %broadcast_in_dim3A_21 = vector.broadcast %jit3A_20 : i32 to vector<256x4096xi32>
    %select_n3A_22 = arith.select %ge3A_19, %iota3A, %broadcast_in_dim3A_21 : vector<256x4096xi1>, vector<256x4096xi32>
    %reduce_min3A_23 = arith.constant dense<2147483647> : vector<256xi32>
    %reduce_min3A_24 = vector.multi_reduction <minsi>, %select_n3A_22, %reduce_min3A_23 [1] : vector<256x4096xi32> to vector<256xi32>
    %broadcast_in_dim3A_25 = vector.shape_cast %reduce_min3A_24 : vector<256xi32> to vector<256x1xi32>
    %eq3A_26 = vector.broadcast %broadcast_in_dim3A_25 : vector<256x1xi32> to vector<256x4096xi32>
    %eq3A_27 = arith.cmpi eq, %iota3A, %eq3A_26 : vector<256x4096xi32>
    %jit3A_28 = arith.constant 0xFF800000 : f32
    %broadcast_in_dim3A_29 = vector.broadcast %jit3A_28 : f32 to vector<256x4096xf32>
    %select_n3A_30 = arith.select %eq3A_27, %broadcast_in_dim3A_29, %select_n3A_14 : vector<256x4096xi1>, vector<256x4096xf32>
    %reduce_max3A_31 = arith.constant dense<0xFF800000> : vector<256xf32>
    %reduce_max3A_32 = vector.multi_reduction <maximumf>, %select_n3A_30, %reduce_max3A_31 [1] : vector<256x4096xf32> to vector<256xf32>
    %broadcast_in_dim3A_33 = vector.shape_cast %reduce_max3A_32 : vector<256xf32> to vector<256x1xf32>
    %ge3A_34 = vector.broadcast %broadcast_in_dim3A_33 : vector<256x1xf32> to vector<256x4096xf32>
    %ge3A_35 = arith.cmpf oge, %select_n3A_30, %ge3A_34 : vector<256x4096xf32>
    %jit3A_36 = arith.constant 1073741824 : i32
    %broadcast_in_dim3A_37 = vector.broadcast %jit3A_36 : i32 to vector<256x4096xi32>
    %select_n3A_38 = arith.select %ge3A_35, %iota3A, %broadcast_in_dim3A_37 : vector<256x4096xi1>, vector<256x4096xi32>
    %reduce_min3A_39 = arith.constant dense<2147483647> : vector<256xi32>
    %reduce_min3A_40 = vector.multi_reduction <minsi>, %select_n3A_38, %reduce_min3A_39 [1] : vector<256x4096xi32> to vector<256xi32>
    %broadcast_in_dim3A_41 = vector.shape_cast %reduce_min3A_40 : vector<256xi32> to vector<256x1xi32>
    %broadcast_in_dim3A_42 = arith.constant -1.000000e+30 : f32
    %broadcast_in_dim3A_43 = vector.broadcast %broadcast_in_dim3A_42 : f32 to vector<256x5xf32>
    %concatenate3A = tpu.concatenate %broadcast_in_dim3A, %broadcast_in_dim3A_17, %broadcast_in_dim3A_33, %broadcast_in_dim3A_43 in 1 : vector<256x1xf32>, vector<256x1xf32>, vector<256x1xf32>, vector<256x5xf32> -> vector<256x8xf32>
    %swap3A = arith.constant 0 : index
    %swap3A_44 = arith.constant 0 : index
    %swap3A_45 = vector.load %arg3[%swap3A, %swap3A_44] : memref<256x8xf32, #tpu.memory_space<vmem>>, vector<256x8xf32>
    tpu.vector_store %arg3[%swap3A, %swap3A_44], %concatenate3A {strides = array<i32>} : memref<256x8xf32, #tpu.memory_space<vmem>>, vector<256x8xf32>,
    %broadcast_in_dim3A_46 = arith.constant 0 : i32
    %broadcast_in_dim3A_47 = vector.broadcast %broadcast_in_dim3A_46 : i32 to vector<256x5xi32>
    %concatenate3A_48 = tpu.concatenate %broadcast_in_dim3A_10, %broadcast_in_dim3A_25, %broadcast_in_dim3A_41, %broadcast_in_dim3A_47 in 1 : vector<256x1xi32>, vector<256x1xi32>, vector<256x1xi32>, vector<256x5xi32> -> vector<256x8xi32>
    %swap3A_49 = arith.constant 0 : index
    %swap3A_50 = arith.constant 0 : index
    %swap3A_51 = vector.load %arg4[%swap3A_49, %swap3A_50] : memref<256x8xi32, #tpu.memory_space<vmem>>, vector<256x8xi32>
    tpu.vector_store %arg4[%swap3A_49, %swap3A_50], %concatenate3A_48 {strides = array<i32>} : memref<256x8xi32, #tpu.memory_space<vmem>>, vector<256x8xi32>,
    return
  }
  func.func @transform_0(%arg0: i32) -> (i32, i32) {
    %c0_i32 = arith.constant 0 : i32
    %c0_i32_0 = arith.constant 0 : i32
    return %arg0, %c0_i32 : i32, i32
  }
  func.func @transform_1(%arg0: i32) -> (i32, i32) {
    %c0_i32 = arith.constant 0 : i32
    %c0_i32_0 = arith.constant 0 : i32
    %c0_i32_1 = arith.constant 0 : i32
    return %c0_i32, %c0_i32_0 : i32, i32
  }
  func.func @transform_2(%arg0: i32) -> (i32, i32) {
    %c0_i32 = arith.constant 0 : i32
    %c0_i32_0 = arith.constant 0 : i32
    return %arg0, %c0_i32 : i32, i32
  }
  func.func @transform_3(%arg0: i32) -> (i32, i32) {
    %c0_i32 = arith.constant 0 : i32
    %c0_i32_0 = arith.constant 0 : i32
    return %arg0, %c0_i32 : i32, i32
  }
}

module attributes {stable_mosaic.version = 14 : i64} {
  func.func @_pool_body(%arg0: i32, %arg1: memref<1x8x512x96xf32, #tpu.memory_space<vmem>>, %arg2: memref<64x64x96xf32, #tpu.memory_space<vmem>>, %arg3: memref<64x96xf32, #tpu.memory_space<vmem>>) attributes {dimension_semantics = [#tpu.dimension_semantics<arbitrary>], iteration_bounds = array<i64: 64>, scalar_prefetch = 0 : i64, scratch_operands = 0 : i64, tpu.core_type = #tpu.core_type<tc>, window_params = [{transform_indices = @transform_0, window_bounds = array<i64: 1, 8, 512, 96>}, {transform_indices = @transform_1, window_bounds = array<i64: 64, 64, 96>}, {transform_indices = @transform_2, window_bounds = array<i64: 64, 96>}]} {
    %get3A = arith.constant 0 : index
    %get3A_0 = arith.constant 0 : index
    %get3A_1 = arith.constant 0 : index
    %get3A_2 = arith.constant 0 : index
    %get3A_3 = vector.load %arg1[%get3A, %get3A_0, %get3A_1, %get3A_2] : memref<1x8x512x96xf32, #tpu.memory_space<vmem>>, vector<1x8x512x96xf32>
    %get3A_4 = vector.shape_cast %get3A_3 : vector<1x8x512x96xf32> to vector<8x512x96xf32>
    %slice3A = vector.extract_strided_slice %get3A_4 {offsets = [0, 0, 0], sizes = [8, 8, 96], strides = [1, 1, 1]} : vector<8x512x96xf32> to vector<8x8x96xf32>
    %reshape3A = vector.shape_cast %slice3A : vector<8x8x96xf32> to vector<64x96xf32>
    %slice3A_5 = vector.extract_strided_slice %get3A_4 {offsets = [0, 8, 0], sizes = [8, 8, 96], strides = [1, 1, 1]} : vector<8x512x96xf32> to vector<8x8x96xf32>
    %reshape3A_6 = vector.shape_cast %slice3A_5 : vector<8x8x96xf32> to vector<64x96xf32>
    %slice3A_7 = vector.extract_strided_slice %get3A_4 {offsets = [0, 16, 0], sizes = [8, 8, 96], strides = [1, 1, 1]} : vector<8x512x96xf32> to vector<8x8x96xf32>
    %reshape3A_8 = vector.shape_cast %slice3A_7 : vector<8x8x96xf32> to vector<64x96xf32>
    %slice3A_9 = vector.extract_strided_slice %get3A_4 {offsets = [0, 24, 0], sizes = [8, 8, 96], strides = [1, 1, 1]} : vector<8x512x96xf32> to vector<8x8x96xf32>
    %reshape3A_10 = vector.shape_cast %slice3A_9 : vector<8x8x96xf32> to vector<64x96xf32>
    %slice3A_11 = vector.extract_strided_slice %get3A_4 {offsets = [0, 32, 0], sizes = [8, 8, 96], strides = [1, 1, 1]} : vector<8x512x96xf32> to vector<8x8x96xf32>
    %reshape3A_12 = vector.shape_cast %slice3A_11 : vector<8x8x96xf32> to vector<64x96xf32>
    %slice3A_13 = vector.extract_strided_slice %get3A_4 {offsets = [0, 40, 0], sizes = [8, 8, 96], strides = [1, 1, 1]} : vector<8x512x96xf32> to vector<8x8x96xf32>
    %reshape3A_14 = vector.shape_cast %slice3A_13 : vector<8x8x96xf32> to vector<64x96xf32>
    %slice3A_15 = vector.extract_strided_slice %get3A_4 {offsets = [0, 48, 0], sizes = [8, 8, 96], strides = [1, 1, 1]} : vector<8x512x96xf32> to vector<8x8x96xf32>
    %reshape3A_16 = vector.shape_cast %slice3A_15 : vector<8x8x96xf32> to vector<64x96xf32>
    %slice3A_17 = vector.extract_strided_slice %get3A_4 {offsets = [0, 56, 0], sizes = [8, 8, 96], strides = [1, 1, 1]} : vector<8x512x96xf32> to vector<8x8x96xf32>
    %reshape3A_18 = vector.shape_cast %slice3A_17 : vector<8x8x96xf32> to vector<64x96xf32>
    %slice3A_19 = vector.extract_strided_slice %get3A_4 {offsets = [0, 64, 0], sizes = [8, 8, 96], strides = [1, 1, 1]} : vector<8x512x96xf32> to vector<8x8x96xf32>
    %reshape3A_20 = vector.shape_cast %slice3A_19 : vector<8x8x96xf32> to vector<64x96xf32>
    %slice3A_21 = vector.extract_strided_slice %get3A_4 {offsets = [0, 72, 0], sizes = [8, 8, 96], strides = [1, 1, 1]} : vector<8x512x96xf32> to vector<8x8x96xf32>
    %reshape3A_22 = vector.shape_cast %slice3A_21 : vector<8x8x96xf32> to vector<64x96xf32>
    %slice3A_23 = vector.extract_strided_slice %get3A_4 {offsets = [0, 80, 0], sizes = [8, 8, 96], strides = [1, 1, 1]} : vector<8x512x96xf32> to vector<8x8x96xf32>
    %reshape3A_24 = vector.shape_cast %slice3A_23 : vector<8x8x96xf32> to vector<64x96xf32>
    %slice3A_25 = vector.extract_strided_slice %get3A_4 {offsets = [0, 88, 0], sizes = [8, 8, 96], strides = [1, 1, 1]} : vector<8x512x96xf32> to vector<8x8x96xf32>
    %reshape3A_26 = vector.shape_cast %slice3A_25 : vector<8x8x96xf32> to vector<64x96xf32>
    %slice3A_27 = vector.extract_strided_slice %get3A_4 {offsets = [0, 96, 0], sizes = [8, 8, 96], strides = [1, 1, 1]} : vector<8x512x96xf32> to vector<8x8x96xf32>
    %reshape3A_28 = vector.shape_cast %slice3A_27 : vector<8x8x96xf32> to vector<64x96xf32>
    %slice3A_29 = vector.extract_strided_slice %get3A_4 {offsets = [0, 104, 0], sizes = [8, 8, 96], strides = [1, 1, 1]} : vector<8x512x96xf32> to vector<8x8x96xf32>
    %reshape3A_30 = vector.shape_cast %slice3A_29 : vector<8x8x96xf32> to vector<64x96xf32>
    %slice3A_31 = vector.extract_strided_slice %get3A_4 {offsets = [0, 112, 0], sizes = [8, 8, 96], strides = [1, 1, 1]} : vector<8x512x96xf32> to vector<8x8x96xf32>
    %reshape3A_32 = vector.shape_cast %slice3A_31 : vector<8x8x96xf32> to vector<64x96xf32>
    %slice3A_33 = vector.extract_strided_slice %get3A_4 {offsets = [0, 120, 0], sizes = [8, 8, 96], strides = [1, 1, 1]} : vector<8x512x96xf32> to vector<8x8x96xf32>
    %reshape3A_34 = vector.shape_cast %slice3A_33 : vector<8x8x96xf32> to vector<64x96xf32>
    %slice3A_35 = vector.extract_strided_slice %get3A_4 {offsets = [0, 128, 0], sizes = [8, 8, 96], strides = [1, 1, 1]} : vector<8x512x96xf32> to vector<8x8x96xf32>
    %reshape3A_36 = vector.shape_cast %slice3A_35 : vector<8x8x96xf32> to vector<64x96xf32>
    %slice3A_37 = vector.extract_strided_slice %get3A_4 {offsets = [0, 136, 0], sizes = [8, 8, 96], strides = [1, 1, 1]} : vector<8x512x96xf32> to vector<8x8x96xf32>
    %reshape3A_38 = vector.shape_cast %slice3A_37 : vector<8x8x96xf32> to vector<64x96xf32>
    %slice3A_39 = vector.extract_strided_slice %get3A_4 {offsets = [0, 144, 0], sizes = [8, 8, 96], strides = [1, 1, 1]} : vector<8x512x96xf32> to vector<8x8x96xf32>
    %reshape3A_40 = vector.shape_cast %slice3A_39 : vector<8x8x96xf32> to vector<64x96xf32>
    %slice3A_41 = vector.extract_strided_slice %get3A_4 {offsets = [0, 152, 0], sizes = [8, 8, 96], strides = [1, 1, 1]} : vector<8x512x96xf32> to vector<8x8x96xf32>
    %reshape3A_42 = vector.shape_cast %slice3A_41 : vector<8x8x96xf32> to vector<64x96xf32>
    %slice3A_43 = vector.extract_strided_slice %get3A_4 {offsets = [0, 160, 0], sizes = [8, 8, 96], strides = [1, 1, 1]} : vector<8x512x96xf32> to vector<8x8x96xf32>
    %reshape3A_44 = vector.shape_cast %slice3A_43 : vector<8x8x96xf32> to vector<64x96xf32>
    %slice3A_45 = vector.extract_strided_slice %get3A_4 {offsets = [0, 168, 0], sizes = [8, 8, 96], strides = [1, 1, 1]} : vector<8x512x96xf32> to vector<8x8x96xf32>
    %reshape3A_46 = vector.shape_cast %slice3A_45 : vector<8x8x96xf32> to vector<64x96xf32>
    %slice3A_47 = vector.extract_strided_slice %get3A_4 {offsets = [0, 176, 0], sizes = [8, 8, 96], strides = [1, 1, 1]} : vector<8x512x96xf32> to vector<8x8x96xf32>
    %reshape3A_48 = vector.shape_cast %slice3A_47 : vector<8x8x96xf32> to vector<64x96xf32>
    %slice3A_49 = vector.extract_strided_slice %get3A_4 {offsets = [0, 184, 0], sizes = [8, 8, 96], strides = [1, 1, 1]} : vector<8x512x96xf32> to vector<8x8x96xf32>
    %reshape3A_50 = vector.shape_cast %slice3A_49 : vector<8x8x96xf32> to vector<64x96xf32>
    %slice3A_51 = vector.extract_strided_slice %get3A_4 {offsets = [0, 192, 0], sizes = [8, 8, 96], strides = [1, 1, 1]} : vector<8x512x96xf32> to vector<8x8x96xf32>
    %reshape3A_52 = vector.shape_cast %slice3A_51 : vector<8x8x96xf32> to vector<64x96xf32>
    %slice3A_53 = vector.extract_strided_slice %get3A_4 {offsets = [0, 200, 0], sizes = [8, 8, 96], strides = [1, 1, 1]} : vector<8x512x96xf32> to vector<8x8x96xf32>
    %reshape3A_54 = vector.shape_cast %slice3A_53 : vector<8x8x96xf32> to vector<64x96xf32>
    %slice3A_55 = vector.extract_strided_slice %get3A_4 {offsets = [0, 208, 0], sizes = [8, 8, 96], strides = [1, 1, 1]} : vector<8x512x96xf32> to vector<8x8x96xf32>
    %reshape3A_56 = vector.shape_cast %slice3A_55 : vector<8x8x96xf32> to vector<64x96xf32>
    %slice3A_57 = vector.extract_strided_slice %get3A_4 {offsets = [0, 216, 0], sizes = [8, 8, 96], strides = [1, 1, 1]} : vector<8x512x96xf32> to vector<8x8x96xf32>
    %reshape3A_58 = vector.shape_cast %slice3A_57 : vector<8x8x96xf32> to vector<64x96xf32>
    %slice3A_59 = vector.extract_strided_slice %get3A_4 {offsets = [0, 224, 0], sizes = [8, 8, 96], strides = [1, 1, 1]} : vector<8x512x96xf32> to vector<8x8x96xf32>
    %reshape3A_60 = vector.shape_cast %slice3A_59 : vector<8x8x96xf32> to vector<64x96xf32>
    %slice3A_61 = vector.extract_strided_slice %get3A_4 {offsets = [0, 232, 0], sizes = [8, 8, 96], strides = [1, 1, 1]} : vector<8x512x96xf32> to vector<8x8x96xf32>
    %reshape3A_62 = vector.shape_cast %slice3A_61 : vector<8x8x96xf32> to vector<64x96xf32>
    %slice3A_63 = vector.extract_strided_slice %get3A_4 {offsets = [0, 240, 0], sizes = [8, 8, 96], strides = [1, 1, 1]} : vector<8x512x96xf32> to vector<8x8x96xf32>
    %reshape3A_64 = vector.shape_cast %slice3A_63 : vector<8x8x96xf32> to vector<64x96xf32>
    %slice3A_65 = vector.extract_strided_slice %get3A_4 {offsets = [0, 248, 0], sizes = [8, 8, 96], strides = [1, 1, 1]} : vector<8x512x96xf32> to vector<8x8x96xf32>
    %reshape3A_66 = vector.shape_cast %slice3A_65 : vector<8x8x96xf32> to vector<64x96xf32>
    %slice3A_67 = vector.extract_strided_slice %get3A_4 {offsets = [0, 256, 0], sizes = [8, 8, 96], strides = [1, 1, 1]} : vector<8x512x96xf32> to vector<8x8x96xf32>
    %reshape3A_68 = vector.shape_cast %slice3A_67 : vector<8x8x96xf32> to vector<64x96xf32>
    %slice3A_69 = vector.extract_strided_slice %get3A_4 {offsets = [0, 264, 0], sizes = [8, 8, 96], strides = [1, 1, 1]} : vector<8x512x96xf32> to vector<8x8x96xf32>
    %reshape3A_70 = vector.shape_cast %slice3A_69 : vector<8x8x96xf32> to vector<64x96xf32>
    %slice3A_71 = vector.extract_strided_slice %get3A_4 {offsets = [0, 272, 0], sizes = [8, 8, 96], strides = [1, 1, 1]} : vector<8x512x96xf32> to vector<8x8x96xf32>
    %reshape3A_72 = vector.shape_cast %slice3A_71 : vector<8x8x96xf32> to vector<64x96xf32>
    %slice3A_73 = vector.extract_strided_slice %get3A_4 {offsets = [0, 280, 0], sizes = [8, 8, 96], strides = [1, 1, 1]} : vector<8x512x96xf32> to vector<8x8x96xf32>
    %reshape3A_74 = vector.shape_cast %slice3A_73 : vector<8x8x96xf32> to vector<64x96xf32>
    %slice3A_75 = vector.extract_strided_slice %get3A_4 {offsets = [0, 288, 0], sizes = [8, 8, 96], strides = [1, 1, 1]} : vector<8x512x96xf32> to vector<8x8x96xf32>
    %reshape3A_76 = vector.shape_cast %slice3A_75 : vector<8x8x96xf32> to vector<64x96xf32>
    %slice3A_77 = vector.extract_strided_slice %get3A_4 {offsets = [0, 296, 0], sizes = [8, 8, 96], strides = [1, 1, 1]} : vector<8x512x96xf32> to vector<8x8x96xf32>
    %reshape3A_78 = vector.shape_cast %slice3A_77 : vector<8x8x96xf32> to vector<64x96xf32>
    %slice3A_79 = vector.extract_strided_slice %get3A_4 {offsets = [0, 304, 0], sizes = [8, 8, 96], strides = [1, 1, 1]} : vector<8x512x96xf32> to vector<8x8x96xf32>
    %reshape3A_80 = vector.shape_cast %slice3A_79 : vector<8x8x96xf32> to vector<64x96xf32>
    %slice3A_81 = vector.extract_strided_slice %get3A_4 {offsets = [0, 312, 0], sizes = [8, 8, 96], strides = [1, 1, 1]} : vector<8x512x96xf32> to vector<8x8x96xf32>
    %reshape3A_82 = vector.shape_cast %slice3A_81 : vector<8x8x96xf32> to vector<64x96xf32>
    %slice3A_83 = vector.extract_strided_slice %get3A_4 {offsets = [0, 320, 0], sizes = [8, 8, 96], strides = [1, 1, 1]} : vector<8x512x96xf32> to vector<8x8x96xf32>
    %reshape3A_84 = vector.shape_cast %slice3A_83 : vector<8x8x96xf32> to vector<64x96xf32>
    %slice3A_85 = vector.extract_strided_slice %get3A_4 {offsets = [0, 328, 0], sizes = [8, 8, 96], strides = [1, 1, 1]} : vector<8x512x96xf32> to vector<8x8x96xf32>
    %reshape3A_86 = vector.shape_cast %slice3A_85 : vector<8x8x96xf32> to vector<64x96xf32>
    %slice3A_87 = vector.extract_strided_slice %get3A_4 {offsets = [0, 336, 0], sizes = [8, 8, 96], strides = [1, 1, 1]} : vector<8x512x96xf32> to vector<8x8x96xf32>
    %reshape3A_88 = vector.shape_cast %slice3A_87 : vector<8x8x96xf32> to vector<64x96xf32>
    %slice3A_89 = vector.extract_strided_slice %get3A_4 {offsets = [0, 344, 0], sizes = [8, 8, 96], strides = [1, 1, 1]} : vector<8x512x96xf32> to vector<8x8x96xf32>
    %reshape3A_90 = vector.shape_cast %slice3A_89 : vector<8x8x96xf32> to vector<64x96xf32>
    %slice3A_91 = vector.extract_strided_slice %get3A_4 {offsets = [0, 352, 0], sizes = [8, 8, 96], strides = [1, 1, 1]} : vector<8x512x96xf32> to vector<8x8x96xf32>
    %reshape3A_92 = vector.shape_cast %slice3A_91 : vector<8x8x96xf32> to vector<64x96xf32>
    %slice3A_93 = vector.extract_strided_slice %get3A_4 {offsets = [0, 360, 0], sizes = [8, 8, 96], strides = [1, 1, 1]} : vector<8x512x96xf32> to vector<8x8x96xf32>
    %reshape3A_94 = vector.shape_cast %slice3A_93 : vector<8x8x96xf32> to vector<64x96xf32>
    %slice3A_95 = vector.extract_strided_slice %get3A_4 {offsets = [0, 368, 0], sizes = [8, 8, 96], strides = [1, 1, 1]} : vector<8x512x96xf32> to vector<8x8x96xf32>
    %reshape3A_96 = vector.shape_cast %slice3A_95 : vector<8x8x96xf32> to vector<64x96xf32>
    %slice3A_97 = vector.extract_strided_slice %get3A_4 {offsets = [0, 376, 0], sizes = [8, 8, 96], strides = [1, 1, 1]} : vector<8x512x96xf32> to vector<8x8x96xf32>
    %reshape3A_98 = vector.shape_cast %slice3A_97 : vector<8x8x96xf32> to vector<64x96xf32>
    %slice3A_99 = vector.extract_strided_slice %get3A_4 {offsets = [0, 384, 0], sizes = [8, 8, 96], strides = [1, 1, 1]} : vector<8x512x96xf32> to vector<8x8x96xf32>
    %reshape3A_100 = vector.shape_cast %slice3A_99 : vector<8x8x96xf32> to vector<64x96xf32>
    %slice3A_101 = vector.extract_strided_slice %get3A_4 {offsets = [0, 392, 0], sizes = [8, 8, 96], strides = [1, 1, 1]} : vector<8x512x96xf32> to vector<8x8x96xf32>
    %reshape3A_102 = vector.shape_cast %slice3A_101 : vector<8x8x96xf32> to vector<64x96xf32>
    %slice3A_103 = vector.extract_strided_slice %get3A_4 {offsets = [0, 400, 0], sizes = [8, 8, 96], strides = [1, 1, 1]} : vector<8x512x96xf32> to vector<8x8x96xf32>
    %reshape3A_104 = vector.shape_cast %slice3A_103 : vector<8x8x96xf32> to vector<64x96xf32>
    %slice3A_105 = vector.extract_strided_slice %get3A_4 {offsets = [0, 408, 0], sizes = [8, 8, 96], strides = [1, 1, 1]} : vector<8x512x96xf32> to vector<8x8x96xf32>
    %reshape3A_106 = vector.shape_cast %slice3A_105 : vector<8x8x96xf32> to vector<64x96xf32>
    %slice3A_107 = vector.extract_strided_slice %get3A_4 {offsets = [0, 416, 0], sizes = [8, 8, 96], strides = [1, 1, 1]} : vector<8x512x96xf32> to vector<8x8x96xf32>
    %reshape3A_108 = vector.shape_cast %slice3A_107 : vector<8x8x96xf32> to vector<64x96xf32>
    %slice3A_109 = vector.extract_strided_slice %get3A_4 {offsets = [0, 424, 0], sizes = [8, 8, 96], strides = [1, 1, 1]} : vector<8x512x96xf32> to vector<8x8x96xf32>
    %reshape3A_110 = vector.shape_cast %slice3A_109 : vector<8x8x96xf32> to vector<64x96xf32>
    %slice3A_111 = vector.extract_strided_slice %get3A_4 {offsets = [0, 432, 0], sizes = [8, 8, 96], strides = [1, 1, 1]} : vector<8x512x96xf32> to vector<8x8x96xf32>
    %reshape3A_112 = vector.shape_cast %slice3A_111 : vector<8x8x96xf32> to vector<64x96xf32>
    %slice3A_113 = vector.extract_strided_slice %get3A_4 {offsets = [0, 440, 0], sizes = [8, 8, 96], strides = [1, 1, 1]} : vector<8x512x96xf32> to vector<8x8x96xf32>
    %reshape3A_114 = vector.shape_cast %slice3A_113 : vector<8x8x96xf32> to vector<64x96xf32>
    %slice3A_115 = vector.extract_strided_slice %get3A_4 {offsets = [0, 448, 0], sizes = [8, 8, 96], strides = [1, 1, 1]} : vector<8x512x96xf32> to vector<8x8x96xf32>
    %reshape3A_116 = vector.shape_cast %slice3A_115 : vector<8x8x96xf32> to vector<64x96xf32>
    %slice3A_117 = vector.extract_strided_slice %get3A_4 {offsets = [0, 456, 0], sizes = [8, 8, 96], strides = [1, 1, 1]} : vector<8x512x96xf32> to vector<8x8x96xf32>
    %reshape3A_118 = vector.shape_cast %slice3A_117 : vector<8x8x96xf32> to vector<64x96xf32>
    %slice3A_119 = vector.extract_strided_slice %get3A_4 {offsets = [0, 464, 0], sizes = [8, 8, 96], strides = [1, 1, 1]} : vector<8x512x96xf32> to vector<8x8x96xf32>
    %reshape3A_120 = vector.shape_cast %slice3A_119 : vector<8x8x96xf32> to vector<64x96xf32>
    %slice3A_121 = vector.extract_strided_slice %get3A_4 {offsets = [0, 472, 0], sizes = [8, 8, 96], strides = [1, 1, 1]} : vector<8x512x96xf32> to vector<8x8x96xf32>
    %reshape3A_122 = vector.shape_cast %slice3A_121 : vector<8x8x96xf32> to vector<64x96xf32>
    %slice3A_123 = vector.extract_strided_slice %get3A_4 {offsets = [0, 480, 0], sizes = [8, 8, 96], strides = [1, 1, 1]} : vector<8x512x96xf32> to vector<8x8x96xf32>
    %reshape3A_124 = vector.shape_cast %slice3A_123 : vector<8x8x96xf32> to vector<64x96xf32>
    %slice3A_125 = vector.extract_strided_slice %get3A_4 {offsets = [0, 488, 0], sizes = [8, 8, 96], strides = [1, 1, 1]} : vector<8x512x96xf32> to vector<8x8x96xf32>
    %reshape3A_126 = vector.shape_cast %slice3A_125 : vector<8x8x96xf32> to vector<64x96xf32>
    %slice3A_127 = vector.extract_strided_slice %get3A_4 {offsets = [0, 496, 0], sizes = [8, 8, 96], strides = [1, 1, 1]} : vector<8x512x96xf32> to vector<8x8x96xf32>
    %reshape3A_128 = vector.shape_cast %slice3A_127 : vector<8x8x96xf32> to vector<64x96xf32>
    %slice3A_129 = vector.extract_strided_slice %get3A_4 {offsets = [0, 504, 0], sizes = [8, 8, 96], strides = [1, 1, 1]} : vector<8x512x96xf32> to vector<8x8x96xf32>
    %reshape3A_130 = vector.shape_cast %slice3A_129 : vector<8x8x96xf32> to vector<64x96xf32>
    %concatenate3A = tpu.concatenate %reshape3A, %reshape3A_6, %reshape3A_8, %reshape3A_10, %reshape3A_12, %reshape3A_14, %reshape3A_16, %reshape3A_18, %reshape3A_20, %reshape3A_22, %reshape3A_24, %reshape3A_26, %reshape3A_28, %reshape3A_30, %reshape3A_32, %reshape3A_34, %reshape3A_36, %reshape3A_38, %reshape3A_40, %reshape3A_42, %reshape3A_44, %reshape3A_46, %reshape3A_48, %reshape3A_50, %reshape3A_52, %reshape3A_54, %reshape3A_56, %reshape3A_58, %reshape3A_60, %reshape3A_62, %reshape3A_64, %reshape3A_66, %reshape3A_68, %reshape3A_70, %reshape3A_72, %reshape3A_74, %reshape3A_76, %reshape3A_78, %reshape3A_80, %reshape3A_82, %reshape3A_84, %reshape3A_86, %reshape3A_88, %reshape3A_90, %reshape3A_92, %reshape3A_94, %reshape3A_96, %reshape3A_98, %reshape3A_100, %reshape3A_102, %reshape3A_104, %reshape3A_106, %reshape3A_108, %reshape3A_110, %reshape3A_112, %reshape3A_114, %reshape3A_116, %reshape3A_118, %reshape3A_120, %reshape3A_122, %reshape3A_124, %reshape3A_126, %reshape3A_128, %reshape3A_130 in 0 : vector<64x96xf32>, vector<64x96xf32>, vector<64x96xf32>, vector<64x96xf32>, vector<64x96xf32>, vector<64x96xf32>, vector<64x96xf32>, vector<64x96xf32>, vector<64x96xf32>, vector<64x96xf32>, vector<64x96xf32>, vector<64x96xf32>, vector<64x96xf32>, vector<64x96xf32>, vector<64x96xf32>, vector<64x96xf32>, vector<64x96xf32>, vector<64x96xf32>, vector<64x96xf32>, vector<64x96xf32>, vector<64x96xf32>, vector<64x96xf32>, vector<64x96xf32>, vector<64x96xf32>, vector<64x96xf32>, vector<64x96xf32>, vector<64x96xf32>, vector<64x96xf32>, vector<64x96xf32>, vector<64x96xf32>, vector<64x96xf32>, vector<64x96xf32>, vector<64x96xf32>, vector<64x96xf32>, vector<64x96xf32>, vector<64x96xf32>, vector<64x96xf32>, vector<64x96xf32>, vector<64x96xf32>, vector<64x96xf32>, vector<64x96xf32>, vector<64x96xf32>, vector<64x96xf32>, vector<64x96xf32>, vector<64x96xf32>, vector<64x96xf32>, vector<64x96xf32>, vector<64x96xf32>, vector<64x96xf32>, vector<64x96xf32>, vector<64x96xf32>, vector<64x96xf32>, vector<64x96xf32>, vector<64x96xf32>, vector<64x96xf32>, vector<64x96xf32>, vector<64x96xf32>, vector<64x96xf32>, vector<64x96xf32>, vector<64x96xf32>, vector<64x96xf32>, vector<64x96xf32>, vector<64x96xf32>, vector<64x96xf32> -> vector<4096x96xf32>
    %reshape3A_131 = vector.shape_cast %concatenate3A : vector<4096x96xf32> to vector<64x64x96xf32>
    %swap3A = arith.constant 0 : index
    %swap3A_132 = arith.constant 0 : index
    %swap3A_133 = arith.constant 0 : index
    %swap3A_134 = vector.load %arg2[%swap3A, %swap3A_132, %swap3A_133] : memref<64x64x96xf32, #tpu.memory_space<vmem>>, vector<64x64x96xf32>
    tpu.vector_store %arg2[%swap3A, %swap3A_132, %swap3A_133], %reshape3A_131 {strides = array<i32>} : memref<64x64x96xf32, #tpu.memory_space<vmem>>, vector<64x64x96xf32>,
    %reduce_max3A = arith.constant dense<0xFF800000> : vector<64x96xf32>
    %reduce_max3A_135 = vector.multi_reduction <maximumf>, %reshape3A_131, %reduce_max3A [1] : vector<64x64x96xf32> to vector<64x96xf32>
    %swap3A_136 = arith.constant 0 : index
    %swap3A_137 = arith.constant 0 : index
    %swap3A_138 = vector.load %arg3[%swap3A_136, %swap3A_137] : memref<64x96xf32, #tpu.memory_space<vmem>>, vector<64x96xf32>
    tpu.vector_store %arg3[%swap3A_136, %swap3A_137], %reduce_max3A_135 {strides = array<i32>} : memref<64x96xf32, #tpu.memory_space<vmem>>, vector<64x96xf32>,
    return
  }
  func.func @transform_0(%arg0: i32) -> (i32, i32, i32, i32) {
    %c0_i32 = arith.constant 0 : i32
    %c0_i32_0 = arith.constant 0 : i32
    %c0_i32_1 = arith.constant 0 : i32
    %c0_i32_2 = arith.constant 0 : i32
    return %c0_i32, %arg0, %c0_i32_0, %c0_i32_1 : i32, i32, i32, i32
  }
  func.func @transform_1(%arg0: i32) -> (i32, i32, i32) {
    %c0_i32 = arith.constant 0 : i32
    %c0_i32_0 = arith.constant 0 : i32
    %c0_i32_1 = arith.constant 0 : i32
    return %arg0, %c0_i32, %c0_i32_0 : i32, i32, i32
  }
  func.func @transform_2(%arg0: i32) -> (i32, i32) {
    %c0_i32 = arith.constant 0 : i32
    %c0_i32_0 = arith.constant 0 : i32
    return %arg0, %c0_i32 : i32, i32
  }
}

module attributes {stable_mosaic.version = 14 : i64} {
  func.func @_attn_body(%arg0: i32, %arg1: memref<12288xi32, #tpu.memory_space<smem>>, %arg2: memref<64x64x96xf32, #tpu.memory_space<vmem>>, %arg3: memref<1x64x96xf32, #tpu.memory_space<vmem>>, %arg4: memref<1x64x96xf32, #tpu.memory_space<vmem>>, %arg5: memref<1x64x96xf32, #tpu.memory_space<vmem>>, %arg6: memref<1x64x96xf32, #tpu.memory_space<vmem>>, %arg7: memref<1x64x96xf32, #tpu.memory_space<vmem>>, %arg8: memref<1x64x96xf32, #tpu.memory_space<vmem>>, %arg9: memref<1x64x96xf32, #tpu.memory_space<vmem>>, %arg10: memref<1x64x96xf32, #tpu.memory_space<vmem>>, %arg11: memref<1x64x96xf32, #tpu.memory_space<vmem>>, %arg12: memref<1x64x96xf32, #tpu.memory_space<vmem>>, %arg13: memref<1x64x96xf32, #tpu.memory_space<vmem>>, %arg14: memref<1x64x96xf32, #tpu.memory_space<vmem>>, %arg15: memref<1x64x96xf32, #tpu.memory_space<vmem>>, %arg16: memref<1x64x96xf32, #tpu.memory_space<vmem>>, %arg17: memref<1x64x96xf32, #tpu.memory_space<vmem>>, %arg18: memref<1x64x96xf32, #tpu.memory_space<vmem>>, %arg19: memref<1x64x96xf32, #tpu.memory_space<vmem>>, %arg20: memref<1x64x96xf32, #tpu.memory_space<vmem>>, %arg21: memref<1x64x96xf32, #tpu.memory_space<vmem>>, %arg22: memref<1x64x96xf32, #tpu.memory_space<vmem>>, %arg23: memref<1x64x96xf32, #tpu.memory_space<vmem>>, %arg24: memref<1x64x96xf32, #tpu.memory_space<vmem>>, %arg25: memref<1x64x96xf32, #tpu.memory_space<vmem>>, %arg26: memref<1x64x96xf32, #tpu.memory_space<vmem>>, %arg27: memref<1x64x96xf32, #tpu.memory_space<vmem>>, %arg28: memref<1x64x96xf32, #tpu.memory_space<vmem>>, %arg29: memref<1x64x96xf32, #tpu.memory_space<vmem>>, %arg30: memref<1x64x96xf32, #tpu.memory_space<vmem>>, %arg31: memref<1x64x96xf32, #tpu.memory_space<vmem>>, %arg32: memref<1x64x96xf32, #tpu.memory_space<vmem>>, %arg33: memref<1x64x96xf32, #tpu.memory_space<vmem>>, %arg34: memref<1x64x96xf32, #tpu.memory_space<vmem>>, %arg35: memref<1x64x96xf32, #tpu.memory_space<vmem>>, %arg36: memref<1x64x96xf32, #tpu.memory_space<vmem>>, %arg37: memref<1x64x96xf32, #tpu.memory_space<vmem>>, %arg38: memref<1x64x96xf32, #tpu.memory_space<vmem>>, %arg39: memref<1x64x96xf32, #tpu.memory_space<vmem>>, %arg40: memref<1x64x96xf32, #tpu.memory_space<vmem>>, %arg41: memref<1x64x96xf32, #tpu.memory_space<vmem>>, %arg42: memref<1x64x96xf32, #tpu.memory_space<vmem>>, %arg43: memref<1x64x96xf32, #tpu.memory_space<vmem>>, %arg44: memref<1x64x96xf32, #tpu.memory_space<vmem>>, %arg45: memref<1x64x96xf32, #tpu.memory_space<vmem>>, %arg46: memref<1x64x96xf32, #tpu.memory_space<vmem>>, %arg47: memref<1x64x96xf32, #tpu.memory_space<vmem>>, %arg48: memref<1x64x96xf32, #tpu.memory_space<vmem>>, %arg49: memref<1x64x96xf32, #tpu.memory_space<vmem>>, %arg50: memref<1x64x96xf32, #tpu.memory_space<vmem>>, %arg51: memref<1x64x96xf32, #tpu.memory_space<vmem>>, %arg52: memref<1x64x96xf32, #tpu.memory_space<vmem>>, %arg53: memref<1x64x96xf32, #tpu.memory_space<vmem>>, %arg54: memref<1x64x96xf32, #tpu.memory_space<vmem>>, %arg55: memref<1x64x96xf32, #tpu.memory_space<vmem>>, %arg56: memref<1x64x96xf32, #tpu.memory_space<vmem>>, %arg57: memref<1x64x96xf32, #tpu.memory_space<vmem>>, %arg58: memref<1x64x96xf32, #tpu.memory_space<vmem>>, %arg59: memref<1x64x96xf32, #tpu.memory_space<vmem>>, %arg60: memref<1x64x96xf32, #tpu.memory_space<vmem>>, %arg61: memref<1x64x96xf32, #tpu.memory_space<vmem>>, %arg62: memref<1x64x96xf32, #tpu.memory_space<vmem>>, %arg63: memref<1x64x96xf32, #tpu.memory_space<vmem>>, %arg64: memref<1x64x96xf32, #tpu.memory_space<vmem>>, %arg65: memref<1x64x96xf32, #tpu.memory_space<vmem>>, %arg66: memref<1x64x96xf32, #tpu.memory_space<vmem>>, %arg67: memref<1x64x96xf32, #tpu.memory_space<vmem>>, %arg68: memref<1x64x96xf32, #tpu.memory_space<vmem>>, %arg69: memref<1x64x96xf32, #tpu.memory_space<vmem>>, %arg70: memref<1x64x96xf32, #tpu.memory_space<vmem>>, %arg71: memref<1x64x96xf32, #tpu.memory_space<vmem>>, %arg72: memref<1x64x96xf32, #tpu.memory_space<vmem>>, %arg73: memref<1x64x96xf32, #tpu.memory_space<vmem>>, %arg74: memref<1x64x96xf32, #tpu.memory_space<vmem>>, %arg75: memref<1x64x96xf32, #tpu.memory_space<vmem>>, %arg76: memref<1x64x96xf32, #tpu.memory_space<vmem>>, %arg77: memref<1x64x96xf32, #tpu.memory_space<vmem>>, %arg78: memref<1x64x96xf32, #tpu.memory_space<vmem>>, %arg79: memref<1x64x96xf32, #tpu.memory_space<vmem>>, %arg80: memref<1x64x96xf32, #tpu.memory_space<vmem>>, %arg81: memref<1x64x96xf32, #tpu.memory_space<vmem>>, %arg82: memref<1x64x96xf32, #tpu.memory_space<vmem>>, %arg83: memref<1x64x96xf32, #tpu.memory_space<vmem>>, %arg84: memref<1x64x96xf32, #tpu.memory_space<vmem>>, %arg85: memref<1x64x96xf32, #tpu.memory_space<vmem>>, %arg86: memref<1x64x96xf32, #tpu.memory_space<vmem>>, %arg87: memref<1x64x96xf32, #tpu.memory_space<vmem>>, %arg88: memref<1x64x96xf32, #tpu.memory_space<vmem>>, %arg89: memref<1x64x96xf32, #tpu.memory_space<vmem>>, %arg90: memref<1x64x96xf32, #tpu.memory_space<vmem>>, %arg91: memref<1x64x96xf32, #tpu.memory_space<vmem>>, %arg92: memref<1x64x96xf32, #tpu.memory_space<vmem>>, %arg93: memref<1x64x96xf32, #tpu.memory_space<vmem>>, %arg94: memref<1x64x96xf32, #tpu.memory_space<vmem>>, %arg95: memref<1x64x96xf32, #tpu.memory_space<vmem>>, %arg96: memref<1x64x96xf32, #tpu.memory_space<vmem>>, %arg97: memref<1x64x96xf32, #tpu.memory_space<vmem>>, %arg98: memref<1x64x96xf32, #tpu.memory_space<vmem>>, %arg99: memref<1x64x96xf32, #tpu.memory_space<vmem>>, %arg100: memref<1x64x96xf32, #tpu.memory_space<vmem>>, %arg101: memref<1x64x96xf32, #tpu.memory_space<vmem>>, %arg102: memref<1x64x96xf32, #tpu.memory_space<vmem>>, %arg103: memref<1x64x96xf32, #tpu.memory_space<vmem>>, %arg104: memref<1x64x96xf32, #tpu.memory_space<vmem>>, %arg105: memref<1x64x96xf32, #tpu.memory_space<vmem>>, %arg106: memref<1x64x96xf32, #tpu.memory_space<vmem>>, %arg107: memref<1x64x96xf32, #tpu.memory_space<vmem>>, %arg108: memref<1x64x96xf32, #tpu.memory_space<vmem>>, %arg109: memref<1x64x96xf32, #tpu.memory_space<vmem>>, %arg110: memref<1x64x96xf32, #tpu.memory_space<vmem>>, %arg111: memref<1x64x96xf32, #tpu.memory_space<vmem>>, %arg112: memref<1x64x96xf32, #tpu.memory_space<vmem>>, %arg113: memref<1x64x96xf32, #tpu.memory_space<vmem>>, %arg114: memref<1x64x96xf32, #tpu.memory_space<vmem>>, %arg115: memref<1x64x96xf32, #tpu.memory_space<vmem>>, %arg116: memref<1x64x96xf32, #tpu.memory_space<vmem>>, %arg117: memref<1x64x96xf32, #tpu.memory_space<vmem>>, %arg118: memref<1x64x96xf32, #tpu.memory_space<vmem>>, %arg119: memref<1x64x96xf32, #tpu.memory_space<vmem>>, %arg120: memref<1x64x96xf32, #tpu.memory_space<vmem>>, %arg121: memref<1x64x96xf32, #tpu.memory_space<vmem>>, %arg122: memref<1x64x96xf32, #tpu.memory_space<vmem>>, %arg123: memref<1x64x96xf32, #tpu.memory_space<vmem>>, %arg124: memref<1x64x96xf32, #tpu.memory_space<vmem>>, %arg125: memref<1x64x96xf32, #tpu.memory_space<vmem>>, %arg126: memref<1x64x96xf32, #tpu.memory_space<vmem>>, %arg127: memref<1x64x96xf32, #tpu.memory_space<vmem>>, %arg128: memref<1x64x96xf32, #tpu.memory_space<vmem>>, %arg129: memref<1x64x96xf32, #tpu.memory_space<vmem>>, %arg130: memref<1x64x96xf32, #tpu.memory_space<vmem>>, %arg131: memref<1x64x96xf32, #tpu.memory_space<vmem>>, %arg132: memref<1x64x96xf32, #tpu.memory_space<vmem>>, %arg133: memref<1x64x96xf32, #tpu.memory_space<vmem>>, %arg134: memref<1x64x96xf32, #tpu.memory_space<vmem>>, %arg135: memref<1x64x96xf32, #tpu.memory_space<vmem>>, %arg136: memref<1x64x96xf32, #tpu.memory_space<vmem>>, %arg137: memref<1x64x96xf32, #tpu.memory_space<vmem>>, %arg138: memref<1x64x96xf32, #tpu.memory_space<vmem>>, %arg139: memref<1x64x96xf32, #tpu.memory_space<vmem>>, %arg140: memref<1x64x96xf32, #tpu.memory_space<vmem>>, %arg141: memref<1x64x96xf32, #tpu.memory_space<vmem>>, %arg142: memref<1x64x96xf32, #tpu.memory_space<vmem>>, %arg143: memref<1x64x96xf32, #tpu.memory_space<vmem>>, %arg144: memref<1x64x96xf32, #tpu.memory_space<vmem>>, %arg145: memref<1x64x96xf32, #tpu.memory_space<vmem>>, %arg146: memref<1x64x96xf32, #tpu.memory_space<vmem>>, %arg147: memref<1x64x96xf32, #tpu.memory_space<vmem>>, %arg148: memref<1x64x96xf32, #tpu.memory_space<vmem>>, %arg149: memref<1x64x96xf32, #tpu.memory_space<vmem>>, %arg150: memref<1x64x96xf32, #tpu.memory_space<vmem>>, %arg151: memref<1x64x96xf32, #tpu.memory_space<vmem>>, %arg152: memref<1x64x96xf32, #tpu.memory_space<vmem>>, %arg153: memref<1x64x96xf32, #tpu.memory_space<vmem>>, %arg154: memref<1x64x96xf32, #tpu.memory_space<vmem>>, %arg155: memref<1x64x96xf32, #tpu.memory_space<vmem>>, %arg156: memref<1x64x96xf32, #tpu.memory_space<vmem>>, %arg157: memref<1x64x96xf32, #tpu.memory_space<vmem>>, %arg158: memref<1x64x96xf32, #tpu.memory_space<vmem>>, %arg159: memref<1x64x96xf32, #tpu.memory_space<vmem>>, %arg160: memref<1x64x96xf32, #tpu.memory_space<vmem>>, %arg161: memref<1x64x96xf32, #tpu.memory_space<vmem>>, %arg162: memref<1x64x96xf32, #tpu.memory_space<vmem>>, %arg163: memref<1x64x96xf32, #tpu.memory_space<vmem>>, %arg164: memref<1x64x96xf32, #tpu.memory_space<vmem>>, %arg165: memref<1x64x96xf32, #tpu.memory_space<vmem>>, %arg166: memref<1x64x96xf32, #tpu.memory_space<vmem>>, %arg167: memref<1x64x96xf32, #tpu.memory_space<vmem>>, %arg168: memref<1x64x96xf32, #tpu.memory_space<vmem>>, %arg169: memref<1x64x96xf32, #tpu.memory_space<vmem>>, %arg170: memref<1x64x96xf32, #tpu.memory_space<vmem>>, %arg171: memref<1x64x96xf32, #tpu.memory_space<vmem>>, %arg172: memref<1x64x96xf32, #tpu.memory_space<vmem>>, %arg173: memref<1x64x96xf32, #tpu.memory_space<vmem>>, %arg174: memref<1x64x96xf32, #tpu.memory_space<vmem>>, %arg175: memref<1x64x96xf32, #tpu.memory_space<vmem>>, %arg176: memref<1x64x96xf32, #tpu.memory_space<vmem>>, %arg177: memref<1x64x96xf32, #tpu.memory_space<vmem>>, %arg178: memref<1x64x96xf32, #tpu.memory_space<vmem>>, %arg179: memref<1x64x96xf32, #tpu.memory_space<vmem>>, %arg180: memref<1x64x96xf32, #tpu.memory_space<vmem>>, %arg181: memref<1x64x96xf32, #tpu.memory_space<vmem>>, %arg182: memref<1x64x96xf32, #tpu.memory_space<vmem>>, %arg183: memref<1x64x96xf32, #tpu.memory_space<vmem>>, %arg184: memref<1x64x96xf32, #tpu.memory_space<vmem>>, %arg185: memref<1x64x96xf32, #tpu.memory_space<vmem>>, %arg186: memref<1x64x96xf32, #tpu.memory_space<vmem>>, %arg187: memref<1x64x96xf32, #tpu.memory_space<vmem>>, %arg188: memref<1x64x96xf32, #tpu.memory_space<vmem>>, %arg189: memref<1x64x96xf32, #tpu.memory_space<vmem>>, %arg190: memref<1x64x96xf32, #tpu.memory_space<vmem>>, %arg191: memref<1x64x96xf32, #tpu.memory_space<vmem>>, %arg192: memref<1x64x96xf32, #tpu.memory_space<vmem>>, %arg193: memref<1x64x96xf32, #tpu.memory_space<vmem>>, %arg194: memref<1x64x96xf32, #tpu.memory_space<vmem>>, %arg195: memref<64x1x8xf32, #tpu.memory_space<vmem>>, %arg196: memref<384x96xf32, #tpu.memory_space<vmem>>, %arg197: memref<16x96xf32, #tpu.memory_space<vmem>>, %arg198: memref<1x8x512x96xf32, #tpu.memory_space<vmem>>) attributes {dimension_semantics = [#tpu.dimension_semantics<arbitrary>], iteration_bounds = array<i64: 64>, scalar_prefetch = 1 : i64, scratch_operands = 0 : i64, tpu.core_type = #tpu.core_type<tc>, window_params = [{transform_indices = @transform_0, window_bounds = array<i64: 64, 64, 96>}, {transform_indices = @transform_1, window_bounds = array<i64: 1, 64, 96>}, {transform_indices = @transform_2, window_bounds = array<i64: 1, 64, 96>}, {transform_indices = @transform_3, window_bounds = array<i64: 1, 64, 96>}, {transform_indices = @transform_4, window_bounds = array<i64: 1, 64, 96>}, {transform_indices = @transform_5, window_bounds = array<i64: 1, 64, 96>}, {transform_indices = @transform_6, window_bounds = array<i64: 1, 64, 96>}, {transform_indices = @transform_7, window_bounds = array<i64: 1, 64, 96>}, {transform_indices = @transform_8, window_bounds = array<i64: 1, 64, 96>}, {transform_indices = @transform_9, window_bounds = array<i64: 1, 64, 96>}, {transform_indices = @transform_10, window_bounds = array<i64: 1, 64, 96>}, {transform_indices = @transform_11, window_bounds = array<i64: 1, 64, 96>}, {transform_indices = @transform_12, window_bounds = array<i64: 1, 64, 96>}, {transform_indices = @transform_13, window_bounds = array<i64: 1, 64, 96>}, {transform_indices = @transform_14, window_bounds = array<i64: 1, 64, 96>}, {transform_indices = @transform_15, window_bounds = array<i64: 1, 64, 96>}, {transform_indices = @transform_16, window_bounds = array<i64: 1, 64, 96>}, {transform_indices = @transform_17, window_bounds = array<i64: 1, 64, 96>}, {transform_indices = @transform_18, window_bounds = array<i64: 1, 64, 96>}, {transform_indices = @transform_19, window_bounds = array<i64: 1, 64, 96>}, {transform_indices = @transform_20, window_bounds = array<i64: 1, 64, 96>}, {transform_indices = @transform_21, window_bounds = array<i64: 1, 64, 96>}, {transform_indices = @transform_22, window_bounds = array<i64: 1, 64, 96>}, {transform_indices = @transform_23, window_bounds = array<i64: 1, 64, 96>}, {transform_indices = @transform_24, window_bounds = array<i64: 1, 64, 96>}, {transform_indices = @transform_25, window_bounds = array<i64: 1, 64, 96>}, {transform_indices = @transform_26, window_bounds = array<i64: 1, 64, 96>}, {transform_indices = @transform_27, window_bounds = array<i64: 1, 64, 96>}, {transform_indices = @transform_28, window_bounds = array<i64: 1, 64, 96>}, {transform_indices = @transform_29, window_bounds = array<i64: 1, 64, 96>}, {transform_indices = @transform_30, window_bounds = array<i64: 1, 64, 96>}, {transform_indices = @transform_31, window_bounds = array<i64: 1, 64, 96>}, {transform_indices = @transform_32, window_bounds = array<i64: 1, 64, 96>}, {transform_indices = @transform_33, window_bounds = array<i64: 1, 64, 96>}, {transform_indices = @transform_34, window_bounds = array<i64: 1, 64, 96>}, {transform_indices = @transform_35, window_bounds = array<i64: 1, 64, 96>}, {transform_indices = @transform_36, window_bounds = array<i64: 1, 64, 96>}, {transform_indices = @transform_37, window_bounds = array<i64: 1, 64, 96>}, {transform_indices = @transform_38, window_bounds = array<i64: 1, 64, 96>}, {transform_indices = @transform_39, window_bounds = array<i64: 1, 64, 96>}, {transform_indices = @transform_40, window_bounds = array<i64: 1, 64, 96>}, {transform_indices = @transform_41, window_bounds = array<i64: 1, 64, 96>}, {transform_indices = @transform_42, window_bounds = array<i64: 1, 64, 96>}, {transform_indices = @transform_43, window_bounds = array<i64: 1, 64, 96>}, {transform_indices = @transform_44, window_bounds = array<i64: 1, 64, 96>}, {transform_indices = @transform_45, window_bounds = array<i64: 1, 64, 96>}, {transform_indices = @transform_46, window_bounds = array<i64: 1, 64, 96>}, {transform_indices = @transform_47, window_bounds = array<i64: 1, 64, 96>}, {transform_indices = @transform_48, window_bounds = array<i64: 1, 64, 96>}, {transform_indices = @transform_49, window_bounds = array<i64: 1, 64, 96>}, {transform_indices = @transform_50, window_bounds = array<i64: 1, 64, 96>}, {transform_indices = @transform_51, window_bounds = array<i64: 1, 64, 96>}, {transform_indices = @transform_52, window_bounds = array<i64: 1, 64, 96>}, {transform_indices = @transform_53, window_bounds = array<i64: 1, 64, 96>}, {transform_indices = @transform_54, window_bounds = array<i64: 1, 64, 96>}, {transform_indices = @transform_55, window_bounds = array<i64: 1, 64, 96>}, {transform_indices = @transform_56, window_bounds = array<i64: 1, 64, 96>}, {transform_indices = @transform_57, window_bounds = array<i64: 1, 64, 96>}, {transform_indices = @transform_58, window_bounds = array<i64: 1, 64, 96>}, {transform_indices = @transform_59, window_bounds = array<i64: 1, 64, 96>}, {transform_indices = @transform_60, window_bounds = array<i64: 1, 64, 96>}, {transform_indices = @transform_61, window_bounds = array<i64: 1, 64, 96>}, {transform_indices = @transform_62, window_bounds = array<i64: 1, 64, 96>}, {transform_indices = @transform_63, window_bounds = array<i64: 1, 64, 96>}, {transform_indices = @transform_64, window_bounds = array<i64: 1, 64, 96>}, {transform_indices = @transform_65, window_bounds = array<i64: 1, 64, 96>}, {transform_indices = @transform_66, window_bounds = array<i64: 1, 64, 96>}, {transform_indices = @transform_67, window_bounds = array<i64: 1, 64, 96>}, {transform_indices = @transform_68, window_bounds = array<i64: 1, 64, 96>}, {transform_indices = @transform_69, window_bounds = array<i64: 1, 64, 96>}, {transform_indices = @transform_70, window_bounds = array<i64: 1, 64, 96>}, {transform_indices = @transform_71, window_bounds = array<i64: 1, 64, 96>}, {transform_indices = @transform_72, window_bounds = array<i64: 1, 64, 96>}, {transform_indices = @transform_73, window_bounds = array<i64: 1, 64, 96>}, {transform_indices = @transform_74, window_bounds = array<i64: 1, 64, 96>}, {transform_indices = @transform_75, window_bounds = array<i64: 1, 64, 96>}, {transform_indices = @transform_76, window_bounds = array<i64: 1, 64, 96>}, {transform_indices = @transform_77, window_bounds = array<i64: 1, 64, 96>}, {transform_indices = @transform_78, window_bounds = array<i64: 1, 64, 96>}, {transform_indices = @transform_79, window_bounds = array<i64: 1, 64, 96>}, {transform_indices = @transform_80, window_bounds = array<i64: 1, 64, 96>}, {transform_indices = @transform_81, window_bounds = array<i64: 1, 64, 96>}, {transform_indices = @transform_82, window_bounds = array<i64: 1, 64, 96>}, {transform_indices = @transform_83, window_bounds = array<i64: 1, 64, 96>}, {transform_indices = @transform_84, window_bounds = array<i64: 1, 64, 96>}, {transform_indices = @transform_85, window_bounds = array<i64: 1, 64, 96>}, {transform_indices = @transform_86, window_bounds = array<i64: 1, 64, 96>}, {transform_indices = @transform_87, window_bounds = array<i64: 1, 64, 96>}, {transform_indices = @transform_88, window_bounds = array<i64: 1, 64, 96>}, {transform_indices = @transform_89, window_bounds = array<i64: 1, 64, 96>}, {transform_indices = @transform_90, window_bounds = array<i64: 1, 64, 96>}, {transform_indices = @transform_91, window_bounds = array<i64: 1, 64, 96>}, {transform_indices = @transform_92, window_bounds = array<i64: 1, 64, 96>}, {transform_indices = @transform_93, window_bounds = array<i64: 1, 64, 96>}, {transform_indices = @transform_94, window_bounds = array<i64: 1, 64, 96>}, {transform_indices = @transform_95, window_bounds = array<i64: 1, 64, 96>}, {transform_indices = @transform_96, window_bounds = array<i64: 1, 64, 96>}, {transform_indices = @transform_97, window_bounds = array<i64: 1, 64, 96>}, {transform_indices = @transform_98, window_bounds = array<i64: 1, 64, 96>}, {transform_indices = @transform_99, window_bounds = array<i64: 1, 64, 96>}, {transform_indices = @transform_100, window_bounds = array<i64: 1, 64, 96>}, {transform_indices = @transform_101, window_bounds = array<i64: 1, 64, 96>}, {transform_indices = @transform_102, window_bounds = array<i64: 1, 64, 96>}, {transform_indices = @transform_103, window_bounds = array<i64: 1, 64, 96>}, {transform_indices = @transform_104, window_bounds = array<i64: 1, 64, 96>}, {transform_indices = @transform_105, window_bounds = array<i64: 1, 64, 96>}, {transform_indices = @transform_106, window_bounds = array<i64: 1, 64, 96>}, {transform_indices = @transform_107, window_bounds = array<i64: 1, 64, 96>}, {transform_indices = @transform_108, window_bounds = array<i64: 1, 64, 96>}, {transform_indices = @transform_109, window_bounds = array<i64: 1, 64, 96>}, {transform_indices = @transform_110, window_bounds = array<i64: 1, 64, 96>}, {transform_indices = @transform_111, window_bounds = array<i64: 1, 64, 96>}, {transform_indices = @transform_112, window_bounds = array<i64: 1, 64, 96>}, {transform_indices = @transform_113, window_bounds = array<i64: 1, 64, 96>}, {transform_indices = @transform_114, window_bounds = array<i64: 1, 64, 96>}, {transform_indices = @transform_115, window_bounds = array<i64: 1, 64, 96>}, {transform_indices = @transform_116, window_bounds = array<i64: 1, 64, 96>}, {transform_indices = @transform_117, window_bounds = array<i64: 1, 64, 96>}, {transform_indices = @transform_118, window_bounds = array<i64: 1, 64, 96>}, {transform_indices = @transform_119, window_bounds = array<i64: 1, 64, 96>}, {transform_indices = @transform_120, window_bounds = array<i64: 1, 64, 96>}, {transform_indices = @transform_121, window_bounds = array<i64: 1, 64, 96>}, {transform_indices = @transform_122, window_bounds = array<i64: 1, 64, 96>}, {transform_indices = @transform_123, window_bounds = array<i64: 1, 64, 96>}, {transform_indices = @transform_124, window_bounds = array<i64: 1, 64, 96>}, {transform_indices = @transform_125, window_bounds = array<i64: 1, 64, 96>}, {transform_indices = @transform_126, window_bounds = array<i64: 1, 64, 96>}, {transform_indices = @transform_127, window_bounds = array<i64: 1, 64, 96>}, {transform_indices = @transform_128, window_bounds = array<i64: 1, 64, 96>}, {transform_indices = @transform_129, window_bounds = array<i64: 1, 64, 96>}, {transform_indices = @transform_130, window_bounds = array<i64: 1, 64, 96>}, {transform_indices = @transform_131, window_bounds = array<i64: 1, 64, 96>}, {transform_indices = @transform_132, window_bounds = array<i64: 1, 64, 96>}, {transform_indices = @transform_133, window_bounds = array<i64: 1, 64, 96>}, {transform_indices = @transform_134, window_bounds = array<i64: 1, 64, 96>}, {transform_indices = @transform_135, window_bounds = array<i64: 1, 64, 96>}, {transform_indices = @transform_136, window_bounds = array<i64: 1, 64, 96>}, {transform_indices = @transform_137, window_bounds = array<i64: 1, 64, 96>}, {transform_indices = @transform_138, window_bounds = array<i64: 1, 64, 96>}, {transform_indices = @transform_139, window_bounds = array<i64: 1, 64, 96>}, {transform_indices = @transform_140, window_bounds = array<i64: 1, 64, 96>}, {transform_indices = @transform_141, window_bounds = array<i64: 1, 64, 96>}, {transform_indices = @transform_142, window_bounds = array<i64: 1, 64, 96>}, {transform_indices = @transform_143, window_bounds = array<i64: 1, 64, 96>}, {transform_indices = @transform_144, window_bounds = array<i64: 1, 64, 96>}, {transform_indices = @transform_145, window_bounds = array<i64: 1, 64, 96>}, {transform_indices = @transform_146, window_bounds = array<i64: 1, 64, 96>}, {transform_indices = @transform_147, window_bounds = array<i64: 1, 64, 96>}, {transform_indices = @transform_148, window_bounds = array<i64: 1, 64, 96>}, {transform_indices = @transform_149, window_bounds = array<i64: 1, 64, 96>}, {transform_indices = @transform_150, window_bounds = array<i64: 1, 64, 96>}, {transform_indices = @transform_151, window_bounds = array<i64: 1, 64, 96>}, {transform_indices = @transform_152, window_bounds = array<i64: 1, 64, 96>}, {transform_indices = @transform_153, window_bounds = array<i64: 1, 64, 96>}, {transform_indices = @transform_154, window_bounds = array<i64: 1, 64, 96>}, {transform_indices = @transform_155, window_bounds = array<i64: 1, 64, 96>}, {transform_indices = @transform_156, window_bounds = array<i64: 1, 64, 96>}, {transform_indices = @transform_157, window_bounds = array<i64: 1, 64, 96>}, {transform_indices = @transform_158, window_bounds = array<i64: 1, 64, 96>}, {transform_indices = @transform_159, window_bounds = array<i64: 1, 64, 96>}, {transform_indices = @transform_160, window_bounds = array<i64: 1, 64, 96>}, {transform_indices = @transform_161, window_bounds = array<i64: 1, 64, 96>}, {transform_indices = @transform_162, window_bounds = array<i64: 1, 64, 96>}, {transform_indices = @transform_163, window_bounds = array<i64: 1, 64, 96>}, {transform_indices = @transform_164, window_bounds = array<i64: 1, 64, 96>}, {transform_indices = @transform_165, window_bounds = array<i64: 1, 64, 96>}, {transform_indices = @transform_166, window_bounds = array<i64: 1, 64, 96>}, {transform_indices = @transform_167, window_bounds = array<i64: 1, 64, 96>}, {transform_indices = @transform_168, window_bounds = array<i64: 1, 64, 96>}, {transform_indices = @transform_169, window_bounds = array<i64: 1, 64, 96>}, {transform_indices = @transform_170, window_bounds = array<i64: 1, 64, 96>}, {transform_indices = @transform_171, window_bounds = array<i64: 1, 64, 96>}, {transform_indices = @transform_172, window_bounds = array<i64: 1, 64, 96>}, {transform_indices = @transform_173, window_bounds = array<i64: 1, 64, 96>}, {transform_indices = @transform_174, window_bounds = array<i64: 1, 64, 96>}, {transform_indices = @transform_175, window_bounds = array<i64: 1, 64, 96>}, {transform_indices = @transform_176, window_bounds = array<i64: 1, 64, 96>}, {transform_indices = @transform_177, window_bounds = array<i64: 1, 64, 96>}, {transform_indices = @transform_178, window_bounds = array<i64: 1, 64, 96>}, {transform_indices = @transform_179, window_bounds = array<i64: 1, 64, 96>}, {transform_indices = @transform_180, window_bounds = array<i64: 1, 64, 96>}, {transform_indices = @transform_181, window_bounds = array<i64: 1, 64, 96>}, {transform_indices = @transform_182, window_bounds = array<i64: 1, 64, 96>}, {transform_indices = @transform_183, window_bounds = array<i64: 1, 64, 96>}, {transform_indices = @transform_184, window_bounds = array<i64: 1, 64, 96>}, {transform_indices = @transform_185, window_bounds = array<i64: 1, 64, 96>}, {transform_indices = @transform_186, window_bounds = array<i64: 1, 64, 96>}, {transform_indices = @transform_187, window_bounds = array<i64: 1, 64, 96>}, {transform_indices = @transform_188, window_bounds = array<i64: 1, 64, 96>}, {transform_indices = @transform_189, window_bounds = array<i64: 1, 64, 96>}, {transform_indices = @transform_190, window_bounds = array<i64: 1, 64, 96>}, {transform_indices = @transform_191, window_bounds = array<i64: 1, 64, 96>}, {transform_indices = @transform_192, window_bounds = array<i64: 1, 64, 96>}, {transform_indices = @transform_193, window_bounds = array<i64: 64, 1, 8>}, {pipeline_mode = #tpu.pipeline_mode<synchronous>, transform_indices = @transform_194, window_bounds = array<i64: 384, 96>}, {pipeline_mode = #tpu.pipeline_mode<synchronous>, transform_indices = @transform_195, window_bounds = array<i64: 16, 96>}, {transform_indices = @transform_196, window_bounds = array<i64: 1, 8, 512, 96>}]} {
    %get3A = arith.constant 0 : index
    %get3A_0 = arith.constant 0 : index
    %get3A_1 = arith.constant 0 : index
    %get3A_2 = vector.load %arg2[%get3A, %get3A_0, %get3A_1] : memref<64x64x96xf32, #tpu.memory_space<vmem>>, vector<64x64x96xf32>
    %reshape3A = vector.shape_cast %get3A_2 : vector<64x64x96xf32> to vector<4096x96xf32>
    %get3A_3 = arith.constant 0 : index
    %get3A_4 = arith.constant 0 : index
    %get3A_5 = arith.constant 0 : index
    %get3A_6 = vector.load %arg195[%get3A_3, %get3A_4, %get3A_5] : memref<64x1x8xf32, #tpu.memory_space<vmem>>, vector<64x1x8xf32>
    %reshape3A_7 = vector.shape_cast %get3A_6 : vector<64x1x8xf32> to vector<64x8xf32>
    %iota3A = tpu.iota {dimensions = array<i32: 1>} : vector<64x8xi32>
    %lt3A = arith.constant 3 : i32
    %lt3A_8 = vector.broadcast %lt3A : i32 to vector<64x8xi32>
    %lt3A_9 = arith.cmpi slt, %iota3A, %lt3A_8 : vector<64x8xi32>
    %jit3A = arith.constant 0xFF800000 : f32
    %broadcast_in_dim3A = vector.broadcast %jit3A : f32 to vector<64x8xf32>
    %select_n3A = arith.select %lt3A_9, %reshape3A_7, %broadcast_in_dim3A : vector<64x8xi1>, vector<64x8xf32>
    %reduce_max3A = arith.constant dense<0xFF800000> : vector<64xf32>
    %reduce_max3A_10 = vector.multi_reduction <maximumf>, %select_n3A, %reduce_max3A [1] : vector<64x8xf32> to vector<64xf32>
    %broadcast_in_dim3A_11 = vector.shape_cast %reduce_max3A_10 : vector<64xf32> to vector<64x1xf32>
    %lt3A_12 = arith.constant 3 : i32
    %lt3A_13 = vector.broadcast %lt3A_12 : i32 to vector<64x8xi32>
    %lt3A_14 = arith.cmpi slt, %iota3A, %lt3A_13 : vector<64x8xi32>
    %sub3A = vector.broadcast %broadcast_in_dim3A_11 : vector<64x1xf32> to vector<64x8xf32>
    %sub3A_15 = arith.subf %reshape3A_7, %sub3A : vector<64x8xf32>
    %exp3A = math.exp %sub3A_15 : vector<64x8xf32>
    %jit3A_16 = arith.constant 0.000000e+00 : f32
    %broadcast_in_dim3A_17 = vector.broadcast %jit3A_16 : f32 to vector<64x8xf32>
    %select_n3A_18 = arith.select %lt3A_14, %exp3A, %broadcast_in_dim3A_17 : vector<64x8xi1>, vector<64x8xf32>
    %reduce_sum3A = arith.constant dense<0.000000e+00> : vector<64xf32>
    %reduce_sum3A_19 = vector.multi_reduction <add>, %select_n3A_18, %reduce_sum3A [1] : vector<64x8xf32> to vector<64xf32>
    %broadcast_in_dim3A_20 = vector.shape_cast %reduce_sum3A_19 : vector<64xf32> to vector<64x1xf32>
    %div3A = vector.broadcast %broadcast_in_dim3A_20 : vector<64x1xf32> to vector<64x8xf32>
    %div3A_21 = arith.divf %select_n3A_18, %div3A : vector<64x8xf32>
    %slice3A = vector.extract_strided_slice %div3A_21 {offsets = [0, 0], sizes = [1, 1], strides = [1, 1]} : vector<64x8xf32> to vector<1x1xf32>
    %get3A_22 = arith.constant 0 : index
    %get3A_23 = arith.constant 0 : index
    %get3A_24 = arith.constant 0 : index
    %get3A_25 = vector.load %arg3[%get3A_22, %get3A_23, %get3A_24] : memref<1x64x96xf32, #tpu.memory_space<vmem>>, vector<1x64x96xf32>
    %get3A_26 = vector.shape_cast %get3A_25 : vector<1x64x96xf32> to vector<64x96xf32>
    %mul3A = vector.broadcast %slice3A : vector<1x1xf32> to vector<64x96xf32>
    %mul3A_27 = arith.mulf %mul3A, %get3A_26 : vector<64x96xf32>
    %add3A = arith.constant 0.000000e+00 : f32
    %add3A_28 = vector.broadcast %add3A : f32 to vector<64x96xf32>
    %add3A_29 = arith.addf %add3A_28, %mul3A_27 : vector<64x96xf32>
    %slice3A_30 = vector.extract_strided_slice %div3A_21 {offsets = [0, 1], sizes = [1, 1], strides = [1, 1]} : vector<64x8xf32> to vector<1x1xf32>
    %get3A_31 = arith.constant 0 : index
    %get3A_32 = arith.constant 0 : index
    %get3A_33 = arith.constant 0 : index
    %get3A_34 = vector.load %arg4[%get3A_31, %get3A_32, %get3A_33] : memref<1x64x96xf32, #tpu.memory_space<vmem>>, vector<1x64x96xf32>
    %get3A_35 = vector.shape_cast %get3A_34 : vector<1x64x96xf32> to vector<64x96xf32>
    %mul3A_36 = vector.broadcast %slice3A_30 : vector<1x1xf32> to vector<64x96xf32>
    %mul3A_37 = arith.mulf %mul3A_36, %get3A_35 : vector<64x96xf32>
    %add3A_38 = arith.addf %add3A_29, %mul3A_37 : vector<64x96xf32>
    %slice3A_39 = vector.extract_strided_slice %div3A_21 {offsets = [0, 2], sizes = [1, 1], strides = [1, 1]} : vector<64x8xf32> to vector<1x1xf32>
    %get3A_40 = arith.constant 0 : index
    %get3A_41 = arith.constant 0 : index
    %get3A_42 = arith.constant 0 : index
    %get3A_43 = vector.load %arg5[%get3A_40, %get3A_41, %get3A_42] : memref<1x64x96xf32, #tpu.memory_space<vmem>>, vector<1x64x96xf32>
    %get3A_44 = vector.shape_cast %get3A_43 : vector<1x64x96xf32> to vector<64x96xf32>
    %mul3A_45 = vector.broadcast %slice3A_39 : vector<1x1xf32> to vector<64x96xf32>
    %mul3A_46 = arith.mulf %mul3A_45, %get3A_44 : vector<64x96xf32>
    %add3A_47 = arith.addf %add3A_38, %mul3A_46 : vector<64x96xf32>
    %slice3A_48 = vector.extract_strided_slice %div3A_21 {offsets = [1, 0], sizes = [1, 1], strides = [1, 1]} : vector<64x8xf32> to vector<1x1xf32>
    %get3A_49 = arith.constant 0 : index
    %get3A_50 = arith.constant 0 : index
    %get3A_51 = arith.constant 0 : index
    %get3A_52 = vector.load %arg6[%get3A_49, %get3A_50, %get3A_51] : memref<1x64x96xf32, #tpu.memory_space<vmem>>, vector<1x64x96xf32>
    %get3A_53 = vector.shape_cast %get3A_52 : vector<1x64x96xf32> to vector<64x96xf32>
    %mul3A_54 = vector.broadcast %slice3A_48 : vector<1x1xf32> to vector<64x96xf32>
    %mul3A_55 = arith.mulf %mul3A_54, %get3A_53 : vector<64x96xf32>
    %add3A_56 = arith.constant 0.000000e+00 : f32
    %add3A_57 = vector.broadcast %add3A_56 : f32 to vector<64x96xf32>
    %add3A_58 = arith.addf %add3A_57, %mul3A_55 : vector<64x96xf32>
    %slice3A_59 = vector.extract_strided_slice %div3A_21 {offsets = [1, 1], sizes = [1, 1], strides = [1, 1]} : vector<64x8xf32> to vector<1x1xf32>
    %get3A_60 = arith.constant 0 : index
    %get3A_61 = arith.constant 0 : index
    %get3A_62 = arith.constant 0 : index
    %get3A_63 = vector.load %arg7[%get3A_60, %get3A_61, %get3A_62] : memref<1x64x96xf32, #tpu.memory_space<vmem>>, vector<1x64x96xf32>
    %get3A_64 = vector.shape_cast %get3A_63 : vector<1x64x96xf32> to vector<64x96xf32>
    %mul3A_65 = vector.broadcast %slice3A_59 : vector<1x1xf32> to vector<64x96xf32>
    %mul3A_66 = arith.mulf %mul3A_65, %get3A_64 : vector<64x96xf32>
    %add3A_67 = arith.addf %add3A_58, %mul3A_66 : vector<64x96xf32>
    %slice3A_68 = vector.extract_strided_slice %div3A_21 {offsets = [1, 2], sizes = [1, 1], strides = [1, 1]} : vector<64x8xf32> to vector<1x1xf32>
    %get3A_69 = arith.constant 0 : index
    %get3A_70 = arith.constant 0 : index
    %get3A_71 = arith.constant 0 : index
    %get3A_72 = vector.load %arg8[%get3A_69, %get3A_70, %get3A_71] : memref<1x64x96xf32, #tpu.memory_space<vmem>>, vector<1x64x96xf32>
    %get3A_73 = vector.shape_cast %get3A_72 : vector<1x64x96xf32> to vector<64x96xf32>
    %mul3A_74 = vector.broadcast %slice3A_68 : vector<1x1xf32> to vector<64x96xf32>
    %mul3A_75 = arith.mulf %mul3A_74, %get3A_73 : vector<64x96xf32>
    %add3A_76 = arith.addf %add3A_67, %mul3A_75 : vector<64x96xf32>
    %slice3A_77 = vector.extract_strided_slice %div3A_21 {offsets = [2, 0], sizes = [1, 1], strides = [1, 1]} : vector<64x8xf32> to vector<1x1xf32>
    %get3A_78 = arith.constant 0 : index
    %get3A_79 = arith.constant 0 : index
    %get3A_80 = arith.constant 0 : index
    %get3A_81 = vector.load %arg9[%get3A_78, %get3A_79, %get3A_80] : memref<1x64x96xf32, #tpu.memory_space<vmem>>, vector<1x64x96xf32>
    %get3A_82 = vector.shape_cast %get3A_81 : vector<1x64x96xf32> to vector<64x96xf32>
    %mul3A_83 = vector.broadcast %slice3A_77 : vector<1x1xf32> to vector<64x96xf32>
    %mul3A_84 = arith.mulf %mul3A_83, %get3A_82 : vector<64x96xf32>
    %add3A_85 = arith.constant 0.000000e+00 : f32
    %add3A_86 = vector.broadcast %add3A_85 : f32 to vector<64x96xf32>
    %add3A_87 = arith.addf %add3A_86, %mul3A_84 : vector<64x96xf32>
    %slice3A_88 = vector.extract_strided_slice %div3A_21 {offsets = [2, 1], sizes = [1, 1], strides = [1, 1]} : vector<64x8xf32> to vector<1x1xf32>
    %get3A_89 = arith.constant 0 : index
    %get3A_90 = arith.constant 0 : index
    %get3A_91 = arith.constant 0 : index
    %get3A_92 = vector.load %arg10[%get3A_89, %get3A_90, %get3A_91] : memref<1x64x96xf32, #tpu.memory_space<vmem>>, vector<1x64x96xf32>
    %get3A_93 = vector.shape_cast %get3A_92 : vector<1x64x96xf32> to vector<64x96xf32>
    %mul3A_94 = vector.broadcast %slice3A_88 : vector<1x1xf32> to vector<64x96xf32>
    %mul3A_95 = arith.mulf %mul3A_94, %get3A_93 : vector<64x96xf32>
    %add3A_96 = arith.addf %add3A_87, %mul3A_95 : vector<64x96xf32>
    %slice3A_97 = vector.extract_strided_slice %div3A_21 {offsets = [2, 2], sizes = [1, 1], strides = [1, 1]} : vector<64x8xf32> to vector<1x1xf32>
    %get3A_98 = arith.constant 0 : index
    %get3A_99 = arith.constant 0 : index
    %get3A_100 = arith.constant 0 : index
    %get3A_101 = vector.load %arg11[%get3A_98, %get3A_99, %get3A_100] : memref<1x64x96xf32, #tpu.memory_space<vmem>>, vector<1x64x96xf32>
    %get3A_102 = vector.shape_cast %get3A_101 : vector<1x64x96xf32> to vector<64x96xf32>
    %mul3A_103 = vector.broadcast %slice3A_97 : vector<1x1xf32> to vector<64x96xf32>
    %mul3A_104 = arith.mulf %mul3A_103, %get3A_102 : vector<64x96xf32>
    %add3A_105 = arith.addf %add3A_96, %mul3A_104 : vector<64x96xf32>
    %slice3A_106 = vector.extract_strided_slice %div3A_21 {offsets = [3, 0], sizes = [1, 1], strides = [1, 1]} : vector<64x8xf32> to vector<1x1xf32>
    %get3A_107 = arith.constant 0 : index
    %get3A_108 = arith.constant 0 : index
    %get3A_109 = arith.constant 0 : index
    %get3A_110 = vector.load %arg12[%get3A_107, %get3A_108, %get3A_109] : memref<1x64x96xf32, #tpu.memory_space<vmem>>, vector<1x64x96xf32>
    %get3A_111 = vector.shape_cast %get3A_110 : vector<1x64x96xf32> to vector<64x96xf32>
    %mul3A_112 = vector.broadcast %slice3A_106 : vector<1x1xf32> to vector<64x96xf32>
    %mul3A_113 = arith.mulf %mul3A_112, %get3A_111 : vector<64x96xf32>
    %add3A_114 = arith.constant 0.000000e+00 : f32
    %add3A_115 = vector.broadcast %add3A_114 : f32 to vector<64x96xf32>
    %add3A_116 = arith.addf %add3A_115, %mul3A_113 : vector<64x96xf32>
    %slice3A_117 = vector.extract_strided_slice %div3A_21 {offsets = [3, 1], sizes = [1, 1], strides = [1, 1]} : vector<64x8xf32> to vector<1x1xf32>
    %get3A_118 = arith.constant 0 : index
    %get3A_119 = arith.constant 0 : index
    %get3A_120 = arith.constant 0 : index
    %get3A_121 = vector.load %arg13[%get3A_118, %get3A_119, %get3A_120] : memref<1x64x96xf32, #tpu.memory_space<vmem>>, vector<1x64x96xf32>
    %get3A_122 = vector.shape_cast %get3A_121 : vector<1x64x96xf32> to vector<64x96xf32>
    %mul3A_123 = vector.broadcast %slice3A_117 : vector<1x1xf32> to vector<64x96xf32>
    %mul3A_124 = arith.mulf %mul3A_123, %get3A_122 : vector<64x96xf32>
    %add3A_125 = arith.addf %add3A_116, %mul3A_124 : vector<64x96xf32>
    %slice3A_126 = vector.extract_strided_slice %div3A_21 {offsets = [3, 2], sizes = [1, 1], strides = [1, 1]} : vector<64x8xf32> to vector<1x1xf32>
    %get3A_127 = arith.constant 0 : index
    %get3A_128 = arith.constant 0 : index
    %get3A_129 = arith.constant 0 : index
    %get3A_130 = vector.load %arg14[%get3A_127, %get3A_128, %get3A_129] : memref<1x64x96xf32, #tpu.memory_space<vmem>>, vector<1x64x96xf32>
    %get3A_131 = vector.shape_cast %get3A_130 : vector<1x64x96xf32> to vector<64x96xf32>
    %mul3A_132 = vector.broadcast %slice3A_126 : vector<1x1xf32> to vector<64x96xf32>
    %mul3A_133 = arith.mulf %mul3A_132, %get3A_131 : vector<64x96xf32>
    %add3A_134 = arith.addf %add3A_125, %mul3A_133 : vector<64x96xf32>
    %slice3A_135 = vector.extract_strided_slice %div3A_21 {offsets = [4, 0], sizes = [1, 1], strides = [1, 1]} : vector<64x8xf32> to vector<1x1xf32>
    %get3A_136 = arith.constant 0 : index
    %get3A_137 = arith.constant 0 : index
    %get3A_138 = arith.constant 0 : index
    %get3A_139 = vector.load %arg15[%get3A_136, %get3A_137, %get3A_138] : memref<1x64x96xf32, #tpu.memory_space<vmem>>, vector<1x64x96xf32>
    %get3A_140 = vector.shape_cast %get3A_139 : vector<1x64x96xf32> to vector<64x96xf32>
    %mul3A_141 = vector.broadcast %slice3A_135 : vector<1x1xf32> to vector<64x96xf32>
    %mul3A_142 = arith.mulf %mul3A_141, %get3A_140 : vector<64x96xf32>
    %add3A_143 = arith.constant 0.000000e+00 : f32
    %add3A_144 = vector.broadcast %add3A_143 : f32 to vector<64x96xf32>
    %add3A_145 = arith.addf %add3A_144, %mul3A_142 : vector<64x96xf32>
    %slice3A_146 = vector.extract_strided_slice %div3A_21 {offsets = [4, 1], sizes = [1, 1], strides = [1, 1]} : vector<64x8xf32> to vector<1x1xf32>
    %get3A_147 = arith.constant 0 : index
    %get3A_148 = arith.constant 0 : index
    %get3A_149 = arith.constant 0 : index
    %get3A_150 = vector.load %arg16[%get3A_147, %get3A_148, %get3A_149] : memref<1x64x96xf32, #tpu.memory_space<vmem>>, vector<1x64x96xf32>
    %get3A_151 = vector.shape_cast %get3A_150 : vector<1x64x96xf32> to vector<64x96xf32>
    %mul3A_152 = vector.broadcast %slice3A_146 : vector<1x1xf32> to vector<64x96xf32>
    %mul3A_153 = arith.mulf %mul3A_152, %get3A_151 : vector<64x96xf32>
    %add3A_154 = arith.addf %add3A_145, %mul3A_153 : vector<64x96xf32>
    %slice3A_155 = vector.extract_strided_slice %div3A_21 {offsets = [4, 2], sizes = [1, 1], strides = [1, 1]} : vector<64x8xf32> to vector<1x1xf32>
    %get3A_156 = arith.constant 0 : index
    %get3A_157 = arith.constant 0 : index
    %get3A_158 = arith.constant 0 : index
    %get3A_159 = vector.load %arg17[%get3A_156, %get3A_157, %get3A_158] : memref<1x64x96xf32, #tpu.memory_space<vmem>>, vector<1x64x96xf32>
    %get3A_160 = vector.shape_cast %get3A_159 : vector<1x64x96xf32> to vector<64x96xf32>
    %mul3A_161 = vector.broadcast %slice3A_155 : vector<1x1xf32> to vector<64x96xf32>
    %mul3A_162 = arith.mulf %mul3A_161, %get3A_160 : vector<64x96xf32>
    %add3A_163 = arith.addf %add3A_154, %mul3A_162 : vector<64x96xf32>
    %slice3A_164 = vector.extract_strided_slice %div3A_21 {offsets = [5, 0], sizes = [1, 1], strides = [1, 1]} : vector<64x8xf32> to vector<1x1xf32>
    %get3A_165 = arith.constant 0 : index
    %get3A_166 = arith.constant 0 : index
    %get3A_167 = arith.constant 0 : index
    %get3A_168 = vector.load %arg18[%get3A_165, %get3A_166, %get3A_167] : memref<1x64x96xf32, #tpu.memory_space<vmem>>, vector<1x64x96xf32>
    %get3A_169 = vector.shape_cast %get3A_168 : vector<1x64x96xf32> to vector<64x96xf32>
    %mul3A_170 = vector.broadcast %slice3A_164 : vector<1x1xf32> to vector<64x96xf32>
    %mul3A_171 = arith.mulf %mul3A_170, %get3A_169 : vector<64x96xf32>
    %add3A_172 = arith.constant 0.000000e+00 : f32
    %add3A_173 = vector.broadcast %add3A_172 : f32 to vector<64x96xf32>
    %add3A_174 = arith.addf %add3A_173, %mul3A_171 : vector<64x96xf32>
    %slice3A_175 = vector.extract_strided_slice %div3A_21 {offsets = [5, 1], sizes = [1, 1], strides = [1, 1]} : vector<64x8xf32> to vector<1x1xf32>
    %get3A_176 = arith.constant 0 : index
    %get3A_177 = arith.constant 0 : index
    %get3A_178 = arith.constant 0 : index
    %get3A_179 = vector.load %arg19[%get3A_176, %get3A_177, %get3A_178] : memref<1x64x96xf32, #tpu.memory_space<vmem>>, vector<1x64x96xf32>
    %get3A_180 = vector.shape_cast %get3A_179 : vector<1x64x96xf32> to vector<64x96xf32>
    %mul3A_181 = vector.broadcast %slice3A_175 : vector<1x1xf32> to vector<64x96xf32>
    %mul3A_182 = arith.mulf %mul3A_181, %get3A_180 : vector<64x96xf32>
    %add3A_183 = arith.addf %add3A_174, %mul3A_182 : vector<64x96xf32>
    %slice3A_184 = vector.extract_strided_slice %div3A_21 {offsets = [5, 2], sizes = [1, 1], strides = [1, 1]} : vector<64x8xf32> to vector<1x1xf32>
    %get3A_185 = arith.constant 0 : index
    %get3A_186 = arith.constant 0 : index
    %get3A_187 = arith.constant 0 : index
    %get3A_188 = vector.load %arg20[%get3A_185, %get3A_186, %get3A_187] : memref<1x64x96xf32, #tpu.memory_space<vmem>>, vector<1x64x96xf32>
    %get3A_189 = vector.shape_cast %get3A_188 : vector<1x64x96xf32> to vector<64x96xf32>
    %mul3A_190 = vector.broadcast %slice3A_184 : vector<1x1xf32> to vector<64x96xf32>
    %mul3A_191 = arith.mulf %mul3A_190, %get3A_189 : vector<64x96xf32>
    %add3A_192 = arith.addf %add3A_183, %mul3A_191 : vector<64x96xf32>
    %slice3A_193 = vector.extract_strided_slice %div3A_21 {offsets = [6, 0], sizes = [1, 1], strides = [1, 1]} : vector<64x8xf32> to vector<1x1xf32>
    %get3A_194 = arith.constant 0 : index
    %get3A_195 = arith.constant 0 : index
    %get3A_196 = arith.constant 0 : index
    %get3A_197 = vector.load %arg21[%get3A_194, %get3A_195, %get3A_196] : memref<1x64x96xf32, #tpu.memory_space<vmem>>, vector<1x64x96xf32>
    %get3A_198 = vector.shape_cast %get3A_197 : vector<1x64x96xf32> to vector<64x96xf32>
    %mul3A_199 = vector.broadcast %slice3A_193 : vector<1x1xf32> to vector<64x96xf32>
    %mul3A_200 = arith.mulf %mul3A_199, %get3A_198 : vector<64x96xf32>
    %add3A_201 = arith.constant 0.000000e+00 : f32
    %add3A_202 = vector.broadcast %add3A_201 : f32 to vector<64x96xf32>
    %add3A_203 = arith.addf %add3A_202, %mul3A_200 : vector<64x96xf32>
    %slice3A_204 = vector.extract_strided_slice %div3A_21 {offsets = [6, 1], sizes = [1, 1], strides = [1, 1]} : vector<64x8xf32> to vector<1x1xf32>
    %get3A_205 = arith.constant 0 : index
    %get3A_206 = arith.constant 0 : index
    %get3A_207 = arith.constant 0 : index
    %get3A_208 = vector.load %arg22[%get3A_205, %get3A_206, %get3A_207] : memref<1x64x96xf32, #tpu.memory_space<vmem>>, vector<1x64x96xf32>
    %get3A_209 = vector.shape_cast %get3A_208 : vector<1x64x96xf32> to vector<64x96xf32>
    %mul3A_210 = vector.broadcast %slice3A_204 : vector<1x1xf32> to vector<64x96xf32>
    %mul3A_211 = arith.mulf %mul3A_210, %get3A_209 : vector<64x96xf32>
    %add3A_212 = arith.addf %add3A_203, %mul3A_211 : vector<64x96xf32>
    %slice3A_213 = vector.extract_strided_slice %div3A_21 {offsets = [6, 2], sizes = [1, 1], strides = [1, 1]} : vector<64x8xf32> to vector<1x1xf32>
    %get3A_214 = arith.constant 0 : index
    %get3A_215 = arith.constant 0 : index
    %get3A_216 = arith.constant 0 : index
    %get3A_217 = vector.load %arg23[%get3A_214, %get3A_215, %get3A_216] : memref<1x64x96xf32, #tpu.memory_space<vmem>>, vector<1x64x96xf32>
    %get3A_218 = vector.shape_cast %get3A_217 : vector<1x64x96xf32> to vector<64x96xf32>
    %mul3A_219 = vector.broadcast %slice3A_213 : vector<1x1xf32> to vector<64x96xf32>
    %mul3A_220 = arith.mulf %mul3A_219, %get3A_218 : vector<64x96xf32>
    %add3A_221 = arith.addf %add3A_212, %mul3A_220 : vector<64x96xf32>
    %slice3A_222 = vector.extract_strided_slice %div3A_21 {offsets = [7, 0], sizes = [1, 1], strides = [1, 1]} : vector<64x8xf32> to vector<1x1xf32>
    %get3A_223 = arith.constant 0 : index
    %get3A_224 = arith.constant 0 : index
    %get3A_225 = arith.constant 0 : index
    %get3A_226 = vector.load %arg24[%get3A_223, %get3A_224, %get3A_225] : memref<1x64x96xf32, #tpu.memory_space<vmem>>, vector<1x64x96xf32>
    %get3A_227 = vector.shape_cast %get3A_226 : vector<1x64x96xf32> to vector<64x96xf32>
    %mul3A_228 = vector.broadcast %slice3A_222 : vector<1x1xf32> to vector<64x96xf32>
    %mul3A_229 = arith.mulf %mul3A_228, %get3A_227 : vector<64x96xf32>
    %add3A_230 = arith.constant 0.000000e+00 : f32
    %add3A_231 = vector.broadcast %add3A_230 : f32 to vector<64x96xf32>
    %add3A_232 = arith.addf %add3A_231, %mul3A_229 : vector<64x96xf32>
    %slice3A_233 = vector.extract_strided_slice %div3A_21 {offsets = [7, 1], sizes = [1, 1], strides = [1, 1]} : vector<64x8xf32> to vector<1x1xf32>
    %get3A_234 = arith.constant 0 : index
    %get3A_235 = arith.constant 0 : index
    %get3A_236 = arith.constant 0 : index
    %get3A_237 = vector.load %arg25[%get3A_234, %get3A_235, %get3A_236] : memref<1x64x96xf32, #tpu.memory_space<vmem>>, vector<1x64x96xf32>
    %get3A_238 = vector.shape_cast %get3A_237 : vector<1x64x96xf32> to vector<64x96xf32>
    %mul3A_239 = vector.broadcast %slice3A_233 : vector<1x1xf32> to vector<64x96xf32>
    %mul3A_240 = arith.mulf %mul3A_239, %get3A_238 : vector<64x96xf32>
    %add3A_241 = arith.addf %add3A_232, %mul3A_240 : vector<64x96xf32>
    %slice3A_242 = vector.extract_strided_slice %div3A_21 {offsets = [7, 2], sizes = [1, 1], strides = [1, 1]} : vector<64x8xf32> to vector<1x1xf32>
    %get3A_243 = arith.constant 0 : index
    %get3A_244 = arith.constant 0 : index
    %get3A_245 = arith.constant 0 : index
    %get3A_246 = vector.load %arg26[%get3A_243, %get3A_244, %get3A_245] : memref<1x64x96xf32, #tpu.memory_space<vmem>>, vector<1x64x96xf32>
    %get3A_247 = vector.shape_cast %get3A_246 : vector<1x64x96xf32> to vector<64x96xf32>
    %mul3A_248 = vector.broadcast %slice3A_242 : vector<1x1xf32> to vector<64x96xf32>
    %mul3A_249 = arith.mulf %mul3A_248, %get3A_247 : vector<64x96xf32>
    %add3A_250 = arith.addf %add3A_241, %mul3A_249 : vector<64x96xf32>
    %slice3A_251 = vector.extract_strided_slice %div3A_21 {offsets = [8, 0], sizes = [1, 1], strides = [1, 1]} : vector<64x8xf32> to vector<1x1xf32>
    %get3A_252 = arith.constant 0 : index
    %get3A_253 = arith.constant 0 : index
    %get3A_254 = arith.constant 0 : index
    %get3A_255 = vector.load %arg27[%get3A_252, %get3A_253, %get3A_254] : memref<1x64x96xf32, #tpu.memory_space<vmem>>, vector<1x64x96xf32>
    %get3A_256 = vector.shape_cast %get3A_255 : vector<1x64x96xf32> to vector<64x96xf32>
    %mul3A_257 = vector.broadcast %slice3A_251 : vector<1x1xf32> to vector<64x96xf32>
    %mul3A_258 = arith.mulf %mul3A_257, %get3A_256 : vector<64x96xf32>
    %add3A_259 = arith.constant 0.000000e+00 : f32
    %add3A_260 = vector.broadcast %add3A_259 : f32 to vector<64x96xf32>
    %add3A_261 = arith.addf %add3A_260, %mul3A_258 : vector<64x96xf32>
    %slice3A_262 = vector.extract_strided_slice %div3A_21 {offsets = [8, 1], sizes = [1, 1], strides = [1, 1]} : vector<64x8xf32> to vector<1x1xf32>
    %get3A_263 = arith.constant 0 : index
    %get3A_264 = arith.constant 0 : index
    %get3A_265 = arith.constant 0 : index
    %get3A_266 = vector.load %arg28[%get3A_263, %get3A_264, %get3A_265] : memref<1x64x96xf32, #tpu.memory_space<vmem>>, vector<1x64x96xf32>
    %get3A_267 = vector.shape_cast %get3A_266 : vector<1x64x96xf32> to vector<64x96xf32>
    %mul3A_268 = vector.broadcast %slice3A_262 : vector<1x1xf32> to vector<64x96xf32>
    %mul3A_269 = arith.mulf %mul3A_268, %get3A_267 : vector<64x96xf32>
    %add3A_270 = arith.addf %add3A_261, %mul3A_269 : vector<64x96xf32>
    %slice3A_271 = vector.extract_strided_slice %div3A_21 {offsets = [8, 2], sizes = [1, 1], strides = [1, 1]} : vector<64x8xf32> to vector<1x1xf32>
    %get3A_272 = arith.constant 0 : index
    %get3A_273 = arith.constant 0 : index
    %get3A_274 = arith.constant 0 : index
    %get3A_275 = vector.load %arg29[%get3A_272, %get3A_273, %get3A_274] : memref<1x64x96xf32, #tpu.memory_space<vmem>>, vector<1x64x96xf32>
    %get3A_276 = vector.shape_cast %get3A_275 : vector<1x64x96xf32> to vector<64x96xf32>
    %mul3A_277 = vector.broadcast %slice3A_271 : vector<1x1xf32> to vector<64x96xf32>
    %mul3A_278 = arith.mulf %mul3A_277, %get3A_276 : vector<64x96xf32>
    %add3A_279 = arith.addf %add3A_270, %mul3A_278 : vector<64x96xf32>
    %slice3A_280 = vector.extract_strided_slice %div3A_21 {offsets = [9, 0], sizes = [1, 1], strides = [1, 1]} : vector<64x8xf32> to vector<1x1xf32>
    %get3A_281 = arith.constant 0 : index
    %get3A_282 = arith.constant 0 : index
    %get3A_283 = arith.constant 0 : index
    %get3A_284 = vector.load %arg30[%get3A_281, %get3A_282, %get3A_283] : memref<1x64x96xf32, #tpu.memory_space<vmem>>, vector<1x64x96xf32>
    %get3A_285 = vector.shape_cast %get3A_284 : vector<1x64x96xf32> to vector<64x96xf32>
    %mul3A_286 = vector.broadcast %slice3A_280 : vector<1x1xf32> to vector<64x96xf32>
    %mul3A_287 = arith.mulf %mul3A_286, %get3A_285 : vector<64x96xf32>
    %add3A_288 = arith.constant 0.000000e+00 : f32
    %add3A_289 = vector.broadcast %add3A_288 : f32 to vector<64x96xf32>
    %add3A_290 = arith.addf %add3A_289, %mul3A_287 : vector<64x96xf32>
    %slice3A_291 = vector.extract_strided_slice %div3A_21 {offsets = [9, 1], sizes = [1, 1], strides = [1, 1]} : vector<64x8xf32> to vector<1x1xf32>
    %get3A_292 = arith.constant 0 : index
    %get3A_293 = arith.constant 0 : index
    %get3A_294 = arith.constant 0 : index
    %get3A_295 = vector.load %arg31[%get3A_292, %get3A_293, %get3A_294] : memref<1x64x96xf32, #tpu.memory_space<vmem>>, vector<1x64x96xf32>
    %get3A_296 = vector.shape_cast %get3A_295 : vector<1x64x96xf32> to vector<64x96xf32>
    %mul3A_297 = vector.broadcast %slice3A_291 : vector<1x1xf32> to vector<64x96xf32>
    %mul3A_298 = arith.mulf %mul3A_297, %get3A_296 : vector<64x96xf32>
    %add3A_299 = arith.addf %add3A_290, %mul3A_298 : vector<64x96xf32>
    %slice3A_300 = vector.extract_strided_slice %div3A_21 {offsets = [9, 2], sizes = [1, 1], strides = [1, 1]} : vector<64x8xf32> to vector<1x1xf32>
    %get3A_301 = arith.constant 0 : index
    %get3A_302 = arith.constant 0 : index
    %get3A_303 = arith.constant 0 : index
    %get3A_304 = vector.load %arg32[%get3A_301, %get3A_302, %get3A_303] : memref<1x64x96xf32, #tpu.memory_space<vmem>>, vector<1x64x96xf32>
    %get3A_305 = vector.shape_cast %get3A_304 : vector<1x64x96xf32> to vector<64x96xf32>
    %mul3A_306 = vector.broadcast %slice3A_300 : vector<1x1xf32> to vector<64x96xf32>
    %mul3A_307 = arith.mulf %mul3A_306, %get3A_305 : vector<64x96xf32>
    %add3A_308 = arith.addf %add3A_299, %mul3A_307 : vector<64x96xf32>
    %slice3A_309 = vector.extract_strided_slice %div3A_21 {offsets = [10, 0], sizes = [1, 1], strides = [1, 1]} : vector<64x8xf32> to vector<1x1xf32>
    %get3A_310 = arith.constant 0 : index
    %get3A_311 = arith.constant 0 : index
    %get3A_312 = arith.constant 0 : index
    %get3A_313 = vector.load %arg33[%get3A_310, %get3A_311, %get3A_312] : memref<1x64x96xf32, #tpu.memory_space<vmem>>, vector<1x64x96xf32>
    %get3A_314 = vector.shape_cast %get3A_313 : vector<1x64x96xf32> to vector<64x96xf32>
    %mul3A_315 = vector.broadcast %slice3A_309 : vector<1x1xf32> to vector<64x96xf32>
    %mul3A_316 = arith.mulf %mul3A_315, %get3A_314 : vector<64x96xf32>
    %add3A_317 = arith.constant 0.000000e+00 : f32
    %add3A_318 = vector.broadcast %add3A_317 : f32 to vector<64x96xf32>
    %add3A_319 = arith.addf %add3A_318, %mul3A_316 : vector<64x96xf32>
    %slice3A_320 = vector.extract_strided_slice %div3A_21 {offsets = [10, 1], sizes = [1, 1], strides = [1, 1]} : vector<64x8xf32> to vector<1x1xf32>
    %get3A_321 = arith.constant 0 : index
    %get3A_322 = arith.constant 0 : index
    %get3A_323 = arith.constant 0 : index
    %get3A_324 = vector.load %arg34[%get3A_321, %get3A_322, %get3A_323] : memref<1x64x96xf32, #tpu.memory_space<vmem>>, vector<1x64x96xf32>
    %get3A_325 = vector.shape_cast %get3A_324 : vector<1x64x96xf32> to vector<64x96xf32>
    %mul3A_326 = vector.broadcast %slice3A_320 : vector<1x1xf32> to vector<64x96xf32>
    %mul3A_327 = arith.mulf %mul3A_326, %get3A_325 : vector<64x96xf32>
    %add3A_328 = arith.addf %add3A_319, %mul3A_327 : vector<64x96xf32>
    %slice3A_329 = vector.extract_strided_slice %div3A_21 {offsets = [10, 2], sizes = [1, 1], strides = [1, 1]} : vector<64x8xf32> to vector<1x1xf32>
    %get3A_330 = arith.constant 0 : index
    %get3A_331 = arith.constant 0 : index
    %get3A_332 = arith.constant 0 : index
    %get3A_333 = vector.load %arg35[%get3A_330, %get3A_331, %get3A_332] : memref<1x64x96xf32, #tpu.memory_space<vmem>>, vector<1x64x96xf32>
    %get3A_334 = vector.shape_cast %get3A_333 : vector<1x64x96xf32> to vector<64x96xf32>
    %mul3A_335 = vector.broadcast %slice3A_329 : vector<1x1xf32> to vector<64x96xf32>
    %mul3A_336 = arith.mulf %mul3A_335, %get3A_334 : vector<64x96xf32>
    %add3A_337 = arith.addf %add3A_328, %mul3A_336 : vector<64x96xf32>
    %slice3A_338 = vector.extract_strided_slice %div3A_21 {offsets = [11, 0], sizes = [1, 1], strides = [1, 1]} : vector<64x8xf32> to vector<1x1xf32>
    %get3A_339 = arith.constant 0 : index
    %get3A_340 = arith.constant 0 : index
    %get3A_341 = arith.constant 0 : index
    %get3A_342 = vector.load %arg36[%get3A_339, %get3A_340, %get3A_341] : memref<1x64x96xf32, #tpu.memory_space<vmem>>, vector<1x64x96xf32>
    %get3A_343 = vector.shape_cast %get3A_342 : vector<1x64x96xf32> to vector<64x96xf32>
    %mul3A_344 = vector.broadcast %slice3A_338 : vector<1x1xf32> to vector<64x96xf32>
    %mul3A_345 = arith.mulf %mul3A_344, %get3A_343 : vector<64x96xf32>
    %add3A_346 = arith.constant 0.000000e+00 : f32
    %add3A_347 = vector.broadcast %add3A_346 : f32 to vector<64x96xf32>
    %add3A_348 = arith.addf %add3A_347, %mul3A_345 : vector<64x96xf32>
    %slice3A_349 = vector.extract_strided_slice %div3A_21 {offsets = [11, 1], sizes = [1, 1], strides = [1, 1]} : vector<64x8xf32> to vector<1x1xf32>
    %get3A_350 = arith.constant 0 : index
    %get3A_351 = arith.constant 0 : index
    %get3A_352 = arith.constant 0 : index
    %get3A_353 = vector.load %arg37[%get3A_350, %get3A_351, %get3A_352] : memref<1x64x96xf32, #tpu.memory_space<vmem>>, vector<1x64x96xf32>
    %get3A_354 = vector.shape_cast %get3A_353 : vector<1x64x96xf32> to vector<64x96xf32>
    %mul3A_355 = vector.broadcast %slice3A_349 : vector<1x1xf32> to vector<64x96xf32>
    %mul3A_356 = arith.mulf %mul3A_355, %get3A_354 : vector<64x96xf32>
    %add3A_357 = arith.addf %add3A_348, %mul3A_356 : vector<64x96xf32>
    %slice3A_358 = vector.extract_strided_slice %div3A_21 {offsets = [11, 2], sizes = [1, 1], strides = [1, 1]} : vector<64x8xf32> to vector<1x1xf32>
    %get3A_359 = arith.constant 0 : index
    %get3A_360 = arith.constant 0 : index
    %get3A_361 = arith.constant 0 : index
    %get3A_362 = vector.load %arg38[%get3A_359, %get3A_360, %get3A_361] : memref<1x64x96xf32, #tpu.memory_space<vmem>>, vector<1x64x96xf32>
    %get3A_363 = vector.shape_cast %get3A_362 : vector<1x64x96xf32> to vector<64x96xf32>
    %mul3A_364 = vector.broadcast %slice3A_358 : vector<1x1xf32> to vector<64x96xf32>
    %mul3A_365 = arith.mulf %mul3A_364, %get3A_363 : vector<64x96xf32>
    %add3A_366 = arith.addf %add3A_357, %mul3A_365 : vector<64x96xf32>
    %slice3A_367 = vector.extract_strided_slice %div3A_21 {offsets = [12, 0], sizes = [1, 1], strides = [1, 1]} : vector<64x8xf32> to vector<1x1xf32>
    %get3A_368 = arith.constant 0 : index
    %get3A_369 = arith.constant 0 : index
    %get3A_370 = arith.constant 0 : index
    %get3A_371 = vector.load %arg39[%get3A_368, %get3A_369, %get3A_370] : memref<1x64x96xf32, #tpu.memory_space<vmem>>, vector<1x64x96xf32>
    %get3A_372 = vector.shape_cast %get3A_371 : vector<1x64x96xf32> to vector<64x96xf32>
    %mul3A_373 = vector.broadcast %slice3A_367 : vector<1x1xf32> to vector<64x96xf32>
    %mul3A_374 = arith.mulf %mul3A_373, %get3A_372 : vector<64x96xf32>
    %add3A_375 = arith.constant 0.000000e+00 : f32
    %add3A_376 = vector.broadcast %add3A_375 : f32 to vector<64x96xf32>
    %add3A_377 = arith.addf %add3A_376, %mul3A_374 : vector<64x96xf32>
    %slice3A_378 = vector.extract_strided_slice %div3A_21 {offsets = [12, 1], sizes = [1, 1], strides = [1, 1]} : vector<64x8xf32> to vector<1x1xf32>
    %get3A_379 = arith.constant 0 : index
    %get3A_380 = arith.constant 0 : index
    %get3A_381 = arith.constant 0 : index
    %get3A_382 = vector.load %arg40[%get3A_379, %get3A_380, %get3A_381] : memref<1x64x96xf32, #tpu.memory_space<vmem>>, vector<1x64x96xf32>
    %get3A_383 = vector.shape_cast %get3A_382 : vector<1x64x96xf32> to vector<64x96xf32>
    %mul3A_384 = vector.broadcast %slice3A_378 : vector<1x1xf32> to vector<64x96xf32>
    %mul3A_385 = arith.mulf %mul3A_384, %get3A_383 : vector<64x96xf32>
    %add3A_386 = arith.addf %add3A_377, %mul3A_385 : vector<64x96xf32>
    %slice3A_387 = vector.extract_strided_slice %div3A_21 {offsets = [12, 2], sizes = [1, 1], strides = [1, 1]} : vector<64x8xf32> to vector<1x1xf32>
    %get3A_388 = arith.constant 0 : index
    %get3A_389 = arith.constant 0 : index
    %get3A_390 = arith.constant 0 : index
    %get3A_391 = vector.load %arg41[%get3A_388, %get3A_389, %get3A_390] : memref<1x64x96xf32, #tpu.memory_space<vmem>>, vector<1x64x96xf32>
    %get3A_392 = vector.shape_cast %get3A_391 : vector<1x64x96xf32> to vector<64x96xf32>
    %mul3A_393 = vector.broadcast %slice3A_387 : vector<1x1xf32> to vector<64x96xf32>
    %mul3A_394 = arith.mulf %mul3A_393, %get3A_392 : vector<64x96xf32>
    %add3A_395 = arith.addf %add3A_386, %mul3A_394 : vector<64x96xf32>
    %slice3A_396 = vector.extract_strided_slice %div3A_21 {offsets = [13, 0], sizes = [1, 1], strides = [1, 1]} : vector<64x8xf32> to vector<1x1xf32>
    %get3A_397 = arith.constant 0 : index
    %get3A_398 = arith.constant 0 : index
    %get3A_399 = arith.constant 0 : index
    %get3A_400 = vector.load %arg42[%get3A_397, %get3A_398, %get3A_399] : memref<1x64x96xf32, #tpu.memory_space<vmem>>, vector<1x64x96xf32>
    %get3A_401 = vector.shape_cast %get3A_400 : vector<1x64x96xf32> to vector<64x96xf32>
    %mul3A_402 = vector.broadcast %slice3A_396 : vector<1x1xf32> to vector<64x96xf32>
    %mul3A_403 = arith.mulf %mul3A_402, %get3A_401 : vector<64x96xf32>
    %add3A_404 = arith.constant 0.000000e+00 : f32
    %add3A_405 = vector.broadcast %add3A_404 : f32 to vector<64x96xf32>
    %add3A_406 = arith.addf %add3A_405, %mul3A_403 : vector<64x96xf32>
    %slice3A_407 = vector.extract_strided_slice %div3A_21 {offsets = [13, 1], sizes = [1, 1], strides = [1, 1]} : vector<64x8xf32> to vector<1x1xf32>
    %get3A_408 = arith.constant 0 : index
    %get3A_409 = arith.constant 0 : index
    %get3A_410 = arith.constant 0 : index
    %get3A_411 = vector.load %arg43[%get3A_408, %get3A_409, %get3A_410] : memref<1x64x96xf32, #tpu.memory_space<vmem>>, vector<1x64x96xf32>
    %get3A_412 = vector.shape_cast %get3A_411 : vector<1x64x96xf32> to vector<64x96xf32>
    %mul3A_413 = vector.broadcast %slice3A_407 : vector<1x1xf32> to vector<64x96xf32>
    %mul3A_414 = arith.mulf %mul3A_413, %get3A_412 : vector<64x96xf32>
    %add3A_415 = arith.addf %add3A_406, %mul3A_414 : vector<64x96xf32>
    %slice3A_416 = vector.extract_strided_slice %div3A_21 {offsets = [13, 2], sizes = [1, 1], strides = [1, 1]} : vector<64x8xf32> to vector<1x1xf32>
    %get3A_417 = arith.constant 0 : index
    %get3A_418 = arith.constant 0 : index
    %get3A_419 = arith.constant 0 : index
    %get3A_420 = vector.load %arg44[%get3A_417, %get3A_418, %get3A_419] : memref<1x64x96xf32, #tpu.memory_space<vmem>>, vector<1x64x96xf32>
    %get3A_421 = vector.shape_cast %get3A_420 : vector<1x64x96xf32> to vector<64x96xf32>
    %mul3A_422 = vector.broadcast %slice3A_416 : vector<1x1xf32> to vector<64x96xf32>
    %mul3A_423 = arith.mulf %mul3A_422, %get3A_421 : vector<64x96xf32>
    %add3A_424 = arith.addf %add3A_415, %mul3A_423 : vector<64x96xf32>
    %slice3A_425 = vector.extract_strided_slice %div3A_21 {offsets = [14, 0], sizes = [1, 1], strides = [1, 1]} : vector<64x8xf32> to vector<1x1xf32>
    %get3A_426 = arith.constant 0 : index
    %get3A_427 = arith.constant 0 : index
    %get3A_428 = arith.constant 0 : index
    %get3A_429 = vector.load %arg45[%get3A_426, %get3A_427, %get3A_428] : memref<1x64x96xf32, #tpu.memory_space<vmem>>, vector<1x64x96xf32>
    %get3A_430 = vector.shape_cast %get3A_429 : vector<1x64x96xf32> to vector<64x96xf32>
    %mul3A_431 = vector.broadcast %slice3A_425 : vector<1x1xf32> to vector<64x96xf32>
    %mul3A_432 = arith.mulf %mul3A_431, %get3A_430 : vector<64x96xf32>
    %add3A_433 = arith.constant 0.000000e+00 : f32
    %add3A_434 = vector.broadcast %add3A_433 : f32 to vector<64x96xf32>
    %add3A_435 = arith.addf %add3A_434, %mul3A_432 : vector<64x96xf32>
    %slice3A_436 = vector.extract_strided_slice %div3A_21 {offsets = [14, 1], sizes = [1, 1], strides = [1, 1]} : vector<64x8xf32> to vector<1x1xf32>
    %get3A_437 = arith.constant 0 : index
    %get3A_438 = arith.constant 0 : index
    %get3A_439 = arith.constant 0 : index
    %get3A_440 = vector.load %arg46[%get3A_437, %get3A_438, %get3A_439] : memref<1x64x96xf32, #tpu.memory_space<vmem>>, vector<1x64x96xf32>
    %get3A_441 = vector.shape_cast %get3A_440 : vector<1x64x96xf32> to vector<64x96xf32>
    %mul3A_442 = vector.broadcast %slice3A_436 : vector<1x1xf32> to vector<64x96xf32>
    %mul3A_443 = arith.mulf %mul3A_442, %get3A_441 : vector<64x96xf32>
    %add3A_444 = arith.addf %add3A_435, %mul3A_443 : vector<64x96xf32>
    %slice3A_445 = vector.extract_strided_slice %div3A_21 {offsets = [14, 2], sizes = [1, 1], strides = [1, 1]} : vector<64x8xf32> to vector<1x1xf32>
    %get3A_446 = arith.constant 0 : index
    %get3A_447 = arith.constant 0 : index
    %get3A_448 = arith.constant 0 : index
    %get3A_449 = vector.load %arg47[%get3A_446, %get3A_447, %get3A_448] : memref<1x64x96xf32, #tpu.memory_space<vmem>>, vector<1x64x96xf32>
    %get3A_450 = vector.shape_cast %get3A_449 : vector<1x64x96xf32> to vector<64x96xf32>
    %mul3A_451 = vector.broadcast %slice3A_445 : vector<1x1xf32> to vector<64x96xf32>
    %mul3A_452 = arith.mulf %mul3A_451, %get3A_450 : vector<64x96xf32>
    %add3A_453 = arith.addf %add3A_444, %mul3A_452 : vector<64x96xf32>
    %slice3A_454 = vector.extract_strided_slice %div3A_21 {offsets = [15, 0], sizes = [1, 1], strides = [1, 1]} : vector<64x8xf32> to vector<1x1xf32>
    %get3A_455 = arith.constant 0 : index
    %get3A_456 = arith.constant 0 : index
    %get3A_457 = arith.constant 0 : index
    %get3A_458 = vector.load %arg48[%get3A_455, %get3A_456, %get3A_457] : memref<1x64x96xf32, #tpu.memory_space<vmem>>, vector<1x64x96xf32>
    %get3A_459 = vector.shape_cast %get3A_458 : vector<1x64x96xf32> to vector<64x96xf32>
    %mul3A_460 = vector.broadcast %slice3A_454 : vector<1x1xf32> to vector<64x96xf32>
    %mul3A_461 = arith.mulf %mul3A_460, %get3A_459 : vector<64x96xf32>
    %add3A_462 = arith.constant 0.000000e+00 : f32
    %add3A_463 = vector.broadcast %add3A_462 : f32 to vector<64x96xf32>
    %add3A_464 = arith.addf %add3A_463, %mul3A_461 : vector<64x96xf32>
    %slice3A_465 = vector.extract_strided_slice %div3A_21 {offsets = [15, 1], sizes = [1, 1], strides = [1, 1]} : vector<64x8xf32> to vector<1x1xf32>
    %get3A_466 = arith.constant 0 : index
    %get3A_467 = arith.constant 0 : index
    %get3A_468 = arith.constant 0 : index
    %get3A_469 = vector.load %arg49[%get3A_466, %get3A_467, %get3A_468] : memref<1x64x96xf32, #tpu.memory_space<vmem>>, vector<1x64x96xf32>
    %get3A_470 = vector.shape_cast %get3A_469 : vector<1x64x96xf32> to vector<64x96xf32>
    %mul3A_471 = vector.broadcast %slice3A_465 : vector<1x1xf32> to vector<64x96xf32>
    %mul3A_472 = arith.mulf %mul3A_471, %get3A_470 : vector<64x96xf32>
    %add3A_473 = arith.addf %add3A_464, %mul3A_472 : vector<64x96xf32>
    %slice3A_474 = vector.extract_strided_slice %div3A_21 {offsets = [15, 2], sizes = [1, 1], strides = [1, 1]} : vector<64x8xf32> to vector<1x1xf32>
    %get3A_475 = arith.constant 0 : index
    %get3A_476 = arith.constant 0 : index
    %get3A_477 = arith.constant 0 : index
    %get3A_478 = vector.load %arg50[%get3A_475, %get3A_476, %get3A_477] : memref<1x64x96xf32, #tpu.memory_space<vmem>>, vector<1x64x96xf32>
    %get3A_479 = vector.shape_cast %get3A_478 : vector<1x64x96xf32> to vector<64x96xf32>
    %mul3A_480 = vector.broadcast %slice3A_474 : vector<1x1xf32> to vector<64x96xf32>
    %mul3A_481 = arith.mulf %mul3A_480, %get3A_479 : vector<64x96xf32>
    %add3A_482 = arith.addf %add3A_473, %mul3A_481 : vector<64x96xf32>
    %slice3A_483 = vector.extract_strided_slice %div3A_21 {offsets = [16, 0], sizes = [1, 1], strides = [1, 1]} : vector<64x8xf32> to vector<1x1xf32>
    %get3A_484 = arith.constant 0 : index
    %get3A_485 = arith.constant 0 : index
    %get3A_486 = arith.constant 0 : index
    %get3A_487 = vector.load %arg51[%get3A_484, %get3A_485, %get3A_486] : memref<1x64x96xf32, #tpu.memory_space<vmem>>, vector<1x64x96xf32>
    %get3A_488 = vector.shape_cast %get3A_487 : vector<1x64x96xf32> to vector<64x96xf32>
    %mul3A_489 = vector.broadcast %slice3A_483 : vector<1x1xf32> to vector<64x96xf32>
    %mul3A_490 = arith.mulf %mul3A_489, %get3A_488 : vector<64x96xf32>
    %add3A_491 = arith.constant 0.000000e+00 : f32
    %add3A_492 = vector.broadcast %add3A_491 : f32 to vector<64x96xf32>
    %add3A_493 = arith.addf %add3A_492, %mul3A_490 : vector<64x96xf32>
    %slice3A_494 = vector.extract_strided_slice %div3A_21 {offsets = [16, 1], sizes = [1, 1], strides = [1, 1]} : vector<64x8xf32> to vector<1x1xf32>
    %get3A_495 = arith.constant 0 : index
    %get3A_496 = arith.constant 0 : index
    %get3A_497 = arith.constant 0 : index
    %get3A_498 = vector.load %arg52[%get3A_495, %get3A_496, %get3A_497] : memref<1x64x96xf32, #tpu.memory_space<vmem>>, vector<1x64x96xf32>
    %get3A_499 = vector.shape_cast %get3A_498 : vector<1x64x96xf32> to vector<64x96xf32>
    %mul3A_500 = vector.broadcast %slice3A_494 : vector<1x1xf32> to vector<64x96xf32>
    %mul3A_501 = arith.mulf %mul3A_500, %get3A_499 : vector<64x96xf32>
    %add3A_502 = arith.addf %add3A_493, %mul3A_501 : vector<64x96xf32>
    %slice3A_503 = vector.extract_strided_slice %div3A_21 {offsets = [16, 2], sizes = [1, 1], strides = [1, 1]} : vector<64x8xf32> to vector<1x1xf32>
    %get3A_504 = arith.constant 0 : index
    %get3A_505 = arith.constant 0 : index
    %get3A_506 = arith.constant 0 : index
    %get3A_507 = vector.load %arg53[%get3A_504, %get3A_505, %get3A_506] : memref<1x64x96xf32, #tpu.memory_space<vmem>>, vector<1x64x96xf32>
    %get3A_508 = vector.shape_cast %get3A_507 : vector<1x64x96xf32> to vector<64x96xf32>
    %mul3A_509 = vector.broadcast %slice3A_503 : vector<1x1xf32> to vector<64x96xf32>
    %mul3A_510 = arith.mulf %mul3A_509, %get3A_508 : vector<64x96xf32>
    %add3A_511 = arith.addf %add3A_502, %mul3A_510 : vector<64x96xf32>
    %slice3A_512 = vector.extract_strided_slice %div3A_21 {offsets = [17, 0], sizes = [1, 1], strides = [1, 1]} : vector<64x8xf32> to vector<1x1xf32>
    %get3A_513 = arith.constant 0 : index
    %get3A_514 = arith.constant 0 : index
    %get3A_515 = arith.constant 0 : index
    %get3A_516 = vector.load %arg54[%get3A_513, %get3A_514, %get3A_515] : memref<1x64x96xf32, #tpu.memory_space<vmem>>, vector<1x64x96xf32>
    %get3A_517 = vector.shape_cast %get3A_516 : vector<1x64x96xf32> to vector<64x96xf32>
    %mul3A_518 = vector.broadcast %slice3A_512 : vector<1x1xf32> to vector<64x96xf32>
    %mul3A_519 = arith.mulf %mul3A_518, %get3A_517 : vector<64x96xf32>
    %add3A_520 = arith.constant 0.000000e+00 : f32
    %add3A_521 = vector.broadcast %add3A_520 : f32 to vector<64x96xf32>
    %add3A_522 = arith.addf %add3A_521, %mul3A_519 : vector<64x96xf32>
    %slice3A_523 = vector.extract_strided_slice %div3A_21 {offsets = [17, 1], sizes = [1, 1], strides = [1, 1]} : vector<64x8xf32> to vector<1x1xf32>
    %get3A_524 = arith.constant 0 : index
    %get3A_525 = arith.constant 0 : index
    %get3A_526 = arith.constant 0 : index
    %get3A_527 = vector.load %arg55[%get3A_524, %get3A_525, %get3A_526] : memref<1x64x96xf32, #tpu.memory_space<vmem>>, vector<1x64x96xf32>
    %get3A_528 = vector.shape_cast %get3A_527 : vector<1x64x96xf32> to vector<64x96xf32>
    %mul3A_529 = vector.broadcast %slice3A_523 : vector<1x1xf32> to vector<64x96xf32>
    %mul3A_530 = arith.mulf %mul3A_529, %get3A_528 : vector<64x96xf32>
    %add3A_531 = arith.addf %add3A_522, %mul3A_530 : vector<64x96xf32>
    %slice3A_532 = vector.extract_strided_slice %div3A_21 {offsets = [17, 2], sizes = [1, 1], strides = [1, 1]} : vector<64x8xf32> to vector<1x1xf32>
    %get3A_533 = arith.constant 0 : index
    %get3A_534 = arith.constant 0 : index
    %get3A_535 = arith.constant 0 : index
    %get3A_536 = vector.load %arg56[%get3A_533, %get3A_534, %get3A_535] : memref<1x64x96xf32, #tpu.memory_space<vmem>>, vector<1x64x96xf32>
    %get3A_537 = vector.shape_cast %get3A_536 : vector<1x64x96xf32> to vector<64x96xf32>
    %mul3A_538 = vector.broadcast %slice3A_532 : vector<1x1xf32> to vector<64x96xf32>
    %mul3A_539 = arith.mulf %mul3A_538, %get3A_537 : vector<64x96xf32>
    %add3A_540 = arith.addf %add3A_531, %mul3A_539 : vector<64x96xf32>
    %slice3A_541 = vector.extract_strided_slice %div3A_21 {offsets = [18, 0], sizes = [1, 1], strides = [1, 1]} : vector<64x8xf32> to vector<1x1xf32>
    %get3A_542 = arith.constant 0 : index
    %get3A_543 = arith.constant 0 : index
    %get3A_544 = arith.constant 0 : index
    %get3A_545 = vector.load %arg57[%get3A_542, %get3A_543, %get3A_544] : memref<1x64x96xf32, #tpu.memory_space<vmem>>, vector<1x64x96xf32>
    %get3A_546 = vector.shape_cast %get3A_545 : vector<1x64x96xf32> to vector<64x96xf32>
    %mul3A_547 = vector.broadcast %slice3A_541 : vector<1x1xf32> to vector<64x96xf32>
    %mul3A_548 = arith.mulf %mul3A_547, %get3A_546 : vector<64x96xf32>
    %add3A_549 = arith.constant 0.000000e+00 : f32
    %add3A_550 = vector.broadcast %add3A_549 : f32 to vector<64x96xf32>
    %add3A_551 = arith.addf %add3A_550, %mul3A_548 : vector<64x96xf32>
    %slice3A_552 = vector.extract_strided_slice %div3A_21 {offsets = [18, 1], sizes = [1, 1], strides = [1, 1]} : vector<64x8xf32> to vector<1x1xf32>
    %get3A_553 = arith.constant 0 : index
    %get3A_554 = arith.constant 0 : index
    %get3A_555 = arith.constant 0 : index
    %get3A_556 = vector.load %arg58[%get3A_553, %get3A_554, %get3A_555] : memref<1x64x96xf32, #tpu.memory_space<vmem>>, vector<1x64x96xf32>
    %get3A_557 = vector.shape_cast %get3A_556 : vector<1x64x96xf32> to vector<64x96xf32>
    %mul3A_558 = vector.broadcast %slice3A_552 : vector<1x1xf32> to vector<64x96xf32>
    %mul3A_559 = arith.mulf %mul3A_558, %get3A_557 : vector<64x96xf32>
    %add3A_560 = arith.addf %add3A_551, %mul3A_559 : vector<64x96xf32>
    %slice3A_561 = vector.extract_strided_slice %div3A_21 {offsets = [18, 2], sizes = [1, 1], strides = [1, 1]} : vector<64x8xf32> to vector<1x1xf32>
    %get3A_562 = arith.constant 0 : index
    %get3A_563 = arith.constant 0 : index
    %get3A_564 = arith.constant 0 : index
    %get3A_565 = vector.load %arg59[%get3A_562, %get3A_563, %get3A_564] : memref<1x64x96xf32, #tpu.memory_space<vmem>>, vector<1x64x96xf32>
    %get3A_566 = vector.shape_cast %get3A_565 : vector<1x64x96xf32> to vector<64x96xf32>
    %mul3A_567 = vector.broadcast %slice3A_561 : vector<1x1xf32> to vector<64x96xf32>
    %mul3A_568 = arith.mulf %mul3A_567, %get3A_566 : vector<64x96xf32>
    %add3A_569 = arith.addf %add3A_560, %mul3A_568 : vector<64x96xf32>
    %slice3A_570 = vector.extract_strided_slice %div3A_21 {offsets = [19, 0], sizes = [1, 1], strides = [1, 1]} : vector<64x8xf32> to vector<1x1xf32>
    %get3A_571 = arith.constant 0 : index
    %get3A_572 = arith.constant 0 : index
    %get3A_573 = arith.constant 0 : index
    %get3A_574 = vector.load %arg60[%get3A_571, %get3A_572, %get3A_573] : memref<1x64x96xf32, #tpu.memory_space<vmem>>, vector<1x64x96xf32>
    %get3A_575 = vector.shape_cast %get3A_574 : vector<1x64x96xf32> to vector<64x96xf32>
    %mul3A_576 = vector.broadcast %slice3A_570 : vector<1x1xf32> to vector<64x96xf32>
    %mul3A_577 = arith.mulf %mul3A_576, %get3A_575 : vector<64x96xf32>
    %add3A_578 = arith.constant 0.000000e+00 : f32
    %add3A_579 = vector.broadcast %add3A_578 : f32 to vector<64x96xf32>
    %add3A_580 = arith.addf %add3A_579, %mul3A_577 : vector<64x96xf32>
    %slice3A_581 = vector.extract_strided_slice %div3A_21 {offsets = [19, 1], sizes = [1, 1], strides = [1, 1]} : vector<64x8xf32> to vector<1x1xf32>
    %get3A_582 = arith.constant 0 : index
    %get3A_583 = arith.constant 0 : index
    %get3A_584 = arith.constant 0 : index
    %get3A_585 = vector.load %arg61[%get3A_582, %get3A_583, %get3A_584] : memref<1x64x96xf32, #tpu.memory_space<vmem>>, vector<1x64x96xf32>
    %get3A_586 = vector.shape_cast %get3A_585 : vector<1x64x96xf32> to vector<64x96xf32>
    %mul3A_587 = vector.broadcast %slice3A_581 : vector<1x1xf32> to vector<64x96xf32>
    %mul3A_588 = arith.mulf %mul3A_587, %get3A_586 : vector<64x96xf32>
    %add3A_589 = arith.addf %add3A_580, %mul3A_588 : vector<64x96xf32>
    %slice3A_590 = vector.extract_strided_slice %div3A_21 {offsets = [19, 2], sizes = [1, 1], strides = [1, 1]} : vector<64x8xf32> to vector<1x1xf32>
    %get3A_591 = arith.constant 0 : index
    %get3A_592 = arith.constant 0 : index
    %get3A_593 = arith.constant 0 : index
    %get3A_594 = vector.load %arg62[%get3A_591, %get3A_592, %get3A_593] : memref<1x64x96xf32, #tpu.memory_space<vmem>>, vector<1x64x96xf32>
    %get3A_595 = vector.shape_cast %get3A_594 : vector<1x64x96xf32> to vector<64x96xf32>
    %mul3A_596 = vector.broadcast %slice3A_590 : vector<1x1xf32> to vector<64x96xf32>
    %mul3A_597 = arith.mulf %mul3A_596, %get3A_595 : vector<64x96xf32>
    %add3A_598 = arith.addf %add3A_589, %mul3A_597 : vector<64x96xf32>
    %slice3A_599 = vector.extract_strided_slice %div3A_21 {offsets = [20, 0], sizes = [1, 1], strides = [1, 1]} : vector<64x8xf32> to vector<1x1xf32>
    %get3A_600 = arith.constant 0 : index
    %get3A_601 = arith.constant 0 : index
    %get3A_602 = arith.constant 0 : index
    %get3A_603 = vector.load %arg63[%get3A_600, %get3A_601, %get3A_602] : memref<1x64x96xf32, #tpu.memory_space<vmem>>, vector<1x64x96xf32>
    %get3A_604 = vector.shape_cast %get3A_603 : vector<1x64x96xf32> to vector<64x96xf32>
    %mul3A_605 = vector.broadcast %slice3A_599 : vector<1x1xf32> to vector<64x96xf32>
    %mul3A_606 = arith.mulf %mul3A_605, %get3A_604 : vector<64x96xf32>
    %add3A_607 = arith.constant 0.000000e+00 : f32
    %add3A_608 = vector.broadcast %add3A_607 : f32 to vector<64x96xf32>
    %add3A_609 = arith.addf %add3A_608, %mul3A_606 : vector<64x96xf32>
    %slice3A_610 = vector.extract_strided_slice %div3A_21 {offsets = [20, 1], sizes = [1, 1], strides = [1, 1]} : vector<64x8xf32> to vector<1x1xf32>
    %get3A_611 = arith.constant 0 : index
    %get3A_612 = arith.constant 0 : index
    %get3A_613 = arith.constant 0 : index
    %get3A_614 = vector.load %arg64[%get3A_611, %get3A_612, %get3A_613] : memref<1x64x96xf32, #tpu.memory_space<vmem>>, vector<1x64x96xf32>
    %get3A_615 = vector.shape_cast %get3A_614 : vector<1x64x96xf32> to vector<64x96xf32>
    %mul3A_616 = vector.broadcast %slice3A_610 : vector<1x1xf32> to vector<64x96xf32>
    %mul3A_617 = arith.mulf %mul3A_616, %get3A_615 : vector<64x96xf32>
    %add3A_618 = arith.addf %add3A_609, %mul3A_617 : vector<64x96xf32>
    %slice3A_619 = vector.extract_strided_slice %div3A_21 {offsets = [20, 2], sizes = [1, 1], strides = [1, 1]} : vector<64x8xf32> to vector<1x1xf32>
    %get3A_620 = arith.constant 0 : index
    %get3A_621 = arith.constant 0 : index
    %get3A_622 = arith.constant 0 : index
    %get3A_623 = vector.load %arg65[%get3A_620, %get3A_621, %get3A_622] : memref<1x64x96xf32, #tpu.memory_space<vmem>>, vector<1x64x96xf32>
    %get3A_624 = vector.shape_cast %get3A_623 : vector<1x64x96xf32> to vector<64x96xf32>
    %mul3A_625 = vector.broadcast %slice3A_619 : vector<1x1xf32> to vector<64x96xf32>
    %mul3A_626 = arith.mulf %mul3A_625, %get3A_624 : vector<64x96xf32>
    %add3A_627 = arith.addf %add3A_618, %mul3A_626 : vector<64x96xf32>
    %slice3A_628 = vector.extract_strided_slice %div3A_21 {offsets = [21, 0], sizes = [1, 1], strides = [1, 1]} : vector<64x8xf32> to vector<1x1xf32>
    %get3A_629 = arith.constant 0 : index
    %get3A_630 = arith.constant 0 : index
    %get3A_631 = arith.constant 0 : index
    %get3A_632 = vector.load %arg66[%get3A_629, %get3A_630, %get3A_631] : memref<1x64x96xf32, #tpu.memory_space<vmem>>, vector<1x64x96xf32>
    %get3A_633 = vector.shape_cast %get3A_632 : vector<1x64x96xf32> to vector<64x96xf32>
    %mul3A_634 = vector.broadcast %slice3A_628 : vector<1x1xf32> to vector<64x96xf32>
    %mul3A_635 = arith.mulf %mul3A_634, %get3A_633 : vector<64x96xf32>
    %add3A_636 = arith.constant 0.000000e+00 : f32
    %add3A_637 = vector.broadcast %add3A_636 : f32 to vector<64x96xf32>
    %add3A_638 = arith.addf %add3A_637, %mul3A_635 : vector<64x96xf32>
    %slice3A_639 = vector.extract_strided_slice %div3A_21 {offsets = [21, 1], sizes = [1, 1], strides = [1, 1]} : vector<64x8xf32> to vector<1x1xf32>
    %get3A_640 = arith.constant 0 : index
    %get3A_641 = arith.constant 0 : index
    %get3A_642 = arith.constant 0 : index
    %get3A_643 = vector.load %arg67[%get3A_640, %get3A_641, %get3A_642] : memref<1x64x96xf32, #tpu.memory_space<vmem>>, vector<1x64x96xf32>
    %get3A_644 = vector.shape_cast %get3A_643 : vector<1x64x96xf32> to vector<64x96xf32>
    %mul3A_645 = vector.broadcast %slice3A_639 : vector<1x1xf32> to vector<64x96xf32>
    %mul3A_646 = arith.mulf %mul3A_645, %get3A_644 : vector<64x96xf32>
    %add3A_647 = arith.addf %add3A_638, %mul3A_646 : vector<64x96xf32>
    %slice3A_648 = vector.extract_strided_slice %div3A_21 {offsets = [21, 2], sizes = [1, 1], strides = [1, 1]} : vector<64x8xf32> to vector<1x1xf32>
    %get3A_649 = arith.constant 0 : index
    %get3A_650 = arith.constant 0 : index
    %get3A_651 = arith.constant 0 : index
    %get3A_652 = vector.load %arg68[%get3A_649, %get3A_650, %get3A_651] : memref<1x64x96xf32, #tpu.memory_space<vmem>>, vector<1x64x96xf32>
    %get3A_653 = vector.shape_cast %get3A_652 : vector<1x64x96xf32> to vector<64x96xf32>
    %mul3A_654 = vector.broadcast %slice3A_648 : vector<1x1xf32> to vector<64x96xf32>
    %mul3A_655 = arith.mulf %mul3A_654, %get3A_653 : vector<64x96xf32>
    %add3A_656 = arith.addf %add3A_647, %mul3A_655 : vector<64x96xf32>
    %slice3A_657 = vector.extract_strided_slice %div3A_21 {offsets = [22, 0], sizes = [1, 1], strides = [1, 1]} : vector<64x8xf32> to vector<1x1xf32>
    %get3A_658 = arith.constant 0 : index
    %get3A_659 = arith.constant 0 : index
    %get3A_660 = arith.constant 0 : index
    %get3A_661 = vector.load %arg69[%get3A_658, %get3A_659, %get3A_660] : memref<1x64x96xf32, #tpu.memory_space<vmem>>, vector<1x64x96xf32>
    %get3A_662 = vector.shape_cast %get3A_661 : vector<1x64x96xf32> to vector<64x96xf32>
    %mul3A_663 = vector.broadcast %slice3A_657 : vector<1x1xf32> to vector<64x96xf32>
    %mul3A_664 = arith.mulf %mul3A_663, %get3A_662 : vector<64x96xf32>
    %add3A_665 = arith.constant 0.000000e+00 : f32
    %add3A_666 = vector.broadcast %add3A_665 : f32 to vector<64x96xf32>
    %add3A_667 = arith.addf %add3A_666, %mul3A_664 : vector<64x96xf32>
    %slice3A_668 = vector.extract_strided_slice %div3A_21 {offsets = [22, 1], sizes = [1, 1], strides = [1, 1]} : vector<64x8xf32> to vector<1x1xf32>
    %get3A_669 = arith.constant 0 : index
    %get3A_670 = arith.constant 0 : index
    %get3A_671 = arith.constant 0 : index
    %get3A_672 = vector.load %arg70[%get3A_669, %get3A_670, %get3A_671] : memref<1x64x96xf32, #tpu.memory_space<vmem>>, vector<1x64x96xf32>
    %get3A_673 = vector.shape_cast %get3A_672 : vector<1x64x96xf32> to vector<64x96xf32>
    %mul3A_674 = vector.broadcast %slice3A_668 : vector<1x1xf32> to vector<64x96xf32>
    %mul3A_675 = arith.mulf %mul3A_674, %get3A_673 : vector<64x96xf32>
    %add3A_676 = arith.addf %add3A_667, %mul3A_675 : vector<64x96xf32>
    %slice3A_677 = vector.extract_strided_slice %div3A_21 {offsets = [22, 2], sizes = [1, 1], strides = [1, 1]} : vector<64x8xf32> to vector<1x1xf32>
    %get3A_678 = arith.constant 0 : index
    %get3A_679 = arith.constant 0 : index
    %get3A_680 = arith.constant 0 : index
    %get3A_681 = vector.load %arg71[%get3A_678, %get3A_679, %get3A_680] : memref<1x64x96xf32, #tpu.memory_space<vmem>>, vector<1x64x96xf32>
    %get3A_682 = vector.shape_cast %get3A_681 : vector<1x64x96xf32> to vector<64x96xf32>
    %mul3A_683 = vector.broadcast %slice3A_677 : vector<1x1xf32> to vector<64x96xf32>
    %mul3A_684 = arith.mulf %mul3A_683, %get3A_682 : vector<64x96xf32>
    %add3A_685 = arith.addf %add3A_676, %mul3A_684 : vector<64x96xf32>
    %slice3A_686 = vector.extract_strided_slice %div3A_21 {offsets = [23, 0], sizes = [1, 1], strides = [1, 1]} : vector<64x8xf32> to vector<1x1xf32>
    %get3A_687 = arith.constant 0 : index
    %get3A_688 = arith.constant 0 : index
    %get3A_689 = arith.constant 0 : index
    %get3A_690 = vector.load %arg72[%get3A_687, %get3A_688, %get3A_689] : memref<1x64x96xf32, #tpu.memory_space<vmem>>, vector<1x64x96xf32>
    %get3A_691 = vector.shape_cast %get3A_690 : vector<1x64x96xf32> to vector<64x96xf32>
    %mul3A_692 = vector.broadcast %slice3A_686 : vector<1x1xf32> to vector<64x96xf32>
    %mul3A_693 = arith.mulf %mul3A_692, %get3A_691 : vector<64x96xf32>
    %add3A_694 = arith.constant 0.000000e+00 : f32
    %add3A_695 = vector.broadcast %add3A_694 : f32 to vector<64x96xf32>
    %add3A_696 = arith.addf %add3A_695, %mul3A_693 : vector<64x96xf32>
    %slice3A_697 = vector.extract_strided_slice %div3A_21 {offsets = [23, 1], sizes = [1, 1], strides = [1, 1]} : vector<64x8xf32> to vector<1x1xf32>
    %get3A_698 = arith.constant 0 : index
    %get3A_699 = arith.constant 0 : index
    %get3A_700 = arith.constant 0 : index
    %get3A_701 = vector.load %arg73[%get3A_698, %get3A_699, %get3A_700] : memref<1x64x96xf32, #tpu.memory_space<vmem>>, vector<1x64x96xf32>
    %get3A_702 = vector.shape_cast %get3A_701 : vector<1x64x96xf32> to vector<64x96xf32>
    %mul3A_703 = vector.broadcast %slice3A_697 : vector<1x1xf32> to vector<64x96xf32>
    %mul3A_704 = arith.mulf %mul3A_703, %get3A_702 : vector<64x96xf32>
    %add3A_705 = arith.addf %add3A_696, %mul3A_704 : vector<64x96xf32>
    %slice3A_706 = vector.extract_strided_slice %div3A_21 {offsets = [23, 2], sizes = [1, 1], strides = [1, 1]} : vector<64x8xf32> to vector<1x1xf32>
    %get3A_707 = arith.constant 0 : index
    %get3A_708 = arith.constant 0 : index
    %get3A_709 = arith.constant 0 : index
    %get3A_710 = vector.load %arg74[%get3A_707, %get3A_708, %get3A_709] : memref<1x64x96xf32, #tpu.memory_space<vmem>>, vector<1x64x96xf32>
    %get3A_711 = vector.shape_cast %get3A_710 : vector<1x64x96xf32> to vector<64x96xf32>
    %mul3A_712 = vector.broadcast %slice3A_706 : vector<1x1xf32> to vector<64x96xf32>
    %mul3A_713 = arith.mulf %mul3A_712, %get3A_711 : vector<64x96xf32>
    %add3A_714 = arith.addf %add3A_705, %mul3A_713 : vector<64x96xf32>
    %slice3A_715 = vector.extract_strided_slice %div3A_21 {offsets = [24, 0], sizes = [1, 1], strides = [1, 1]} : vector<64x8xf32> to vector<1x1xf32>
    %get3A_716 = arith.constant 0 : index
    %get3A_717 = arith.constant 0 : index
    %get3A_718 = arith.constant 0 : index
    %get3A_719 = vector.load %arg75[%get3A_716, %get3A_717, %get3A_718] : memref<1x64x96xf32, #tpu.memory_space<vmem>>, vector<1x64x96xf32>
    %get3A_720 = vector.shape_cast %get3A_719 : vector<1x64x96xf32> to vector<64x96xf32>
    %mul3A_721 = vector.broadcast %slice3A_715 : vector<1x1xf32> to vector<64x96xf32>
    %mul3A_722 = arith.mulf %mul3A_721, %get3A_720 : vector<64x96xf32>
    %add3A_723 = arith.constant 0.000000e+00 : f32
    %add3A_724 = vector.broadcast %add3A_723 : f32 to vector<64x96xf32>
    %add3A_725 = arith.addf %add3A_724, %mul3A_722 : vector<64x96xf32>
    %slice3A_726 = vector.extract_strided_slice %div3A_21 {offsets = [24, 1], sizes = [1, 1], strides = [1, 1]} : vector<64x8xf32> to vector<1x1xf32>
    %get3A_727 = arith.constant 0 : index
    %get3A_728 = arith.constant 0 : index
    %get3A_729 = arith.constant 0 : index
    %get3A_730 = vector.load %arg76[%get3A_727, %get3A_728, %get3A_729] : memref<1x64x96xf32, #tpu.memory_space<vmem>>, vector<1x64x96xf32>
    %get3A_731 = vector.shape_cast %get3A_730 : vector<1x64x96xf32> to vector<64x96xf32>
    %mul3A_732 = vector.broadcast %slice3A_726 : vector<1x1xf32> to vector<64x96xf32>
    %mul3A_733 = arith.mulf %mul3A_732, %get3A_731 : vector<64x96xf32>
    %add3A_734 = arith.addf %add3A_725, %mul3A_733 : vector<64x96xf32>
    %slice3A_735 = vector.extract_strided_slice %div3A_21 {offsets = [24, 2], sizes = [1, 1], strides = [1, 1]} : vector<64x8xf32> to vector<1x1xf32>
    %get3A_736 = arith.constant 0 : index
    %get3A_737 = arith.constant 0 : index
    %get3A_738 = arith.constant 0 : index
    %get3A_739 = vector.load %arg77[%get3A_736, %get3A_737, %get3A_738] : memref<1x64x96xf32, #tpu.memory_space<vmem>>, vector<1x64x96xf32>
    %get3A_740 = vector.shape_cast %get3A_739 : vector<1x64x96xf32> to vector<64x96xf32>
    %mul3A_741 = vector.broadcast %slice3A_735 : vector<1x1xf32> to vector<64x96xf32>
    %mul3A_742 = arith.mulf %mul3A_741, %get3A_740 : vector<64x96xf32>
    %add3A_743 = arith.addf %add3A_734, %mul3A_742 : vector<64x96xf32>
    %slice3A_744 = vector.extract_strided_slice %div3A_21 {offsets = [25, 0], sizes = [1, 1], strides = [1, 1]} : vector<64x8xf32> to vector<1x1xf32>
    %get3A_745 = arith.constant 0 : index
    %get3A_746 = arith.constant 0 : index
    %get3A_747 = arith.constant 0 : index
    %get3A_748 = vector.load %arg78[%get3A_745, %get3A_746, %get3A_747] : memref<1x64x96xf32, #tpu.memory_space<vmem>>, vector<1x64x96xf32>
    %get3A_749 = vector.shape_cast %get3A_748 : vector<1x64x96xf32> to vector<64x96xf32>
    %mul3A_750 = vector.broadcast %slice3A_744 : vector<1x1xf32> to vector<64x96xf32>
    %mul3A_751 = arith.mulf %mul3A_750, %get3A_749 : vector<64x96xf32>
    %add3A_752 = arith.constant 0.000000e+00 : f32
    %add3A_753 = vector.broadcast %add3A_752 : f32 to vector<64x96xf32>
    %add3A_754 = arith.addf %add3A_753, %mul3A_751 : vector<64x96xf32>
    %slice3A_755 = vector.extract_strided_slice %div3A_21 {offsets = [25, 1], sizes = [1, 1], strides = [1, 1]} : vector<64x8xf32> to vector<1x1xf32>
    %get3A_756 = arith.constant 0 : index
    %get3A_757 = arith.constant 0 : index
    %get3A_758 = arith.constant 0 : index
    %get3A_759 = vector.load %arg79[%get3A_756, %get3A_757, %get3A_758] : memref<1x64x96xf32, #tpu.memory_space<vmem>>, vector<1x64x96xf32>
    %get3A_760 = vector.shape_cast %get3A_759 : vector<1x64x96xf32> to vector<64x96xf32>
    %mul3A_761 = vector.broadcast %slice3A_755 : vector<1x1xf32> to vector<64x96xf32>
    %mul3A_762 = arith.mulf %mul3A_761, %get3A_760 : vector<64x96xf32>
    %add3A_763 = arith.addf %add3A_754, %mul3A_762 : vector<64x96xf32>
    %slice3A_764 = vector.extract_strided_slice %div3A_21 {offsets = [25, 2], sizes = [1, 1], strides = [1, 1]} : vector<64x8xf32> to vector<1x1xf32>
    %get3A_765 = arith.constant 0 : index
    %get3A_766 = arith.constant 0 : index
    %get3A_767 = arith.constant 0 : index
    %get3A_768 = vector.load %arg80[%get3A_765, %get3A_766, %get3A_767] : memref<1x64x96xf32, #tpu.memory_space<vmem>>, vector<1x64x96xf32>
    %get3A_769 = vector.shape_cast %get3A_768 : vector<1x64x96xf32> to vector<64x96xf32>
    %mul3A_770 = vector.broadcast %slice3A_764 : vector<1x1xf32> to vector<64x96xf32>
    %mul3A_771 = arith.mulf %mul3A_770, %get3A_769 : vector<64x96xf32>
    %add3A_772 = arith.addf %add3A_763, %mul3A_771 : vector<64x96xf32>
    %slice3A_773 = vector.extract_strided_slice %div3A_21 {offsets = [26, 0], sizes = [1, 1], strides = [1, 1]} : vector<64x8xf32> to vector<1x1xf32>
    %get3A_774 = arith.constant 0 : index
    %get3A_775 = arith.constant 0 : index
    %get3A_776 = arith.constant 0 : index
    %get3A_777 = vector.load %arg81[%get3A_774, %get3A_775, %get3A_776] : memref<1x64x96xf32, #tpu.memory_space<vmem>>, vector<1x64x96xf32>
    %get3A_778 = vector.shape_cast %get3A_777 : vector<1x64x96xf32> to vector<64x96xf32>
    %mul3A_779 = vector.broadcast %slice3A_773 : vector<1x1xf32> to vector<64x96xf32>
    %mul3A_780 = arith.mulf %mul3A_779, %get3A_778 : vector<64x96xf32>
    %add3A_781 = arith.constant 0.000000e+00 : f32
    %add3A_782 = vector.broadcast %add3A_781 : f32 to vector<64x96xf32>
    %add3A_783 = arith.addf %add3A_782, %mul3A_780 : vector<64x96xf32>
    %slice3A_784 = vector.extract_strided_slice %div3A_21 {offsets = [26, 1], sizes = [1, 1], strides = [1, 1]} : vector<64x8xf32> to vector<1x1xf32>
    %get3A_785 = arith.constant 0 : index
    %get3A_786 = arith.constant 0 : index
    %get3A_787 = arith.constant 0 : index
    %get3A_788 = vector.load %arg82[%get3A_785, %get3A_786, %get3A_787] : memref<1x64x96xf32, #tpu.memory_space<vmem>>, vector<1x64x96xf32>
    %get3A_789 = vector.shape_cast %get3A_788 : vector<1x64x96xf32> to vector<64x96xf32>
    %mul3A_790 = vector.broadcast %slice3A_784 : vector<1x1xf32> to vector<64x96xf32>
    %mul3A_791 = arith.mulf %mul3A_790, %get3A_789 : vector<64x96xf32>
    %add3A_792 = arith.addf %add3A_783, %mul3A_791 : vector<64x96xf32>
    %slice3A_793 = vector.extract_strided_slice %div3A_21 {offsets = [26, 2], sizes = [1, 1], strides = [1, 1]} : vector<64x8xf32> to vector<1x1xf32>
    %get3A_794 = arith.constant 0 : index
    %get3A_795 = arith.constant 0 : index
    %get3A_796 = arith.constant 0 : index
    %get3A_797 = vector.load %arg83[%get3A_794, %get3A_795, %get3A_796] : memref<1x64x96xf32, #tpu.memory_space<vmem>>, vector<1x64x96xf32>
    %get3A_798 = vector.shape_cast %get3A_797 : vector<1x64x96xf32> to vector<64x96xf32>
    %mul3A_799 = vector.broadcast %slice3A_793 : vector<1x1xf32> to vector<64x96xf32>
    %mul3A_800 = arith.mulf %mul3A_799, %get3A_798 : vector<64x96xf32>
    %add3A_801 = arith.addf %add3A_792, %mul3A_800 : vector<64x96xf32>
    %slice3A_802 = vector.extract_strided_slice %div3A_21 {offsets = [27, 0], sizes = [1, 1], strides = [1, 1]} : vector<64x8xf32> to vector<1x1xf32>
    %get3A_803 = arith.constant 0 : index
    %get3A_804 = arith.constant 0 : index
    %get3A_805 = arith.constant 0 : index
    %get3A_806 = vector.load %arg84[%get3A_803, %get3A_804, %get3A_805] : memref<1x64x96xf32, #tpu.memory_space<vmem>>, vector<1x64x96xf32>
    %get3A_807 = vector.shape_cast %get3A_806 : vector<1x64x96xf32> to vector<64x96xf32>
    %mul3A_808 = vector.broadcast %slice3A_802 : vector<1x1xf32> to vector<64x96xf32>
    %mul3A_809 = arith.mulf %mul3A_808, %get3A_807 : vector<64x96xf32>
    %add3A_810 = arith.constant 0.000000e+00 : f32
    %add3A_811 = vector.broadcast %add3A_810 : f32 to vector<64x96xf32>
    %add3A_812 = arith.addf %add3A_811, %mul3A_809 : vector<64x96xf32>
    %slice3A_813 = vector.extract_strided_slice %div3A_21 {offsets = [27, 1], sizes = [1, 1], strides = [1, 1]} : vector<64x8xf32> to vector<1x1xf32>
    %get3A_814 = arith.constant 0 : index
    %get3A_815 = arith.constant 0 : index
    %get3A_816 = arith.constant 0 : index
    %get3A_817 = vector.load %arg85[%get3A_814, %get3A_815, %get3A_816] : memref<1x64x96xf32, #tpu.memory_space<vmem>>, vector<1x64x96xf32>
    %get3A_818 = vector.shape_cast %get3A_817 : vector<1x64x96xf32> to vector<64x96xf32>
    %mul3A_819 = vector.broadcast %slice3A_813 : vector<1x1xf32> to vector<64x96xf32>
    %mul3A_820 = arith.mulf %mul3A_819, %get3A_818 : vector<64x96xf32>
    %add3A_821 = arith.addf %add3A_812, %mul3A_820 : vector<64x96xf32>
    %slice3A_822 = vector.extract_strided_slice %div3A_21 {offsets = [27, 2], sizes = [1, 1], strides = [1, 1]} : vector<64x8xf32> to vector<1x1xf32>
    %get3A_823 = arith.constant 0 : index
    %get3A_824 = arith.constant 0 : index
    %get3A_825 = arith.constant 0 : index
    %get3A_826 = vector.load %arg86[%get3A_823, %get3A_824, %get3A_825] : memref<1x64x96xf32, #tpu.memory_space<vmem>>, vector<1x64x96xf32>
    %get3A_827 = vector.shape_cast %get3A_826 : vector<1x64x96xf32> to vector<64x96xf32>
    %mul3A_828 = vector.broadcast %slice3A_822 : vector<1x1xf32> to vector<64x96xf32>
    %mul3A_829 = arith.mulf %mul3A_828, %get3A_827 : vector<64x96xf32>
    %add3A_830 = arith.addf %add3A_821, %mul3A_829 : vector<64x96xf32>
    %slice3A_831 = vector.extract_strided_slice %div3A_21 {offsets = [28, 0], sizes = [1, 1], strides = [1, 1]} : vector<64x8xf32> to vector<1x1xf32>
    %get3A_832 = arith.constant 0 : index
    %get3A_833 = arith.constant 0 : index
    %get3A_834 = arith.constant 0 : index
    %get3A_835 = vector.load %arg87[%get3A_832, %get3A_833, %get3A_834] : memref<1x64x96xf32, #tpu.memory_space<vmem>>, vector<1x64x96xf32>
    %get3A_836 = vector.shape_cast %get3A_835 : vector<1x64x96xf32> to vector<64x96xf32>
    %mul3A_837 = vector.broadcast %slice3A_831 : vector<1x1xf32> to vector<64x96xf32>
    %mul3A_838 = arith.mulf %mul3A_837, %get3A_836 : vector<64x96xf32>
    %add3A_839 = arith.constant 0.000000e+00 : f32
    %add3A_840 = vector.broadcast %add3A_839 : f32 to vector<64x96xf32>
    %add3A_841 = arith.addf %add3A_840, %mul3A_838 : vector<64x96xf32>
    %slice3A_842 = vector.extract_strided_slice %div3A_21 {offsets = [28, 1], sizes = [1, 1], strides = [1, 1]} : vector<64x8xf32> to vector<1x1xf32>
    %get3A_843 = arith.constant 0 : index
    %get3A_844 = arith.constant 0 : index
    %get3A_845 = arith.constant 0 : index
    %get3A_846 = vector.load %arg88[%get3A_843, %get3A_844, %get3A_845] : memref<1x64x96xf32, #tpu.memory_space<vmem>>, vector<1x64x96xf32>
    %get3A_847 = vector.shape_cast %get3A_846 : vector<1x64x96xf32> to vector<64x96xf32>
    %mul3A_848 = vector.broadcast %slice3A_842 : vector<1x1xf32> to vector<64x96xf32>
    %mul3A_849 = arith.mulf %mul3A_848, %get3A_847 : vector<64x96xf32>
    %add3A_850 = arith.addf %add3A_841, %mul3A_849 : vector<64x96xf32>
    %slice3A_851 = vector.extract_strided_slice %div3A_21 {offsets = [28, 2], sizes = [1, 1], strides = [1, 1]} : vector<64x8xf32> to vector<1x1xf32>
    %get3A_852 = arith.constant 0 : index
    %get3A_853 = arith.constant 0 : index
    %get3A_854 = arith.constant 0 : index
    %get3A_855 = vector.load %arg89[%get3A_852, %get3A_853, %get3A_854] : memref<1x64x96xf32, #tpu.memory_space<vmem>>, vector<1x64x96xf32>
    %get3A_856 = vector.shape_cast %get3A_855 : vector<1x64x96xf32> to vector<64x96xf32>
    %mul3A_857 = vector.broadcast %slice3A_851 : vector<1x1xf32> to vector<64x96xf32>
    %mul3A_858 = arith.mulf %mul3A_857, %get3A_856 : vector<64x96xf32>
    %add3A_859 = arith.addf %add3A_850, %mul3A_858 : vector<64x96xf32>
    %slice3A_860 = vector.extract_strided_slice %div3A_21 {offsets = [29, 0], sizes = [1, 1], strides = [1, 1]} : vector<64x8xf32> to vector<1x1xf32>
    %get3A_861 = arith.constant 0 : index
    %get3A_862 = arith.constant 0 : index
    %get3A_863 = arith.constant 0 : index
    %get3A_864 = vector.load %arg90[%get3A_861, %get3A_862, %get3A_863] : memref<1x64x96xf32, #tpu.memory_space<vmem>>, vector<1x64x96xf32>
    %get3A_865 = vector.shape_cast %get3A_864 : vector<1x64x96xf32> to vector<64x96xf32>
    %mul3A_866 = vector.broadcast %slice3A_860 : vector<1x1xf32> to vector<64x96xf32>
    %mul3A_867 = arith.mulf %mul3A_866, %get3A_865 : vector<64x96xf32>
    %add3A_868 = arith.constant 0.000000e+00 : f32
    %add3A_869 = vector.broadcast %add3A_868 : f32 to vector<64x96xf32>
    %add3A_870 = arith.addf %add3A_869, %mul3A_867 : vector<64x96xf32>
    %slice3A_871 = vector.extract_strided_slice %div3A_21 {offsets = [29, 1], sizes = [1, 1], strides = [1, 1]} : vector<64x8xf32> to vector<1x1xf32>
    %get3A_872 = arith.constant 0 : index
    %get3A_873 = arith.constant 0 : index
    %get3A_874 = arith.constant 0 : index
    %get3A_875 = vector.load %arg91[%get3A_872, %get3A_873, %get3A_874] : memref<1x64x96xf32, #tpu.memory_space<vmem>>, vector<1x64x96xf32>
    %get3A_876 = vector.shape_cast %get3A_875 : vector<1x64x96xf32> to vector<64x96xf32>
    %mul3A_877 = vector.broadcast %slice3A_871 : vector<1x1xf32> to vector<64x96xf32>
    %mul3A_878 = arith.mulf %mul3A_877, %get3A_876 : vector<64x96xf32>
    %add3A_879 = arith.addf %add3A_870, %mul3A_878 : vector<64x96xf32>
    %slice3A_880 = vector.extract_strided_slice %div3A_21 {offsets = [29, 2], sizes = [1, 1], strides = [1, 1]} : vector<64x8xf32> to vector<1x1xf32>
    %get3A_881 = arith.constant 0 : index
    %get3A_882 = arith.constant 0 : index
    %get3A_883 = arith.constant 0 : index
    %get3A_884 = vector.load %arg92[%get3A_881, %get3A_882, %get3A_883] : memref<1x64x96xf32, #tpu.memory_space<vmem>>, vector<1x64x96xf32>
    %get3A_885 = vector.shape_cast %get3A_884 : vector<1x64x96xf32> to vector<64x96xf32>
    %mul3A_886 = vector.broadcast %slice3A_880 : vector<1x1xf32> to vector<64x96xf32>
    %mul3A_887 = arith.mulf %mul3A_886, %get3A_885 : vector<64x96xf32>
    %add3A_888 = arith.addf %add3A_879, %mul3A_887 : vector<64x96xf32>
    %slice3A_889 = vector.extract_strided_slice %div3A_21 {offsets = [30, 0], sizes = [1, 1], strides = [1, 1]} : vector<64x8xf32> to vector<1x1xf32>
    %get3A_890 = arith.constant 0 : index
    %get3A_891 = arith.constant 0 : index
    %get3A_892 = arith.constant 0 : index
    %get3A_893 = vector.load %arg93[%get3A_890, %get3A_891, %get3A_892] : memref<1x64x96xf32, #tpu.memory_space<vmem>>, vector<1x64x96xf32>
    %get3A_894 = vector.shape_cast %get3A_893 : vector<1x64x96xf32> to vector<64x96xf32>
    %mul3A_895 = vector.broadcast %slice3A_889 : vector<1x1xf32> to vector<64x96xf32>
    %mul3A_896 = arith.mulf %mul3A_895, %get3A_894 : vector<64x96xf32>
    %add3A_897 = arith.constant 0.000000e+00 : f32
    %add3A_898 = vector.broadcast %add3A_897 : f32 to vector<64x96xf32>
    %add3A_899 = arith.addf %add3A_898, %mul3A_896 : vector<64x96xf32>
    %slice3A_900 = vector.extract_strided_slice %div3A_21 {offsets = [30, 1], sizes = [1, 1], strides = [1, 1]} : vector<64x8xf32> to vector<1x1xf32>
    %get3A_901 = arith.constant 0 : index
    %get3A_902 = arith.constant 0 : index
    %get3A_903 = arith.constant 0 : index
    %get3A_904 = vector.load %arg94[%get3A_901, %get3A_902, %get3A_903] : memref<1x64x96xf32, #tpu.memory_space<vmem>>, vector<1x64x96xf32>
    %get3A_905 = vector.shape_cast %get3A_904 : vector<1x64x96xf32> to vector<64x96xf32>
    %mul3A_906 = vector.broadcast %slice3A_900 : vector<1x1xf32> to vector<64x96xf32>
    %mul3A_907 = arith.mulf %mul3A_906, %get3A_905 : vector<64x96xf32>
    %add3A_908 = arith.addf %add3A_899, %mul3A_907 : vector<64x96xf32>
    %slice3A_909 = vector.extract_strided_slice %div3A_21 {offsets = [30, 2], sizes = [1, 1], strides = [1, 1]} : vector<64x8xf32> to vector<1x1xf32>
    %get3A_910 = arith.constant 0 : index
    %get3A_911 = arith.constant 0 : index
    %get3A_912 = arith.constant 0 : index
    %get3A_913 = vector.load %arg95[%get3A_910, %get3A_911, %get3A_912] : memref<1x64x96xf32, #tpu.memory_space<vmem>>, vector<1x64x96xf32>
    %get3A_914 = vector.shape_cast %get3A_913 : vector<1x64x96xf32> to vector<64x96xf32>
    %mul3A_915 = vector.broadcast %slice3A_909 : vector<1x1xf32> to vector<64x96xf32>
    %mul3A_916 = arith.mulf %mul3A_915, %get3A_914 : vector<64x96xf32>
    %add3A_917 = arith.addf %add3A_908, %mul3A_916 : vector<64x96xf32>
    %slice3A_918 = vector.extract_strided_slice %div3A_21 {offsets = [31, 0], sizes = [1, 1], strides = [1, 1]} : vector<64x8xf32> to vector<1x1xf32>
    %get3A_919 = arith.constant 0 : index
    %get3A_920 = arith.constant 0 : index
    %get3A_921 = arith.constant 0 : index
    %get3A_922 = vector.load %arg96[%get3A_919, %get3A_920, %get3A_921] : memref<1x64x96xf32, #tpu.memory_space<vmem>>, vector<1x64x96xf32>
    %get3A_923 = vector.shape_cast %get3A_922 : vector<1x64x96xf32> to vector<64x96xf32>
    %mul3A_924 = vector.broadcast %slice3A_918 : vector<1x1xf32> to vector<64x96xf32>
    %mul3A_925 = arith.mulf %mul3A_924, %get3A_923 : vector<64x96xf32>
    %add3A_926 = arith.constant 0.000000e+00 : f32
    %add3A_927 = vector.broadcast %add3A_926 : f32 to vector<64x96xf32>
    %add3A_928 = arith.addf %add3A_927, %mul3A_925 : vector<64x96xf32>
    %slice3A_929 = vector.extract_strided_slice %div3A_21 {offsets = [31, 1], sizes = [1, 1], strides = [1, 1]} : vector<64x8xf32> to vector<1x1xf32>
    %get3A_930 = arith.constant 0 : index
    %get3A_931 = arith.constant 0 : index
    %get3A_932 = arith.constant 0 : index
    %get3A_933 = vector.load %arg97[%get3A_930, %get3A_931, %get3A_932] : memref<1x64x96xf32, #tpu.memory_space<vmem>>, vector<1x64x96xf32>
    %get3A_934 = vector.shape_cast %get3A_933 : vector<1x64x96xf32> to vector<64x96xf32>
    %mul3A_935 = vector.broadcast %slice3A_929 : vector<1x1xf32> to vector<64x96xf32>
    %mul3A_936 = arith.mulf %mul3A_935, %get3A_934 : vector<64x96xf32>
    %add3A_937 = arith.addf %add3A_928, %mul3A_936 : vector<64x96xf32>
    %slice3A_938 = vector.extract_strided_slice %div3A_21 {offsets = [31, 2], sizes = [1, 1], strides = [1, 1]} : vector<64x8xf32> to vector<1x1xf32>
    %get3A_939 = arith.constant 0 : index
    %get3A_940 = arith.constant 0 : index
    %get3A_941 = arith.constant 0 : index
    %get3A_942 = vector.load %arg98[%get3A_939, %get3A_940, %get3A_941] : memref<1x64x96xf32, #tpu.memory_space<vmem>>, vector<1x64x96xf32>
    %get3A_943 = vector.shape_cast %get3A_942 : vector<1x64x96xf32> to vector<64x96xf32>
    %mul3A_944 = vector.broadcast %slice3A_938 : vector<1x1xf32> to vector<64x96xf32>
    %mul3A_945 = arith.mulf %mul3A_944, %get3A_943 : vector<64x96xf32>
    %add3A_946 = arith.addf %add3A_937, %mul3A_945 : vector<64x96xf32>
    %slice3A_947 = vector.extract_strided_slice %div3A_21 {offsets = [32, 0], sizes = [1, 1], strides = [1, 1]} : vector<64x8xf32> to vector<1x1xf32>
    %get3A_948 = arith.constant 0 : index
    %get3A_949 = arith.constant 0 : index
    %get3A_950 = arith.constant 0 : index
    %get3A_951 = vector.load %arg99[%get3A_948, %get3A_949, %get3A_950] : memref<1x64x96xf32, #tpu.memory_space<vmem>>, vector<1x64x96xf32>
    %get3A_952 = vector.shape_cast %get3A_951 : vector<1x64x96xf32> to vector<64x96xf32>
    %mul3A_953 = vector.broadcast %slice3A_947 : vector<1x1xf32> to vector<64x96xf32>
    %mul3A_954 = arith.mulf %mul3A_953, %get3A_952 : vector<64x96xf32>
    %add3A_955 = arith.constant 0.000000e+00 : f32
    %add3A_956 = vector.broadcast %add3A_955 : f32 to vector<64x96xf32>
    %add3A_957 = arith.addf %add3A_956, %mul3A_954 : vector<64x96xf32>
    %slice3A_958 = vector.extract_strided_slice %div3A_21 {offsets = [32, 1], sizes = [1, 1], strides = [1, 1]} : vector<64x8xf32> to vector<1x1xf32>
    %get3A_959 = arith.constant 0 : index
    %get3A_960 = arith.constant 0 : index
    %get3A_961 = arith.constant 0 : index
    %get3A_962 = vector.load %arg100[%get3A_959, %get3A_960, %get3A_961] : memref<1x64x96xf32, #tpu.memory_space<vmem>>, vector<1x64x96xf32>
    %get3A_963 = vector.shape_cast %get3A_962 : vector<1x64x96xf32> to vector<64x96xf32>
    %mul3A_964 = vector.broadcast %slice3A_958 : vector<1x1xf32> to vector<64x96xf32>
    %mul3A_965 = arith.mulf %mul3A_964, %get3A_963 : vector<64x96xf32>
    %add3A_966 = arith.addf %add3A_957, %mul3A_965 : vector<64x96xf32>
    %slice3A_967 = vector.extract_strided_slice %div3A_21 {offsets = [32, 2], sizes = [1, 1], strides = [1, 1]} : vector<64x8xf32> to vector<1x1xf32>
    %get3A_968 = arith.constant 0 : index
    %get3A_969 = arith.constant 0 : index
    %get3A_970 = arith.constant 0 : index
    %get3A_971 = vector.load %arg101[%get3A_968, %get3A_969, %get3A_970] : memref<1x64x96xf32, #tpu.memory_space<vmem>>, vector<1x64x96xf32>
    %get3A_972 = vector.shape_cast %get3A_971 : vector<1x64x96xf32> to vector<64x96xf32>
    %mul3A_973 = vector.broadcast %slice3A_967 : vector<1x1xf32> to vector<64x96xf32>
    %mul3A_974 = arith.mulf %mul3A_973, %get3A_972 : vector<64x96xf32>
    %add3A_975 = arith.addf %add3A_966, %mul3A_974 : vector<64x96xf32>
    %slice3A_976 = vector.extract_strided_slice %div3A_21 {offsets = [33, 0], sizes = [1, 1], strides = [1, 1]} : vector<64x8xf32> to vector<1x1xf32>
    %get3A_977 = arith.constant 0 : index
    %get3A_978 = arith.constant 0 : index
    %get3A_979 = arith.constant 0 : index
    %get3A_980 = vector.load %arg102[%get3A_977, %get3A_978, %get3A_979] : memref<1x64x96xf32, #tpu.memory_space<vmem>>, vector<1x64x96xf32>
    %get3A_981 = vector.shape_cast %get3A_980 : vector<1x64x96xf32> to vector<64x96xf32>
    %mul3A_982 = vector.broadcast %slice3A_976 : vector<1x1xf32> to vector<64x96xf32>
    %mul3A_983 = arith.mulf %mul3A_982, %get3A_981 : vector<64x96xf32>
    %add3A_984 = arith.constant 0.000000e+00 : f32
    %add3A_985 = vector.broadcast %add3A_984 : f32 to vector<64x96xf32>
    %add3A_986 = arith.addf %add3A_985, %mul3A_983 : vector<64x96xf32>
    %slice3A_987 = vector.extract_strided_slice %div3A_21 {offsets = [33, 1], sizes = [1, 1], strides = [1, 1]} : vector<64x8xf32> to vector<1x1xf32>
    %get3A_988 = arith.constant 0 : index
    %get3A_989 = arith.constant 0 : index
    %get3A_990 = arith.constant 0 : index
    %get3A_991 = vector.load %arg103[%get3A_988, %get3A_989, %get3A_990] : memref<1x64x96xf32, #tpu.memory_space<vmem>>, vector<1x64x96xf32>
    %get3A_992 = vector.shape_cast %get3A_991 : vector<1x64x96xf32> to vector<64x96xf32>
    %mul3A_993 = vector.broadcast %slice3A_987 : vector<1x1xf32> to vector<64x96xf32>
    %mul3A_994 = arith.mulf %mul3A_993, %get3A_992 : vector<64x96xf32>
    %add3A_995 = arith.addf %add3A_986, %mul3A_994 : vector<64x96xf32>
    %slice3A_996 = vector.extract_strided_slice %div3A_21 {offsets = [33, 2], sizes = [1, 1], strides = [1, 1]} : vector<64x8xf32> to vector<1x1xf32>
    %get3A_997 = arith.constant 0 : index
    %get3A_998 = arith.constant 0 : index
    %get3A_999 = arith.constant 0 : index
    %get3A_1000 = vector.load %arg104[%get3A_997, %get3A_998, %get3A_999] : memref<1x64x96xf32, #tpu.memory_space<vmem>>, vector<1x64x96xf32>
    %get3A_1001 = vector.shape_cast %get3A_1000 : vector<1x64x96xf32> to vector<64x96xf32>
    %mul3A_1002 = vector.broadcast %slice3A_996 : vector<1x1xf32> to vector<64x96xf32>
    %mul3A_1003 = arith.mulf %mul3A_1002, %get3A_1001 : vector<64x96xf32>
    %add3A_1004 = arith.addf %add3A_995, %mul3A_1003 : vector<64x96xf32>
    %slice3A_1005 = vector.extract_strided_slice %div3A_21 {offsets = [34, 0], sizes = [1, 1], strides = [1, 1]} : vector<64x8xf32> to vector<1x1xf32>
    %get3A_1006 = arith.constant 0 : index
    %get3A_1007 = arith.constant 0 : index
    %get3A_1008 = arith.constant 0 : index
    %get3A_1009 = vector.load %arg105[%get3A_1006, %get3A_1007, %get3A_1008] : memref<1x64x96xf32, #tpu.memory_space<vmem>>, vector<1x64x96xf32>
    %get3A_1010 = vector.shape_cast %get3A_1009 : vector<1x64x96xf32> to vector<64x96xf32>
    %mul3A_1011 = vector.broadcast %slice3A_1005 : vector<1x1xf32> to vector<64x96xf32>
    %mul3A_1012 = arith.mulf %mul3A_1011, %get3A_1010 : vector<64x96xf32>
    %add3A_1013 = arith.constant 0.000000e+00 : f32
    %add3A_1014 = vector.broadcast %add3A_1013 : f32 to vector<64x96xf32>
    %add3A_1015 = arith.addf %add3A_1014, %mul3A_1012 : vector<64x96xf32>
    %slice3A_1016 = vector.extract_strided_slice %div3A_21 {offsets = [34, 1], sizes = [1, 1], strides = [1, 1]} : vector<64x8xf32> to vector<1x1xf32>
    %get3A_1017 = arith.constant 0 : index
    %get3A_1018 = arith.constant 0 : index
    %get3A_1019 = arith.constant 0 : index
    %get3A_1020 = vector.load %arg106[%get3A_1017, %get3A_1018, %get3A_1019] : memref<1x64x96xf32, #tpu.memory_space<vmem>>, vector<1x64x96xf32>
    %get3A_1021 = vector.shape_cast %get3A_1020 : vector<1x64x96xf32> to vector<64x96xf32>
    %mul3A_1022 = vector.broadcast %slice3A_1016 : vector<1x1xf32> to vector<64x96xf32>
    %mul3A_1023 = arith.mulf %mul3A_1022, %get3A_1021 : vector<64x96xf32>
    %add3A_1024 = arith.addf %add3A_1015, %mul3A_1023 : vector<64x96xf32>
    %slice3A_1025 = vector.extract_strided_slice %div3A_21 {offsets = [34, 2], sizes = [1, 1], strides = [1, 1]} : vector<64x8xf32> to vector<1x1xf32>
    %get3A_1026 = arith.constant 0 : index
    %get3A_1027 = arith.constant 0 : index
    %get3A_1028 = arith.constant 0 : index
    %get3A_1029 = vector.load %arg107[%get3A_1026, %get3A_1027, %get3A_1028] : memref<1x64x96xf32, #tpu.memory_space<vmem>>, vector<1x64x96xf32>
    %get3A_1030 = vector.shape_cast %get3A_1029 : vector<1x64x96xf32> to vector<64x96xf32>
    %mul3A_1031 = vector.broadcast %slice3A_1025 : vector<1x1xf32> to vector<64x96xf32>
    %mul3A_1032 = arith.mulf %mul3A_1031, %get3A_1030 : vector<64x96xf32>
    %add3A_1033 = arith.addf %add3A_1024, %mul3A_1032 : vector<64x96xf32>
    %slice3A_1034 = vector.extract_strided_slice %div3A_21 {offsets = [35, 0], sizes = [1, 1], strides = [1, 1]} : vector<64x8xf32> to vector<1x1xf32>
    %get3A_1035 = arith.constant 0 : index
    %get3A_1036 = arith.constant 0 : index
    %get3A_1037 = arith.constant 0 : index
    %get3A_1038 = vector.load %arg108[%get3A_1035, %get3A_1036, %get3A_1037] : memref<1x64x96xf32, #tpu.memory_space<vmem>>, vector<1x64x96xf32>
    %get3A_1039 = vector.shape_cast %get3A_1038 : vector<1x64x96xf32> to vector<64x96xf32>
    %mul3A_1040 = vector.broadcast %slice3A_1034 : vector<1x1xf32> to vector<64x96xf32>
    %mul3A_1041 = arith.mulf %mul3A_1040, %get3A_1039 : vector<64x96xf32>
    %add3A_1042 = arith.constant 0.000000e+00 : f32
    %add3A_1043 = vector.broadcast %add3A_1042 : f32 to vector<64x96xf32>
    %add3A_1044 = arith.addf %add3A_1043, %mul3A_1041 : vector<64x96xf32>
    %slice3A_1045 = vector.extract_strided_slice %div3A_21 {offsets = [35, 1], sizes = [1, 1], strides = [1, 1]} : vector<64x8xf32> to vector<1x1xf32>
    %get3A_1046 = arith.constant 0 : index
    %get3A_1047 = arith.constant 0 : index
    %get3A_1048 = arith.constant 0 : index
    %get3A_1049 = vector.load %arg109[%get3A_1046, %get3A_1047, %get3A_1048] : memref<1x64x96xf32, #tpu.memory_space<vmem>>, vector<1x64x96xf32>
    %get3A_1050 = vector.shape_cast %get3A_1049 : vector<1x64x96xf32> to vector<64x96xf32>
    %mul3A_1051 = vector.broadcast %slice3A_1045 : vector<1x1xf32> to vector<64x96xf32>
    %mul3A_1052 = arith.mulf %mul3A_1051, %get3A_1050 : vector<64x96xf32>
    %add3A_1053 = arith.addf %add3A_1044, %mul3A_1052 : vector<64x96xf32>
    %slice3A_1054 = vector.extract_strided_slice %div3A_21 {offsets = [35, 2], sizes = [1, 1], strides = [1, 1]} : vector<64x8xf32> to vector<1x1xf32>
    %get3A_1055 = arith.constant 0 : index
    %get3A_1056 = arith.constant 0 : index
    %get3A_1057 = arith.constant 0 : index
    %get3A_1058 = vector.load %arg110[%get3A_1055, %get3A_1056, %get3A_1057] : memref<1x64x96xf32, #tpu.memory_space<vmem>>, vector<1x64x96xf32>
    %get3A_1059 = vector.shape_cast %get3A_1058 : vector<1x64x96xf32> to vector<64x96xf32>
    %mul3A_1060 = vector.broadcast %slice3A_1054 : vector<1x1xf32> to vector<64x96xf32>
    %mul3A_1061 = arith.mulf %mul3A_1060, %get3A_1059 : vector<64x96xf32>
    %add3A_1062 = arith.addf %add3A_1053, %mul3A_1061 : vector<64x96xf32>
    %slice3A_1063 = vector.extract_strided_slice %div3A_21 {offsets = [36, 0], sizes = [1, 1], strides = [1, 1]} : vector<64x8xf32> to vector<1x1xf32>
    %get3A_1064 = arith.constant 0 : index
    %get3A_1065 = arith.constant 0 : index
    %get3A_1066 = arith.constant 0 : index
    %get3A_1067 = vector.load %arg111[%get3A_1064, %get3A_1065, %get3A_1066] : memref<1x64x96xf32, #tpu.memory_space<vmem>>, vector<1x64x96xf32>
    %get3A_1068 = vector.shape_cast %get3A_1067 : vector<1x64x96xf32> to vector<64x96xf32>
    %mul3A_1069 = vector.broadcast %slice3A_1063 : vector<1x1xf32> to vector<64x96xf32>
    %mul3A_1070 = arith.mulf %mul3A_1069, %get3A_1068 : vector<64x96xf32>
    %add3A_1071 = arith.constant 0.000000e+00 : f32
    %add3A_1072 = vector.broadcast %add3A_1071 : f32 to vector<64x96xf32>
    %add3A_1073 = arith.addf %add3A_1072, %mul3A_1070 : vector<64x96xf32>
    %slice3A_1074 = vector.extract_strided_slice %div3A_21 {offsets = [36, 1], sizes = [1, 1], strides = [1, 1]} : vector<64x8xf32> to vector<1x1xf32>
    %get3A_1075 = arith.constant 0 : index
    %get3A_1076 = arith.constant 0 : index
    %get3A_1077 = arith.constant 0 : index
    %get3A_1078 = vector.load %arg112[%get3A_1075, %get3A_1076, %get3A_1077] : memref<1x64x96xf32, #tpu.memory_space<vmem>>, vector<1x64x96xf32>
    %get3A_1079 = vector.shape_cast %get3A_1078 : vector<1x64x96xf32> to vector<64x96xf32>
    %mul3A_1080 = vector.broadcast %slice3A_1074 : vector<1x1xf32> to vector<64x96xf32>
    %mul3A_1081 = arith.mulf %mul3A_1080, %get3A_1079 : vector<64x96xf32>
    %add3A_1082 = arith.addf %add3A_1073, %mul3A_1081 : vector<64x96xf32>
    %slice3A_1083 = vector.extract_strided_slice %div3A_21 {offsets = [36, 2], sizes = [1, 1], strides = [1, 1]} : vector<64x8xf32> to vector<1x1xf32>
    %get3A_1084 = arith.constant 0 : index
    %get3A_1085 = arith.constant 0 : index
    %get3A_1086 = arith.constant 0 : index
    %get3A_1087 = vector.load %arg113[%get3A_1084, %get3A_1085, %get3A_1086] : memref<1x64x96xf32, #tpu.memory_space<vmem>>, vector<1x64x96xf32>
    %get3A_1088 = vector.shape_cast %get3A_1087 : vector<1x64x96xf32> to vector<64x96xf32>
    %mul3A_1089 = vector.broadcast %slice3A_1083 : vector<1x1xf32> to vector<64x96xf32>
    %mul3A_1090 = arith.mulf %mul3A_1089, %get3A_1088 : vector<64x96xf32>
    %add3A_1091 = arith.addf %add3A_1082, %mul3A_1090 : vector<64x96xf32>
    %slice3A_1092 = vector.extract_strided_slice %div3A_21 {offsets = [37, 0], sizes = [1, 1], strides = [1, 1]} : vector<64x8xf32> to vector<1x1xf32>
    %get3A_1093 = arith.constant 0 : index
    %get3A_1094 = arith.constant 0 : index
    %get3A_1095 = arith.constant 0 : index
    %get3A_1096 = vector.load %arg114[%get3A_1093, %get3A_1094, %get3A_1095] : memref<1x64x96xf32, #tpu.memory_space<vmem>>, vector<1x64x96xf32>
    %get3A_1097 = vector.shape_cast %get3A_1096 : vector<1x64x96xf32> to vector<64x96xf32>
    %mul3A_1098 = vector.broadcast %slice3A_1092 : vector<1x1xf32> to vector<64x96xf32>
    %mul3A_1099 = arith.mulf %mul3A_1098, %get3A_1097 : vector<64x96xf32>
    %add3A_1100 = arith.constant 0.000000e+00 : f32
    %add3A_1101 = vector.broadcast %add3A_1100 : f32 to vector<64x96xf32>
    %add3A_1102 = arith.addf %add3A_1101, %mul3A_1099 : vector<64x96xf32>
    %slice3A_1103 = vector.extract_strided_slice %div3A_21 {offsets = [37, 1], sizes = [1, 1], strides = [1, 1]} : vector<64x8xf32> to vector<1x1xf32>
    %get3A_1104 = arith.constant 0 : index
    %get3A_1105 = arith.constant 0 : index
    %get3A_1106 = arith.constant 0 : index
    %get3A_1107 = vector.load %arg115[%get3A_1104, %get3A_1105, %get3A_1106] : memref<1x64x96xf32, #tpu.memory_space<vmem>>, vector<1x64x96xf32>
    %get3A_1108 = vector.shape_cast %get3A_1107 : vector<1x64x96xf32> to vector<64x96xf32>
    %mul3A_1109 = vector.broadcast %slice3A_1103 : vector<1x1xf32> to vector<64x96xf32>
    %mul3A_1110 = arith.mulf %mul3A_1109, %get3A_1108 : vector<64x96xf32>
    %add3A_1111 = arith.addf %add3A_1102, %mul3A_1110 : vector<64x96xf32>
    %slice3A_1112 = vector.extract_strided_slice %div3A_21 {offsets = [37, 2], sizes = [1, 1], strides = [1, 1]} : vector<64x8xf32> to vector<1x1xf32>
    %get3A_1113 = arith.constant 0 : index
    %get3A_1114 = arith.constant 0 : index
    %get3A_1115 = arith.constant 0 : index
    %get3A_1116 = vector.load %arg116[%get3A_1113, %get3A_1114, %get3A_1115] : memref<1x64x96xf32, #tpu.memory_space<vmem>>, vector<1x64x96xf32>
    %get3A_1117 = vector.shape_cast %get3A_1116 : vector<1x64x96xf32> to vector<64x96xf32>
    %mul3A_1118 = vector.broadcast %slice3A_1112 : vector<1x1xf32> to vector<64x96xf32>
    %mul3A_1119 = arith.mulf %mul3A_1118, %get3A_1117 : vector<64x96xf32>
    %add3A_1120 = arith.addf %add3A_1111, %mul3A_1119 : vector<64x96xf32>
    %slice3A_1121 = vector.extract_strided_slice %div3A_21 {offsets = [38, 0], sizes = [1, 1], strides = [1, 1]} : vector<64x8xf32> to vector<1x1xf32>
    %get3A_1122 = arith.constant 0 : index
    %get3A_1123 = arith.constant 0 : index
    %get3A_1124 = arith.constant 0 : index
    %get3A_1125 = vector.load %arg117[%get3A_1122, %get3A_1123, %get3A_1124] : memref<1x64x96xf32, #tpu.memory_space<vmem>>, vector<1x64x96xf32>
    %get3A_1126 = vector.shape_cast %get3A_1125 : vector<1x64x96xf32> to vector<64x96xf32>
    %mul3A_1127 = vector.broadcast %slice3A_1121 : vector<1x1xf32> to vector<64x96xf32>
    %mul3A_1128 = arith.mulf %mul3A_1127, %get3A_1126 : vector<64x96xf32>
    %add3A_1129 = arith.constant 0.000000e+00 : f32
    %add3A_1130 = vector.broadcast %add3A_1129 : f32 to vector<64x96xf32>
    %add3A_1131 = arith.addf %add3A_1130, %mul3A_1128 : vector<64x96xf32>
    %slice3A_1132 = vector.extract_strided_slice %div3A_21 {offsets = [38, 1], sizes = [1, 1], strides = [1, 1]} : vector<64x8xf32> to vector<1x1xf32>
    %get3A_1133 = arith.constant 0 : index
    %get3A_1134 = arith.constant 0 : index
    %get3A_1135 = arith.constant 0 : index
    %get3A_1136 = vector.load %arg118[%get3A_1133, %get3A_1134, %get3A_1135] : memref<1x64x96xf32, #tpu.memory_space<vmem>>, vector<1x64x96xf32>
    %get3A_1137 = vector.shape_cast %get3A_1136 : vector<1x64x96xf32> to vector<64x96xf32>
    %mul3A_1138 = vector.broadcast %slice3A_1132 : vector<1x1xf32> to vector<64x96xf32>
    %mul3A_1139 = arith.mulf %mul3A_1138, %get3A_1137 : vector<64x96xf32>
    %add3A_1140 = arith.addf %add3A_1131, %mul3A_1139 : vector<64x96xf32>
    %slice3A_1141 = vector.extract_strided_slice %div3A_21 {offsets = [38, 2], sizes = [1, 1], strides = [1, 1]} : vector<64x8xf32> to vector<1x1xf32>
    %get3A_1142 = arith.constant 0 : index
    %get3A_1143 = arith.constant 0 : index
    %get3A_1144 = arith.constant 0 : index
    %get3A_1145 = vector.load %arg119[%get3A_1142, %get3A_1143, %get3A_1144] : memref<1x64x96xf32, #tpu.memory_space<vmem>>, vector<1x64x96xf32>
    %get3A_1146 = vector.shape_cast %get3A_1145 : vector<1x64x96xf32> to vector<64x96xf32>
    %mul3A_1147 = vector.broadcast %slice3A_1141 : vector<1x1xf32> to vector<64x96xf32>
    %mul3A_1148 = arith.mulf %mul3A_1147, %get3A_1146 : vector<64x96xf32>
    %add3A_1149 = arith.addf %add3A_1140, %mul3A_1148 : vector<64x96xf32>
    %slice3A_1150 = vector.extract_strided_slice %div3A_21 {offsets = [39, 0], sizes = [1, 1], strides = [1, 1]} : vector<64x8xf32> to vector<1x1xf32>
    %get3A_1151 = arith.constant 0 : index
    %get3A_1152 = arith.constant 0 : index
    %get3A_1153 = arith.constant 0 : index
    %get3A_1154 = vector.load %arg120[%get3A_1151, %get3A_1152, %get3A_1153] : memref<1x64x96xf32, #tpu.memory_space<vmem>>, vector<1x64x96xf32>
    %get3A_1155 = vector.shape_cast %get3A_1154 : vector<1x64x96xf32> to vector<64x96xf32>
    %mul3A_1156 = vector.broadcast %slice3A_1150 : vector<1x1xf32> to vector<64x96xf32>
    %mul3A_1157 = arith.mulf %mul3A_1156, %get3A_1155 : vector<64x96xf32>
    %add3A_1158 = arith.constant 0.000000e+00 : f32
    %add3A_1159 = vector.broadcast %add3A_1158 : f32 to vector<64x96xf32>
    %add3A_1160 = arith.addf %add3A_1159, %mul3A_1157 : vector<64x96xf32>
    %slice3A_1161 = vector.extract_strided_slice %div3A_21 {offsets = [39, 1], sizes = [1, 1], strides = [1, 1]} : vector<64x8xf32> to vector<1x1xf32>
    %get3A_1162 = arith.constant 0 : index
    %get3A_1163 = arith.constant 0 : index
    %get3A_1164 = arith.constant 0 : index
    %get3A_1165 = vector.load %arg121[%get3A_1162, %get3A_1163, %get3A_1164] : memref<1x64x96xf32, #tpu.memory_space<vmem>>, vector<1x64x96xf32>
    %get3A_1166 = vector.shape_cast %get3A_1165 : vector<1x64x96xf32> to vector<64x96xf32>
    %mul3A_1167 = vector.broadcast %slice3A_1161 : vector<1x1xf32> to vector<64x96xf32>
    %mul3A_1168 = arith.mulf %mul3A_1167, %get3A_1166 : vector<64x96xf32>
    %add3A_1169 = arith.addf %add3A_1160, %mul3A_1168 : vector<64x96xf32>
    %slice3A_1170 = vector.extract_strided_slice %div3A_21 {offsets = [39, 2], sizes = [1, 1], strides = [1, 1]} : vector<64x8xf32> to vector<1x1xf32>
    %get3A_1171 = arith.constant 0 : index
    %get3A_1172 = arith.constant 0 : index
    %get3A_1173 = arith.constant 0 : index
    %get3A_1174 = vector.load %arg122[%get3A_1171, %get3A_1172, %get3A_1173] : memref<1x64x96xf32, #tpu.memory_space<vmem>>, vector<1x64x96xf32>
    %get3A_1175 = vector.shape_cast %get3A_1174 : vector<1x64x96xf32> to vector<64x96xf32>
    %mul3A_1176 = vector.broadcast %slice3A_1170 : vector<1x1xf32> to vector<64x96xf32>
    %mul3A_1177 = arith.mulf %mul3A_1176, %get3A_1175 : vector<64x96xf32>
    %add3A_1178 = arith.addf %add3A_1169, %mul3A_1177 : vector<64x96xf32>
    %slice3A_1179 = vector.extract_strided_slice %div3A_21 {offsets = [40, 0], sizes = [1, 1], strides = [1, 1]} : vector<64x8xf32> to vector<1x1xf32>
    %get3A_1180 = arith.constant 0 : index
    %get3A_1181 = arith.constant 0 : index
    %get3A_1182 = arith.constant 0 : index
    %get3A_1183 = vector.load %arg123[%get3A_1180, %get3A_1181, %get3A_1182] : memref<1x64x96xf32, #tpu.memory_space<vmem>>, vector<1x64x96xf32>
    %get3A_1184 = vector.shape_cast %get3A_1183 : vector<1x64x96xf32> to vector<64x96xf32>
    %mul3A_1185 = vector.broadcast %slice3A_1179 : vector<1x1xf32> to vector<64x96xf32>
    %mul3A_1186 = arith.mulf %mul3A_1185, %get3A_1184 : vector<64x96xf32>
    %add3A_1187 = arith.constant 0.000000e+00 : f32
    %add3A_1188 = vector.broadcast %add3A_1187 : f32 to vector<64x96xf32>
    %add3A_1189 = arith.addf %add3A_1188, %mul3A_1186 : vector<64x96xf32>
    %slice3A_1190 = vector.extract_strided_slice %div3A_21 {offsets = [40, 1], sizes = [1, 1], strides = [1, 1]} : vector<64x8xf32> to vector<1x1xf32>
    %get3A_1191 = arith.constant 0 : index
    %get3A_1192 = arith.constant 0 : index
    %get3A_1193 = arith.constant 0 : index
    %get3A_1194 = vector.load %arg124[%get3A_1191, %get3A_1192, %get3A_1193] : memref<1x64x96xf32, #tpu.memory_space<vmem>>, vector<1x64x96xf32>
    %get3A_1195 = vector.shape_cast %get3A_1194 : vector<1x64x96xf32> to vector<64x96xf32>
    %mul3A_1196 = vector.broadcast %slice3A_1190 : vector<1x1xf32> to vector<64x96xf32>
    %mul3A_1197 = arith.mulf %mul3A_1196, %get3A_1195 : vector<64x96xf32>
    %add3A_1198 = arith.addf %add3A_1189, %mul3A_1197 : vector<64x96xf32>
    %slice3A_1199 = vector.extract_strided_slice %div3A_21 {offsets = [40, 2], sizes = [1, 1], strides = [1, 1]} : vector<64x8xf32> to vector<1x1xf32>
    %get3A_1200 = arith.constant 0 : index
    %get3A_1201 = arith.constant 0 : index
    %get3A_1202 = arith.constant 0 : index
    %get3A_1203 = vector.load %arg125[%get3A_1200, %get3A_1201, %get3A_1202] : memref<1x64x96xf32, #tpu.memory_space<vmem>>, vector<1x64x96xf32>
    %get3A_1204 = vector.shape_cast %get3A_1203 : vector<1x64x96xf32> to vector<64x96xf32>
    %mul3A_1205 = vector.broadcast %slice3A_1199 : vector<1x1xf32> to vector<64x96xf32>
    %mul3A_1206 = arith.mulf %mul3A_1205, %get3A_1204 : vector<64x96xf32>
    %add3A_1207 = arith.addf %add3A_1198, %mul3A_1206 : vector<64x96xf32>
    %slice3A_1208 = vector.extract_strided_slice %div3A_21 {offsets = [41, 0], sizes = [1, 1], strides = [1, 1]} : vector<64x8xf32> to vector<1x1xf32>
    %get3A_1209 = arith.constant 0 : index
    %get3A_1210 = arith.constant 0 : index
    %get3A_1211 = arith.constant 0 : index
    %get3A_1212 = vector.load %arg126[%get3A_1209, %get3A_1210, %get3A_1211] : memref<1x64x96xf32, #tpu.memory_space<vmem>>, vector<1x64x96xf32>
    %get3A_1213 = vector.shape_cast %get3A_1212 : vector<1x64x96xf32> to vector<64x96xf32>
    %mul3A_1214 = vector.broadcast %slice3A_1208 : vector<1x1xf32> to vector<64x96xf32>
    %mul3A_1215 = arith.mulf %mul3A_1214, %get3A_1213 : vector<64x96xf32>
    %add3A_1216 = arith.constant 0.000000e+00 : f32
    %add3A_1217 = vector.broadcast %add3A_1216 : f32 to vector<64x96xf32>
    %add3A_1218 = arith.addf %add3A_1217, %mul3A_1215 : vector<64x96xf32>
    %slice3A_1219 = vector.extract_strided_slice %div3A_21 {offsets = [41, 1], sizes = [1, 1], strides = [1, 1]} : vector<64x8xf32> to vector<1x1xf32>
    %get3A_1220 = arith.constant 0 : index
    %get3A_1221 = arith.constant 0 : index
    %get3A_1222 = arith.constant 0 : index
    %get3A_1223 = vector.load %arg127[%get3A_1220, %get3A_1221, %get3A_1222] : memref<1x64x96xf32, #tpu.memory_space<vmem>>, vector<1x64x96xf32>
    %get3A_1224 = vector.shape_cast %get3A_1223 : vector<1x64x96xf32> to vector<64x96xf32>
    %mul3A_1225 = vector.broadcast %slice3A_1219 : vector<1x1xf32> to vector<64x96xf32>
    %mul3A_1226 = arith.mulf %mul3A_1225, %get3A_1224 : vector<64x96xf32>
    %add3A_1227 = arith.addf %add3A_1218, %mul3A_1226 : vector<64x96xf32>
    %slice3A_1228 = vector.extract_strided_slice %div3A_21 {offsets = [41, 2], sizes = [1, 1], strides = [1, 1]} : vector<64x8xf32> to vector<1x1xf32>
    %get3A_1229 = arith.constant 0 : index
    %get3A_1230 = arith.constant 0 : index
    %get3A_1231 = arith.constant 0 : index
    %get3A_1232 = vector.load %arg128[%get3A_1229, %get3A_1230, %get3A_1231] : memref<1x64x96xf32, #tpu.memory_space<vmem>>, vector<1x64x96xf32>
    %get3A_1233 = vector.shape_cast %get3A_1232 : vector<1x64x96xf32> to vector<64x96xf32>
    %mul3A_1234 = vector.broadcast %slice3A_1228 : vector<1x1xf32> to vector<64x96xf32>
    %mul3A_1235 = arith.mulf %mul3A_1234, %get3A_1233 : vector<64x96xf32>
    %add3A_1236 = arith.addf %add3A_1227, %mul3A_1235 : vector<64x96xf32>
    %slice3A_1237 = vector.extract_strided_slice %div3A_21 {offsets = [42, 0], sizes = [1, 1], strides = [1, 1]} : vector<64x8xf32> to vector<1x1xf32>
    %get3A_1238 = arith.constant 0 : index
    %get3A_1239 = arith.constant 0 : index
    %get3A_1240 = arith.constant 0 : index
    %get3A_1241 = vector.load %arg129[%get3A_1238, %get3A_1239, %get3A_1240] : memref<1x64x96xf32, #tpu.memory_space<vmem>>, vector<1x64x96xf32>
    %get3A_1242 = vector.shape_cast %get3A_1241 : vector<1x64x96xf32> to vector<64x96xf32>
    %mul3A_1243 = vector.broadcast %slice3A_1237 : vector<1x1xf32> to vector<64x96xf32>
    %mul3A_1244 = arith.mulf %mul3A_1243, %get3A_1242 : vector<64x96xf32>
    %add3A_1245 = arith.constant 0.000000e+00 : f32
    %add3A_1246 = vector.broadcast %add3A_1245 : f32 to vector<64x96xf32>
    %add3A_1247 = arith.addf %add3A_1246, %mul3A_1244 : vector<64x96xf32>
    %slice3A_1248 = vector.extract_strided_slice %div3A_21 {offsets = [42, 1], sizes = [1, 1], strides = [1, 1]} : vector<64x8xf32> to vector<1x1xf32>
    %get3A_1249 = arith.constant 0 : index
    %get3A_1250 = arith.constant 0 : index
    %get3A_1251 = arith.constant 0 : index
    %get3A_1252 = vector.load %arg130[%get3A_1249, %get3A_1250, %get3A_1251] : memref<1x64x96xf32, #tpu.memory_space<vmem>>, vector<1x64x96xf32>
    %get3A_1253 = vector.shape_cast %get3A_1252 : vector<1x64x96xf32> to vector<64x96xf32>
    %mul3A_1254 = vector.broadcast %slice3A_1248 : vector<1x1xf32> to vector<64x96xf32>
    %mul3A_1255 = arith.mulf %mul3A_1254, %get3A_1253 : vector<64x96xf32>
    %add3A_1256 = arith.addf %add3A_1247, %mul3A_1255 : vector<64x96xf32>
    %slice3A_1257 = vector.extract_strided_slice %div3A_21 {offsets = [42, 2], sizes = [1, 1], strides = [1, 1]} : vector<64x8xf32> to vector<1x1xf32>
    %get3A_1258 = arith.constant 0 : index
    %get3A_1259 = arith.constant 0 : index
    %get3A_1260 = arith.constant 0 : index
    %get3A_1261 = vector.load %arg131[%get3A_1258, %get3A_1259, %get3A_1260] : memref<1x64x96xf32, #tpu.memory_space<vmem>>, vector<1x64x96xf32>
    %get3A_1262 = vector.shape_cast %get3A_1261 : vector<1x64x96xf32> to vector<64x96xf32>
    %mul3A_1263 = vector.broadcast %slice3A_1257 : vector<1x1xf32> to vector<64x96xf32>
    %mul3A_1264 = arith.mulf %mul3A_1263, %get3A_1262 : vector<64x96xf32>
    %add3A_1265 = arith.addf %add3A_1256, %mul3A_1264 : vector<64x96xf32>
    %slice3A_1266 = vector.extract_strided_slice %div3A_21 {offsets = [43, 0], sizes = [1, 1], strides = [1, 1]} : vector<64x8xf32> to vector<1x1xf32>
    %get3A_1267 = arith.constant 0 : index
    %get3A_1268 = arith.constant 0 : index
    %get3A_1269 = arith.constant 0 : index
    %get3A_1270 = vector.load %arg132[%get3A_1267, %get3A_1268, %get3A_1269] : memref<1x64x96xf32, #tpu.memory_space<vmem>>, vector<1x64x96xf32>
    %get3A_1271 = vector.shape_cast %get3A_1270 : vector<1x64x96xf32> to vector<64x96xf32>
    %mul3A_1272 = vector.broadcast %slice3A_1266 : vector<1x1xf32> to vector<64x96xf32>
    %mul3A_1273 = arith.mulf %mul3A_1272, %get3A_1271 : vector<64x96xf32>
    %add3A_1274 = arith.constant 0.000000e+00 : f32
    %add3A_1275 = vector.broadcast %add3A_1274 : f32 to vector<64x96xf32>
    %add3A_1276 = arith.addf %add3A_1275, %mul3A_1273 : vector<64x96xf32>
    %slice3A_1277 = vector.extract_strided_slice %div3A_21 {offsets = [43, 1], sizes = [1, 1], strides = [1, 1]} : vector<64x8xf32> to vector<1x1xf32>
    %get3A_1278 = arith.constant 0 : index
    %get3A_1279 = arith.constant 0 : index
    %get3A_1280 = arith.constant 0 : index
    %get3A_1281 = vector.load %arg133[%get3A_1278, %get3A_1279, %get3A_1280] : memref<1x64x96xf32, #tpu.memory_space<vmem>>, vector<1x64x96xf32>
    %get3A_1282 = vector.shape_cast %get3A_1281 : vector<1x64x96xf32> to vector<64x96xf32>
    %mul3A_1283 = vector.broadcast %slice3A_1277 : vector<1x1xf32> to vector<64x96xf32>
    %mul3A_1284 = arith.mulf %mul3A_1283, %get3A_1282 : vector<64x96xf32>
    %add3A_1285 = arith.addf %add3A_1276, %mul3A_1284 : vector<64x96xf32>
    %slice3A_1286 = vector.extract_strided_slice %div3A_21 {offsets = [43, 2], sizes = [1, 1], strides = [1, 1]} : vector<64x8xf32> to vector<1x1xf32>
    %get3A_1287 = arith.constant 0 : index
    %get3A_1288 = arith.constant 0 : index
    %get3A_1289 = arith.constant 0 : index
    %get3A_1290 = vector.load %arg134[%get3A_1287, %get3A_1288, %get3A_1289] : memref<1x64x96xf32, #tpu.memory_space<vmem>>, vector<1x64x96xf32>
    %get3A_1291 = vector.shape_cast %get3A_1290 : vector<1x64x96xf32> to vector<64x96xf32>
    %mul3A_1292 = vector.broadcast %slice3A_1286 : vector<1x1xf32> to vector<64x96xf32>
    %mul3A_1293 = arith.mulf %mul3A_1292, %get3A_1291 : vector<64x96xf32>
    %add3A_1294 = arith.addf %add3A_1285, %mul3A_1293 : vector<64x96xf32>
    %slice3A_1295 = vector.extract_strided_slice %div3A_21 {offsets = [44, 0], sizes = [1, 1], strides = [1, 1]} : vector<64x8xf32> to vector<1x1xf32>
    %get3A_1296 = arith.constant 0 : index
    %get3A_1297 = arith.constant 0 : index
    %get3A_1298 = arith.constant 0 : index
    %get3A_1299 = vector.load %arg135[%get3A_1296, %get3A_1297, %get3A_1298] : memref<1x64x96xf32, #tpu.memory_space<vmem>>, vector<1x64x96xf32>
    %get3A_1300 = vector.shape_cast %get3A_1299 : vector<1x64x96xf32> to vector<64x96xf32>
    %mul3A_1301 = vector.broadcast %slice3A_1295 : vector<1x1xf32> to vector<64x96xf32>
    %mul3A_1302 = arith.mulf %mul3A_1301, %get3A_1300 : vector<64x96xf32>
    %add3A_1303 = arith.constant 0.000000e+00 : f32
    %add3A_1304 = vector.broadcast %add3A_1303 : f32 to vector<64x96xf32>
    %add3A_1305 = arith.addf %add3A_1304, %mul3A_1302 : vector<64x96xf32>
    %slice3A_1306 = vector.extract_strided_slice %div3A_21 {offsets = [44, 1], sizes = [1, 1], strides = [1, 1]} : vector<64x8xf32> to vector<1x1xf32>
    %get3A_1307 = arith.constant 0 : index
    %get3A_1308 = arith.constant 0 : index
    %get3A_1309 = arith.constant 0 : index
    %get3A_1310 = vector.load %arg136[%get3A_1307, %get3A_1308, %get3A_1309] : memref<1x64x96xf32, #tpu.memory_space<vmem>>, vector<1x64x96xf32>
    %get3A_1311 = vector.shape_cast %get3A_1310 : vector<1x64x96xf32> to vector<64x96xf32>
    %mul3A_1312 = vector.broadcast %slice3A_1306 : vector<1x1xf32> to vector<64x96xf32>
    %mul3A_1313 = arith.mulf %mul3A_1312, %get3A_1311 : vector<64x96xf32>
    %add3A_1314 = arith.addf %add3A_1305, %mul3A_1313 : vector<64x96xf32>
    %slice3A_1315 = vector.extract_strided_slice %div3A_21 {offsets = [44, 2], sizes = [1, 1], strides = [1, 1]} : vector<64x8xf32> to vector<1x1xf32>
    %get3A_1316 = arith.constant 0 : index
    %get3A_1317 = arith.constant 0 : index
    %get3A_1318 = arith.constant 0 : index
    %get3A_1319 = vector.load %arg137[%get3A_1316, %get3A_1317, %get3A_1318] : memref<1x64x96xf32, #tpu.memory_space<vmem>>, vector<1x64x96xf32>
    %get3A_1320 = vector.shape_cast %get3A_1319 : vector<1x64x96xf32> to vector<64x96xf32>
    %mul3A_1321 = vector.broadcast %slice3A_1315 : vector<1x1xf32> to vector<64x96xf32>
    %mul3A_1322 = arith.mulf %mul3A_1321, %get3A_1320 : vector<64x96xf32>
    %add3A_1323 = arith.addf %add3A_1314, %mul3A_1322 : vector<64x96xf32>
    %slice3A_1324 = vector.extract_strided_slice %div3A_21 {offsets = [45, 0], sizes = [1, 1], strides = [1, 1]} : vector<64x8xf32> to vector<1x1xf32>
    %get3A_1325 = arith.constant 0 : index
    %get3A_1326 = arith.constant 0 : index
    %get3A_1327 = arith.constant 0 : index
    %get3A_1328 = vector.load %arg138[%get3A_1325, %get3A_1326, %get3A_1327] : memref<1x64x96xf32, #tpu.memory_space<vmem>>, vector<1x64x96xf32>
    %get3A_1329 = vector.shape_cast %get3A_1328 : vector<1x64x96xf32> to vector<64x96xf32>
    %mul3A_1330 = vector.broadcast %slice3A_1324 : vector<1x1xf32> to vector<64x96xf32>
    %mul3A_1331 = arith.mulf %mul3A_1330, %get3A_1329 : vector<64x96xf32>
    %add3A_1332 = arith.constant 0.000000e+00 : f32
    %add3A_1333 = vector.broadcast %add3A_1332 : f32 to vector<64x96xf32>
    %add3A_1334 = arith.addf %add3A_1333, %mul3A_1331 : vector<64x96xf32>
    %slice3A_1335 = vector.extract_strided_slice %div3A_21 {offsets = [45, 1], sizes = [1, 1], strides = [1, 1]} : vector<64x8xf32> to vector<1x1xf32>
    %get3A_1336 = arith.constant 0 : index
    %get3A_1337 = arith.constant 0 : index
    %get3A_1338 = arith.constant 0 : index
    %get3A_1339 = vector.load %arg139[%get3A_1336, %get3A_1337, %get3A_1338] : memref<1x64x96xf32, #tpu.memory_space<vmem>>, vector<1x64x96xf32>
    %get3A_1340 = vector.shape_cast %get3A_1339 : vector<1x64x96xf32> to vector<64x96xf32>
    %mul3A_1341 = vector.broadcast %slice3A_1335 : vector<1x1xf32> to vector<64x96xf32>
    %mul3A_1342 = arith.mulf %mul3A_1341, %get3A_1340 : vector<64x96xf32>
    %add3A_1343 = arith.addf %add3A_1334, %mul3A_1342 : vector<64x96xf32>
    %slice3A_1344 = vector.extract_strided_slice %div3A_21 {offsets = [45, 2], sizes = [1, 1], strides = [1, 1]} : vector<64x8xf32> to vector<1x1xf32>
    %get3A_1345 = arith.constant 0 : index
    %get3A_1346 = arith.constant 0 : index
    %get3A_1347 = arith.constant 0 : index
    %get3A_1348 = vector.load %arg140[%get3A_1345, %get3A_1346, %get3A_1347] : memref<1x64x96xf32, #tpu.memory_space<vmem>>, vector<1x64x96xf32>
    %get3A_1349 = vector.shape_cast %get3A_1348 : vector<1x64x96xf32> to vector<64x96xf32>
    %mul3A_1350 = vector.broadcast %slice3A_1344 : vector<1x1xf32> to vector<64x96xf32>
    %mul3A_1351 = arith.mulf %mul3A_1350, %get3A_1349 : vector<64x96xf32>
    %add3A_1352 = arith.addf %add3A_1343, %mul3A_1351 : vector<64x96xf32>
    %slice3A_1353 = vector.extract_strided_slice %div3A_21 {offsets = [46, 0], sizes = [1, 1], strides = [1, 1]} : vector<64x8xf32> to vector<1x1xf32>
    %get3A_1354 = arith.constant 0 : index
    %get3A_1355 = arith.constant 0 : index
    %get3A_1356 = arith.constant 0 : index
    %get3A_1357 = vector.load %arg141[%get3A_1354, %get3A_1355, %get3A_1356] : memref<1x64x96xf32, #tpu.memory_space<vmem>>, vector<1x64x96xf32>
    %get3A_1358 = vector.shape_cast %get3A_1357 : vector<1x64x96xf32> to vector<64x96xf32>
    %mul3A_1359 = vector.broadcast %slice3A_1353 : vector<1x1xf32> to vector<64x96xf32>
    %mul3A_1360 = arith.mulf %mul3A_1359, %get3A_1358 : vector<64x96xf32>
    %add3A_1361 = arith.constant 0.000000e+00 : f32
    %add3A_1362 = vector.broadcast %add3A_1361 : f32 to vector<64x96xf32>
    %add3A_1363 = arith.addf %add3A_1362, %mul3A_1360 : vector<64x96xf32>
    %slice3A_1364 = vector.extract_strided_slice %div3A_21 {offsets = [46, 1], sizes = [1, 1], strides = [1, 1]} : vector<64x8xf32> to vector<1x1xf32>
    %get3A_1365 = arith.constant 0 : index
    %get3A_1366 = arith.constant 0 : index
    %get3A_1367 = arith.constant 0 : index
    %get3A_1368 = vector.load %arg142[%get3A_1365, %get3A_1366, %get3A_1367] : memref<1x64x96xf32, #tpu.memory_space<vmem>>, vector<1x64x96xf32>
    %get3A_1369 = vector.shape_cast %get3A_1368 : vector<1x64x96xf32> to vector<64x96xf32>
    %mul3A_1370 = vector.broadcast %slice3A_1364 : vector<1x1xf32> to vector<64x96xf32>
    %mul3A_1371 = arith.mulf %mul3A_1370, %get3A_1369 : vector<64x96xf32>
    %add3A_1372 = arith.addf %add3A_1363, %mul3A_1371 : vector<64x96xf32>
    %slice3A_1373 = vector.extract_strided_slice %div3A_21 {offsets = [46, 2], sizes = [1, 1], strides = [1, 1]} : vector<64x8xf32> to vector<1x1xf32>
    %get3A_1374 = arith.constant 0 : index
    %get3A_1375 = arith.constant 0 : index
    %get3A_1376 = arith.constant 0 : index
    %get3A_1377 = vector.load %arg143[%get3A_1374, %get3A_1375, %get3A_1376] : memref<1x64x96xf32, #tpu.memory_space<vmem>>, vector<1x64x96xf32>
    %get3A_1378 = vector.shape_cast %get3A_1377 : vector<1x64x96xf32> to vector<64x96xf32>
    %mul3A_1379 = vector.broadcast %slice3A_1373 : vector<1x1xf32> to vector<64x96xf32>
    %mul3A_1380 = arith.mulf %mul3A_1379, %get3A_1378 : vector<64x96xf32>
    %add3A_1381 = arith.addf %add3A_1372, %mul3A_1380 : vector<64x96xf32>
    %slice3A_1382 = vector.extract_strided_slice %div3A_21 {offsets = [47, 0], sizes = [1, 1], strides = [1, 1]} : vector<64x8xf32> to vector<1x1xf32>
    %get3A_1383 = arith.constant 0 : index
    %get3A_1384 = arith.constant 0 : index
    %get3A_1385 = arith.constant 0 : index
    %get3A_1386 = vector.load %arg144[%get3A_1383, %get3A_1384, %get3A_1385] : memref<1x64x96xf32, #tpu.memory_space<vmem>>, vector<1x64x96xf32>
    %get3A_1387 = vector.shape_cast %get3A_1386 : vector<1x64x96xf32> to vector<64x96xf32>
    %mul3A_1388 = vector.broadcast %slice3A_1382 : vector<1x1xf32> to vector<64x96xf32>
    %mul3A_1389 = arith.mulf %mul3A_1388, %get3A_1387 : vector<64x96xf32>
    %add3A_1390 = arith.constant 0.000000e+00 : f32
    %add3A_1391 = vector.broadcast %add3A_1390 : f32 to vector<64x96xf32>
    %add3A_1392 = arith.addf %add3A_1391, %mul3A_1389 : vector<64x96xf32>
    %slice3A_1393 = vector.extract_strided_slice %div3A_21 {offsets = [47, 1], sizes = [1, 1], strides = [1, 1]} : vector<64x8xf32> to vector<1x1xf32>
    %get3A_1394 = arith.constant 0 : index
    %get3A_1395 = arith.constant 0 : index
    %get3A_1396 = arith.constant 0 : index
    %get3A_1397 = vector.load %arg145[%get3A_1394, %get3A_1395, %get3A_1396] : memref<1x64x96xf32, #tpu.memory_space<vmem>>, vector<1x64x96xf32>
    %get3A_1398 = vector.shape_cast %get3A_1397 : vector<1x64x96xf32> to vector<64x96xf32>
    %mul3A_1399 = vector.broadcast %slice3A_1393 : vector<1x1xf32> to vector<64x96xf32>
    %mul3A_1400 = arith.mulf %mul3A_1399, %get3A_1398 : vector<64x96xf32>
    %add3A_1401 = arith.addf %add3A_1392, %mul3A_1400 : vector<64x96xf32>
    %slice3A_1402 = vector.extract_strided_slice %div3A_21 {offsets = [47, 2], sizes = [1, 1], strides = [1, 1]} : vector<64x8xf32> to vector<1x1xf32>
    %get3A_1403 = arith.constant 0 : index
    %get3A_1404 = arith.constant 0 : index
    %get3A_1405 = arith.constant 0 : index
    %get3A_1406 = vector.load %arg146[%get3A_1403, %get3A_1404, %get3A_1405] : memref<1x64x96xf32, #tpu.memory_space<vmem>>, vector<1x64x96xf32>
    %get3A_1407 = vector.shape_cast %get3A_1406 : vector<1x64x96xf32> to vector<64x96xf32>
    %mul3A_1408 = vector.broadcast %slice3A_1402 : vector<1x1xf32> to vector<64x96xf32>
    %mul3A_1409 = arith.mulf %mul3A_1408, %get3A_1407 : vector<64x96xf32>
    %add3A_1410 = arith.addf %add3A_1401, %mul3A_1409 : vector<64x96xf32>
    %slice3A_1411 = vector.extract_strided_slice %div3A_21 {offsets = [48, 0], sizes = [1, 1], strides = [1, 1]} : vector<64x8xf32> to vector<1x1xf32>
    %get3A_1412 = arith.constant 0 : index
    %get3A_1413 = arith.constant 0 : index
    %get3A_1414 = arith.constant 0 : index
    %get3A_1415 = vector.load %arg147[%get3A_1412, %get3A_1413, %get3A_1414] : memref<1x64x96xf32, #tpu.memory_space<vmem>>, vector<1x64x96xf32>
    %get3A_1416 = vector.shape_cast %get3A_1415 : vector<1x64x96xf32> to vector<64x96xf32>
    %mul3A_1417 = vector.broadcast %slice3A_1411 : vector<1x1xf32> to vector<64x96xf32>
    %mul3A_1418 = arith.mulf %mul3A_1417, %get3A_1416 : vector<64x96xf32>
    %add3A_1419 = arith.constant 0.000000e+00 : f32
    %add3A_1420 = vector.broadcast %add3A_1419 : f32 to vector<64x96xf32>
    %add3A_1421 = arith.addf %add3A_1420, %mul3A_1418 : vector<64x96xf32>
    %slice3A_1422 = vector.extract_strided_slice %div3A_21 {offsets = [48, 1], sizes = [1, 1], strides = [1, 1]} : vector<64x8xf32> to vector<1x1xf32>
    %get3A_1423 = arith.constant 0 : index
    %get3A_1424 = arith.constant 0 : index
    %get3A_1425 = arith.constant 0 : index
    %get3A_1426 = vector.load %arg148[%get3A_1423, %get3A_1424, %get3A_1425] : memref<1x64x96xf32, #tpu.memory_space<vmem>>, vector<1x64x96xf32>
    %get3A_1427 = vector.shape_cast %get3A_1426 : vector<1x64x96xf32> to vector<64x96xf32>
    %mul3A_1428 = vector.broadcast %slice3A_1422 : vector<1x1xf32> to vector<64x96xf32>
    %mul3A_1429 = arith.mulf %mul3A_1428, %get3A_1427 : vector<64x96xf32>
    %add3A_1430 = arith.addf %add3A_1421, %mul3A_1429 : vector<64x96xf32>
    %slice3A_1431 = vector.extract_strided_slice %div3A_21 {offsets = [48, 2], sizes = [1, 1], strides = [1, 1]} : vector<64x8xf32> to vector<1x1xf32>
    %get3A_1432 = arith.constant 0 : index
    %get3A_1433 = arith.constant 0 : index
    %get3A_1434 = arith.constant 0 : index
    %get3A_1435 = vector.load %arg149[%get3A_1432, %get3A_1433, %get3A_1434] : memref<1x64x96xf32, #tpu.memory_space<vmem>>, vector<1x64x96xf32>
    %get3A_1436 = vector.shape_cast %get3A_1435 : vector<1x64x96xf32> to vector<64x96xf32>
    %mul3A_1437 = vector.broadcast %slice3A_1431 : vector<1x1xf32> to vector<64x96xf32>
    %mul3A_1438 = arith.mulf %mul3A_1437, %get3A_1436 : vector<64x96xf32>
    %add3A_1439 = arith.addf %add3A_1430, %mul3A_1438 : vector<64x96xf32>
    %slice3A_1440 = vector.extract_strided_slice %div3A_21 {offsets = [49, 0], sizes = [1, 1], strides = [1, 1]} : vector<64x8xf32> to vector<1x1xf32>
    %get3A_1441 = arith.constant 0 : index
    %get3A_1442 = arith.constant 0 : index
    %get3A_1443 = arith.constant 0 : index
    %get3A_1444 = vector.load %arg150[%get3A_1441, %get3A_1442, %get3A_1443] : memref<1x64x96xf32, #tpu.memory_space<vmem>>, vector<1x64x96xf32>
    %get3A_1445 = vector.shape_cast %get3A_1444 : vector<1x64x96xf32> to vector<64x96xf32>
    %mul3A_1446 = vector.broadcast %slice3A_1440 : vector<1x1xf32> to vector<64x96xf32>
    %mul3A_1447 = arith.mulf %mul3A_1446, %get3A_1445 : vector<64x96xf32>
    %add3A_1448 = arith.constant 0.000000e+00 : f32
    %add3A_1449 = vector.broadcast %add3A_1448 : f32 to vector<64x96xf32>
    %add3A_1450 = arith.addf %add3A_1449, %mul3A_1447 : vector<64x96xf32>
    %slice3A_1451 = vector.extract_strided_slice %div3A_21 {offsets = [49, 1], sizes = [1, 1], strides = [1, 1]} : vector<64x8xf32> to vector<1x1xf32>
    %get3A_1452 = arith.constant 0 : index
    %get3A_1453 = arith.constant 0 : index
    %get3A_1454 = arith.constant 0 : index
    %get3A_1455 = vector.load %arg151[%get3A_1452, %get3A_1453, %get3A_1454] : memref<1x64x96xf32, #tpu.memory_space<vmem>>, vector<1x64x96xf32>
    %get3A_1456 = vector.shape_cast %get3A_1455 : vector<1x64x96xf32> to vector<64x96xf32>
    %mul3A_1457 = vector.broadcast %slice3A_1451 : vector<1x1xf32> to vector<64x96xf32>
    %mul3A_1458 = arith.mulf %mul3A_1457, %get3A_1456 : vector<64x96xf32>
    %add3A_1459 = arith.addf %add3A_1450, %mul3A_1458 : vector<64x96xf32>
    %slice3A_1460 = vector.extract_strided_slice %div3A_21 {offsets = [49, 2], sizes = [1, 1], strides = [1, 1]} : vector<64x8xf32> to vector<1x1xf32>
    %get3A_1461 = arith.constant 0 : index
    %get3A_1462 = arith.constant 0 : index
    %get3A_1463 = arith.constant 0 : index
    %get3A_1464 = vector.load %arg152[%get3A_1461, %get3A_1462, %get3A_1463] : memref<1x64x96xf32, #tpu.memory_space<vmem>>, vector<1x64x96xf32>
    %get3A_1465 = vector.shape_cast %get3A_1464 : vector<1x64x96xf32> to vector<64x96xf32>
    %mul3A_1466 = vector.broadcast %slice3A_1460 : vector<1x1xf32> to vector<64x96xf32>
    %mul3A_1467 = arith.mulf %mul3A_1466, %get3A_1465 : vector<64x96xf32>
    %add3A_1468 = arith.addf %add3A_1459, %mul3A_1467 : vector<64x96xf32>
    %slice3A_1469 = vector.extract_strided_slice %div3A_21 {offsets = [50, 0], sizes = [1, 1], strides = [1, 1]} : vector<64x8xf32> to vector<1x1xf32>
    %get3A_1470 = arith.constant 0 : index
    %get3A_1471 = arith.constant 0 : index
    %get3A_1472 = arith.constant 0 : index
    %get3A_1473 = vector.load %arg153[%get3A_1470, %get3A_1471, %get3A_1472] : memref<1x64x96xf32, #tpu.memory_space<vmem>>, vector<1x64x96xf32>
    %get3A_1474 = vector.shape_cast %get3A_1473 : vector<1x64x96xf32> to vector<64x96xf32>
    %mul3A_1475 = vector.broadcast %slice3A_1469 : vector<1x1xf32> to vector<64x96xf32>
    %mul3A_1476 = arith.mulf %mul3A_1475, %get3A_1474 : vector<64x96xf32>
    %add3A_1477 = arith.constant 0.000000e+00 : f32
    %add3A_1478 = vector.broadcast %add3A_1477 : f32 to vector<64x96xf32>
    %add3A_1479 = arith.addf %add3A_1478, %mul3A_1476 : vector<64x96xf32>
    %slice3A_1480 = vector.extract_strided_slice %div3A_21 {offsets = [50, 1], sizes = [1, 1], strides = [1, 1]} : vector<64x8xf32> to vector<1x1xf32>
    %get3A_1481 = arith.constant 0 : index
    %get3A_1482 = arith.constant 0 : index
    %get3A_1483 = arith.constant 0 : index
    %get3A_1484 = vector.load %arg154[%get3A_1481, %get3A_1482, %get3A_1483] : memref<1x64x96xf32, #tpu.memory_space<vmem>>, vector<1x64x96xf32>
    %get3A_1485 = vector.shape_cast %get3A_1484 : vector<1x64x96xf32> to vector<64x96xf32>
    %mul3A_1486 = vector.broadcast %slice3A_1480 : vector<1x1xf32> to vector<64x96xf32>
    %mul3A_1487 = arith.mulf %mul3A_1486, %get3A_1485 : vector<64x96xf32>
    %add3A_1488 = arith.addf %add3A_1479, %mul3A_1487 : vector<64x96xf32>
    %slice3A_1489 = vector.extract_strided_slice %div3A_21 {offsets = [50, 2], sizes = [1, 1], strides = [1, 1]} : vector<64x8xf32> to vector<1x1xf32>
    %get3A_1490 = arith.constant 0 : index
    %get3A_1491 = arith.constant 0 : index
    %get3A_1492 = arith.constant 0 : index
    %get3A_1493 = vector.load %arg155[%get3A_1490, %get3A_1491, %get3A_1492] : memref<1x64x96xf32, #tpu.memory_space<vmem>>, vector<1x64x96xf32>
    %get3A_1494 = vector.shape_cast %get3A_1493 : vector<1x64x96xf32> to vector<64x96xf32>
    %mul3A_1495 = vector.broadcast %slice3A_1489 : vector<1x1xf32> to vector<64x96xf32>
    %mul3A_1496 = arith.mulf %mul3A_1495, %get3A_1494 : vector<64x96xf32>
    %add3A_1497 = arith.addf %add3A_1488, %mul3A_1496 : vector<64x96xf32>
    %slice3A_1498 = vector.extract_strided_slice %div3A_21 {offsets = [51, 0], sizes = [1, 1], strides = [1, 1]} : vector<64x8xf32> to vector<1x1xf32>
    %get3A_1499 = arith.constant 0 : index
    %get3A_1500 = arith.constant 0 : index
    %get3A_1501 = arith.constant 0 : index
    %get3A_1502 = vector.load %arg156[%get3A_1499, %get3A_1500, %get3A_1501] : memref<1x64x96xf32, #tpu.memory_space<vmem>>, vector<1x64x96xf32>
    %get3A_1503 = vector.shape_cast %get3A_1502 : vector<1x64x96xf32> to vector<64x96xf32>
    %mul3A_1504 = vector.broadcast %slice3A_1498 : vector<1x1xf32> to vector<64x96xf32>
    %mul3A_1505 = arith.mulf %mul3A_1504, %get3A_1503 : vector<64x96xf32>
    %add3A_1506 = arith.constant 0.000000e+00 : f32
    %add3A_1507 = vector.broadcast %add3A_1506 : f32 to vector<64x96xf32>
    %add3A_1508 = arith.addf %add3A_1507, %mul3A_1505 : vector<64x96xf32>
    %slice3A_1509 = vector.extract_strided_slice %div3A_21 {offsets = [51, 1], sizes = [1, 1], strides = [1, 1]} : vector<64x8xf32> to vector<1x1xf32>
    %get3A_1510 = arith.constant 0 : index
    %get3A_1511 = arith.constant 0 : index
    %get3A_1512 = arith.constant 0 : index
    %get3A_1513 = vector.load %arg157[%get3A_1510, %get3A_1511, %get3A_1512] : memref<1x64x96xf32, #tpu.memory_space<vmem>>, vector<1x64x96xf32>
    %get3A_1514 = vector.shape_cast %get3A_1513 : vector<1x64x96xf32> to vector<64x96xf32>
    %mul3A_1515 = vector.broadcast %slice3A_1509 : vector<1x1xf32> to vector<64x96xf32>
    %mul3A_1516 = arith.mulf %mul3A_1515, %get3A_1514 : vector<64x96xf32>
    %add3A_1517 = arith.addf %add3A_1508, %mul3A_1516 : vector<64x96xf32>
    %slice3A_1518 = vector.extract_strided_slice %div3A_21 {offsets = [51, 2], sizes = [1, 1], strides = [1, 1]} : vector<64x8xf32> to vector<1x1xf32>
    %get3A_1519 = arith.constant 0 : index
    %get3A_1520 = arith.constant 0 : index
    %get3A_1521 = arith.constant 0 : index
    %get3A_1522 = vector.load %arg158[%get3A_1519, %get3A_1520, %get3A_1521] : memref<1x64x96xf32, #tpu.memory_space<vmem>>, vector<1x64x96xf32>
    %get3A_1523 = vector.shape_cast %get3A_1522 : vector<1x64x96xf32> to vector<64x96xf32>
    %mul3A_1524 = vector.broadcast %slice3A_1518 : vector<1x1xf32> to vector<64x96xf32>
    %mul3A_1525 = arith.mulf %mul3A_1524, %get3A_1523 : vector<64x96xf32>
    %add3A_1526 = arith.addf %add3A_1517, %mul3A_1525 : vector<64x96xf32>
    %slice3A_1527 = vector.extract_strided_slice %div3A_21 {offsets = [52, 0], sizes = [1, 1], strides = [1, 1]} : vector<64x8xf32> to vector<1x1xf32>
    %get3A_1528 = arith.constant 0 : index
    %get3A_1529 = arith.constant 0 : index
    %get3A_1530 = arith.constant 0 : index
    %get3A_1531 = vector.load %arg159[%get3A_1528, %get3A_1529, %get3A_1530] : memref<1x64x96xf32, #tpu.memory_space<vmem>>, vector<1x64x96xf32>
    %get3A_1532 = vector.shape_cast %get3A_1531 : vector<1x64x96xf32> to vector<64x96xf32>
    %mul3A_1533 = vector.broadcast %slice3A_1527 : vector<1x1xf32> to vector<64x96xf32>
    %mul3A_1534 = arith.mulf %mul3A_1533, %get3A_1532 : vector<64x96xf32>
    %add3A_1535 = arith.constant 0.000000e+00 : f32
    %add3A_1536 = vector.broadcast %add3A_1535 : f32 to vector<64x96xf32>
    %add3A_1537 = arith.addf %add3A_1536, %mul3A_1534 : vector<64x96xf32>
    %slice3A_1538 = vector.extract_strided_slice %div3A_21 {offsets = [52, 1], sizes = [1, 1], strides = [1, 1]} : vector<64x8xf32> to vector<1x1xf32>
    %get3A_1539 = arith.constant 0 : index
    %get3A_1540 = arith.constant 0 : index
    %get3A_1541 = arith.constant 0 : index
    %get3A_1542 = vector.load %arg160[%get3A_1539, %get3A_1540, %get3A_1541] : memref<1x64x96xf32, #tpu.memory_space<vmem>>, vector<1x64x96xf32>
    %get3A_1543 = vector.shape_cast %get3A_1542 : vector<1x64x96xf32> to vector<64x96xf32>
    %mul3A_1544 = vector.broadcast %slice3A_1538 : vector<1x1xf32> to vector<64x96xf32>
    %mul3A_1545 = arith.mulf %mul3A_1544, %get3A_1543 : vector<64x96xf32>
    %add3A_1546 = arith.addf %add3A_1537, %mul3A_1545 : vector<64x96xf32>
    %slice3A_1547 = vector.extract_strided_slice %div3A_21 {offsets = [52, 2], sizes = [1, 1], strides = [1, 1]} : vector<64x8xf32> to vector<1x1xf32>
    %get3A_1548 = arith.constant 0 : index
    %get3A_1549 = arith.constant 0 : index
    %get3A_1550 = arith.constant 0 : index
    %get3A_1551 = vector.load %arg161[%get3A_1548, %get3A_1549, %get3A_1550] : memref<1x64x96xf32, #tpu.memory_space<vmem>>, vector<1x64x96xf32>
    %get3A_1552 = vector.shape_cast %get3A_1551 : vector<1x64x96xf32> to vector<64x96xf32>
    %mul3A_1553 = vector.broadcast %slice3A_1547 : vector<1x1xf32> to vector<64x96xf32>
    %mul3A_1554 = arith.mulf %mul3A_1553, %get3A_1552 : vector<64x96xf32>
    %add3A_1555 = arith.addf %add3A_1546, %mul3A_1554 : vector<64x96xf32>
    %slice3A_1556 = vector.extract_strided_slice %div3A_21 {offsets = [53, 0], sizes = [1, 1], strides = [1, 1]} : vector<64x8xf32> to vector<1x1xf32>
    %get3A_1557 = arith.constant 0 : index
    %get3A_1558 = arith.constant 0 : index
    %get3A_1559 = arith.constant 0 : index
    %get3A_1560 = vector.load %arg162[%get3A_1557, %get3A_1558, %get3A_1559] : memref<1x64x96xf32, #tpu.memory_space<vmem>>, vector<1x64x96xf32>
    %get3A_1561 = vector.shape_cast %get3A_1560 : vector<1x64x96xf32> to vector<64x96xf32>
    %mul3A_1562 = vector.broadcast %slice3A_1556 : vector<1x1xf32> to vector<64x96xf32>
    %mul3A_1563 = arith.mulf %mul3A_1562, %get3A_1561 : vector<64x96xf32>
    %add3A_1564 = arith.constant 0.000000e+00 : f32
    %add3A_1565 = vector.broadcast %add3A_1564 : f32 to vector<64x96xf32>
    %add3A_1566 = arith.addf %add3A_1565, %mul3A_1563 : vector<64x96xf32>
    %slice3A_1567 = vector.extract_strided_slice %div3A_21 {offsets = [53, 1], sizes = [1, 1], strides = [1, 1]} : vector<64x8xf32> to vector<1x1xf32>
    %get3A_1568 = arith.constant 0 : index
    %get3A_1569 = arith.constant 0 : index
    %get3A_1570 = arith.constant 0 : index
    %get3A_1571 = vector.load %arg163[%get3A_1568, %get3A_1569, %get3A_1570] : memref<1x64x96xf32, #tpu.memory_space<vmem>>, vector<1x64x96xf32>
    %get3A_1572 = vector.shape_cast %get3A_1571 : vector<1x64x96xf32> to vector<64x96xf32>
    %mul3A_1573 = vector.broadcast %slice3A_1567 : vector<1x1xf32> to vector<64x96xf32>
    %mul3A_1574 = arith.mulf %mul3A_1573, %get3A_1572 : vector<64x96xf32>
    %add3A_1575 = arith.addf %add3A_1566, %mul3A_1574 : vector<64x96xf32>
    %slice3A_1576 = vector.extract_strided_slice %div3A_21 {offsets = [53, 2], sizes = [1, 1], strides = [1, 1]} : vector<64x8xf32> to vector<1x1xf32>
    %get3A_1577 = arith.constant 0 : index
    %get3A_1578 = arith.constant 0 : index
    %get3A_1579 = arith.constant 0 : index
    %get3A_1580 = vector.load %arg164[%get3A_1577, %get3A_1578, %get3A_1579] : memref<1x64x96xf32, #tpu.memory_space<vmem>>, vector<1x64x96xf32>
    %get3A_1581 = vector.shape_cast %get3A_1580 : vector<1x64x96xf32> to vector<64x96xf32>
    %mul3A_1582 = vector.broadcast %slice3A_1576 : vector<1x1xf32> to vector<64x96xf32>
    %mul3A_1583 = arith.mulf %mul3A_1582, %get3A_1581 : vector<64x96xf32>
    %add3A_1584 = arith.addf %add3A_1575, %mul3A_1583 : vector<64x96xf32>
    %slice3A_1585 = vector.extract_strided_slice %div3A_21 {offsets = [54, 0], sizes = [1, 1], strides = [1, 1]} : vector<64x8xf32> to vector<1x1xf32>
    %get3A_1586 = arith.constant 0 : index
    %get3A_1587 = arith.constant 0 : index
    %get3A_1588 = arith.constant 0 : index
    %get3A_1589 = vector.load %arg165[%get3A_1586, %get3A_1587, %get3A_1588] : memref<1x64x96xf32, #tpu.memory_space<vmem>>, vector<1x64x96xf32>
    %get3A_1590 = vector.shape_cast %get3A_1589 : vector<1x64x96xf32> to vector<64x96xf32>
    %mul3A_1591 = vector.broadcast %slice3A_1585 : vector<1x1xf32> to vector<64x96xf32>
    %mul3A_1592 = arith.mulf %mul3A_1591, %get3A_1590 : vector<64x96xf32>
    %add3A_1593 = arith.constant 0.000000e+00 : f32
    %add3A_1594 = vector.broadcast %add3A_1593 : f32 to vector<64x96xf32>
    %add3A_1595 = arith.addf %add3A_1594, %mul3A_1592 : vector<64x96xf32>
    %slice3A_1596 = vector.extract_strided_slice %div3A_21 {offsets = [54, 1], sizes = [1, 1], strides = [1, 1]} : vector<64x8xf32> to vector<1x1xf32>
    %get3A_1597 = arith.constant 0 : index
    %get3A_1598 = arith.constant 0 : index
    %get3A_1599 = arith.constant 0 : index
    %get3A_1600 = vector.load %arg166[%get3A_1597, %get3A_1598, %get3A_1599] : memref<1x64x96xf32, #tpu.memory_space<vmem>>, vector<1x64x96xf32>
    %get3A_1601 = vector.shape_cast %get3A_1600 : vector<1x64x96xf32> to vector<64x96xf32>
    %mul3A_1602 = vector.broadcast %slice3A_1596 : vector<1x1xf32> to vector<64x96xf32>
    %mul3A_1603 = arith.mulf %mul3A_1602, %get3A_1601 : vector<64x96xf32>
    %add3A_1604 = arith.addf %add3A_1595, %mul3A_1603 : vector<64x96xf32>
    %slice3A_1605 = vector.extract_strided_slice %div3A_21 {offsets = [54, 2], sizes = [1, 1], strides = [1, 1]} : vector<64x8xf32> to vector<1x1xf32>
    %get3A_1606 = arith.constant 0 : index
    %get3A_1607 = arith.constant 0 : index
    %get3A_1608 = arith.constant 0 : index
    %get3A_1609 = vector.load %arg167[%get3A_1606, %get3A_1607, %get3A_1608] : memref<1x64x96xf32, #tpu.memory_space<vmem>>, vector<1x64x96xf32>
    %get3A_1610 = vector.shape_cast %get3A_1609 : vector<1x64x96xf32> to vector<64x96xf32>
    %mul3A_1611 = vector.broadcast %slice3A_1605 : vector<1x1xf32> to vector<64x96xf32>
    %mul3A_1612 = arith.mulf %mul3A_1611, %get3A_1610 : vector<64x96xf32>
    %add3A_1613 = arith.addf %add3A_1604, %mul3A_1612 : vector<64x96xf32>
    %slice3A_1614 = vector.extract_strided_slice %div3A_21 {offsets = [55, 0], sizes = [1, 1], strides = [1, 1]} : vector<64x8xf32> to vector<1x1xf32>
    %get3A_1615 = arith.constant 0 : index
    %get3A_1616 = arith.constant 0 : index
    %get3A_1617 = arith.constant 0 : index
    %get3A_1618 = vector.load %arg168[%get3A_1615, %get3A_1616, %get3A_1617] : memref<1x64x96xf32, #tpu.memory_space<vmem>>, vector<1x64x96xf32>
    %get3A_1619 = vector.shape_cast %get3A_1618 : vector<1x64x96xf32> to vector<64x96xf32>
    %mul3A_1620 = vector.broadcast %slice3A_1614 : vector<1x1xf32> to vector<64x96xf32>
    %mul3A_1621 = arith.mulf %mul3A_1620, %get3A_1619 : vector<64x96xf32>
    %add3A_1622 = arith.constant 0.000000e+00 : f32
    %add3A_1623 = vector.broadcast %add3A_1622 : f32 to vector<64x96xf32>
    %add3A_1624 = arith.addf %add3A_1623, %mul3A_1621 : vector<64x96xf32>
    %slice3A_1625 = vector.extract_strided_slice %div3A_21 {offsets = [55, 1], sizes = [1, 1], strides = [1, 1]} : vector<64x8xf32> to vector<1x1xf32>
    %get3A_1626 = arith.constant 0 : index
    %get3A_1627 = arith.constant 0 : index
    %get3A_1628 = arith.constant 0 : index
    %get3A_1629 = vector.load %arg169[%get3A_1626, %get3A_1627, %get3A_1628] : memref<1x64x96xf32, #tpu.memory_space<vmem>>, vector<1x64x96xf32>
    %get3A_1630 = vector.shape_cast %get3A_1629 : vector<1x64x96xf32> to vector<64x96xf32>
    %mul3A_1631 = vector.broadcast %slice3A_1625 : vector<1x1xf32> to vector<64x96xf32>
    %mul3A_1632 = arith.mulf %mul3A_1631, %get3A_1630 : vector<64x96xf32>
    %add3A_1633 = arith.addf %add3A_1624, %mul3A_1632 : vector<64x96xf32>
    %slice3A_1634 = vector.extract_strided_slice %div3A_21 {offsets = [55, 2], sizes = [1, 1], strides = [1, 1]} : vector<64x8xf32> to vector<1x1xf32>
    %get3A_1635 = arith.constant 0 : index
    %get3A_1636 = arith.constant 0 : index
    %get3A_1637 = arith.constant 0 : index
    %get3A_1638 = vector.load %arg170[%get3A_1635, %get3A_1636, %get3A_1637] : memref<1x64x96xf32, #tpu.memory_space<vmem>>, vector<1x64x96xf32>
    %get3A_1639 = vector.shape_cast %get3A_1638 : vector<1x64x96xf32> to vector<64x96xf32>
    %mul3A_1640 = vector.broadcast %slice3A_1634 : vector<1x1xf32> to vector<64x96xf32>
    %mul3A_1641 = arith.mulf %mul3A_1640, %get3A_1639 : vector<64x96xf32>
    %add3A_1642 = arith.addf %add3A_1633, %mul3A_1641 : vector<64x96xf32>
    %slice3A_1643 = vector.extract_strided_slice %div3A_21 {offsets = [56, 0], sizes = [1, 1], strides = [1, 1]} : vector<64x8xf32> to vector<1x1xf32>
    %get3A_1644 = arith.constant 0 : index
    %get3A_1645 = arith.constant 0 : index
    %get3A_1646 = arith.constant 0 : index
    %get3A_1647 = vector.load %arg171[%get3A_1644, %get3A_1645, %get3A_1646] : memref<1x64x96xf32, #tpu.memory_space<vmem>>, vector<1x64x96xf32>
    %get3A_1648 = vector.shape_cast %get3A_1647 : vector<1x64x96xf32> to vector<64x96xf32>
    %mul3A_1649 = vector.broadcast %slice3A_1643 : vector<1x1xf32> to vector<64x96xf32>
    %mul3A_1650 = arith.mulf %mul3A_1649, %get3A_1648 : vector<64x96xf32>
    %add3A_1651 = arith.constant 0.000000e+00 : f32
    %add3A_1652 = vector.broadcast %add3A_1651 : f32 to vector<64x96xf32>
    %add3A_1653 = arith.addf %add3A_1652, %mul3A_1650 : vector<64x96xf32>
    %slice3A_1654 = vector.extract_strided_slice %div3A_21 {offsets = [56, 1], sizes = [1, 1], strides = [1, 1]} : vector<64x8xf32> to vector<1x1xf32>
    %get3A_1655 = arith.constant 0 : index
    %get3A_1656 = arith.constant 0 : index
    %get3A_1657 = arith.constant 0 : index
    %get3A_1658 = vector.load %arg172[%get3A_1655, %get3A_1656, %get3A_1657] : memref<1x64x96xf32, #tpu.memory_space<vmem>>, vector<1x64x96xf32>
    %get3A_1659 = vector.shape_cast %get3A_1658 : vector<1x64x96xf32> to vector<64x96xf32>
    %mul3A_1660 = vector.broadcast %slice3A_1654 : vector<1x1xf32> to vector<64x96xf32>
    %mul3A_1661 = arith.mulf %mul3A_1660, %get3A_1659 : vector<64x96xf32>
    %add3A_1662 = arith.addf %add3A_1653, %mul3A_1661 : vector<64x96xf32>
    %slice3A_1663 = vector.extract_strided_slice %div3A_21 {offsets = [56, 2], sizes = [1, 1], strides = [1, 1]} : vector<64x8xf32> to vector<1x1xf32>
    %get3A_1664 = arith.constant 0 : index
    %get3A_1665 = arith.constant 0 : index
    %get3A_1666 = arith.constant 0 : index
    %get3A_1667 = vector.load %arg173[%get3A_1664, %get3A_1665, %get3A_1666] : memref<1x64x96xf32, #tpu.memory_space<vmem>>, vector<1x64x96xf32>
    %get3A_1668 = vector.shape_cast %get3A_1667 : vector<1x64x96xf32> to vector<64x96xf32>
    %mul3A_1669 = vector.broadcast %slice3A_1663 : vector<1x1xf32> to vector<64x96xf32>
    %mul3A_1670 = arith.mulf %mul3A_1669, %get3A_1668 : vector<64x96xf32>
    %add3A_1671 = arith.addf %add3A_1662, %mul3A_1670 : vector<64x96xf32>
    %slice3A_1672 = vector.extract_strided_slice %div3A_21 {offsets = [57, 0], sizes = [1, 1], strides = [1, 1]} : vector<64x8xf32> to vector<1x1xf32>
    %get3A_1673 = arith.constant 0 : index
    %get3A_1674 = arith.constant 0 : index
    %get3A_1675 = arith.constant 0 : index
    %get3A_1676 = vector.load %arg174[%get3A_1673, %get3A_1674, %get3A_1675] : memref<1x64x96xf32, #tpu.memory_space<vmem>>, vector<1x64x96xf32>
    %get3A_1677 = vector.shape_cast %get3A_1676 : vector<1x64x96xf32> to vector<64x96xf32>
    %mul3A_1678 = vector.broadcast %slice3A_1672 : vector<1x1xf32> to vector<64x96xf32>
    %mul3A_1679 = arith.mulf %mul3A_1678, %get3A_1677 : vector<64x96xf32>
    %add3A_1680 = arith.constant 0.000000e+00 : f32
    %add3A_1681 = vector.broadcast %add3A_1680 : f32 to vector<64x96xf32>
    %add3A_1682 = arith.addf %add3A_1681, %mul3A_1679 : vector<64x96xf32>
    %slice3A_1683 = vector.extract_strided_slice %div3A_21 {offsets = [57, 1], sizes = [1, 1], strides = [1, 1]} : vector<64x8xf32> to vector<1x1xf32>
    %get3A_1684 = arith.constant 0 : index
    %get3A_1685 = arith.constant 0 : index
    %get3A_1686 = arith.constant 0 : index
    %get3A_1687 = vector.load %arg175[%get3A_1684, %get3A_1685, %get3A_1686] : memref<1x64x96xf32, #tpu.memory_space<vmem>>, vector<1x64x96xf32>
    %get3A_1688 = vector.shape_cast %get3A_1687 : vector<1x64x96xf32> to vector<64x96xf32>
    %mul3A_1689 = vector.broadcast %slice3A_1683 : vector<1x1xf32> to vector<64x96xf32>
    %mul3A_1690 = arith.mulf %mul3A_1689, %get3A_1688 : vector<64x96xf32>
    %add3A_1691 = arith.addf %add3A_1682, %mul3A_1690 : vector<64x96xf32>
    %slice3A_1692 = vector.extract_strided_slice %div3A_21 {offsets = [57, 2], sizes = [1, 1], strides = [1, 1]} : vector<64x8xf32> to vector<1x1xf32>
    %get3A_1693 = arith.constant 0 : index
    %get3A_1694 = arith.constant 0 : index
    %get3A_1695 = arith.constant 0 : index
    %get3A_1696 = vector.load %arg176[%get3A_1693, %get3A_1694, %get3A_1695] : memref<1x64x96xf32, #tpu.memory_space<vmem>>, vector<1x64x96xf32>
    %get3A_1697 = vector.shape_cast %get3A_1696 : vector<1x64x96xf32> to vector<64x96xf32>
    %mul3A_1698 = vector.broadcast %slice3A_1692 : vector<1x1xf32> to vector<64x96xf32>
    %mul3A_1699 = arith.mulf %mul3A_1698, %get3A_1697 : vector<64x96xf32>
    %add3A_1700 = arith.addf %add3A_1691, %mul3A_1699 : vector<64x96xf32>
    %slice3A_1701 = vector.extract_strided_slice %div3A_21 {offsets = [58, 0], sizes = [1, 1], strides = [1, 1]} : vector<64x8xf32> to vector<1x1xf32>
    %get3A_1702 = arith.constant 0 : index
    %get3A_1703 = arith.constant 0 : index
    %get3A_1704 = arith.constant 0 : index
    %get3A_1705 = vector.load %arg177[%get3A_1702, %get3A_1703, %get3A_1704] : memref<1x64x96xf32, #tpu.memory_space<vmem>>, vector<1x64x96xf32>
    %get3A_1706 = vector.shape_cast %get3A_1705 : vector<1x64x96xf32> to vector<64x96xf32>
    %mul3A_1707 = vector.broadcast %slice3A_1701 : vector<1x1xf32> to vector<64x96xf32>
    %mul3A_1708 = arith.mulf %mul3A_1707, %get3A_1706 : vector<64x96xf32>
    %add3A_1709 = arith.constant 0.000000e+00 : f32
    %add3A_1710 = vector.broadcast %add3A_1709 : f32 to vector<64x96xf32>
    %add3A_1711 = arith.addf %add3A_1710, %mul3A_1708 : vector<64x96xf32>
    %slice3A_1712 = vector.extract_strided_slice %div3A_21 {offsets = [58, 1], sizes = [1, 1], strides = [1, 1]} : vector<64x8xf32> to vector<1x1xf32>
    %get3A_1713 = arith.constant 0 : index
    %get3A_1714 = arith.constant 0 : index
    %get3A_1715 = arith.constant 0 : index
    %get3A_1716 = vector.load %arg178[%get3A_1713, %get3A_1714, %get3A_1715] : memref<1x64x96xf32, #tpu.memory_space<vmem>>, vector<1x64x96xf32>
    %get3A_1717 = vector.shape_cast %get3A_1716 : vector<1x64x96xf32> to vector<64x96xf32>
    %mul3A_1718 = vector.broadcast %slice3A_1712 : vector<1x1xf32> to vector<64x96xf32>
    %mul3A_1719 = arith.mulf %mul3A_1718, %get3A_1717 : vector<64x96xf32>
    %add3A_1720 = arith.addf %add3A_1711, %mul3A_1719 : vector<64x96xf32>
    %slice3A_1721 = vector.extract_strided_slice %div3A_21 {offsets = [58, 2], sizes = [1, 1], strides = [1, 1]} : vector<64x8xf32> to vector<1x1xf32>
    %get3A_1722 = arith.constant 0 : index
    %get3A_1723 = arith.constant 0 : index
    %get3A_1724 = arith.constant 0 : index
    %get3A_1725 = vector.load %arg179[%get3A_1722, %get3A_1723, %get3A_1724] : memref<1x64x96xf32, #tpu.memory_space<vmem>>, vector<1x64x96xf32>
    %get3A_1726 = vector.shape_cast %get3A_1725 : vector<1x64x96xf32> to vector<64x96xf32>
    %mul3A_1727 = vector.broadcast %slice3A_1721 : vector<1x1xf32> to vector<64x96xf32>
    %mul3A_1728 = arith.mulf %mul3A_1727, %get3A_1726 : vector<64x96xf32>
    %add3A_1729 = arith.addf %add3A_1720, %mul3A_1728 : vector<64x96xf32>
    %slice3A_1730 = vector.extract_strided_slice %div3A_21 {offsets = [59, 0], sizes = [1, 1], strides = [1, 1]} : vector<64x8xf32> to vector<1x1xf32>
    %get3A_1731 = arith.constant 0 : index
    %get3A_1732 = arith.constant 0 : index
    %get3A_1733 = arith.constant 0 : index
    %get3A_1734 = vector.load %arg180[%get3A_1731, %get3A_1732, %get3A_1733] : memref<1x64x96xf32, #tpu.memory_space<vmem>>, vector<1x64x96xf32>
    %get3A_1735 = vector.shape_cast %get3A_1734 : vector<1x64x96xf32> to vector<64x96xf32>
    %mul3A_1736 = vector.broadcast %slice3A_1730 : vector<1x1xf32> to vector<64x96xf32>
    %mul3A_1737 = arith.mulf %mul3A_1736, %get3A_1735 : vector<64x96xf32>
    %add3A_1738 = arith.constant 0.000000e+00 : f32
    %add3A_1739 = vector.broadcast %add3A_1738 : f32 to vector<64x96xf32>
    %add3A_1740 = arith.addf %add3A_1739, %mul3A_1737 : vector<64x96xf32>
    %slice3A_1741 = vector.extract_strided_slice %div3A_21 {offsets = [59, 1], sizes = [1, 1], strides = [1, 1]} : vector<64x8xf32> to vector<1x1xf32>
    %get3A_1742 = arith.constant 0 : index
    %get3A_1743 = arith.constant 0 : index
    %get3A_1744 = arith.constant 0 : index
    %get3A_1745 = vector.load %arg181[%get3A_1742, %get3A_1743, %get3A_1744] : memref<1x64x96xf32, #tpu.memory_space<vmem>>, vector<1x64x96xf32>
    %get3A_1746 = vector.shape_cast %get3A_1745 : vector<1x64x96xf32> to vector<64x96xf32>
    %mul3A_1747 = vector.broadcast %slice3A_1741 : vector<1x1xf32> to vector<64x96xf32>
    %mul3A_1748 = arith.mulf %mul3A_1747, %get3A_1746 : vector<64x96xf32>
    %add3A_1749 = arith.addf %add3A_1740, %mul3A_1748 : vector<64x96xf32>
    %slice3A_1750 = vector.extract_strided_slice %div3A_21 {offsets = [59, 2], sizes = [1, 1], strides = [1, 1]} : vector<64x8xf32> to vector<1x1xf32>
    %get3A_1751 = arith.constant 0 : index
    %get3A_1752 = arith.constant 0 : index
    %get3A_1753 = arith.constant 0 : index
    %get3A_1754 = vector.load %arg182[%get3A_1751, %get3A_1752, %get3A_1753] : memref<1x64x96xf32, #tpu.memory_space<vmem>>, vector<1x64x96xf32>
    %get3A_1755 = vector.shape_cast %get3A_1754 : vector<1x64x96xf32> to vector<64x96xf32>
    %mul3A_1756 = vector.broadcast %slice3A_1750 : vector<1x1xf32> to vector<64x96xf32>
    %mul3A_1757 = arith.mulf %mul3A_1756, %get3A_1755 : vector<64x96xf32>
    %add3A_1758 = arith.addf %add3A_1749, %mul3A_1757 : vector<64x96xf32>
    %slice3A_1759 = vector.extract_strided_slice %div3A_21 {offsets = [60, 0], sizes = [1, 1], strides = [1, 1]} : vector<64x8xf32> to vector<1x1xf32>
    %get3A_1760 = arith.constant 0 : index
    %get3A_1761 = arith.constant 0 : index
    %get3A_1762 = arith.constant 0 : index
    %get3A_1763 = vector.load %arg183[%get3A_1760, %get3A_1761, %get3A_1762] : memref<1x64x96xf32, #tpu.memory_space<vmem>>, vector<1x64x96xf32>
    %get3A_1764 = vector.shape_cast %get3A_1763 : vector<1x64x96xf32> to vector<64x96xf32>
    %mul3A_1765 = vector.broadcast %slice3A_1759 : vector<1x1xf32> to vector<64x96xf32>
    %mul3A_1766 = arith.mulf %mul3A_1765, %get3A_1764 : vector<64x96xf32>
    %add3A_1767 = arith.constant 0.000000e+00 : f32
    %add3A_1768 = vector.broadcast %add3A_1767 : f32 to vector<64x96xf32>
    %add3A_1769 = arith.addf %add3A_1768, %mul3A_1766 : vector<64x96xf32>
    %slice3A_1770 = vector.extract_strided_slice %div3A_21 {offsets = [60, 1], sizes = [1, 1], strides = [1, 1]} : vector<64x8xf32> to vector<1x1xf32>
    %get3A_1771 = arith.constant 0 : index
    %get3A_1772 = arith.constant 0 : index
    %get3A_1773 = arith.constant 0 : index
    %get3A_1774 = vector.load %arg184[%get3A_1771, %get3A_1772, %get3A_1773] : memref<1x64x96xf32, #tpu.memory_space<vmem>>, vector<1x64x96xf32>
    %get3A_1775 = vector.shape_cast %get3A_1774 : vector<1x64x96xf32> to vector<64x96xf32>
    %mul3A_1776 = vector.broadcast %slice3A_1770 : vector<1x1xf32> to vector<64x96xf32>
    %mul3A_1777 = arith.mulf %mul3A_1776, %get3A_1775 : vector<64x96xf32>
    %add3A_1778 = arith.addf %add3A_1769, %mul3A_1777 : vector<64x96xf32>
    %slice3A_1779 = vector.extract_strided_slice %div3A_21 {offsets = [60, 2], sizes = [1, 1], strides = [1, 1]} : vector<64x8xf32> to vector<1x1xf32>
    %get3A_1780 = arith.constant 0 : index
    %get3A_1781 = arith.constant 0 : index
    %get3A_1782 = arith.constant 0 : index
    %get3A_1783 = vector.load %arg185[%get3A_1780, %get3A_1781, %get3A_1782] : memref<1x64x96xf32, #tpu.memory_space<vmem>>, vector<1x64x96xf32>
    %get3A_1784 = vector.shape_cast %get3A_1783 : vector<1x64x96xf32> to vector<64x96xf32>
    %mul3A_1785 = vector.broadcast %slice3A_1779 : vector<1x1xf32> to vector<64x96xf32>
    %mul3A_1786 = arith.mulf %mul3A_1785, %get3A_1784 : vector<64x96xf32>
    %add3A_1787 = arith.addf %add3A_1778, %mul3A_1786 : vector<64x96xf32>
    %slice3A_1788 = vector.extract_strided_slice %div3A_21 {offsets = [61, 0], sizes = [1, 1], strides = [1, 1]} : vector<64x8xf32> to vector<1x1xf32>
    %get3A_1789 = arith.constant 0 : index
    %get3A_1790 = arith.constant 0 : index
    %get3A_1791 = arith.constant 0 : index
    %get3A_1792 = vector.load %arg186[%get3A_1789, %get3A_1790, %get3A_1791] : memref<1x64x96xf32, #tpu.memory_space<vmem>>, vector<1x64x96xf32>
    %get3A_1793 = vector.shape_cast %get3A_1792 : vector<1x64x96xf32> to vector<64x96xf32>
    %mul3A_1794 = vector.broadcast %slice3A_1788 : vector<1x1xf32> to vector<64x96xf32>
    %mul3A_1795 = arith.mulf %mul3A_1794, %get3A_1793 : vector<64x96xf32>
    %add3A_1796 = arith.constant 0.000000e+00 : f32
    %add3A_1797 = vector.broadcast %add3A_1796 : f32 to vector<64x96xf32>
    %add3A_1798 = arith.addf %add3A_1797, %mul3A_1795 : vector<64x96xf32>
    %slice3A_1799 = vector.extract_strided_slice %div3A_21 {offsets = [61, 1], sizes = [1, 1], strides = [1, 1]} : vector<64x8xf32> to vector<1x1xf32>
    %get3A_1800 = arith.constant 0 : index
    %get3A_1801 = arith.constant 0 : index
    %get3A_1802 = arith.constant 0 : index
    %get3A_1803 = vector.load %arg187[%get3A_1800, %get3A_1801, %get3A_1802] : memref<1x64x96xf32, #tpu.memory_space<vmem>>, vector<1x64x96xf32>
    %get3A_1804 = vector.shape_cast %get3A_1803 : vector<1x64x96xf32> to vector<64x96xf32>
    %mul3A_1805 = vector.broadcast %slice3A_1799 : vector<1x1xf32> to vector<64x96xf32>
    %mul3A_1806 = arith.mulf %mul3A_1805, %get3A_1804 : vector<64x96xf32>
    %add3A_1807 = arith.addf %add3A_1798, %mul3A_1806 : vector<64x96xf32>
    %slice3A_1808 = vector.extract_strided_slice %div3A_21 {offsets = [61, 2], sizes = [1, 1], strides = [1, 1]} : vector<64x8xf32> to vector<1x1xf32>
    %get3A_1809 = arith.constant 0 : index
    %get3A_1810 = arith.constant 0 : index
    %get3A_1811 = arith.constant 0 : index
    %get3A_1812 = vector.load %arg188[%get3A_1809, %get3A_1810, %get3A_1811] : memref<1x64x96xf32, #tpu.memory_space<vmem>>, vector<1x64x96xf32>
    %get3A_1813 = vector.shape_cast %get3A_1812 : vector<1x64x96xf32> to vector<64x96xf32>
    %mul3A_1814 = vector.broadcast %slice3A_1808 : vector<1x1xf32> to vector<64x96xf32>
    %mul3A_1815 = arith.mulf %mul3A_1814, %get3A_1813 : vector<64x96xf32>
    %add3A_1816 = arith.addf %add3A_1807, %mul3A_1815 : vector<64x96xf32>
    %slice3A_1817 = vector.extract_strided_slice %div3A_21 {offsets = [62, 0], sizes = [1, 1], strides = [1, 1]} : vector<64x8xf32> to vector<1x1xf32>
    %get3A_1818 = arith.constant 0 : index
    %get3A_1819 = arith.constant 0 : index
    %get3A_1820 = arith.constant 0 : index
    %get3A_1821 = vector.load %arg189[%get3A_1818, %get3A_1819, %get3A_1820] : memref<1x64x96xf32, #tpu.memory_space<vmem>>, vector<1x64x96xf32>
    %get3A_1822 = vector.shape_cast %get3A_1821 : vector<1x64x96xf32> to vector<64x96xf32>
    %mul3A_1823 = vector.broadcast %slice3A_1817 : vector<1x1xf32> to vector<64x96xf32>
    %mul3A_1824 = arith.mulf %mul3A_1823, %get3A_1822 : vector<64x96xf32>
    %add3A_1825 = arith.constant 0.000000e+00 : f32
    %add3A_1826 = vector.broadcast %add3A_1825 : f32 to vector<64x96xf32>
    %add3A_1827 = arith.addf %add3A_1826, %mul3A_1824 : vector<64x96xf32>
    %slice3A_1828 = vector.extract_strided_slice %div3A_21 {offsets = [62, 1], sizes = [1, 1], strides = [1, 1]} : vector<64x8xf32> to vector<1x1xf32>
    %get3A_1829 = arith.constant 0 : index
    %get3A_1830 = arith.constant 0 : index
    %get3A_1831 = arith.constant 0 : index
    %get3A_1832 = vector.load %arg190[%get3A_1829, %get3A_1830, %get3A_1831] : memref<1x64x96xf32, #tpu.memory_space<vmem>>, vector<1x64x96xf32>
    %get3A_1833 = vector.shape_cast %get3A_1832 : vector<1x64x96xf32> to vector<64x96xf32>
    %mul3A_1834 = vector.broadcast %slice3A_1828 : vector<1x1xf32> to vector<64x96xf32>
    %mul3A_1835 = arith.mulf %mul3A_1834, %get3A_1833 : vector<64x96xf32>
    %add3A_1836 = arith.addf %add3A_1827, %mul3A_1835 : vector<64x96xf32>
    %slice3A_1837 = vector.extract_strided_slice %div3A_21 {offsets = [62, 2], sizes = [1, 1], strides = [1, 1]} : vector<64x8xf32> to vector<1x1xf32>
    %get3A_1838 = arith.constant 0 : index
    %get3A_1839 = arith.constant 0 : index
    %get3A_1840 = arith.constant 0 : index
    %get3A_1841 = vector.load %arg191[%get3A_1838, %get3A_1839, %get3A_1840] : memref<1x64x96xf32, #tpu.memory_space<vmem>>, vector<1x64x96xf32>
    %get3A_1842 = vector.shape_cast %get3A_1841 : vector<1x64x96xf32> to vector<64x96xf32>
    %mul3A_1843 = vector.broadcast %slice3A_1837 : vector<1x1xf32> to vector<64x96xf32>
    %mul3A_1844 = arith.mulf %mul3A_1843, %get3A_1842 : vector<64x96xf32>
    %add3A_1845 = arith.addf %add3A_1836, %mul3A_1844 : vector<64x96xf32>
    %slice3A_1846 = vector.extract_strided_slice %div3A_21 {offsets = [63, 0], sizes = [1, 1], strides = [1, 1]} : vector<64x8xf32> to vector<1x1xf32>
    %get3A_1847 = arith.constant 0 : index
    %get3A_1848 = arith.constant 0 : index
    %get3A_1849 = arith.constant 0 : index
    %get3A_1850 = vector.load %arg192[%get3A_1847, %get3A_1848, %get3A_1849] : memref<1x64x96xf32, #tpu.memory_space<vmem>>, vector<1x64x96xf32>
    %get3A_1851 = vector.shape_cast %get3A_1850 : vector<1x64x96xf32> to vector<64x96xf32>
    %mul3A_1852 = vector.broadcast %slice3A_1846 : vector<1x1xf32> to vector<64x96xf32>
    %mul3A_1853 = arith.mulf %mul3A_1852, %get3A_1851 : vector<64x96xf32>
    %add3A_1854 = arith.constant 0.000000e+00 : f32
    %add3A_1855 = vector.broadcast %add3A_1854 : f32 to vector<64x96xf32>
    %add3A_1856 = arith.addf %add3A_1855, %mul3A_1853 : vector<64x96xf32>
    %slice3A_1857 = vector.extract_strided_slice %div3A_21 {offsets = [63, 1], sizes = [1, 1], strides = [1, 1]} : vector<64x8xf32> to vector<1x1xf32>
    %get3A_1858 = arith.constant 0 : index
    %get3A_1859 = arith.constant 0 : index
    %get3A_1860 = arith.constant 0 : index
    %get3A_1861 = vector.load %arg193[%get3A_1858, %get3A_1859, %get3A_1860] : memref<1x64x96xf32, #tpu.memory_space<vmem>>, vector<1x64x96xf32>
    %get3A_1862 = vector.shape_cast %get3A_1861 : vector<1x64x96xf32> to vector<64x96xf32>
    %mul3A_1863 = vector.broadcast %slice3A_1857 : vector<1x1xf32> to vector<64x96xf32>
    %mul3A_1864 = arith.mulf %mul3A_1863, %get3A_1862 : vector<64x96xf32>
    %add3A_1865 = arith.addf %add3A_1856, %mul3A_1864 : vector<64x96xf32>
    %slice3A_1866 = vector.extract_strided_slice %div3A_21 {offsets = [63, 2], sizes = [1, 1], strides = [1, 1]} : vector<64x8xf32> to vector<1x1xf32>
    %get3A_1867 = arith.constant 0 : index
    %get3A_1868 = arith.constant 0 : index
    %get3A_1869 = arith.constant 0 : index
    %get3A_1870 = vector.load %arg194[%get3A_1867, %get3A_1868, %get3A_1869] : memref<1x64x96xf32, #tpu.memory_space<vmem>>, vector<1x64x96xf32>
    %get3A_1871 = vector.shape_cast %get3A_1870 : vector<1x64x96xf32> to vector<64x96xf32>
    %mul3A_1872 = vector.broadcast %slice3A_1866 : vector<1x1xf32> to vector<64x96xf32>
    %mul3A_1873 = arith.mulf %mul3A_1872, %get3A_1871 : vector<64x96xf32>
    %add3A_1874 = arith.addf %add3A_1865, %mul3A_1873 : vector<64x96xf32>
    %concatenate3A = tpu.concatenate %add3A_47, %add3A_76, %add3A_105, %add3A_134, %add3A_163, %add3A_192, %add3A_221, %add3A_250, %add3A_279, %add3A_308, %add3A_337, %add3A_366, %add3A_395, %add3A_424, %add3A_453, %add3A_482, %add3A_511, %add3A_540, %add3A_569, %add3A_598, %add3A_627, %add3A_656, %add3A_685, %add3A_714, %add3A_743, %add3A_772, %add3A_801, %add3A_830, %add3A_859, %add3A_888, %add3A_917, %add3A_946, %add3A_975, %add3A_1004, %add3A_1033, %add3A_1062, %add3A_1091, %add3A_1120, %add3A_1149, %add3A_1178, %add3A_1207, %add3A_1236, %add3A_1265, %add3A_1294, %add3A_1323, %add3A_1352, %add3A_1381, %add3A_1410, %add3A_1439, %add3A_1468, %add3A_1497, %add3A_1526, %add3A_1555, %add3A_1584, %add3A_1613, %add3A_1642, %add3A_1671, %add3A_1700, %add3A_1729, %add3A_1758, %add3A_1787, %add3A_1816, %add3A_1845, %add3A_1874 in 0 : vector<64x96xf32>, vector<64x96xf32>, vector<64x96xf32>, vector<64x96xf32>, vector<64x96xf32>, vector<64x96xf32>, vector<64x96xf32>, vector<64x96xf32>, vector<64x96xf32>, vector<64x96xf32>, vector<64x96xf32>, vector<64x96xf32>, vector<64x96xf32>, vector<64x96xf32>, vector<64x96xf32>, vector<64x96xf32>, vector<64x96xf32>, vector<64x96xf32>, vector<64x96xf32>, vector<64x96xf32>, vector<64x96xf32>, vector<64x96xf32>, vector<64x96xf32>, vector<64x96xf32>, vector<64x96xf32>, vector<64x96xf32>, vector<64x96xf32>, vector<64x96xf32>, vector<64x96xf32>, vector<64x96xf32>, vector<64x96xf32>, vector<64x96xf32>, vector<64x96xf32>, vector<64x96xf32>, vector<64x96xf32>, vector<64x96xf32>, vector<64x96xf32>, vector<64x96xf32>, vector<64x96xf32>, vector<64x96xf32>, vector<64x96xf32>, vector<64x96xf32>, vector<64x96xf32>, vector<64x96xf32>, vector<64x96xf32>, vector<64x96xf32>, vector<64x96xf32>, vector<64x96xf32>, vector<64x96xf32>, vector<64x96xf32>, vector<64x96xf32>, vector<64x96xf32>, vector<64x96xf32>, vector<64x96xf32>, vector<64x96xf32>, vector<64x96xf32>, vector<64x96xf32>, vector<64x96xf32>, vector<64x96xf32>, vector<64x96xf32>, vector<64x96xf32>, vector<64x96xf32>, vector<64x96xf32>, vector<64x96xf32> -> vector<4096x96xf32>
    %get3A_1875 = arith.constant 0 : index
    %get3A_1876 = arith.constant 0 : index
    %get3A_1877 = vector.load %arg196[%get3A_1875, %get3A_1876] : memref<384x96xf32, #tpu.memory_space<vmem>>, vector<384x96xf32>
    %get3A_1878 = arith.constant 0 : index
    %get3A_1879 = arith.constant 0 : index
    %get3A_1880 = vector.load %arg197[%get3A_1878, %get3A_1879] : memref<16x96xf32, #tpu.memory_space<vmem>>, vector<16x96xf32>
    %slice3A_1881 = vector.extract_strided_slice %get3A_1877 {offsets = [0, 0], sizes = [96, 96], strides = [1, 1]} : vector<384x96xf32> to vector<96x96xf32>
    %dot_general3A = arith.constant dense<0.000000e+00> : vector<4096x96xf32>
    %dot_general3A_1882 = tpu.matmul %reshape3A, %slice3A_1881, %dot_general3A {dimension_numbers = #tpu.dot_dimension_numbers<[1], [1], [0], [0], [0, 0, 1, 0], [], []>, transpose_lhs_hint = false} : vector<4096x96xf32>, vector<96x96xf32>, vector<4096x96xf32> -> vector<4096x96xf32>
    %slice3A_1883 = vector.extract_strided_slice %get3A_1880 {offsets = [0, 0], sizes = [1, 96], strides = [1, 1]} : vector<16x96xf32> to vector<1x96xf32>
    %add3A_1884 = vector.broadcast %slice3A_1883 : vector<1x96xf32> to vector<4096x96xf32>
    %add3A_1885 = arith.addf %dot_general3A_1882, %add3A_1884 : vector<4096x96xf32>
    %slice3A_1886 = vector.extract_strided_slice %get3A_1877 {offsets = [96, 0], sizes = [96, 96], strides = [1, 1]} : vector<384x96xf32> to vector<96x96xf32>
    %dot_general3A_1887 = arith.constant dense<0.000000e+00> : vector<4096x96xf32>
    %dot_general3A_1888 = tpu.matmul %concatenate3A, %slice3A_1886, %dot_general3A_1887 {dimension_numbers = #tpu.dot_dimension_numbers<[1], [1], [0], [0], [0, 0, 1, 0], [], []>, transpose_lhs_hint = false} : vector<4096x96xf32>, vector<96x96xf32>, vector<4096x96xf32> -> vector<4096x96xf32>
    %slice3A_1889 = vector.extract_strided_slice %get3A_1880 {offsets = [1, 0], sizes = [1, 96], strides = [1, 1]} : vector<16x96xf32> to vector<1x96xf32>
    %add3A_1890 = vector.broadcast %slice3A_1889 : vector<1x96xf32> to vector<4096x96xf32>
    %add3A_1891 = arith.addf %dot_general3A_1888, %add3A_1890 : vector<4096x96xf32>
    %slice3A_1892 = vector.extract_strided_slice %get3A_1877 {offsets = [192, 0], sizes = [96, 96], strides = [1, 1]} : vector<384x96xf32> to vector<96x96xf32>
    %dot_general3A_1893 = arith.constant dense<0.000000e+00> : vector<4096x96xf32>
    %dot_general3A_1894 = tpu.matmul %concatenate3A, %slice3A_1892, %dot_general3A_1893 {dimension_numbers = #tpu.dot_dimension_numbers<[1], [1], [0], [0], [0, 0, 1, 0], [], []>, transpose_lhs_hint = false} : vector<4096x96xf32>, vector<96x96xf32>, vector<4096x96xf32> -> vector<4096x96xf32>
    %slice3A_1895 = vector.extract_strided_slice %get3A_1880 {offsets = [2, 0], sizes = [1, 96], strides = [1, 1]} : vector<16x96xf32> to vector<1x96xf32>
    %add3A_1896 = vector.broadcast %slice3A_1895 : vector<1x96xf32> to vector<4096x96xf32>
    %add3A_1897 = arith.addf %dot_general3A_1894, %add3A_1896 : vector<4096x96xf32>
    %iota3A_1898 = tpu.iota {dimensions = array<i32: 0>} : vector<4096x1xi32>
    %jit3A_1899 = arith.constant 64 : i32
    %eq3A = arith.constant 0 : i32
    %eq3A_1900 = arith.cmpi eq, %jit3A_1899, %eq3A : i32
    %jit3A_1901 = arith.constant 1 : i32
    %select_n3A_1902 = arith.select %eq3A_1900, %jit3A_1901, %jit3A_1899 : i32
    %rem3A = vector.broadcast %select_n3A_1902 : i32 to vector<4096x1xi32>
    %rem3A_1903 = arith.remsi %iota3A_1898, %rem3A : vector<4096x1xi32>
    %ne3A = arith.constant 0 : i32
    %ne3A_1904 = vector.broadcast %ne3A : i32 to vector<4096x1xi32>
    %ne3A_1905 = arith.cmpi ne, %rem3A_1903, %ne3A_1904 : vector<4096x1xi32>
    %lt3A_1906 = arith.constant 0 : i32
    %lt3A_1907 = vector.broadcast %lt3A_1906 : i32 to vector<4096x1xi32>
    %lt3A_1908 = arith.cmpi slt, %rem3A_1903, %lt3A_1907 : vector<4096x1xi32>
    %lt3A_1909 = arith.constant 0 : i32
    %lt3A_1910 = arith.cmpi slt, %select_n3A_1902, %lt3A_1909 : i32
    %ne3A_1911 = vector.broadcast %lt3A_1910 : i1 to vector<4096x1xi1>
    %ne3A_1912 = vector.broadcast %ne3A_1911 : vector<4096x1xi1> to vector<4096x1xi1>
    %ne3A_1913 = arith.xori %lt3A_1908, %ne3A_1912 : vector<4096x1xi1>
    %and3A = arith.andi %ne3A_1913, %ne3A_1905 : vector<4096x1xi1>
    %add3A_1914 = vector.broadcast %select_n3A_1902 : i32 to vector<4096x1xi32>
    %add3A_1915 = arith.addi %rem3A_1903, %add3A_1914 : vector<4096x1xi32>
    %select_n3A_1916 = arith.select %and3A, %add3A_1915, %rem3A_1903 : vector<4096x1xi1>, vector<4096x1xi32>
    %jit3A_1917 = arith.constant 8 : i32
    %div3A_1918 = vector.broadcast %jit3A_1917 : i32 to vector<4096x1xi32>
    %div3A_1919 = arith.divsi %select_n3A_1916, %div3A_1918 : vector<4096x1xi32>
    %sign3A = arith.constant 0 : i32
    %sign3A_1920 = vector.broadcast %sign3A : i32 to vector<4096x1xi32>
    %sign3A_1921 = arith.cmpi sgt, %select_n3A_1916, %sign3A_1920 : vector<4096x1xi32>
    %sign3A_1922 = arith.extui %sign3A_1921 : vector<4096x1xi1> to vector<4096x1xi32>
    %sign3A_1923 = arith.constant 0 : i32
    %sign3A_1924 = vector.broadcast %sign3A_1923 : i32 to vector<4096x1xi32>
    %sign3A_1925 = arith.cmpi slt, %select_n3A_1916, %sign3A_1924 : vector<4096x1xi32>
    %sign3A_1926 = arith.extui %sign3A_1925 : vector<4096x1xi1> to vector<4096x1xi32>
    %sign3A_1927 = arith.subi %sign3A_1922, %sign3A_1926 : vector<4096x1xi32>
    %sign3A_1928 = arith.constant 0 : i32
    %sign3A_1929 = arith.cmpi sgt, %jit3A_1917, %sign3A_1928 : i32
    %sign3A_1930 = arith.extui %sign3A_1929 : i1 to i32
    %sign3A_1931 = arith.constant 0 : i32
    %sign3A_1932 = arith.cmpi slt, %jit3A_1917, %sign3A_1931 : i32
    %sign3A_1933 = arith.extui %sign3A_1932 : i1 to i32
    %sign3A_1934 = arith.subi %sign3A_1930, %sign3A_1933 : i32
    %ne3A_1935 = vector.broadcast %sign3A_1934 : i32 to vector<4096x1xi32>
    %ne3A_1936 = arith.cmpi ne, %sign3A_1927, %ne3A_1935 : vector<4096x1xi32>
    %rem3A_1937 = vector.broadcast %jit3A_1917 : i32 to vector<4096x1xi32>
    %rem3A_1938 = arith.remsi %select_n3A_1916, %rem3A_1937 : vector<4096x1xi32>
    %ne3A_1939 = arith.constant 0 : i32
    %ne3A_1940 = vector.broadcast %ne3A_1939 : i32 to vector<4096x1xi32>
    %ne3A_1941 = arith.cmpi ne, %rem3A_1938, %ne3A_1940 : vector<4096x1xi32>
    %and3A_1942 = arith.andi %ne3A_1936, %ne3A_1941 : vector<4096x1xi1>
    %sub3A_1943 = arith.constant 1 : i32
    %sub3A_1944 = vector.broadcast %sub3A_1943 : i32 to vector<4096x1xi32>
    %sub3A_1945 = arith.subi %div3A_1919, %sub3A_1944 : vector<4096x1xi32>
    %select_n3A_1946 = arith.select %and3A_1942, %sub3A_1945, %div3A_1919 : vector<4096x1xi1>, vector<4096x1xi32>
    %jit3A_1947 = arith.constant 8 : i32
    %eq3A_1948 = arith.constant 0 : i32
    %eq3A_1949 = arith.cmpi eq, %jit3A_1947, %eq3A_1948 : i32
    %jit3A_1950 = arith.constant 1 : i32
    %select_n3A_1951 = arith.select %eq3A_1949, %jit3A_1950, %jit3A_1947 : i32
    %rem3A_1952 = vector.broadcast %select_n3A_1951 : i32 to vector<4096x1xi32>
    %rem3A_1953 = arith.remsi %iota3A_1898, %rem3A_1952 : vector<4096x1xi32>
    %ne3A_1954 = arith.constant 0 : i32
    %ne3A_1955 = vector.broadcast %ne3A_1954 : i32 to vector<4096x1xi32>
    %ne3A_1956 = arith.cmpi ne, %rem3A_1953, %ne3A_1955 : vector<4096x1xi32>
    %lt3A_1957 = arith.constant 0 : i32
    %lt3A_1958 = vector.broadcast %lt3A_1957 : i32 to vector<4096x1xi32>
    %lt3A_1959 = arith.cmpi slt, %rem3A_1953, %lt3A_1958 : vector<4096x1xi32>
    %lt3A_1960 = arith.constant 0 : i32
    %lt3A_1961 = arith.cmpi slt, %select_n3A_1951, %lt3A_1960 : i32
    %ne3A_1962 = vector.broadcast %lt3A_1961 : i1 to vector<4096x1xi1>
    %ne3A_1963 = vector.broadcast %ne3A_1962 : vector<4096x1xi1> to vector<4096x1xi1>
    %ne3A_1964 = arith.xori %lt3A_1959, %ne3A_1963 : vector<4096x1xi1>
    %and3A_1965 = arith.andi %ne3A_1964, %ne3A_1956 : vector<4096x1xi1>
    %add3A_1966 = vector.broadcast %select_n3A_1951 : i32 to vector<4096x1xi32>
    %add3A_1967 = arith.addi %rem3A_1953, %add3A_1966 : vector<4096x1xi32>
    %select_n3A_1968 = arith.select %and3A_1965, %add3A_1967, %rem3A_1953 : vector<4096x1xi1>, vector<4096x1xi32>
    %broadcast_in_dim3A_1969 = arith.constant 0.000000e+00 : f32
    %broadcast_in_dim3A_1970 = vector.broadcast %broadcast_in_dim3A_1969 : f32 to vector<4096x96xf32>
    %slice3A_1971 = vector.extract_strided_slice %reshape3A {offsets = [4087, 0], sizes = [9, 96], strides = [1, 1]} : vector<4096x96xf32> to vector<9x96xf32>
    %slice3A_1972 = vector.extract_strided_slice %reshape3A {offsets = [0, 0], sizes = [4087, 96], strides = [1, 1]} : vector<4096x96xf32> to vector<4087x96xf32>
    %concatenate3A_1973 = tpu.concatenate %slice3A_1971, %slice3A_1972 in 0 : vector<9x96xf32>, vector<4087x96xf32> -> vector<4096x96xf32>
    %add3A_1974 = arith.constant -1 : i32
    %add3A_1975 = vector.broadcast %add3A_1974 : i32 to vector<4096x1xi32>
    %add3A_1976 = arith.addi %select_n3A_1946, %add3A_1975 : vector<4096x1xi32>
    %ge3A = arith.constant 0 : i32
    %ge3A_1977 = vector.broadcast %ge3A : i32 to vector<4096x1xi32>
    %ge3A_1978 = arith.cmpi sge, %add3A_1976, %ge3A_1977 : vector<4096x1xi32>
    %add3A_1979 = arith.constant -1 : i32
    %add3A_1980 = vector.broadcast %add3A_1979 : i32 to vector<4096x1xi32>
    %add3A_1981 = arith.addi %select_n3A_1946, %add3A_1980 : vector<4096x1xi32>
    %lt3A_1982 = arith.constant 8 : i32
    %lt3A_1983 = vector.broadcast %lt3A_1982 : i32 to vector<4096x1xi32>
    %lt3A_1984 = arith.cmpi slt, %add3A_1981, %lt3A_1983 : vector<4096x1xi32>
    %and3A_1985 = arith.andi %ge3A_1978, %lt3A_1984 : vector<4096x1xi1>
    %add3A_1986 = arith.constant -1 : i32
    %add3A_1987 = vector.broadcast %add3A_1986 : i32 to vector<4096x1xi32>
    %add3A_1988 = arith.addi %select_n3A_1968, %add3A_1987 : vector<4096x1xi32>
    %ge3A_1989 = arith.constant 0 : i32
    %ge3A_1990 = vector.broadcast %ge3A_1989 : i32 to vector<4096x1xi32>
    %ge3A_1991 = arith.cmpi sge, %add3A_1988, %ge3A_1990 : vector<4096x1xi32>
    %and3A_1992 = arith.andi %and3A_1985, %ge3A_1991 : vector<4096x1xi1>
    %add3A_1993 = arith.constant -1 : i32
    %add3A_1994 = vector.broadcast %add3A_1993 : i32 to vector<4096x1xi32>
    %add3A_1995 = arith.addi %select_n3A_1968, %add3A_1994 : vector<4096x1xi32>
    %lt3A_1996 = arith.constant 8 : i32
    %lt3A_1997 = vector.broadcast %lt3A_1996 : i32 to vector<4096x1xi32>
    %lt3A_1998 = arith.cmpi slt, %add3A_1995, %lt3A_1997 : vector<4096x1xi32>
    %and3A_1999 = arith.andi %and3A_1992, %lt3A_1998 : vector<4096x1xi1>
    %jit3A_2000 = arith.constant 0.000000e+00 : f32
    %broadcast_in_dim3A_2001 = vector.shape_cast %and3A_1999 : vector<4096x1xi1> to vector<4096x1xi1>
    %broadcast_in_dim3A_2002 = vector.broadcast %broadcast_in_dim3A_2001 : vector<4096x1xi1> to vector<4096x96xi1>
    %broadcast_in_dim3A_2003 = vector.broadcast %jit3A_2000 : f32 to vector<4096x96xf32>
    %select_n3A_2004 = arith.select %broadcast_in_dim3A_2002, %concatenate3A_1973, %broadcast_in_dim3A_2003 : vector<4096x96xi1>, vector<4096x96xf32>
    %slice3A_2005 = vector.extract_strided_slice %get3A_1880 {offsets = [4, 0], sizes = [1, 96], strides = [1, 1]} : vector<16x96xf32> to vector<1x96xf32>
    %mul3A_2006 = vector.broadcast %slice3A_2005 : vector<1x96xf32> to vector<4096x96xf32>
    %mul3A_2007 = arith.mulf %select_n3A_2004, %mul3A_2006 : vector<4096x96xf32>
    %add3A_2008 = arith.addf %broadcast_in_dim3A_1970, %mul3A_2007 : vector<4096x96xf32>
    %slice3A_2009 = vector.extract_strided_slice %reshape3A {offsets = [4088, 0], sizes = [8, 96], strides = [1, 1]} : vector<4096x96xf32> to vector<8x96xf32>
    %slice3A_2010 = vector.extract_strided_slice %reshape3A {offsets = [0, 0], sizes = [4088, 96], strides = [1, 1]} : vector<4096x96xf32> to vector<4088x96xf32>
    %concatenate3A_2011 = tpu.concatenate %slice3A_2009, %slice3A_2010 in 0 : vector<8x96xf32>, vector<4088x96xf32> -> vector<4096x96xf32>
    %add3A_2012 = arith.constant -1 : i32
    %add3A_2013 = vector.broadcast %add3A_2012 : i32 to vector<4096x1xi32>
    %add3A_2014 = arith.addi %select_n3A_1946, %add3A_2013 : vector<4096x1xi32>
    %ge3A_2015 = arith.constant 0 : i32
    %ge3A_2016 = vector.broadcast %ge3A_2015 : i32 to vector<4096x1xi32>
    %ge3A_2017 = arith.cmpi sge, %add3A_2014, %ge3A_2016 : vector<4096x1xi32>
    %add3A_2018 = arith.constant -1 : i32
    %add3A_2019 = vector.broadcast %add3A_2018 : i32 to vector<4096x1xi32>
    %add3A_2020 = arith.addi %select_n3A_1946, %add3A_2019 : vector<4096x1xi32>
    %lt3A_2021 = arith.constant 8 : i32
    %lt3A_2022 = vector.broadcast %lt3A_2021 : i32 to vector<4096x1xi32>
    %lt3A_2023 = arith.cmpi slt, %add3A_2020, %lt3A_2022 : vector<4096x1xi32>
    %and3A_2024 = arith.andi %ge3A_2017, %lt3A_2023 : vector<4096x1xi1>
    %add3A_2025 = arith.constant 0 : i32
    %add3A_2026 = vector.broadcast %add3A_2025 : i32 to vector<4096x1xi32>
    %add3A_2027 = arith.addi %select_n3A_1968, %add3A_2026 : vector<4096x1xi32>
    %ge3A_2028 = arith.constant 0 : i32
    %ge3A_2029 = vector.broadcast %ge3A_2028 : i32 to vector<4096x1xi32>
    %ge3A_2030 = arith.cmpi sge, %add3A_2027, %ge3A_2029 : vector<4096x1xi32>
    %and3A_2031 = arith.andi %and3A_2024, %ge3A_2030 : vector<4096x1xi1>
    %add3A_2032 = arith.constant 0 : i32
    %add3A_2033 = vector.broadcast %add3A_2032 : i32 to vector<4096x1xi32>
    %add3A_2034 = arith.addi %select_n3A_1968, %add3A_2033 : vector<4096x1xi32>
    %lt3A_2035 = arith.constant 8 : i32
    %lt3A_2036 = vector.broadcast %lt3A_2035 : i32 to vector<4096x1xi32>
    %lt3A_2037 = arith.cmpi slt, %add3A_2034, %lt3A_2036 : vector<4096x1xi32>
    %and3A_2038 = arith.andi %and3A_2031, %lt3A_2037 : vector<4096x1xi1>
    %jit3A_2039 = arith.constant 0.000000e+00 : f32
    %broadcast_in_dim3A_2040 = vector.shape_cast %and3A_2038 : vector<4096x1xi1> to vector<4096x1xi1>
    %broadcast_in_dim3A_2041 = vector.broadcast %broadcast_in_dim3A_2040 : vector<4096x1xi1> to vector<4096x96xi1>
    %broadcast_in_dim3A_2042 = vector.broadcast %jit3A_2039 : f32 to vector<4096x96xf32>
    %select_n3A_2043 = arith.select %broadcast_in_dim3A_2041, %concatenate3A_2011, %broadcast_in_dim3A_2042 : vector<4096x96xi1>, vector<4096x96xf32>
    %slice3A_2044 = vector.extract_strided_slice %get3A_1880 {offsets = [5, 0], sizes = [1, 96], strides = [1, 1]} : vector<16x96xf32> to vector<1x96xf32>
    %mul3A_2045 = vector.broadcast %slice3A_2044 : vector<1x96xf32> to vector<4096x96xf32>
    %mul3A_2046 = arith.mulf %select_n3A_2043, %mul3A_2045 : vector<4096x96xf32>
    %add3A_2047 = arith.addf %add3A_2008, %mul3A_2046 : vector<4096x96xf32>
    %slice3A_2048 = vector.extract_strided_slice %reshape3A {offsets = [4089, 0], sizes = [7, 96], strides = [1, 1]} : vector<4096x96xf32> to vector<7x96xf32>
    %slice3A_2049 = vector.extract_strided_slice %reshape3A {offsets = [0, 0], sizes = [4089, 96], strides = [1, 1]} : vector<4096x96xf32> to vector<4089x96xf32>
    %concatenate3A_2050 = tpu.concatenate %slice3A_2048, %slice3A_2049 in 0 : vector<7x96xf32>, vector<4089x96xf32> -> vector<4096x96xf32>
    %add3A_2051 = arith.constant -1 : i32
    %add3A_2052 = vector.broadcast %add3A_2051 : i32 to vector<4096x1xi32>
    %add3A_2053 = arith.addi %select_n3A_1946, %add3A_2052 : vector<4096x1xi32>
    %ge3A_2054 = arith.constant 0 : i32
    %ge3A_2055 = vector.broadcast %ge3A_2054 : i32 to vector<4096x1xi32>
    %ge3A_2056 = arith.cmpi sge, %add3A_2053, %ge3A_2055 : vector<4096x1xi32>
    %add3A_2057 = arith.constant -1 : i32
    %add3A_2058 = vector.broadcast %add3A_2057 : i32 to vector<4096x1xi32>
    %add3A_2059 = arith.addi %select_n3A_1946, %add3A_2058 : vector<4096x1xi32>
    %lt3A_2060 = arith.constant 8 : i32
    %lt3A_2061 = vector.broadcast %lt3A_2060 : i32 to vector<4096x1xi32>
    %lt3A_2062 = arith.cmpi slt, %add3A_2059, %lt3A_2061 : vector<4096x1xi32>
    %and3A_2063 = arith.andi %ge3A_2056, %lt3A_2062 : vector<4096x1xi1>
    %add3A_2064 = arith.constant 1 : i32
    %add3A_2065 = vector.broadcast %add3A_2064 : i32 to vector<4096x1xi32>
    %add3A_2066 = arith.addi %select_n3A_1968, %add3A_2065 : vector<4096x1xi32>
    %ge3A_2067 = arith.constant 0 : i32
    %ge3A_2068 = vector.broadcast %ge3A_2067 : i32 to vector<4096x1xi32>
    %ge3A_2069 = arith.cmpi sge, %add3A_2066, %ge3A_2068 : vector<4096x1xi32>
    %and3A_2070 = arith.andi %and3A_2063, %ge3A_2069 : vector<4096x1xi1>
    %add3A_2071 = arith.constant 1 : i32
    %add3A_2072 = vector.broadcast %add3A_2071 : i32 to vector<4096x1xi32>
    %add3A_2073 = arith.addi %select_n3A_1968, %add3A_2072 : vector<4096x1xi32>
    %lt3A_2074 = arith.constant 8 : i32
    %lt3A_2075 = vector.broadcast %lt3A_2074 : i32 to vector<4096x1xi32>
    %lt3A_2076 = arith.cmpi slt, %add3A_2073, %lt3A_2075 : vector<4096x1xi32>
    %and3A_2077 = arith.andi %and3A_2070, %lt3A_2076 : vector<4096x1xi1>
    %jit3A_2078 = arith.constant 0.000000e+00 : f32
    %broadcast_in_dim3A_2079 = vector.shape_cast %and3A_2077 : vector<4096x1xi1> to vector<4096x1xi1>
    %broadcast_in_dim3A_2080 = vector.broadcast %broadcast_in_dim3A_2079 : vector<4096x1xi1> to vector<4096x96xi1>
    %broadcast_in_dim3A_2081 = vector.broadcast %jit3A_2078 : f32 to vector<4096x96xf32>
    %select_n3A_2082 = arith.select %broadcast_in_dim3A_2080, %concatenate3A_2050, %broadcast_in_dim3A_2081 : vector<4096x96xi1>, vector<4096x96xf32>
    %slice3A_2083 = vector.extract_strided_slice %get3A_1880 {offsets = [6, 0], sizes = [1, 96], strides = [1, 1]} : vector<16x96xf32> to vector<1x96xf32>
    %mul3A_2084 = vector.broadcast %slice3A_2083 : vector<1x96xf32> to vector<4096x96xf32>
    %mul3A_2085 = arith.mulf %select_n3A_2082, %mul3A_2084 : vector<4096x96xf32>
    %add3A_2086 = arith.addf %add3A_2047, %mul3A_2085 : vector<4096x96xf32>
    %slice3A_2087 = vector.extract_strided_slice %reshape3A {offsets = [4095, 0], sizes = [1, 96], strides = [1, 1]} : vector<4096x96xf32> to vector<1x96xf32>
    %slice3A_2088 = vector.extract_strided_slice %reshape3A {offsets = [0, 0], sizes = [4095, 96], strides = [1, 1]} : vector<4096x96xf32> to vector<4095x96xf32>
    %concatenate3A_2089 = tpu.concatenate %slice3A_2087, %slice3A_2088 in 0 : vector<1x96xf32>, vector<4095x96xf32> -> vector<4096x96xf32>
    %add3A_2090 = arith.constant 0 : i32
    %add3A_2091 = vector.broadcast %add3A_2090 : i32 to vector<4096x1xi32>
    %add3A_2092 = arith.addi %select_n3A_1946, %add3A_2091 : vector<4096x1xi32>
    %ge3A_2093 = arith.constant 0 : i32
    %ge3A_2094 = vector.broadcast %ge3A_2093 : i32 to vector<4096x1xi32>
    %ge3A_2095 = arith.cmpi sge, %add3A_2092, %ge3A_2094 : vector<4096x1xi32>
    %add3A_2096 = arith.constant 0 : i32
    %add3A_2097 = vector.broadcast %add3A_2096 : i32 to vector<4096x1xi32>
    %add3A_2098 = arith.addi %select_n3A_1946, %add3A_2097 : vector<4096x1xi32>
    %lt3A_2099 = arith.constant 8 : i32
    %lt3A_2100 = vector.broadcast %lt3A_2099 : i32 to vector<4096x1xi32>
    %lt3A_2101 = arith.cmpi slt, %add3A_2098, %lt3A_2100 : vector<4096x1xi32>
    %and3A_2102 = arith.andi %ge3A_2095, %lt3A_2101 : vector<4096x1xi1>
    %add3A_2103 = arith.constant -1 : i32
    %add3A_2104 = vector.broadcast %add3A_2103 : i32 to vector<4096x1xi32>
    %add3A_2105 = arith.addi %select_n3A_1968, %add3A_2104 : vector<4096x1xi32>
    %ge3A_2106 = arith.constant 0 : i32
    %ge3A_2107 = vector.broadcast %ge3A_2106 : i32 to vector<4096x1xi32>
    %ge3A_2108 = arith.cmpi sge, %add3A_2105, %ge3A_2107 : vector<4096x1xi32>
    %and3A_2109 = arith.andi %and3A_2102, %ge3A_2108 : vector<4096x1xi1>
    %add3A_2110 = arith.constant -1 : i32
    %add3A_2111 = vector.broadcast %add3A_2110 : i32 to vector<4096x1xi32>
    %add3A_2112 = arith.addi %select_n3A_1968, %add3A_2111 : vector<4096x1xi32>
    %lt3A_2113 = arith.constant 8 : i32
    %lt3A_2114 = vector.broadcast %lt3A_2113 : i32 to vector<4096x1xi32>
    %lt3A_2115 = arith.cmpi slt, %add3A_2112, %lt3A_2114 : vector<4096x1xi32>
    %and3A_2116 = arith.andi %and3A_2109, %lt3A_2115 : vector<4096x1xi1>
    %jit3A_2117 = arith.constant 0.000000e+00 : f32
    %broadcast_in_dim3A_2118 = vector.shape_cast %and3A_2116 : vector<4096x1xi1> to vector<4096x1xi1>
    %broadcast_in_dim3A_2119 = vector.broadcast %broadcast_in_dim3A_2118 : vector<4096x1xi1> to vector<4096x96xi1>
    %broadcast_in_dim3A_2120 = vector.broadcast %jit3A_2117 : f32 to vector<4096x96xf32>
    %select_n3A_2121 = arith.select %broadcast_in_dim3A_2119, %concatenate3A_2089, %broadcast_in_dim3A_2120 : vector<4096x96xi1>, vector<4096x96xf32>
    %slice3A_2122 = vector.extract_strided_slice %get3A_1880 {offsets = [7, 0], sizes = [1, 96], strides = [1, 1]} : vector<16x96xf32> to vector<1x96xf32>
    %mul3A_2123 = vector.broadcast %slice3A_2122 : vector<1x96xf32> to vector<4096x96xf32>
    %mul3A_2124 = arith.mulf %select_n3A_2121, %mul3A_2123 : vector<4096x96xf32>
    %add3A_2125 = arith.addf %add3A_2086, %mul3A_2124 : vector<4096x96xf32>
    %add3A_2126 = arith.constant 0 : i32
    %add3A_2127 = vector.broadcast %add3A_2126 : i32 to vector<4096x1xi32>
    %add3A_2128 = arith.addi %select_n3A_1946, %add3A_2127 : vector<4096x1xi32>
    %ge3A_2129 = arith.constant 0 : i32
    %ge3A_2130 = vector.broadcast %ge3A_2129 : i32 to vector<4096x1xi32>
    %ge3A_2131 = arith.cmpi sge, %add3A_2128, %ge3A_2130 : vector<4096x1xi32>
    %add3A_2132 = arith.constant 0 : i32
    %add3A_2133 = vector.broadcast %add3A_2132 : i32 to vector<4096x1xi32>
    %add3A_2134 = arith.addi %select_n3A_1946, %add3A_2133 : vector<4096x1xi32>
    %lt3A_2135 = arith.constant 8 : i32
    %lt3A_2136 = vector.broadcast %lt3A_2135 : i32 to vector<4096x1xi32>
    %lt3A_2137 = arith.cmpi slt, %add3A_2134, %lt3A_2136 : vector<4096x1xi32>
    %and3A_2138 = arith.andi %ge3A_2131, %lt3A_2137 : vector<4096x1xi1>
    %add3A_2139 = arith.constant 0 : i32
    %add3A_2140 = vector.broadcast %add3A_2139 : i32 to vector<4096x1xi32>
    %add3A_2141 = arith.addi %select_n3A_1968, %add3A_2140 : vector<4096x1xi32>
    %ge3A_2142 = arith.constant 0 : i32
    %ge3A_2143 = vector.broadcast %ge3A_2142 : i32 to vector<4096x1xi32>
    %ge3A_2144 = arith.cmpi sge, %add3A_2141, %ge3A_2143 : vector<4096x1xi32>
    %and3A_2145 = arith.andi %and3A_2138, %ge3A_2144 : vector<4096x1xi1>
    %add3A_2146 = arith.constant 0 : i32
    %add3A_2147 = vector.broadcast %add3A_2146 : i32 to vector<4096x1xi32>
    %add3A_2148 = arith.addi %select_n3A_1968, %add3A_2147 : vector<4096x1xi32>
    %lt3A_2149 = arith.constant 8 : i32
    %lt3A_2150 = vector.broadcast %lt3A_2149 : i32 to vector<4096x1xi32>
    %lt3A_2151 = arith.cmpi slt, %add3A_2148, %lt3A_2150 : vector<4096x1xi32>
    %and3A_2152 = arith.andi %and3A_2145, %lt3A_2151 : vector<4096x1xi1>
    %jit3A_2153 = arith.constant 0.000000e+00 : f32
    %broadcast_in_dim3A_2154 = vector.shape_cast %and3A_2152 : vector<4096x1xi1> to vector<4096x1xi1>
    %broadcast_in_dim3A_2155 = vector.broadcast %broadcast_in_dim3A_2154 : vector<4096x1xi1> to vector<4096x96xi1>
    %broadcast_in_dim3A_2156 = vector.broadcast %jit3A_2153 : f32 to vector<4096x96xf32>
    %select_n3A_2157 = arith.select %broadcast_in_dim3A_2155, %reshape3A, %broadcast_in_dim3A_2156 : vector<4096x96xi1>, vector<4096x96xf32>
    %slice3A_2158 = vector.extract_strided_slice %get3A_1880 {offsets = [8, 0], sizes = [1, 96], strides = [1, 1]} : vector<16x96xf32> to vector<1x96xf32>
    %mul3A_2159 = vector.broadcast %slice3A_2158 : vector<1x96xf32> to vector<4096x96xf32>
    %mul3A_2160 = arith.mulf %select_n3A_2157, %mul3A_2159 : vector<4096x96xf32>
    %add3A_2161 = arith.addf %add3A_2125, %mul3A_2160 : vector<4096x96xf32>
    %slice3A_2162 = vector.extract_strided_slice %reshape3A {offsets = [1, 0], sizes = [4095, 96], strides = [1, 1]} : vector<4096x96xf32> to vector<4095x96xf32>
    %slice3A_2163 = vector.extract_strided_slice %reshape3A {offsets = [0, 0], sizes = [1, 96], strides = [1, 1]} : vector<4096x96xf32> to vector<1x96xf32>
    %concatenate3A_2164 = tpu.concatenate %slice3A_2162, %slice3A_2163 in 0 : vector<4095x96xf32>, vector<1x96xf32> -> vector<4096x96xf32>
    %add3A_2165 = arith.constant 0 : i32
    %add3A_2166 = vector.broadcast %add3A_2165 : i32 to vector<4096x1xi32>
    %add3A_2167 = arith.addi %select_n3A_1946, %add3A_2166 : vector<4096x1xi32>
    %ge3A_2168 = arith.constant 0 : i32
    %ge3A_2169 = vector.broadcast %ge3A_2168 : i32 to vector<4096x1xi32>
    %ge3A_2170 = arith.cmpi sge, %add3A_2167, %ge3A_2169 : vector<4096x1xi32>
    %add3A_2171 = arith.constant 0 : i32
    %add3A_2172 = vector.broadcast %add3A_2171 : i32 to vector<4096x1xi32>
    %add3A_2173 = arith.addi %select_n3A_1946, %add3A_2172 : vector<4096x1xi32>
    %lt3A_2174 = arith.constant 8 : i32
    %lt3A_2175 = vector.broadcast %lt3A_2174 : i32 to vector<4096x1xi32>
    %lt3A_2176 = arith.cmpi slt, %add3A_2173, %lt3A_2175 : vector<4096x1xi32>
    %and3A_2177 = arith.andi %ge3A_2170, %lt3A_2176 : vector<4096x1xi1>
    %add3A_2178 = arith.constant 1 : i32
    %add3A_2179 = vector.broadcast %add3A_2178 : i32 to vector<4096x1xi32>
    %add3A_2180 = arith.addi %select_n3A_1968, %add3A_2179 : vector<4096x1xi32>
    %ge3A_2181 = arith.constant 0 : i32
    %ge3A_2182 = vector.broadcast %ge3A_2181 : i32 to vector<4096x1xi32>
    %ge3A_2183 = arith.cmpi sge, %add3A_2180, %ge3A_2182 : vector<4096x1xi32>
    %and3A_2184 = arith.andi %and3A_2177, %ge3A_2183 : vector<4096x1xi1>
    %add3A_2185 = arith.constant 1 : i32
    %add3A_2186 = vector.broadcast %add3A_2185 : i32 to vector<4096x1xi32>
    %add3A_2187 = arith.addi %select_n3A_1968, %add3A_2186 : vector<4096x1xi32>
    %lt3A_2188 = arith.constant 8 : i32
    %lt3A_2189 = vector.broadcast %lt3A_2188 : i32 to vector<4096x1xi32>
    %lt3A_2190 = arith.cmpi slt, %add3A_2187, %lt3A_2189 : vector<4096x1xi32>
    %and3A_2191 = arith.andi %and3A_2184, %lt3A_2190 : vector<4096x1xi1>
    %jit3A_2192 = arith.constant 0.000000e+00 : f32
    %broadcast_in_dim3A_2193 = vector.shape_cast %and3A_2191 : vector<4096x1xi1> to vector<4096x1xi1>
    %broadcast_in_dim3A_2194 = vector.broadcast %broadcast_in_dim3A_2193 : vector<4096x1xi1> to vector<4096x96xi1>
    %broadcast_in_dim3A_2195 = vector.broadcast %jit3A_2192 : f32 to vector<4096x96xf32>
    %select_n3A_2196 = arith.select %broadcast_in_dim3A_2194, %concatenate3A_2164, %broadcast_in_dim3A_2195 : vector<4096x96xi1>, vector<4096x96xf32>
    %slice3A_2197 = vector.extract_strided_slice %get3A_1880 {offsets = [9, 0], sizes = [1, 96], strides = [1, 1]} : vector<16x96xf32> to vector<1x96xf32>
    %mul3A_2198 = vector.broadcast %slice3A_2197 : vector<1x96xf32> to vector<4096x96xf32>
    %mul3A_2199 = arith.mulf %select_n3A_2196, %mul3A_2198 : vector<4096x96xf32>
    %add3A_2200 = arith.addf %add3A_2161, %mul3A_2199 : vector<4096x96xf32>
    %slice3A_2201 = vector.extract_strided_slice %reshape3A {offsets = [7, 0], sizes = [4089, 96], strides = [1, 1]} : vector<4096x96xf32> to vector<4089x96xf32>
    %slice3A_2202 = vector.extract_strided_slice %reshape3A {offsets = [0, 0], sizes = [7, 96], strides = [1, 1]} : vector<4096x96xf32> to vector<7x96xf32>
    %concatenate3A_2203 = tpu.concatenate %slice3A_2201, %slice3A_2202 in 0 : vector<4089x96xf32>, vector<7x96xf32> -> vector<4096x96xf32>
    %add3A_2204 = arith.constant 1 : i32
    %add3A_2205 = vector.broadcast %add3A_2204 : i32 to vector<4096x1xi32>
    %add3A_2206 = arith.addi %select_n3A_1946, %add3A_2205 : vector<4096x1xi32>
    %ge3A_2207 = arith.constant 0 : i32
    %ge3A_2208 = vector.broadcast %ge3A_2207 : i32 to vector<4096x1xi32>
    %ge3A_2209 = arith.cmpi sge, %add3A_2206, %ge3A_2208 : vector<4096x1xi32>
    %add3A_2210 = arith.constant 1 : i32
    %add3A_2211 = vector.broadcast %add3A_2210 : i32 to vector<4096x1xi32>
    %add3A_2212 = arith.addi %select_n3A_1946, %add3A_2211 : vector<4096x1xi32>
    %lt3A_2213 = arith.constant 8 : i32
    %lt3A_2214 = vector.broadcast %lt3A_2213 : i32 to vector<4096x1xi32>
    %lt3A_2215 = arith.cmpi slt, %add3A_2212, %lt3A_2214 : vector<4096x1xi32>
    %and3A_2216 = arith.andi %ge3A_2209, %lt3A_2215 : vector<4096x1xi1>
    %add3A_2217 = arith.constant -1 : i32
    %add3A_2218 = vector.broadcast %add3A_2217 : i32 to vector<4096x1xi32>
    %add3A_2219 = arith.addi %select_n3A_1968, %add3A_2218 : vector<4096x1xi32>
    %ge3A_2220 = arith.constant 0 : i32
    %ge3A_2221 = vector.broadcast %ge3A_2220 : i32 to vector<4096x1xi32>
    %ge3A_2222 = arith.cmpi sge, %add3A_2219, %ge3A_2221 : vector<4096x1xi32>
    %and3A_2223 = arith.andi %and3A_2216, %ge3A_2222 : vector<4096x1xi1>
    %add3A_2224 = arith.constant -1 : i32
    %add3A_2225 = vector.broadcast %add3A_2224 : i32 to vector<4096x1xi32>
    %add3A_2226 = arith.addi %select_n3A_1968, %add3A_2225 : vector<4096x1xi32>
    %lt3A_2227 = arith.constant 8 : i32
    %lt3A_2228 = vector.broadcast %lt3A_2227 : i32 to vector<4096x1xi32>
    %lt3A_2229 = arith.cmpi slt, %add3A_2226, %lt3A_2228 : vector<4096x1xi32>
    %and3A_2230 = arith.andi %and3A_2223, %lt3A_2229 : vector<4096x1xi1>
    %jit3A_2231 = arith.constant 0.000000e+00 : f32
    %broadcast_in_dim3A_2232 = vector.shape_cast %and3A_2230 : vector<4096x1xi1> to vector<4096x1xi1>
    %broadcast_in_dim3A_2233 = vector.broadcast %broadcast_in_dim3A_2232 : vector<4096x1xi1> to vector<4096x96xi1>
    %broadcast_in_dim3A_2234 = vector.broadcast %jit3A_2231 : f32 to vector<4096x96xf32>
    %select_n3A_2235 = arith.select %broadcast_in_dim3A_2233, %concatenate3A_2203, %broadcast_in_dim3A_2234 : vector<4096x96xi1>, vector<4096x96xf32>
    %slice3A_2236 = vector.extract_strided_slice %get3A_1880 {offsets = [10, 0], sizes = [1, 96], strides = [1, 1]} : vector<16x96xf32> to vector<1x96xf32>
    %mul3A_2237 = vector.broadcast %slice3A_2236 : vector<1x96xf32> to vector<4096x96xf32>
    %mul3A_2238 = arith.mulf %select_n3A_2235, %mul3A_2237 : vector<4096x96xf32>
    %add3A_2239 = arith.addf %add3A_2200, %mul3A_2238 : vector<4096x96xf32>
    %slice3A_2240 = vector.extract_strided_slice %reshape3A {offsets = [8, 0], sizes = [4088, 96], strides = [1, 1]} : vector<4096x96xf32> to vector<4088x96xf32>
    %slice3A_2241 = vector.extract_strided_slice %reshape3A {offsets = [0, 0], sizes = [8, 96], strides = [1, 1]} : vector<4096x96xf32> to vector<8x96xf32>
    %concatenate3A_2242 = tpu.concatenate %slice3A_2240, %slice3A_2241 in 0 : vector<4088x96xf32>, vector<8x96xf32> -> vector<4096x96xf32>
    %add3A_2243 = arith.constant 1 : i32
    %add3A_2244 = vector.broadcast %add3A_2243 : i32 to vector<4096x1xi32>
    %add3A_2245 = arith.addi %select_n3A_1946, %add3A_2244 : vector<4096x1xi32>
    %ge3A_2246 = arith.constant 0 : i32
    %ge3A_2247 = vector.broadcast %ge3A_2246 : i32 to vector<4096x1xi32>
    %ge3A_2248 = arith.cmpi sge, %add3A_2245, %ge3A_2247 : vector<4096x1xi32>
    %add3A_2249 = arith.constant 1 : i32
    %add3A_2250 = vector.broadcast %add3A_2249 : i32 to vector<4096x1xi32>
    %add3A_2251 = arith.addi %select_n3A_1946, %add3A_2250 : vector<4096x1xi32>
    %lt3A_2252 = arith.constant 8 : i32
    %lt3A_2253 = vector.broadcast %lt3A_2252 : i32 to vector<4096x1xi32>
    %lt3A_2254 = arith.cmpi slt, %add3A_2251, %lt3A_2253 : vector<4096x1xi32>
    %and3A_2255 = arith.andi %ge3A_2248, %lt3A_2254 : vector<4096x1xi1>
    %add3A_2256 = arith.constant 0 : i32
    %add3A_2257 = vector.broadcast %add3A_2256 : i32 to vector<4096x1xi32>
    %add3A_2258 = arith.addi %select_n3A_1968, %add3A_2257 : vector<4096x1xi32>
    %ge3A_2259 = arith.constant 0 : i32
    %ge3A_2260 = vector.broadcast %ge3A_2259 : i32 to vector<4096x1xi32>
    %ge3A_2261 = arith.cmpi sge, %add3A_2258, %ge3A_2260 : vector<4096x1xi32>
    %and3A_2262 = arith.andi %and3A_2255, %ge3A_2261 : vector<4096x1xi1>
    %add3A_2263 = arith.constant 0 : i32
    %add3A_2264 = vector.broadcast %add3A_2263 : i32 to vector<4096x1xi32>
    %add3A_2265 = arith.addi %select_n3A_1968, %add3A_2264 : vector<4096x1xi32>
    %lt3A_2266 = arith.constant 8 : i32
    %lt3A_2267 = vector.broadcast %lt3A_2266 : i32 to vector<4096x1xi32>
    %lt3A_2268 = arith.cmpi slt, %add3A_2265, %lt3A_2267 : vector<4096x1xi32>
    %and3A_2269 = arith.andi %and3A_2262, %lt3A_2268 : vector<4096x1xi1>
    %jit3A_2270 = arith.constant 0.000000e+00 : f32
    %broadcast_in_dim3A_2271 = vector.shape_cast %and3A_2269 : vector<4096x1xi1> to vector<4096x1xi1>
    %broadcast_in_dim3A_2272 = vector.broadcast %broadcast_in_dim3A_2271 : vector<4096x1xi1> to vector<4096x96xi1>
    %broadcast_in_dim3A_2273 = vector.broadcast %jit3A_2270 : f32 to vector<4096x96xf32>
    %select_n3A_2274 = arith.select %broadcast_in_dim3A_2272, %concatenate3A_2242, %broadcast_in_dim3A_2273 : vector<4096x96xi1>, vector<4096x96xf32>
    %slice3A_2275 = vector.extract_strided_slice %get3A_1880 {offsets = [11, 0], sizes = [1, 96], strides = [1, 1]} : vector<16x96xf32> to vector<1x96xf32>
    %mul3A_2276 = vector.broadcast %slice3A_2275 : vector<1x96xf32> to vector<4096x96xf32>
    %mul3A_2277 = arith.mulf %select_n3A_2274, %mul3A_2276 : vector<4096x96xf32>
    %add3A_2278 = arith.addf %add3A_2239, %mul3A_2277 : vector<4096x96xf32>
    %slice3A_2279 = vector.extract_strided_slice %reshape3A {offsets = [9, 0], sizes = [4087, 96], strides = [1, 1]} : vector<4096x96xf32> to vector<4087x96xf32>
    %slice3A_2280 = vector.extract_strided_slice %reshape3A {offsets = [0, 0], sizes = [9, 96], strides = [1, 1]} : vector<4096x96xf32> to vector<9x96xf32>
    %concatenate3A_2281 = tpu.concatenate %slice3A_2279, %slice3A_2280 in 0 : vector<4087x96xf32>, vector<9x96xf32> -> vector<4096x96xf32>
    %add3A_2282 = arith.constant 1 : i32
    %add3A_2283 = vector.broadcast %add3A_2282 : i32 to vector<4096x1xi32>
    %add3A_2284 = arith.addi %select_n3A_1946, %add3A_2283 : vector<4096x1xi32>
    %ge3A_2285 = arith.constant 0 : i32
    %ge3A_2286 = vector.broadcast %ge3A_2285 : i32 to vector<4096x1xi32>
    %ge3A_2287 = arith.cmpi sge, %add3A_2284, %ge3A_2286 : vector<4096x1xi32>
    %add3A_2288 = arith.constant 1 : i32
    %add3A_2289 = vector.broadcast %add3A_2288 : i32 to vector<4096x1xi32>
    %add3A_2290 = arith.addi %select_n3A_1946, %add3A_2289 : vector<4096x1xi32>
    %lt3A_2291 = arith.constant 8 : i32
    %lt3A_2292 = vector.broadcast %lt3A_2291 : i32 to vector<4096x1xi32>
    %lt3A_2293 = arith.cmpi slt, %add3A_2290, %lt3A_2292 : vector<4096x1xi32>
    %and3A_2294 = arith.andi %ge3A_2287, %lt3A_2293 : vector<4096x1xi1>
    %add3A_2295 = arith.constant 1 : i32
    %add3A_2296 = vector.broadcast %add3A_2295 : i32 to vector<4096x1xi32>
    %add3A_2297 = arith.addi %select_n3A_1968, %add3A_2296 : vector<4096x1xi32>
    %ge3A_2298 = arith.constant 0 : i32
    %ge3A_2299 = vector.broadcast %ge3A_2298 : i32 to vector<4096x1xi32>
    %ge3A_2300 = arith.cmpi sge, %add3A_2297, %ge3A_2299 : vector<4096x1xi32>
    %and3A_2301 = arith.andi %and3A_2294, %ge3A_2300 : vector<4096x1xi1>
    %add3A_2302 = arith.constant 1 : i32
    %add3A_2303 = vector.broadcast %add3A_2302 : i32 to vector<4096x1xi32>
    %add3A_2304 = arith.addi %select_n3A_1968, %add3A_2303 : vector<4096x1xi32>
    %lt3A_2305 = arith.constant 8 : i32
    %lt3A_2306 = vector.broadcast %lt3A_2305 : i32 to vector<4096x1xi32>
    %lt3A_2307 = arith.cmpi slt, %add3A_2304, %lt3A_2306 : vector<4096x1xi32>
    %and3A_2308 = arith.andi %and3A_2301, %lt3A_2307 : vector<4096x1xi1>
    %jit3A_2309 = arith.constant 0.000000e+00 : f32
    %broadcast_in_dim3A_2310 = vector.shape_cast %and3A_2308 : vector<4096x1xi1> to vector<4096x1xi1>
    %broadcast_in_dim3A_2311 = vector.broadcast %broadcast_in_dim3A_2310 : vector<4096x1xi1> to vector<4096x96xi1>
    %broadcast_in_dim3A_2312 = vector.broadcast %jit3A_2309 : f32 to vector<4096x96xf32>
    %select_n3A_2313 = arith.select %broadcast_in_dim3A_2311, %concatenate3A_2281, %broadcast_in_dim3A_2312 : vector<4096x96xi1>, vector<4096x96xf32>
    %slice3A_2314 = vector.extract_strided_slice %get3A_1880 {offsets = [12, 0], sizes = [1, 96], strides = [1, 1]} : vector<16x96xf32> to vector<1x96xf32>
    %mul3A_2315 = vector.broadcast %slice3A_2314 : vector<1x96xf32> to vector<4096x96xf32>
    %mul3A_2316 = arith.mulf %select_n3A_2313, %mul3A_2315 : vector<4096x96xf32>
    %add3A_2317 = arith.addf %add3A_2278, %mul3A_2316 : vector<4096x96xf32>
    %slice3A_2318 = vector.extract_strided_slice %get3A_1880 {offsets = [13, 0], sizes = [1, 96], strides = [1, 1]} : vector<16x96xf32> to vector<1x96xf32>
    %add3A_2319 = vector.broadcast %slice3A_2318 : vector<1x96xf32> to vector<4096x96xf32>
    %add3A_2320 = arith.addf %add3A_2317, %add3A_2319 : vector<4096x96xf32>
    %slice3A_2321 = vector.extract_strided_slice %add3A_1885 {offsets = [0, 0], sizes = [64, 96], strides = [1, 1]} : vector<4096x96xf32> to vector<64x96xf32>
    %slice3A_2322 = vector.extract_strided_slice %add3A_1891 {offsets = [0, 0], sizes = [64, 96], strides = [1, 1]} : vector<4096x96xf32> to vector<64x96xf32>
    %dot_general3A_2323 = arith.constant dense<0.000000e+00> : vector<64x64xf32>
    %dot_general3A_2324 = tpu.matmul %slice3A_2321, %slice3A_2322, %dot_general3A_2323 {dimension_numbers = #tpu.dot_dimension_numbers<[1], [1], [0], [0], [0, 0, 1, 0], [], []>, transpose_lhs_hint = false} : vector<64x96xf32>, vector<64x96xf32>, vector<64x64xf32> -> vector<64x64xf32>
    %slice3A_2325 = vector.extract_strided_slice %add3A_1885 {offsets = [64, 0], sizes = [64, 96], strides = [1, 1]} : vector<4096x96xf32> to vector<64x96xf32>
    %slice3A_2326 = vector.extract_strided_slice %add3A_1891 {offsets = [64, 0], sizes = [64, 96], strides = [1, 1]} : vector<4096x96xf32> to vector<64x96xf32>
    %dot_general3A_2327 = arith.constant dense<0.000000e+00> : vector<64x64xf32>
    %dot_general3A_2328 = tpu.matmul %slice3A_2325, %slice3A_2326, %dot_general3A_2327 {dimension_numbers = #tpu.dot_dimension_numbers<[1], [1], [0], [0], [0, 0, 1, 0], [], []>, transpose_lhs_hint = false} : vector<64x96xf32>, vector<64x96xf32>, vector<64x64xf32> -> vector<64x64xf32>
    %slice3A_2329 = vector.extract_strided_slice %add3A_1885 {offsets = [128, 0], sizes = [64, 96], strides = [1, 1]} : vector<4096x96xf32> to vector<64x96xf32>
    %slice3A_2330 = vector.extract_strided_slice %add3A_1891 {offsets = [128, 0], sizes = [64, 96], strides = [1, 1]} : vector<4096x96xf32> to vector<64x96xf32>
    %dot_general3A_2331 = arith.constant dense<0.000000e+00> : vector<64x64xf32>
    %dot_general3A_2332 = tpu.matmul %slice3A_2329, %slice3A_2330, %dot_general3A_2331 {dimension_numbers = #tpu.dot_dimension_numbers<[1], [1], [0], [0], [0, 0, 1, 0], [], []>, transpose_lhs_hint = false} : vector<64x96xf32>, vector<64x96xf32>, vector<64x64xf32> -> vector<64x64xf32>
    %slice3A_2333 = vector.extract_strided_slice %add3A_1885 {offsets = [192, 0], sizes = [64, 96], strides = [1, 1]} : vector<4096x96xf32> to vector<64x96xf32>
    %slice3A_2334 = vector.extract_strided_slice %add3A_1891 {offsets = [192, 0], sizes = [64, 96], strides = [1, 1]} : vector<4096x96xf32> to vector<64x96xf32>
    %dot_general3A_2335 = arith.constant dense<0.000000e+00> : vector<64x64xf32>
    %dot_general3A_2336 = tpu.matmul %slice3A_2333, %slice3A_2334, %dot_general3A_2335 {dimension_numbers = #tpu.dot_dimension_numbers<[1], [1], [0], [0], [0, 0, 1, 0], [], []>, transpose_lhs_hint = false} : vector<64x96xf32>, vector<64x96xf32>, vector<64x64xf32> -> vector<64x64xf32>
    %slice3A_2337 = vector.extract_strided_slice %add3A_1885 {offsets = [256, 0], sizes = [64, 96], strides = [1, 1]} : vector<4096x96xf32> to vector<64x96xf32>
    %slice3A_2338 = vector.extract_strided_slice %add3A_1891 {offsets = [256, 0], sizes = [64, 96], strides = [1, 1]} : vector<4096x96xf32> to vector<64x96xf32>
    %dot_general3A_2339 = arith.constant dense<0.000000e+00> : vector<64x64xf32>
    %dot_general3A_2340 = tpu.matmul %slice3A_2337, %slice3A_2338, %dot_general3A_2339 {dimension_numbers = #tpu.dot_dimension_numbers<[1], [1], [0], [0], [0, 0, 1, 0], [], []>, transpose_lhs_hint = false} : vector<64x96xf32>, vector<64x96xf32>, vector<64x64xf32> -> vector<64x64xf32>
    %slice3A_2341 = vector.extract_strided_slice %add3A_1885 {offsets = [320, 0], sizes = [64, 96], strides = [1, 1]} : vector<4096x96xf32> to vector<64x96xf32>
    %slice3A_2342 = vector.extract_strided_slice %add3A_1891 {offsets = [320, 0], sizes = [64, 96], strides = [1, 1]} : vector<4096x96xf32> to vector<64x96xf32>
    %dot_general3A_2343 = arith.constant dense<0.000000e+00> : vector<64x64xf32>
    %dot_general3A_2344 = tpu.matmul %slice3A_2341, %slice3A_2342, %dot_general3A_2343 {dimension_numbers = #tpu.dot_dimension_numbers<[1], [1], [0], [0], [0, 0, 1, 0], [], []>, transpose_lhs_hint = false} : vector<64x96xf32>, vector<64x96xf32>, vector<64x64xf32> -> vector<64x64xf32>
    %slice3A_2345 = vector.extract_strided_slice %add3A_1885 {offsets = [384, 0], sizes = [64, 96], strides = [1, 1]} : vector<4096x96xf32> to vector<64x96xf32>
    %slice3A_2346 = vector.extract_strided_slice %add3A_1891 {offsets = [384, 0], sizes = [64, 96], strides = [1, 1]} : vector<4096x96xf32> to vector<64x96xf32>
    %dot_general3A_2347 = arith.constant dense<0.000000e+00> : vector<64x64xf32>
    %dot_general3A_2348 = tpu.matmul %slice3A_2345, %slice3A_2346, %dot_general3A_2347 {dimension_numbers = #tpu.dot_dimension_numbers<[1], [1], [0], [0], [0, 0, 1, 0], [], []>, transpose_lhs_hint = false} : vector<64x96xf32>, vector<64x96xf32>, vector<64x64xf32> -> vector<64x64xf32>
    %slice3A_2349 = vector.extract_strided_slice %add3A_1885 {offsets = [448, 0], sizes = [64, 96], strides = [1, 1]} : vector<4096x96xf32> to vector<64x96xf32>
    %slice3A_2350 = vector.extract_strided_slice %add3A_1891 {offsets = [448, 0], sizes = [64, 96], strides = [1, 1]} : vector<4096x96xf32> to vector<64x96xf32>
    %dot_general3A_2351 = arith.constant dense<0.000000e+00> : vector<64x64xf32>
    %dot_general3A_2352 = tpu.matmul %slice3A_2349, %slice3A_2350, %dot_general3A_2351 {dimension_numbers = #tpu.dot_dimension_numbers<[1], [1], [0], [0], [0, 0, 1, 0], [], []>, transpose_lhs_hint = false} : vector<64x96xf32>, vector<64x96xf32>, vector<64x64xf32> -> vector<64x64xf32>
    %slice3A_2353 = vector.extract_strided_slice %add3A_1885 {offsets = [512, 0], sizes = [64, 96], strides = [1, 1]} : vector<4096x96xf32> to vector<64x96xf32>
    %slice3A_2354 = vector.extract_strided_slice %add3A_1891 {offsets = [512, 0], sizes = [64, 96], strides = [1, 1]} : vector<4096x96xf32> to vector<64x96xf32>
    %dot_general3A_2355 = arith.constant dense<0.000000e+00> : vector<64x64xf32>
    %dot_general3A_2356 = tpu.matmul %slice3A_2353, %slice3A_2354, %dot_general3A_2355 {dimension_numbers = #tpu.dot_dimension_numbers<[1], [1], [0], [0], [0, 0, 1, 0], [], []>, transpose_lhs_hint = false} : vector<64x96xf32>, vector<64x96xf32>, vector<64x64xf32> -> vector<64x64xf32>
    %slice3A_2357 = vector.extract_strided_slice %add3A_1885 {offsets = [576, 0], sizes = [64, 96], strides = [1, 1]} : vector<4096x96xf32> to vector<64x96xf32>
    %slice3A_2358 = vector.extract_strided_slice %add3A_1891 {offsets = [576, 0], sizes = [64, 96], strides = [1, 1]} : vector<4096x96xf32> to vector<64x96xf32>
    %dot_general3A_2359 = arith.constant dense<0.000000e+00> : vector<64x64xf32>
    %dot_general3A_2360 = tpu.matmul %slice3A_2357, %slice3A_2358, %dot_general3A_2359 {dimension_numbers = #tpu.dot_dimension_numbers<[1], [1], [0], [0], [0, 0, 1, 0], [], []>, transpose_lhs_hint = false} : vector<64x96xf32>, vector<64x96xf32>, vector<64x64xf32> -> vector<64x64xf32>
    %slice3A_2361 = vector.extract_strided_slice %add3A_1885 {offsets = [640, 0], sizes = [64, 96], strides = [1, 1]} : vector<4096x96xf32> to vector<64x96xf32>
    %slice3A_2362 = vector.extract_strided_slice %add3A_1891 {offsets = [640, 0], sizes = [64, 96], strides = [1, 1]} : vector<4096x96xf32> to vector<64x96xf32>
    %dot_general3A_2363 = arith.constant dense<0.000000e+00> : vector<64x64xf32>
    %dot_general3A_2364 = tpu.matmul %slice3A_2361, %slice3A_2362, %dot_general3A_2363 {dimension_numbers = #tpu.dot_dimension_numbers<[1], [1], [0], [0], [0, 0, 1, 0], [], []>, transpose_lhs_hint = false} : vector<64x96xf32>, vector<64x96xf32>, vector<64x64xf32> -> vector<64x64xf32>
    %slice3A_2365 = vector.extract_strided_slice %add3A_1885 {offsets = [704, 0], sizes = [64, 96], strides = [1, 1]} : vector<4096x96xf32> to vector<64x96xf32>
    %slice3A_2366 = vector.extract_strided_slice %add3A_1891 {offsets = [704, 0], sizes = [64, 96], strides = [1, 1]} : vector<4096x96xf32> to vector<64x96xf32>
    %dot_general3A_2367 = arith.constant dense<0.000000e+00> : vector<64x64xf32>
    %dot_general3A_2368 = tpu.matmul %slice3A_2365, %slice3A_2366, %dot_general3A_2367 {dimension_numbers = #tpu.dot_dimension_numbers<[1], [1], [0], [0], [0, 0, 1, 0], [], []>, transpose_lhs_hint = false} : vector<64x96xf32>, vector<64x96xf32>, vector<64x64xf32> -> vector<64x64xf32>
    %slice3A_2369 = vector.extract_strided_slice %add3A_1885 {offsets = [768, 0], sizes = [64, 96], strides = [1, 1]} : vector<4096x96xf32> to vector<64x96xf32>
    %slice3A_2370 = vector.extract_strided_slice %add3A_1891 {offsets = [768, 0], sizes = [64, 96], strides = [1, 1]} : vector<4096x96xf32> to vector<64x96xf32>
    %dot_general3A_2371 = arith.constant dense<0.000000e+00> : vector<64x64xf32>
    %dot_general3A_2372 = tpu.matmul %slice3A_2369, %slice3A_2370, %dot_general3A_2371 {dimension_numbers = #tpu.dot_dimension_numbers<[1], [1], [0], [0], [0, 0, 1, 0], [], []>, transpose_lhs_hint = false} : vector<64x96xf32>, vector<64x96xf32>, vector<64x64xf32> -> vector<64x64xf32>
    %slice3A_2373 = vector.extract_strided_slice %add3A_1885 {offsets = [832, 0], sizes = [64, 96], strides = [1, 1]} : vector<4096x96xf32> to vector<64x96xf32>
    %slice3A_2374 = vector.extract_strided_slice %add3A_1891 {offsets = [832, 0], sizes = [64, 96], strides = [1, 1]} : vector<4096x96xf32> to vector<64x96xf32>
    %dot_general3A_2375 = arith.constant dense<0.000000e+00> : vector<64x64xf32>
    %dot_general3A_2376 = tpu.matmul %slice3A_2373, %slice3A_2374, %dot_general3A_2375 {dimension_numbers = #tpu.dot_dimension_numbers<[1], [1], [0], [0], [0, 0, 1, 0], [], []>, transpose_lhs_hint = false} : vector<64x96xf32>, vector<64x96xf32>, vector<64x64xf32> -> vector<64x64xf32>
    %slice3A_2377 = vector.extract_strided_slice %add3A_1885 {offsets = [896, 0], sizes = [64, 96], strides = [1, 1]} : vector<4096x96xf32> to vector<64x96xf32>
    %slice3A_2378 = vector.extract_strided_slice %add3A_1891 {offsets = [896, 0], sizes = [64, 96], strides = [1, 1]} : vector<4096x96xf32> to vector<64x96xf32>
    %dot_general3A_2379 = arith.constant dense<0.000000e+00> : vector<64x64xf32>
    %dot_general3A_2380 = tpu.matmul %slice3A_2377, %slice3A_2378, %dot_general3A_2379 {dimension_numbers = #tpu.dot_dimension_numbers<[1], [1], [0], [0], [0, 0, 1, 0], [], []>, transpose_lhs_hint = false} : vector<64x96xf32>, vector<64x96xf32>, vector<64x64xf32> -> vector<64x64xf32>
    %slice3A_2381 = vector.extract_strided_slice %add3A_1885 {offsets = [960, 0], sizes = [64, 96], strides = [1, 1]} : vector<4096x96xf32> to vector<64x96xf32>
    %slice3A_2382 = vector.extract_strided_slice %add3A_1891 {offsets = [960, 0], sizes = [64, 96], strides = [1, 1]} : vector<4096x96xf32> to vector<64x96xf32>
    %dot_general3A_2383 = arith.constant dense<0.000000e+00> : vector<64x64xf32>
    %dot_general3A_2384 = tpu.matmul %slice3A_2381, %slice3A_2382, %dot_general3A_2383 {dimension_numbers = #tpu.dot_dimension_numbers<[1], [1], [0], [0], [0, 0, 1, 0], [], []>, transpose_lhs_hint = false} : vector<64x96xf32>, vector<64x96xf32>, vector<64x64xf32> -> vector<64x64xf32>
    %slice3A_2385 = vector.extract_strided_slice %add3A_1885 {offsets = [1024, 0], sizes = [64, 96], strides = [1, 1]} : vector<4096x96xf32> to vector<64x96xf32>
    %slice3A_2386 = vector.extract_strided_slice %add3A_1891 {offsets = [1024, 0], sizes = [64, 96], strides = [1, 1]} : vector<4096x96xf32> to vector<64x96xf32>
    %dot_general3A_2387 = arith.constant dense<0.000000e+00> : vector<64x64xf32>
    %dot_general3A_2388 = tpu.matmul %slice3A_2385, %slice3A_2386, %dot_general3A_2387 {dimension_numbers = #tpu.dot_dimension_numbers<[1], [1], [0], [0], [0, 0, 1, 0], [], []>, transpose_lhs_hint = false} : vector<64x96xf32>, vector<64x96xf32>, vector<64x64xf32> -> vector<64x64xf32>
    %slice3A_2389 = vector.extract_strided_slice %add3A_1885 {offsets = [1088, 0], sizes = [64, 96], strides = [1, 1]} : vector<4096x96xf32> to vector<64x96xf32>
    %slice3A_2390 = vector.extract_strided_slice %add3A_1891 {offsets = [1088, 0], sizes = [64, 96], strides = [1, 1]} : vector<4096x96xf32> to vector<64x96xf32>
    %dot_general3A_2391 = arith.constant dense<0.000000e+00> : vector<64x64xf32>
    %dot_general3A_2392 = tpu.matmul %slice3A_2389, %slice3A_2390, %dot_general3A_2391 {dimension_numbers = #tpu.dot_dimension_numbers<[1], [1], [0], [0], [0, 0, 1, 0], [], []>, transpose_lhs_hint = false} : vector<64x96xf32>, vector<64x96xf32>, vector<64x64xf32> -> vector<64x64xf32>
    %slice3A_2393 = vector.extract_strided_slice %add3A_1885 {offsets = [1152, 0], sizes = [64, 96], strides = [1, 1]} : vector<4096x96xf32> to vector<64x96xf32>
    %slice3A_2394 = vector.extract_strided_slice %add3A_1891 {offsets = [1152, 0], sizes = [64, 96], strides = [1, 1]} : vector<4096x96xf32> to vector<64x96xf32>
    %dot_general3A_2395 = arith.constant dense<0.000000e+00> : vector<64x64xf32>
    %dot_general3A_2396 = tpu.matmul %slice3A_2393, %slice3A_2394, %dot_general3A_2395 {dimension_numbers = #tpu.dot_dimension_numbers<[1], [1], [0], [0], [0, 0, 1, 0], [], []>, transpose_lhs_hint = false} : vector<64x96xf32>, vector<64x96xf32>, vector<64x64xf32> -> vector<64x64xf32>
    %slice3A_2397 = vector.extract_strided_slice %add3A_1885 {offsets = [1216, 0], sizes = [64, 96], strides = [1, 1]} : vector<4096x96xf32> to vector<64x96xf32>
    %slice3A_2398 = vector.extract_strided_slice %add3A_1891 {offsets = [1216, 0], sizes = [64, 96], strides = [1, 1]} : vector<4096x96xf32> to vector<64x96xf32>
    %dot_general3A_2399 = arith.constant dense<0.000000e+00> : vector<64x64xf32>
    %dot_general3A_2400 = tpu.matmul %slice3A_2397, %slice3A_2398, %dot_general3A_2399 {dimension_numbers = #tpu.dot_dimension_numbers<[1], [1], [0], [0], [0, 0, 1, 0], [], []>, transpose_lhs_hint = false} : vector<64x96xf32>, vector<64x96xf32>, vector<64x64xf32> -> vector<64x64xf32>
    %slice3A_2401 = vector.extract_strided_slice %add3A_1885 {offsets = [1280, 0], sizes = [64, 96], strides = [1, 1]} : vector<4096x96xf32> to vector<64x96xf32>
    %slice3A_2402 = vector.extract_strided_slice %add3A_1891 {offsets = [1280, 0], sizes = [64, 96], strides = [1, 1]} : vector<4096x96xf32> to vector<64x96xf32>
    %dot_general3A_2403 = arith.constant dense<0.000000e+00> : vector<64x64xf32>
    %dot_general3A_2404 = tpu.matmul %slice3A_2401, %slice3A_2402, %dot_general3A_2403 {dimension_numbers = #tpu.dot_dimension_numbers<[1], [1], [0], [0], [0, 0, 1, 0], [], []>, transpose_lhs_hint = false} : vector<64x96xf32>, vector<64x96xf32>, vector<64x64xf32> -> vector<64x64xf32>
    %slice3A_2405 = vector.extract_strided_slice %add3A_1885 {offsets = [1344, 0], sizes = [64, 96], strides = [1, 1]} : vector<4096x96xf32> to vector<64x96xf32>
    %slice3A_2406 = vector.extract_strided_slice %add3A_1891 {offsets = [1344, 0], sizes = [64, 96], strides = [1, 1]} : vector<4096x96xf32> to vector<64x96xf32>
    %dot_general3A_2407 = arith.constant dense<0.000000e+00> : vector<64x64xf32>
    %dot_general3A_2408 = tpu.matmul %slice3A_2405, %slice3A_2406, %dot_general3A_2407 {dimension_numbers = #tpu.dot_dimension_numbers<[1], [1], [0], [0], [0, 0, 1, 0], [], []>, transpose_lhs_hint = false} : vector<64x96xf32>, vector<64x96xf32>, vector<64x64xf32> -> vector<64x64xf32>
    %slice3A_2409 = vector.extract_strided_slice %add3A_1885 {offsets = [1408, 0], sizes = [64, 96], strides = [1, 1]} : vector<4096x96xf32> to vector<64x96xf32>
    %slice3A_2410 = vector.extract_strided_slice %add3A_1891 {offsets = [1408, 0], sizes = [64, 96], strides = [1, 1]} : vector<4096x96xf32> to vector<64x96xf32>
    %dot_general3A_2411 = arith.constant dense<0.000000e+00> : vector<64x64xf32>
    %dot_general3A_2412 = tpu.matmul %slice3A_2409, %slice3A_2410, %dot_general3A_2411 {dimension_numbers = #tpu.dot_dimension_numbers<[1], [1], [0], [0], [0, 0, 1, 0], [], []>, transpose_lhs_hint = false} : vector<64x96xf32>, vector<64x96xf32>, vector<64x64xf32> -> vector<64x64xf32>
    %slice3A_2413 = vector.extract_strided_slice %add3A_1885 {offsets = [1472, 0], sizes = [64, 96], strides = [1, 1]} : vector<4096x96xf32> to vector<64x96xf32>
    %slice3A_2414 = vector.extract_strided_slice %add3A_1891 {offsets = [1472, 0], sizes = [64, 96], strides = [1, 1]} : vector<4096x96xf32> to vector<64x96xf32>
    %dot_general3A_2415 = arith.constant dense<0.000000e+00> : vector<64x64xf32>
    %dot_general3A_2416 = tpu.matmul %slice3A_2413, %slice3A_2414, %dot_general3A_2415 {dimension_numbers = #tpu.dot_dimension_numbers<[1], [1], [0], [0], [0, 0, 1, 0], [], []>, transpose_lhs_hint = false} : vector<64x96xf32>, vector<64x96xf32>, vector<64x64xf32> -> vector<64x64xf32>
    %slice3A_2417 = vector.extract_strided_slice %add3A_1885 {offsets = [1536, 0], sizes = [64, 96], strides = [1, 1]} : vector<4096x96xf32> to vector<64x96xf32>
    %slice3A_2418 = vector.extract_strided_slice %add3A_1891 {offsets = [1536, 0], sizes = [64, 96], strides = [1, 1]} : vector<4096x96xf32> to vector<64x96xf32>
    %dot_general3A_2419 = arith.constant dense<0.000000e+00> : vector<64x64xf32>
    %dot_general3A_2420 = tpu.matmul %slice3A_2417, %slice3A_2418, %dot_general3A_2419 {dimension_numbers = #tpu.dot_dimension_numbers<[1], [1], [0], [0], [0, 0, 1, 0], [], []>, transpose_lhs_hint = false} : vector<64x96xf32>, vector<64x96xf32>, vector<64x64xf32> -> vector<64x64xf32>
    %slice3A_2421 = vector.extract_strided_slice %add3A_1885 {offsets = [1600, 0], sizes = [64, 96], strides = [1, 1]} : vector<4096x96xf32> to vector<64x96xf32>
    %slice3A_2422 = vector.extract_strided_slice %add3A_1891 {offsets = [1600, 0], sizes = [64, 96], strides = [1, 1]} : vector<4096x96xf32> to vector<64x96xf32>
    %dot_general3A_2423 = arith.constant dense<0.000000e+00> : vector<64x64xf32>
    %dot_general3A_2424 = tpu.matmul %slice3A_2421, %slice3A_2422, %dot_general3A_2423 {dimension_numbers = #tpu.dot_dimension_numbers<[1], [1], [0], [0], [0, 0, 1, 0], [], []>, transpose_lhs_hint = false} : vector<64x96xf32>, vector<64x96xf32>, vector<64x64xf32> -> vector<64x64xf32>
    %slice3A_2425 = vector.extract_strided_slice %add3A_1885 {offsets = [1664, 0], sizes = [64, 96], strides = [1, 1]} : vector<4096x96xf32> to vector<64x96xf32>
    %slice3A_2426 = vector.extract_strided_slice %add3A_1891 {offsets = [1664, 0], sizes = [64, 96], strides = [1, 1]} : vector<4096x96xf32> to vector<64x96xf32>
    %dot_general3A_2427 = arith.constant dense<0.000000e+00> : vector<64x64xf32>
    %dot_general3A_2428 = tpu.matmul %slice3A_2425, %slice3A_2426, %dot_general3A_2427 {dimension_numbers = #tpu.dot_dimension_numbers<[1], [1], [0], [0], [0, 0, 1, 0], [], []>, transpose_lhs_hint = false} : vector<64x96xf32>, vector<64x96xf32>, vector<64x64xf32> -> vector<64x64xf32>
    %slice3A_2429 = vector.extract_strided_slice %add3A_1885 {offsets = [1728, 0], sizes = [64, 96], strides = [1, 1]} : vector<4096x96xf32> to vector<64x96xf32>
    %slice3A_2430 = vector.extract_strided_slice %add3A_1891 {offsets = [1728, 0], sizes = [64, 96], strides = [1, 1]} : vector<4096x96xf32> to vector<64x96xf32>
    %dot_general3A_2431 = arith.constant dense<0.000000e+00> : vector<64x64xf32>
    %dot_general3A_2432 = tpu.matmul %slice3A_2429, %slice3A_2430, %dot_general3A_2431 {dimension_numbers = #tpu.dot_dimension_numbers<[1], [1], [0], [0], [0, 0, 1, 0], [], []>, transpose_lhs_hint = false} : vector<64x96xf32>, vector<64x96xf32>, vector<64x64xf32> -> vector<64x64xf32>
    %slice3A_2433 = vector.extract_strided_slice %add3A_1885 {offsets = [1792, 0], sizes = [64, 96], strides = [1, 1]} : vector<4096x96xf32> to vector<64x96xf32>
    %slice3A_2434 = vector.extract_strided_slice %add3A_1891 {offsets = [1792, 0], sizes = [64, 96], strides = [1, 1]} : vector<4096x96xf32> to vector<64x96xf32>
    %dot_general3A_2435 = arith.constant dense<0.000000e+00> : vector<64x64xf32>
    %dot_general3A_2436 = tpu.matmul %slice3A_2433, %slice3A_2434, %dot_general3A_2435 {dimension_numbers = #tpu.dot_dimension_numbers<[1], [1], [0], [0], [0, 0, 1, 0], [], []>, transpose_lhs_hint = false} : vector<64x96xf32>, vector<64x96xf32>, vector<64x64xf32> -> vector<64x64xf32>
    %slice3A_2437 = vector.extract_strided_slice %add3A_1885 {offsets = [1856, 0], sizes = [64, 96], strides = [1, 1]} : vector<4096x96xf32> to vector<64x96xf32>
    %slice3A_2438 = vector.extract_strided_slice %add3A_1891 {offsets = [1856, 0], sizes = [64, 96], strides = [1, 1]} : vector<4096x96xf32> to vector<64x96xf32>
    %dot_general3A_2439 = arith.constant dense<0.000000e+00> : vector<64x64xf32>
    %dot_general3A_2440 = tpu.matmul %slice3A_2437, %slice3A_2438, %dot_general3A_2439 {dimension_numbers = #tpu.dot_dimension_numbers<[1], [1], [0], [0], [0, 0, 1, 0], [], []>, transpose_lhs_hint = false} : vector<64x96xf32>, vector<64x96xf32>, vector<64x64xf32> -> vector<64x64xf32>
    %slice3A_2441 = vector.extract_strided_slice %add3A_1885 {offsets = [1920, 0], sizes = [64, 96], strides = [1, 1]} : vector<4096x96xf32> to vector<64x96xf32>
    %slice3A_2442 = vector.extract_strided_slice %add3A_1891 {offsets = [1920, 0], sizes = [64, 96], strides = [1, 1]} : vector<4096x96xf32> to vector<64x96xf32>
    %dot_general3A_2443 = arith.constant dense<0.000000e+00> : vector<64x64xf32>
    %dot_general3A_2444 = tpu.matmul %slice3A_2441, %slice3A_2442, %dot_general3A_2443 {dimension_numbers = #tpu.dot_dimension_numbers<[1], [1], [0], [0], [0, 0, 1, 0], [], []>, transpose_lhs_hint = false} : vector<64x96xf32>, vector<64x96xf32>, vector<64x64xf32> -> vector<64x64xf32>
    %slice3A_2445 = vector.extract_strided_slice %add3A_1885 {offsets = [1984, 0], sizes = [64, 96], strides = [1, 1]} : vector<4096x96xf32> to vector<64x96xf32>
    %slice3A_2446 = vector.extract_strided_slice %add3A_1891 {offsets = [1984, 0], sizes = [64, 96], strides = [1, 1]} : vector<4096x96xf32> to vector<64x96xf32>
    %dot_general3A_2447 = arith.constant dense<0.000000e+00> : vector<64x64xf32>
    %dot_general3A_2448 = tpu.matmul %slice3A_2445, %slice3A_2446, %dot_general3A_2447 {dimension_numbers = #tpu.dot_dimension_numbers<[1], [1], [0], [0], [0, 0, 1, 0], [], []>, transpose_lhs_hint = false} : vector<64x96xf32>, vector<64x96xf32>, vector<64x64xf32> -> vector<64x64xf32>
    %slice3A_2449 = vector.extract_strided_slice %add3A_1885 {offsets = [2048, 0], sizes = [64, 96], strides = [1, 1]} : vector<4096x96xf32> to vector<64x96xf32>
    %slice3A_2450 = vector.extract_strided_slice %add3A_1891 {offsets = [2048, 0], sizes = [64, 96], strides = [1, 1]} : vector<4096x96xf32> to vector<64x96xf32>
    %dot_general3A_2451 = arith.constant dense<0.000000e+00> : vector<64x64xf32>
    %dot_general3A_2452 = tpu.matmul %slice3A_2449, %slice3A_2450, %dot_general3A_2451 {dimension_numbers = #tpu.dot_dimension_numbers<[1], [1], [0], [0], [0, 0, 1, 0], [], []>, transpose_lhs_hint = false} : vector<64x96xf32>, vector<64x96xf32>, vector<64x64xf32> -> vector<64x64xf32>
    %slice3A_2453 = vector.extract_strided_slice %add3A_1885 {offsets = [2112, 0], sizes = [64, 96], strides = [1, 1]} : vector<4096x96xf32> to vector<64x96xf32>
    %slice3A_2454 = vector.extract_strided_slice %add3A_1891 {offsets = [2112, 0], sizes = [64, 96], strides = [1, 1]} : vector<4096x96xf32> to vector<64x96xf32>
    %dot_general3A_2455 = arith.constant dense<0.000000e+00> : vector<64x64xf32>
    %dot_general3A_2456 = tpu.matmul %slice3A_2453, %slice3A_2454, %dot_general3A_2455 {dimension_numbers = #tpu.dot_dimension_numbers<[1], [1], [0], [0], [0, 0, 1, 0], [], []>, transpose_lhs_hint = false} : vector<64x96xf32>, vector<64x96xf32>, vector<64x64xf32> -> vector<64x64xf32>
    %slice3A_2457 = vector.extract_strided_slice %add3A_1885 {offsets = [2176, 0], sizes = [64, 96], strides = [1, 1]} : vector<4096x96xf32> to vector<64x96xf32>
    %slice3A_2458 = vector.extract_strided_slice %add3A_1891 {offsets = [2176, 0], sizes = [64, 96], strides = [1, 1]} : vector<4096x96xf32> to vector<64x96xf32>
    %dot_general3A_2459 = arith.constant dense<0.000000e+00> : vector<64x64xf32>
    %dot_general3A_2460 = tpu.matmul %slice3A_2457, %slice3A_2458, %dot_general3A_2459 {dimension_numbers = #tpu.dot_dimension_numbers<[1], [1], [0], [0], [0, 0, 1, 0], [], []>, transpose_lhs_hint = false} : vector<64x96xf32>, vector<64x96xf32>, vector<64x64xf32> -> vector<64x64xf32>
    %slice3A_2461 = vector.extract_strided_slice %add3A_1885 {offsets = [2240, 0], sizes = [64, 96], strides = [1, 1]} : vector<4096x96xf32> to vector<64x96xf32>
    %slice3A_2462 = vector.extract_strided_slice %add3A_1891 {offsets = [2240, 0], sizes = [64, 96], strides = [1, 1]} : vector<4096x96xf32> to vector<64x96xf32>
    %dot_general3A_2463 = arith.constant dense<0.000000e+00> : vector<64x64xf32>
    %dot_general3A_2464 = tpu.matmul %slice3A_2461, %slice3A_2462, %dot_general3A_2463 {dimension_numbers = #tpu.dot_dimension_numbers<[1], [1], [0], [0], [0, 0, 1, 0], [], []>, transpose_lhs_hint = false} : vector<64x96xf32>, vector<64x96xf32>, vector<64x64xf32> -> vector<64x64xf32>
    %slice3A_2465 = vector.extract_strided_slice %add3A_1885 {offsets = [2304, 0], sizes = [64, 96], strides = [1, 1]} : vector<4096x96xf32> to vector<64x96xf32>
    %slice3A_2466 = vector.extract_strided_slice %add3A_1891 {offsets = [2304, 0], sizes = [64, 96], strides = [1, 1]} : vector<4096x96xf32> to vector<64x96xf32>
    %dot_general3A_2467 = arith.constant dense<0.000000e+00> : vector<64x64xf32>
    %dot_general3A_2468 = tpu.matmul %slice3A_2465, %slice3A_2466, %dot_general3A_2467 {dimension_numbers = #tpu.dot_dimension_numbers<[1], [1], [0], [0], [0, 0, 1, 0], [], []>, transpose_lhs_hint = false} : vector<64x96xf32>, vector<64x96xf32>, vector<64x64xf32> -> vector<64x64xf32>
    %slice3A_2469 = vector.extract_strided_slice %add3A_1885 {offsets = [2368, 0], sizes = [64, 96], strides = [1, 1]} : vector<4096x96xf32> to vector<64x96xf32>
    %slice3A_2470 = vector.extract_strided_slice %add3A_1891 {offsets = [2368, 0], sizes = [64, 96], strides = [1, 1]} : vector<4096x96xf32> to vector<64x96xf32>
    %dot_general3A_2471 = arith.constant dense<0.000000e+00> : vector<64x64xf32>
    %dot_general3A_2472 = tpu.matmul %slice3A_2469, %slice3A_2470, %dot_general3A_2471 {dimension_numbers = #tpu.dot_dimension_numbers<[1], [1], [0], [0], [0, 0, 1, 0], [], []>, transpose_lhs_hint = false} : vector<64x96xf32>, vector<64x96xf32>, vector<64x64xf32> -> vector<64x64xf32>
    %slice3A_2473 = vector.extract_strided_slice %add3A_1885 {offsets = [2432, 0], sizes = [64, 96], strides = [1, 1]} : vector<4096x96xf32> to vector<64x96xf32>
    %slice3A_2474 = vector.extract_strided_slice %add3A_1891 {offsets = [2432, 0], sizes = [64, 96], strides = [1, 1]} : vector<4096x96xf32> to vector<64x96xf32>
    %dot_general3A_2475 = arith.constant dense<0.000000e+00> : vector<64x64xf32>
    %dot_general3A_2476 = tpu.matmul %slice3A_2473, %slice3A_2474, %dot_general3A_2475 {dimension_numbers = #tpu.dot_dimension_numbers<[1], [1], [0], [0], [0, 0, 1, 0], [], []>, transpose_lhs_hint = false} : vector<64x96xf32>, vector<64x96xf32>, vector<64x64xf32> -> vector<64x64xf32>
    %slice3A_2477 = vector.extract_strided_slice %add3A_1885 {offsets = [2496, 0], sizes = [64, 96], strides = [1, 1]} : vector<4096x96xf32> to vector<64x96xf32>
    %slice3A_2478 = vector.extract_strided_slice %add3A_1891 {offsets = [2496, 0], sizes = [64, 96], strides = [1, 1]} : vector<4096x96xf32> to vector<64x96xf32>
    %dot_general3A_2479 = arith.constant dense<0.000000e+00> : vector<64x64xf32>
    %dot_general3A_2480 = tpu.matmul %slice3A_2477, %slice3A_2478, %dot_general3A_2479 {dimension_numbers = #tpu.dot_dimension_numbers<[1], [1], [0], [0], [0, 0, 1, 0], [], []>, transpose_lhs_hint = false} : vector<64x96xf32>, vector<64x96xf32>, vector<64x64xf32> -> vector<64x64xf32>
    %slice3A_2481 = vector.extract_strided_slice %add3A_1885 {offsets = [2560, 0], sizes = [64, 96], strides = [1, 1]} : vector<4096x96xf32> to vector<64x96xf32>
    %slice3A_2482 = vector.extract_strided_slice %add3A_1891 {offsets = [2560, 0], sizes = [64, 96], strides = [1, 1]} : vector<4096x96xf32> to vector<64x96xf32>
    %dot_general3A_2483 = arith.constant dense<0.000000e+00> : vector<64x64xf32>
    %dot_general3A_2484 = tpu.matmul %slice3A_2481, %slice3A_2482, %dot_general3A_2483 {dimension_numbers = #tpu.dot_dimension_numbers<[1], [1], [0], [0], [0, 0, 1, 0], [], []>, transpose_lhs_hint = false} : vector<64x96xf32>, vector<64x96xf32>, vector<64x64xf32> -> vector<64x64xf32>
    %slice3A_2485 = vector.extract_strided_slice %add3A_1885 {offsets = [2624, 0], sizes = [64, 96], strides = [1, 1]} : vector<4096x96xf32> to vector<64x96xf32>
    %slice3A_2486 = vector.extract_strided_slice %add3A_1891 {offsets = [2624, 0], sizes = [64, 96], strides = [1, 1]} : vector<4096x96xf32> to vector<64x96xf32>
    %dot_general3A_2487 = arith.constant dense<0.000000e+00> : vector<64x64xf32>
    %dot_general3A_2488 = tpu.matmul %slice3A_2485, %slice3A_2486, %dot_general3A_2487 {dimension_numbers = #tpu.dot_dimension_numbers<[1], [1], [0], [0], [0, 0, 1, 0], [], []>, transpose_lhs_hint = false} : vector<64x96xf32>, vector<64x96xf32>, vector<64x64xf32> -> vector<64x64xf32>
    %slice3A_2489 = vector.extract_strided_slice %add3A_1885 {offsets = [2688, 0], sizes = [64, 96], strides = [1, 1]} : vector<4096x96xf32> to vector<64x96xf32>
    %slice3A_2490 = vector.extract_strided_slice %add3A_1891 {offsets = [2688, 0], sizes = [64, 96], strides = [1, 1]} : vector<4096x96xf32> to vector<64x96xf32>
    %dot_general3A_2491 = arith.constant dense<0.000000e+00> : vector<64x64xf32>
    %dot_general3A_2492 = tpu.matmul %slice3A_2489, %slice3A_2490, %dot_general3A_2491 {dimension_numbers = #tpu.dot_dimension_numbers<[1], [1], [0], [0], [0, 0, 1, 0], [], []>, transpose_lhs_hint = false} : vector<64x96xf32>, vector<64x96xf32>, vector<64x64xf32> -> vector<64x64xf32>
    %slice3A_2493 = vector.extract_strided_slice %add3A_1885 {offsets = [2752, 0], sizes = [64, 96], strides = [1, 1]} : vector<4096x96xf32> to vector<64x96xf32>
    %slice3A_2494 = vector.extract_strided_slice %add3A_1891 {offsets = [2752, 0], sizes = [64, 96], strides = [1, 1]} : vector<4096x96xf32> to vector<64x96xf32>
    %dot_general3A_2495 = arith.constant dense<0.000000e+00> : vector<64x64xf32>
    %dot_general3A_2496 = tpu.matmul %slice3A_2493, %slice3A_2494, %dot_general3A_2495 {dimension_numbers = #tpu.dot_dimension_numbers<[1], [1], [0], [0], [0, 0, 1, 0], [], []>, transpose_lhs_hint = false} : vector<64x96xf32>, vector<64x96xf32>, vector<64x64xf32> -> vector<64x64xf32>
    %slice3A_2497 = vector.extract_strided_slice %add3A_1885 {offsets = [2816, 0], sizes = [64, 96], strides = [1, 1]} : vector<4096x96xf32> to vector<64x96xf32>
    %slice3A_2498 = vector.extract_strided_slice %add3A_1891 {offsets = [2816, 0], sizes = [64, 96], strides = [1, 1]} : vector<4096x96xf32> to vector<64x96xf32>
    %dot_general3A_2499 = arith.constant dense<0.000000e+00> : vector<64x64xf32>
    %dot_general3A_2500 = tpu.matmul %slice3A_2497, %slice3A_2498, %dot_general3A_2499 {dimension_numbers = #tpu.dot_dimension_numbers<[1], [1], [0], [0], [0, 0, 1, 0], [], []>, transpose_lhs_hint = false} : vector<64x96xf32>, vector<64x96xf32>, vector<64x64xf32> -> vector<64x64xf32>
    %slice3A_2501 = vector.extract_strided_slice %add3A_1885 {offsets = [2880, 0], sizes = [64, 96], strides = [1, 1]} : vector<4096x96xf32> to vector<64x96xf32>
    %slice3A_2502 = vector.extract_strided_slice %add3A_1891 {offsets = [2880, 0], sizes = [64, 96], strides = [1, 1]} : vector<4096x96xf32> to vector<64x96xf32>
    %dot_general3A_2503 = arith.constant dense<0.000000e+00> : vector<64x64xf32>
    %dot_general3A_2504 = tpu.matmul %slice3A_2501, %slice3A_2502, %dot_general3A_2503 {dimension_numbers = #tpu.dot_dimension_numbers<[1], [1], [0], [0], [0, 0, 1, 0], [], []>, transpose_lhs_hint = false} : vector<64x96xf32>, vector<64x96xf32>, vector<64x64xf32> -> vector<64x64xf32>
    %slice3A_2505 = vector.extract_strided_slice %add3A_1885 {offsets = [2944, 0], sizes = [64, 96], strides = [1, 1]} : vector<4096x96xf32> to vector<64x96xf32>
    %slice3A_2506 = vector.extract_strided_slice %add3A_1891 {offsets = [2944, 0], sizes = [64, 96], strides = [1, 1]} : vector<4096x96xf32> to vector<64x96xf32>
    %dot_general3A_2507 = arith.constant dense<0.000000e+00> : vector<64x64xf32>
    %dot_general3A_2508 = tpu.matmul %slice3A_2505, %slice3A_2506, %dot_general3A_2507 {dimension_numbers = #tpu.dot_dimension_numbers<[1], [1], [0], [0], [0, 0, 1, 0], [], []>, transpose_lhs_hint = false} : vector<64x96xf32>, vector<64x96xf32>, vector<64x64xf32> -> vector<64x64xf32>
    %slice3A_2509 = vector.extract_strided_slice %add3A_1885 {offsets = [3008, 0], sizes = [64, 96], strides = [1, 1]} : vector<4096x96xf32> to vector<64x96xf32>
    %slice3A_2510 = vector.extract_strided_slice %add3A_1891 {offsets = [3008, 0], sizes = [64, 96], strides = [1, 1]} : vector<4096x96xf32> to vector<64x96xf32>
    %dot_general3A_2511 = arith.constant dense<0.000000e+00> : vector<64x64xf32>
    %dot_general3A_2512 = tpu.matmul %slice3A_2509, %slice3A_2510, %dot_general3A_2511 {dimension_numbers = #tpu.dot_dimension_numbers<[1], [1], [0], [0], [0, 0, 1, 0], [], []>, transpose_lhs_hint = false} : vector<64x96xf32>, vector<64x96xf32>, vector<64x64xf32> -> vector<64x64xf32>
    %slice3A_2513 = vector.extract_strided_slice %add3A_1885 {offsets = [3072, 0], sizes = [64, 96], strides = [1, 1]} : vector<4096x96xf32> to vector<64x96xf32>
    %slice3A_2514 = vector.extract_strided_slice %add3A_1891 {offsets = [3072, 0], sizes = [64, 96], strides = [1, 1]} : vector<4096x96xf32> to vector<64x96xf32>
    %dot_general3A_2515 = arith.constant dense<0.000000e+00> : vector<64x64xf32>
    %dot_general3A_2516 = tpu.matmul %slice3A_2513, %slice3A_2514, %dot_general3A_2515 {dimension_numbers = #tpu.dot_dimension_numbers<[1], [1], [0], [0], [0, 0, 1, 0], [], []>, transpose_lhs_hint = false} : vector<64x96xf32>, vector<64x96xf32>, vector<64x64xf32> -> vector<64x64xf32>
    %slice3A_2517 = vector.extract_strided_slice %add3A_1885 {offsets = [3136, 0], sizes = [64, 96], strides = [1, 1]} : vector<4096x96xf32> to vector<64x96xf32>
    %slice3A_2518 = vector.extract_strided_slice %add3A_1891 {offsets = [3136, 0], sizes = [64, 96], strides = [1, 1]} : vector<4096x96xf32> to vector<64x96xf32>
    %dot_general3A_2519 = arith.constant dense<0.000000e+00> : vector<64x64xf32>
    %dot_general3A_2520 = tpu.matmul %slice3A_2517, %slice3A_2518, %dot_general3A_2519 {dimension_numbers = #tpu.dot_dimension_numbers<[1], [1], [0], [0], [0, 0, 1, 0], [], []>, transpose_lhs_hint = false} : vector<64x96xf32>, vector<64x96xf32>, vector<64x64xf32> -> vector<64x64xf32>
    %slice3A_2521 = vector.extract_strided_slice %add3A_1885 {offsets = [3200, 0], sizes = [64, 96], strides = [1, 1]} : vector<4096x96xf32> to vector<64x96xf32>
    %slice3A_2522 = vector.extract_strided_slice %add3A_1891 {offsets = [3200, 0], sizes = [64, 96], strides = [1, 1]} : vector<4096x96xf32> to vector<64x96xf32>
    %dot_general3A_2523 = arith.constant dense<0.000000e+00> : vector<64x64xf32>
    %dot_general3A_2524 = tpu.matmul %slice3A_2521, %slice3A_2522, %dot_general3A_2523 {dimension_numbers = #tpu.dot_dimension_numbers<[1], [1], [0], [0], [0, 0, 1, 0], [], []>, transpose_lhs_hint = false} : vector<64x96xf32>, vector<64x96xf32>, vector<64x64xf32> -> vector<64x64xf32>
    %slice3A_2525 = vector.extract_strided_slice %add3A_1885 {offsets = [3264, 0], sizes = [64, 96], strides = [1, 1]} : vector<4096x96xf32> to vector<64x96xf32>
    %slice3A_2526 = vector.extract_strided_slice %add3A_1891 {offsets = [3264, 0], sizes = [64, 96], strides = [1, 1]} : vector<4096x96xf32> to vector<64x96xf32>
    %dot_general3A_2527 = arith.constant dense<0.000000e+00> : vector<64x64xf32>
    %dot_general3A_2528 = tpu.matmul %slice3A_2525, %slice3A_2526, %dot_general3A_2527 {dimension_numbers = #tpu.dot_dimension_numbers<[1], [1], [0], [0], [0, 0, 1, 0], [], []>, transpose_lhs_hint = false} : vector<64x96xf32>, vector<64x96xf32>, vector<64x64xf32> -> vector<64x64xf32>
    %slice3A_2529 = vector.extract_strided_slice %add3A_1885 {offsets = [3328, 0], sizes = [64, 96], strides = [1, 1]} : vector<4096x96xf32> to vector<64x96xf32>
    %slice3A_2530 = vector.extract_strided_slice %add3A_1891 {offsets = [3328, 0], sizes = [64, 96], strides = [1, 1]} : vector<4096x96xf32> to vector<64x96xf32>
    %dot_general3A_2531 = arith.constant dense<0.000000e+00> : vector<64x64xf32>
    %dot_general3A_2532 = tpu.matmul %slice3A_2529, %slice3A_2530, %dot_general3A_2531 {dimension_numbers = #tpu.dot_dimension_numbers<[1], [1], [0], [0], [0, 0, 1, 0], [], []>, transpose_lhs_hint = false} : vector<64x96xf32>, vector<64x96xf32>, vector<64x64xf32> -> vector<64x64xf32>
    %slice3A_2533 = vector.extract_strided_slice %add3A_1885 {offsets = [3392, 0], sizes = [64, 96], strides = [1, 1]} : vector<4096x96xf32> to vector<64x96xf32>
    %slice3A_2534 = vector.extract_strided_slice %add3A_1891 {offsets = [3392, 0], sizes = [64, 96], strides = [1, 1]} : vector<4096x96xf32> to vector<64x96xf32>
    %dot_general3A_2535 = arith.constant dense<0.000000e+00> : vector<64x64xf32>
    %dot_general3A_2536 = tpu.matmul %slice3A_2533, %slice3A_2534, %dot_general3A_2535 {dimension_numbers = #tpu.dot_dimension_numbers<[1], [1], [0], [0], [0, 0, 1, 0], [], []>, transpose_lhs_hint = false} : vector<64x96xf32>, vector<64x96xf32>, vector<64x64xf32> -> vector<64x64xf32>
    %slice3A_2537 = vector.extract_strided_slice %add3A_1885 {offsets = [3456, 0], sizes = [64, 96], strides = [1, 1]} : vector<4096x96xf32> to vector<64x96xf32>
    %slice3A_2538 = vector.extract_strided_slice %add3A_1891 {offsets = [3456, 0], sizes = [64, 96], strides = [1, 1]} : vector<4096x96xf32> to vector<64x96xf32>
    %dot_general3A_2539 = arith.constant dense<0.000000e+00> : vector<64x64xf32>
    %dot_general3A_2540 = tpu.matmul %slice3A_2537, %slice3A_2538, %dot_general3A_2539 {dimension_numbers = #tpu.dot_dimension_numbers<[1], [1], [0], [0], [0, 0, 1, 0], [], []>, transpose_lhs_hint = false} : vector<64x96xf32>, vector<64x96xf32>, vector<64x64xf32> -> vector<64x64xf32>
    %slice3A_2541 = vector.extract_strided_slice %add3A_1885 {offsets = [3520, 0], sizes = [64, 96], strides = [1, 1]} : vector<4096x96xf32> to vector<64x96xf32>
    %slice3A_2542 = vector.extract_strided_slice %add3A_1891 {offsets = [3520, 0], sizes = [64, 96], strides = [1, 1]} : vector<4096x96xf32> to vector<64x96xf32>
    %dot_general3A_2543 = arith.constant dense<0.000000e+00> : vector<64x64xf32>
    %dot_general3A_2544 = tpu.matmul %slice3A_2541, %slice3A_2542, %dot_general3A_2543 {dimension_numbers = #tpu.dot_dimension_numbers<[1], [1], [0], [0], [0, 0, 1, 0], [], []>, transpose_lhs_hint = false} : vector<64x96xf32>, vector<64x96xf32>, vector<64x64xf32> -> vector<64x64xf32>
    %slice3A_2545 = vector.extract_strided_slice %add3A_1885 {offsets = [3584, 0], sizes = [64, 96], strides = [1, 1]} : vector<4096x96xf32> to vector<64x96xf32>
    %slice3A_2546 = vector.extract_strided_slice %add3A_1891 {offsets = [3584, 0], sizes = [64, 96], strides = [1, 1]} : vector<4096x96xf32> to vector<64x96xf32>
    %dot_general3A_2547 = arith.constant dense<0.000000e+00> : vector<64x64xf32>
    %dot_general3A_2548 = tpu.matmul %slice3A_2545, %slice3A_2546, %dot_general3A_2547 {dimension_numbers = #tpu.dot_dimension_numbers<[1], [1], [0], [0], [0, 0, 1, 0], [], []>, transpose_lhs_hint = false} : vector<64x96xf32>, vector<64x96xf32>, vector<64x64xf32> -> vector<64x64xf32>
    %slice3A_2549 = vector.extract_strided_slice %add3A_1885 {offsets = [3648, 0], sizes = [64, 96], strides = [1, 1]} : vector<4096x96xf32> to vector<64x96xf32>
    %slice3A_2550 = vector.extract_strided_slice %add3A_1891 {offsets = [3648, 0], sizes = [64, 96], strides = [1, 1]} : vector<4096x96xf32> to vector<64x96xf32>
    %dot_general3A_2551 = arith.constant dense<0.000000e+00> : vector<64x64xf32>
    %dot_general3A_2552 = tpu.matmul %slice3A_2549, %slice3A_2550, %dot_general3A_2551 {dimension_numbers = #tpu.dot_dimension_numbers<[1], [1], [0], [0], [0, 0, 1, 0], [], []>, transpose_lhs_hint = false} : vector<64x96xf32>, vector<64x96xf32>, vector<64x64xf32> -> vector<64x64xf32>
    %slice3A_2553 = vector.extract_strided_slice %add3A_1885 {offsets = [3712, 0], sizes = [64, 96], strides = [1, 1]} : vector<4096x96xf32> to vector<64x96xf32>
    %slice3A_2554 = vector.extract_strided_slice %add3A_1891 {offsets = [3712, 0], sizes = [64, 96], strides = [1, 1]} : vector<4096x96xf32> to vector<64x96xf32>
    %dot_general3A_2555 = arith.constant dense<0.000000e+00> : vector<64x64xf32>
    %dot_general3A_2556 = tpu.matmul %slice3A_2553, %slice3A_2554, %dot_general3A_2555 {dimension_numbers = #tpu.dot_dimension_numbers<[1], [1], [0], [0], [0, 0, 1, 0], [], []>, transpose_lhs_hint = false} : vector<64x96xf32>, vector<64x96xf32>, vector<64x64xf32> -> vector<64x64xf32>
    %slice3A_2557 = vector.extract_strided_slice %add3A_1885 {offsets = [3776, 0], sizes = [64, 96], strides = [1, 1]} : vector<4096x96xf32> to vector<64x96xf32>
    %slice3A_2558 = vector.extract_strided_slice %add3A_1891 {offsets = [3776, 0], sizes = [64, 96], strides = [1, 1]} : vector<4096x96xf32> to vector<64x96xf32>
    %dot_general3A_2559 = arith.constant dense<0.000000e+00> : vector<64x64xf32>
    %dot_general3A_2560 = tpu.matmul %slice3A_2557, %slice3A_2558, %dot_general3A_2559 {dimension_numbers = #tpu.dot_dimension_numbers<[1], [1], [0], [0], [0, 0, 1, 0], [], []>, transpose_lhs_hint = false} : vector<64x96xf32>, vector<64x96xf32>, vector<64x64xf32> -> vector<64x64xf32>
    %slice3A_2561 = vector.extract_strided_slice %add3A_1885 {offsets = [3840, 0], sizes = [64, 96], strides = [1, 1]} : vector<4096x96xf32> to vector<64x96xf32>
    %slice3A_2562 = vector.extract_strided_slice %add3A_1891 {offsets = [3840, 0], sizes = [64, 96], strides = [1, 1]} : vector<4096x96xf32> to vector<64x96xf32>
    %dot_general3A_2563 = arith.constant dense<0.000000e+00> : vector<64x64xf32>
    %dot_general3A_2564 = tpu.matmul %slice3A_2561, %slice3A_2562, %dot_general3A_2563 {dimension_numbers = #tpu.dot_dimension_numbers<[1], [1], [0], [0], [0, 0, 1, 0], [], []>, transpose_lhs_hint = false} : vector<64x96xf32>, vector<64x96xf32>, vector<64x64xf32> -> vector<64x64xf32>
    %slice3A_2565 = vector.extract_strided_slice %add3A_1885 {offsets = [3904, 0], sizes = [64, 96], strides = [1, 1]} : vector<4096x96xf32> to vector<64x96xf32>
    %slice3A_2566 = vector.extract_strided_slice %add3A_1891 {offsets = [3904, 0], sizes = [64, 96], strides = [1, 1]} : vector<4096x96xf32> to vector<64x96xf32>
    %dot_general3A_2567 = arith.constant dense<0.000000e+00> : vector<64x64xf32>
    %dot_general3A_2568 = tpu.matmul %slice3A_2565, %slice3A_2566, %dot_general3A_2567 {dimension_numbers = #tpu.dot_dimension_numbers<[1], [1], [0], [0], [0, 0, 1, 0], [], []>, transpose_lhs_hint = false} : vector<64x96xf32>, vector<64x96xf32>, vector<64x64xf32> -> vector<64x64xf32>
    %slice3A_2569 = vector.extract_strided_slice %add3A_1885 {offsets = [3968, 0], sizes = [64, 96], strides = [1, 1]} : vector<4096x96xf32> to vector<64x96xf32>
    %slice3A_2570 = vector.extract_strided_slice %add3A_1891 {offsets = [3968, 0], sizes = [64, 96], strides = [1, 1]} : vector<4096x96xf32> to vector<64x96xf32>
    %dot_general3A_2571 = arith.constant dense<0.000000e+00> : vector<64x64xf32>
    %dot_general3A_2572 = tpu.matmul %slice3A_2569, %slice3A_2570, %dot_general3A_2571 {dimension_numbers = #tpu.dot_dimension_numbers<[1], [1], [0], [0], [0, 0, 1, 0], [], []>, transpose_lhs_hint = false} : vector<64x96xf32>, vector<64x96xf32>, vector<64x64xf32> -> vector<64x64xf32>
    %slice3A_2573 = vector.extract_strided_slice %add3A_1885 {offsets = [4032, 0], sizes = [64, 96], strides = [1, 1]} : vector<4096x96xf32> to vector<64x96xf32>
    %slice3A_2574 = vector.extract_strided_slice %add3A_1891 {offsets = [4032, 0], sizes = [64, 96], strides = [1, 1]} : vector<4096x96xf32> to vector<64x96xf32>
    %dot_general3A_2575 = arith.constant dense<0.000000e+00> : vector<64x64xf32>
    %dot_general3A_2576 = tpu.matmul %slice3A_2573, %slice3A_2574, %dot_general3A_2575 {dimension_numbers = #tpu.dot_dimension_numbers<[1], [1], [0], [0], [0, 0, 1, 0], [], []>, transpose_lhs_hint = false} : vector<64x96xf32>, vector<64x96xf32>, vector<64x64xf32> -> vector<64x64xf32>
    %concatenate3A_2577 = tpu.concatenate %dot_general3A_2324, %dot_general3A_2328, %dot_general3A_2332, %dot_general3A_2336, %dot_general3A_2340, %dot_general3A_2344, %dot_general3A_2348, %dot_general3A_2352, %dot_general3A_2356, %dot_general3A_2360, %dot_general3A_2364, %dot_general3A_2368, %dot_general3A_2372, %dot_general3A_2376, %dot_general3A_2380, %dot_general3A_2384, %dot_general3A_2388, %dot_general3A_2392, %dot_general3A_2396, %dot_general3A_2400, %dot_general3A_2404, %dot_general3A_2408, %dot_general3A_2412, %dot_general3A_2416, %dot_general3A_2420, %dot_general3A_2424, %dot_general3A_2428, %dot_general3A_2432, %dot_general3A_2436, %dot_general3A_2440, %dot_general3A_2444, %dot_general3A_2448, %dot_general3A_2452, %dot_general3A_2456, %dot_general3A_2460, %dot_general3A_2464, %dot_general3A_2468, %dot_general3A_2472, %dot_general3A_2476, %dot_general3A_2480, %dot_general3A_2484, %dot_general3A_2488, %dot_general3A_2492, %dot_general3A_2496, %dot_general3A_2500, %dot_general3A_2504, %dot_general3A_2508, %dot_general3A_2512, %dot_general3A_2516, %dot_general3A_2520, %dot_general3A_2524, %dot_general3A_2528, %dot_general3A_2532, %dot_general3A_2536, %dot_general3A_2540, %dot_general3A_2544, %dot_general3A_2548, %dot_general3A_2552, %dot_general3A_2556, %dot_general3A_2560, %dot_general3A_2564, %dot_general3A_2568, %dot_general3A_2572, %dot_general3A_2576 in 0 : vector<64x64xf32>, vector<64x64xf32>, vector<64x64xf32>, vector<64x64xf32>, vector<64x64xf32>, vector<64x64xf32>, vector<64x64xf32>, vector<64x64xf32>, vector<64x64xf32>, vector<64x64xf32>, vector<64x64xf32>, vector<64x64xf32>, vector<64x64xf32>, vector<64x64xf32>, vector<64x64xf32>, vector<64x64xf32>, vector<64x64xf32>, vector<64x64xf32>, vector<64x64xf32>, vector<64x64xf32>, vector<64x64xf32>, vector<64x64xf32>, vector<64x64xf32>, vector<64x64xf32>, vector<64x64xf32>, vector<64x64xf32>, vector<64x64xf32>, vector<64x64xf32>, vector<64x64xf32>, vector<64x64xf32>, vector<64x64xf32>, vector<64x64xf32>, vector<64x64xf32>, vector<64x64xf32>, vector<64x64xf32>, vector<64x64xf32>, vector<64x64xf32>, vector<64x64xf32>, vector<64x64xf32>, vector<64x64xf32>, vector<64x64xf32>, vector<64x64xf32>, vector<64x64xf32>, vector<64x64xf32>, vector<64x64xf32>, vector<64x64xf32>, vector<64x64xf32>, vector<64x64xf32>, vector<64x64xf32>, vector<64x64xf32>, vector<64x64xf32>, vector<64x64xf32>, vector<64x64xf32>, vector<64x64xf32>, vector<64x64xf32>, vector<64x64xf32>, vector<64x64xf32>, vector<64x64xf32>, vector<64x64xf32>, vector<64x64xf32>, vector<64x64xf32>, vector<64x64xf32>, vector<64x64xf32>, vector<64x64xf32> -> vector<4096x64xf32>
    %mul3A_2578 = arith.constant 0.102062076 : f32
    %mul3A_2579 = vector.broadcast %mul3A_2578 : f32 to vector<4096x64xf32>
    %mul3A_2580 = arith.mulf %concatenate3A_2577, %mul3A_2579 : vector<4096x64xf32>
    %reduce_max3A_2581 = arith.constant dense<0xFF800000> : vector<4096xf32>
    %reduce_max3A_2582 = vector.multi_reduction <maximumf>, %mul3A_2580, %reduce_max3A_2581 [1] : vector<4096x64xf32> to vector<4096xf32>
    %broadcast_in_dim3A_2583 = vector.shape_cast %reduce_max3A_2582 : vector<4096xf32> to vector<4096x1xf32>
    %sub3A_2584 = vector.broadcast %broadcast_in_dim3A_2583 : vector<4096x1xf32> to vector<4096x64xf32>
    %sub3A_2585 = arith.subf %mul3A_2580, %sub3A_2584 : vector<4096x64xf32>
    %exp3A_2586 = math.exp %sub3A_2585 : vector<4096x64xf32>
    %reduce_sum3A_2587 = arith.constant dense<0.000000e+00> : vector<4096xf32>
    %reduce_sum3A_2588 = vector.multi_reduction <add>, %exp3A_2586, %reduce_sum3A_2587 [1] : vector<4096x64xf32> to vector<4096xf32>
    %broadcast_in_dim3A_2589 = vector.shape_cast %reduce_sum3A_2588 : vector<4096xf32> to vector<4096x1xf32>
    %div3A_2590 = vector.broadcast %broadcast_in_dim3A_2589 : vector<4096x1xf32> to vector<4096x64xf32>
    %div3A_2591 = arith.divf %exp3A_2586, %div3A_2590 : vector<4096x64xf32>
    %slice3A_2592 = vector.extract_strided_slice %div3A_2591 {offsets = [0, 0], sizes = [64, 64], strides = [1, 1]} : vector<4096x64xf32> to vector<64x64xf32>
    %slice3A_2593 = vector.extract_strided_slice %add3A_1897 {offsets = [0, 0], sizes = [64, 96], strides = [1, 1]} : vector<4096x96xf32> to vector<64x96xf32>
    %dot_general3A_2594 = arith.constant dense<0.000000e+00> : vector<64x96xf32>
    %dot_general3A_2595 = tpu.matmul %slice3A_2592, %slice3A_2593, %dot_general3A_2594 {dimension_numbers = #tpu.dot_dimension_numbers<[1], [0], [0], [1], [0, 0, 1, 1], [], []>, transpose_lhs_hint = false} : vector<64x64xf32>, vector<64x96xf32>, vector<64x96xf32> -> vector<64x96xf32>
    %slice3A_2596 = vector.extract_strided_slice %div3A_2591 {offsets = [64, 0], sizes = [64, 64], strides = [1, 1]} : vector<4096x64xf32> to vector<64x64xf32>
    %slice3A_2597 = vector.extract_strided_slice %add3A_1897 {offsets = [64, 0], sizes = [64, 96], strides = [1, 1]} : vector<4096x96xf32> to vector<64x96xf32>
    %dot_general3A_2598 = arith.constant dense<0.000000e+00> : vector<64x96xf32>
    %dot_general3A_2599 = tpu.matmul %slice3A_2596, %slice3A_2597, %dot_general3A_2598 {dimension_numbers = #tpu.dot_dimension_numbers<[1], [0], [0], [1], [0, 0, 1, 1], [], []>, transpose_lhs_hint = false} : vector<64x64xf32>, vector<64x96xf32>, vector<64x96xf32> -> vector<64x96xf32>
    %slice3A_2600 = vector.extract_strided_slice %div3A_2591 {offsets = [128, 0], sizes = [64, 64], strides = [1, 1]} : vector<4096x64xf32> to vector<64x64xf32>
    %slice3A_2601 = vector.extract_strided_slice %add3A_1897 {offsets = [128, 0], sizes = [64, 96], strides = [1, 1]} : vector<4096x96xf32> to vector<64x96xf32>
    %dot_general3A_2602 = arith.constant dense<0.000000e+00> : vector<64x96xf32>
    %dot_general3A_2603 = tpu.matmul %slice3A_2600, %slice3A_2601, %dot_general3A_2602 {dimension_numbers = #tpu.dot_dimension_numbers<[1], [0], [0], [1], [0, 0, 1, 1], [], []>, transpose_lhs_hint = false} : vector<64x64xf32>, vector<64x96xf32>, vector<64x96xf32> -> vector<64x96xf32>
    %slice3A_2604 = vector.extract_strided_slice %div3A_2591 {offsets = [192, 0], sizes = [64, 64], strides = [1, 1]} : vector<4096x64xf32> to vector<64x64xf32>
    %slice3A_2605 = vector.extract_strided_slice %add3A_1897 {offsets = [192, 0], sizes = [64, 96], strides = [1, 1]} : vector<4096x96xf32> to vector<64x96xf32>
    %dot_general3A_2606 = arith.constant dense<0.000000e+00> : vector<64x96xf32>
    %dot_general3A_2607 = tpu.matmul %slice3A_2604, %slice3A_2605, %dot_general3A_2606 {dimension_numbers = #tpu.dot_dimension_numbers<[1], [0], [0], [1], [0, 0, 1, 1], [], []>, transpose_lhs_hint = false} : vector<64x64xf32>, vector<64x96xf32>, vector<64x96xf32> -> vector<64x96xf32>
    %slice3A_2608 = vector.extract_strided_slice %div3A_2591 {offsets = [256, 0], sizes = [64, 64], strides = [1, 1]} : vector<4096x64xf32> to vector<64x64xf32>
    %slice3A_2609 = vector.extract_strided_slice %add3A_1897 {offsets = [256, 0], sizes = [64, 96], strides = [1, 1]} : vector<4096x96xf32> to vector<64x96xf32>
    %dot_general3A_2610 = arith.constant dense<0.000000e+00> : vector<64x96xf32>
    %dot_general3A_2611 = tpu.matmul %slice3A_2608, %slice3A_2609, %dot_general3A_2610 {dimension_numbers = #tpu.dot_dimension_numbers<[1], [0], [0], [1], [0, 0, 1, 1], [], []>, transpose_lhs_hint = false} : vector<64x64xf32>, vector<64x96xf32>, vector<64x96xf32> -> vector<64x96xf32>
    %slice3A_2612 = vector.extract_strided_slice %div3A_2591 {offsets = [320, 0], sizes = [64, 64], strides = [1, 1]} : vector<4096x64xf32> to vector<64x64xf32>
    %slice3A_2613 = vector.extract_strided_slice %add3A_1897 {offsets = [320, 0], sizes = [64, 96], strides = [1, 1]} : vector<4096x96xf32> to vector<64x96xf32>
    %dot_general3A_2614 = arith.constant dense<0.000000e+00> : vector<64x96xf32>
    %dot_general3A_2615 = tpu.matmul %slice3A_2612, %slice3A_2613, %dot_general3A_2614 {dimension_numbers = #tpu.dot_dimension_numbers<[1], [0], [0], [1], [0, 0, 1, 1], [], []>, transpose_lhs_hint = false} : vector<64x64xf32>, vector<64x96xf32>, vector<64x96xf32> -> vector<64x96xf32>
    %slice3A_2616 = vector.extract_strided_slice %div3A_2591 {offsets = [384, 0], sizes = [64, 64], strides = [1, 1]} : vector<4096x64xf32> to vector<64x64xf32>
    %slice3A_2617 = vector.extract_strided_slice %add3A_1897 {offsets = [384, 0], sizes = [64, 96], strides = [1, 1]} : vector<4096x96xf32> to vector<64x96xf32>
    %dot_general3A_2618 = arith.constant dense<0.000000e+00> : vector<64x96xf32>
    %dot_general3A_2619 = tpu.matmul %slice3A_2616, %slice3A_2617, %dot_general3A_2618 {dimension_numbers = #tpu.dot_dimension_numbers<[1], [0], [0], [1], [0, 0, 1, 1], [], []>, transpose_lhs_hint = false} : vector<64x64xf32>, vector<64x96xf32>, vector<64x96xf32> -> vector<64x96xf32>
    %slice3A_2620 = vector.extract_strided_slice %div3A_2591 {offsets = [448, 0], sizes = [64, 64], strides = [1, 1]} : vector<4096x64xf32> to vector<64x64xf32>
    %slice3A_2621 = vector.extract_strided_slice %add3A_1897 {offsets = [448, 0], sizes = [64, 96], strides = [1, 1]} : vector<4096x96xf32> to vector<64x96xf32>
    %dot_general3A_2622 = arith.constant dense<0.000000e+00> : vector<64x96xf32>
    %dot_general3A_2623 = tpu.matmul %slice3A_2620, %slice3A_2621, %dot_general3A_2622 {dimension_numbers = #tpu.dot_dimension_numbers<[1], [0], [0], [1], [0, 0, 1, 1], [], []>, transpose_lhs_hint = false} : vector<64x64xf32>, vector<64x96xf32>, vector<64x96xf32> -> vector<64x96xf32>
    %slice3A_2624 = vector.extract_strided_slice %div3A_2591 {offsets = [512, 0], sizes = [64, 64], strides = [1, 1]} : vector<4096x64xf32> to vector<64x64xf32>
    %slice3A_2625 = vector.extract_strided_slice %add3A_1897 {offsets = [512, 0], sizes = [64, 96], strides = [1, 1]} : vector<4096x96xf32> to vector<64x96xf32>
    %dot_general3A_2626 = arith.constant dense<0.000000e+00> : vector<64x96xf32>
    %dot_general3A_2627 = tpu.matmul %slice3A_2624, %slice3A_2625, %dot_general3A_2626 {dimension_numbers = #tpu.dot_dimension_numbers<[1], [0], [0], [1], [0, 0, 1, 1], [], []>, transpose_lhs_hint = false} : vector<64x64xf32>, vector<64x96xf32>, vector<64x96xf32> -> vector<64x96xf32>
    %slice3A_2628 = vector.extract_strided_slice %div3A_2591 {offsets = [576, 0], sizes = [64, 64], strides = [1, 1]} : vector<4096x64xf32> to vector<64x64xf32>
    %slice3A_2629 = vector.extract_strided_slice %add3A_1897 {offsets = [576, 0], sizes = [64, 96], strides = [1, 1]} : vector<4096x96xf32> to vector<64x96xf32>
    %dot_general3A_2630 = arith.constant dense<0.000000e+00> : vector<64x96xf32>
    %dot_general3A_2631 = tpu.matmul %slice3A_2628, %slice3A_2629, %dot_general3A_2630 {dimension_numbers = #tpu.dot_dimension_numbers<[1], [0], [0], [1], [0, 0, 1, 1], [], []>, transpose_lhs_hint = false} : vector<64x64xf32>, vector<64x96xf32>, vector<64x96xf32> -> vector<64x96xf32>
    %slice3A_2632 = vector.extract_strided_slice %div3A_2591 {offsets = [640, 0], sizes = [64, 64], strides = [1, 1]} : vector<4096x64xf32> to vector<64x64xf32>
    %slice3A_2633 = vector.extract_strided_slice %add3A_1897 {offsets = [640, 0], sizes = [64, 96], strides = [1, 1]} : vector<4096x96xf32> to vector<64x96xf32>
    %dot_general3A_2634 = arith.constant dense<0.000000e+00> : vector<64x96xf32>
    %dot_general3A_2635 = tpu.matmul %slice3A_2632, %slice3A_2633, %dot_general3A_2634 {dimension_numbers = #tpu.dot_dimension_numbers<[1], [0], [0], [1], [0, 0, 1, 1], [], []>, transpose_lhs_hint = false} : vector<64x64xf32>, vector<64x96xf32>, vector<64x96xf32> -> vector<64x96xf32>
    %slice3A_2636 = vector.extract_strided_slice %div3A_2591 {offsets = [704, 0], sizes = [64, 64], strides = [1, 1]} : vector<4096x64xf32> to vector<64x64xf32>
    %slice3A_2637 = vector.extract_strided_slice %add3A_1897 {offsets = [704, 0], sizes = [64, 96], strides = [1, 1]} : vector<4096x96xf32> to vector<64x96xf32>
    %dot_general3A_2638 = arith.constant dense<0.000000e+00> : vector<64x96xf32>
    %dot_general3A_2639 = tpu.matmul %slice3A_2636, %slice3A_2637, %dot_general3A_2638 {dimension_numbers = #tpu.dot_dimension_numbers<[1], [0], [0], [1], [0, 0, 1, 1], [], []>, transpose_lhs_hint = false} : vector<64x64xf32>, vector<64x96xf32>, vector<64x96xf32> -> vector<64x96xf32>
    %slice3A_2640 = vector.extract_strided_slice %div3A_2591 {offsets = [768, 0], sizes = [64, 64], strides = [1, 1]} : vector<4096x64xf32> to vector<64x64xf32>
    %slice3A_2641 = vector.extract_strided_slice %add3A_1897 {offsets = [768, 0], sizes = [64, 96], strides = [1, 1]} : vector<4096x96xf32> to vector<64x96xf32>
    %dot_general3A_2642 = arith.constant dense<0.000000e+00> : vector<64x96xf32>
    %dot_general3A_2643 = tpu.matmul %slice3A_2640, %slice3A_2641, %dot_general3A_2642 {dimension_numbers = #tpu.dot_dimension_numbers<[1], [0], [0], [1], [0, 0, 1, 1], [], []>, transpose_lhs_hint = false} : vector<64x64xf32>, vector<64x96xf32>, vector<64x96xf32> -> vector<64x96xf32>
    %slice3A_2644 = vector.extract_strided_slice %div3A_2591 {offsets = [832, 0], sizes = [64, 64], strides = [1, 1]} : vector<4096x64xf32> to vector<64x64xf32>
    %slice3A_2645 = vector.extract_strided_slice %add3A_1897 {offsets = [832, 0], sizes = [64, 96], strides = [1, 1]} : vector<4096x96xf32> to vector<64x96xf32>
    %dot_general3A_2646 = arith.constant dense<0.000000e+00> : vector<64x96xf32>
    %dot_general3A_2647 = tpu.matmul %slice3A_2644, %slice3A_2645, %dot_general3A_2646 {dimension_numbers = #tpu.dot_dimension_numbers<[1], [0], [0], [1], [0, 0, 1, 1], [], []>, transpose_lhs_hint = false} : vector<64x64xf32>, vector<64x96xf32>, vector<64x96xf32> -> vector<64x96xf32>
    %slice3A_2648 = vector.extract_strided_slice %div3A_2591 {offsets = [896, 0], sizes = [64, 64], strides = [1, 1]} : vector<4096x64xf32> to vector<64x64xf32>
    %slice3A_2649 = vector.extract_strided_slice %add3A_1897 {offsets = [896, 0], sizes = [64, 96], strides = [1, 1]} : vector<4096x96xf32> to vector<64x96xf32>
    %dot_general3A_2650 = arith.constant dense<0.000000e+00> : vector<64x96xf32>
    %dot_general3A_2651 = tpu.matmul %slice3A_2648, %slice3A_2649, %dot_general3A_2650 {dimension_numbers = #tpu.dot_dimension_numbers<[1], [0], [0], [1], [0, 0, 1, 1], [], []>, transpose_lhs_hint = false} : vector<64x64xf32>, vector<64x96xf32>, vector<64x96xf32> -> vector<64x96xf32>
    %slice3A_2652 = vector.extract_strided_slice %div3A_2591 {offsets = [960, 0], sizes = [64, 64], strides = [1, 1]} : vector<4096x64xf32> to vector<64x64xf32>
    %slice3A_2653 = vector.extract_strided_slice %add3A_1897 {offsets = [960, 0], sizes = [64, 96], strides = [1, 1]} : vector<4096x96xf32> to vector<64x96xf32>
    %dot_general3A_2654 = arith.constant dense<0.000000e+00> : vector<64x96xf32>
    %dot_general3A_2655 = tpu.matmul %slice3A_2652, %slice3A_2653, %dot_general3A_2654 {dimension_numbers = #tpu.dot_dimension_numbers<[1], [0], [0], [1], [0, 0, 1, 1], [], []>, transpose_lhs_hint = false} : vector<64x64xf32>, vector<64x96xf32>, vector<64x96xf32> -> vector<64x96xf32>
    %slice3A_2656 = vector.extract_strided_slice %div3A_2591 {offsets = [1024, 0], sizes = [64, 64], strides = [1, 1]} : vector<4096x64xf32> to vector<64x64xf32>
    %slice3A_2657 = vector.extract_strided_slice %add3A_1897 {offsets = [1024, 0], sizes = [64, 96], strides = [1, 1]} : vector<4096x96xf32> to vector<64x96xf32>
    %dot_general3A_2658 = arith.constant dense<0.000000e+00> : vector<64x96xf32>
    %dot_general3A_2659 = tpu.matmul %slice3A_2656, %slice3A_2657, %dot_general3A_2658 {dimension_numbers = #tpu.dot_dimension_numbers<[1], [0], [0], [1], [0, 0, 1, 1], [], []>, transpose_lhs_hint = false} : vector<64x64xf32>, vector<64x96xf32>, vector<64x96xf32> -> vector<64x96xf32>
    %slice3A_2660 = vector.extract_strided_slice %div3A_2591 {offsets = [1088, 0], sizes = [64, 64], strides = [1, 1]} : vector<4096x64xf32> to vector<64x64xf32>
    %slice3A_2661 = vector.extract_strided_slice %add3A_1897 {offsets = [1088, 0], sizes = [64, 96], strides = [1, 1]} : vector<4096x96xf32> to vector<64x96xf32>
    %dot_general3A_2662 = arith.constant dense<0.000000e+00> : vector<64x96xf32>
    %dot_general3A_2663 = tpu.matmul %slice3A_2660, %slice3A_2661, %dot_general3A_2662 {dimension_numbers = #tpu.dot_dimension_numbers<[1], [0], [0], [1], [0, 0, 1, 1], [], []>, transpose_lhs_hint = false} : vector<64x64xf32>, vector<64x96xf32>, vector<64x96xf32> -> vector<64x96xf32>
    %slice3A_2664 = vector.extract_strided_slice %div3A_2591 {offsets = [1152, 0], sizes = [64, 64], strides = [1, 1]} : vector<4096x64xf32> to vector<64x64xf32>
    %slice3A_2665 = vector.extract_strided_slice %add3A_1897 {offsets = [1152, 0], sizes = [64, 96], strides = [1, 1]} : vector<4096x96xf32> to vector<64x96xf32>
    %dot_general3A_2666 = arith.constant dense<0.000000e+00> : vector<64x96xf32>
    %dot_general3A_2667 = tpu.matmul %slice3A_2664, %slice3A_2665, %dot_general3A_2666 {dimension_numbers = #tpu.dot_dimension_numbers<[1], [0], [0], [1], [0, 0, 1, 1], [], []>, transpose_lhs_hint = false} : vector<64x64xf32>, vector<64x96xf32>, vector<64x96xf32> -> vector<64x96xf32>
    %slice3A_2668 = vector.extract_strided_slice %div3A_2591 {offsets = [1216, 0], sizes = [64, 64], strides = [1, 1]} : vector<4096x64xf32> to vector<64x64xf32>
    %slice3A_2669 = vector.extract_strided_slice %add3A_1897 {offsets = [1216, 0], sizes = [64, 96], strides = [1, 1]} : vector<4096x96xf32> to vector<64x96xf32>
    %dot_general3A_2670 = arith.constant dense<0.000000e+00> : vector<64x96xf32>
    %dot_general3A_2671 = tpu.matmul %slice3A_2668, %slice3A_2669, %dot_general3A_2670 {dimension_numbers = #tpu.dot_dimension_numbers<[1], [0], [0], [1], [0, 0, 1, 1], [], []>, transpose_lhs_hint = false} : vector<64x64xf32>, vector<64x96xf32>, vector<64x96xf32> -> vector<64x96xf32>
    %slice3A_2672 = vector.extract_strided_slice %div3A_2591 {offsets = [1280, 0], sizes = [64, 64], strides = [1, 1]} : vector<4096x64xf32> to vector<64x64xf32>
    %slice3A_2673 = vector.extract_strided_slice %add3A_1897 {offsets = [1280, 0], sizes = [64, 96], strides = [1, 1]} : vector<4096x96xf32> to vector<64x96xf32>
    %dot_general3A_2674 = arith.constant dense<0.000000e+00> : vector<64x96xf32>
    %dot_general3A_2675 = tpu.matmul %slice3A_2672, %slice3A_2673, %dot_general3A_2674 {dimension_numbers = #tpu.dot_dimension_numbers<[1], [0], [0], [1], [0, 0, 1, 1], [], []>, transpose_lhs_hint = false} : vector<64x64xf32>, vector<64x96xf32>, vector<64x96xf32> -> vector<64x96xf32>
    %slice3A_2676 = vector.extract_strided_slice %div3A_2591 {offsets = [1344, 0], sizes = [64, 64], strides = [1, 1]} : vector<4096x64xf32> to vector<64x64xf32>
    %slice3A_2677 = vector.extract_strided_slice %add3A_1897 {offsets = [1344, 0], sizes = [64, 96], strides = [1, 1]} : vector<4096x96xf32> to vector<64x96xf32>
    %dot_general3A_2678 = arith.constant dense<0.000000e+00> : vector<64x96xf32>
    %dot_general3A_2679 = tpu.matmul %slice3A_2676, %slice3A_2677, %dot_general3A_2678 {dimension_numbers = #tpu.dot_dimension_numbers<[1], [0], [0], [1], [0, 0, 1, 1], [], []>, transpose_lhs_hint = false} : vector<64x64xf32>, vector<64x96xf32>, vector<64x96xf32> -> vector<64x96xf32>
    %slice3A_2680 = vector.extract_strided_slice %div3A_2591 {offsets = [1408, 0], sizes = [64, 64], strides = [1, 1]} : vector<4096x64xf32> to vector<64x64xf32>
    %slice3A_2681 = vector.extract_strided_slice %add3A_1897 {offsets = [1408, 0], sizes = [64, 96], strides = [1, 1]} : vector<4096x96xf32> to vector<64x96xf32>
    %dot_general3A_2682 = arith.constant dense<0.000000e+00> : vector<64x96xf32>
    %dot_general3A_2683 = tpu.matmul %slice3A_2680, %slice3A_2681, %dot_general3A_2682 {dimension_numbers = #tpu.dot_dimension_numbers<[1], [0], [0], [1], [0, 0, 1, 1], [], []>, transpose_lhs_hint = false} : vector<64x64xf32>, vector<64x96xf32>, vector<64x96xf32> -> vector<64x96xf32>
    %slice3A_2684 = vector.extract_strided_slice %div3A_2591 {offsets = [1472, 0], sizes = [64, 64], strides = [1, 1]} : vector<4096x64xf32> to vector<64x64xf32>
    %slice3A_2685 = vector.extract_strided_slice %add3A_1897 {offsets = [1472, 0], sizes = [64, 96], strides = [1, 1]} : vector<4096x96xf32> to vector<64x96xf32>
    %dot_general3A_2686 = arith.constant dense<0.000000e+00> : vector<64x96xf32>
    %dot_general3A_2687 = tpu.matmul %slice3A_2684, %slice3A_2685, %dot_general3A_2686 {dimension_numbers = #tpu.dot_dimension_numbers<[1], [0], [0], [1], [0, 0, 1, 1], [], []>, transpose_lhs_hint = false} : vector<64x64xf32>, vector<64x96xf32>, vector<64x96xf32> -> vector<64x96xf32>
    %slice3A_2688 = vector.extract_strided_slice %div3A_2591 {offsets = [1536, 0], sizes = [64, 64], strides = [1, 1]} : vector<4096x64xf32> to vector<64x64xf32>
    %slice3A_2689 = vector.extract_strided_slice %add3A_1897 {offsets = [1536, 0], sizes = [64, 96], strides = [1, 1]} : vector<4096x96xf32> to vector<64x96xf32>
    %dot_general3A_2690 = arith.constant dense<0.000000e+00> : vector<64x96xf32>
    %dot_general3A_2691 = tpu.matmul %slice3A_2688, %slice3A_2689, %dot_general3A_2690 {dimension_numbers = #tpu.dot_dimension_numbers<[1], [0], [0], [1], [0, 0, 1, 1], [], []>, transpose_lhs_hint = false} : vector<64x64xf32>, vector<64x96xf32>, vector<64x96xf32> -> vector<64x96xf32>
    %slice3A_2692 = vector.extract_strided_slice %div3A_2591 {offsets = [1600, 0], sizes = [64, 64], strides = [1, 1]} : vector<4096x64xf32> to vector<64x64xf32>
    %slice3A_2693 = vector.extract_strided_slice %add3A_1897 {offsets = [1600, 0], sizes = [64, 96], strides = [1, 1]} : vector<4096x96xf32> to vector<64x96xf32>
    %dot_general3A_2694 = arith.constant dense<0.000000e+00> : vector<64x96xf32>
    %dot_general3A_2695 = tpu.matmul %slice3A_2692, %slice3A_2693, %dot_general3A_2694 {dimension_numbers = #tpu.dot_dimension_numbers<[1], [0], [0], [1], [0, 0, 1, 1], [], []>, transpose_lhs_hint = false} : vector<64x64xf32>, vector<64x96xf32>, vector<64x96xf32> -> vector<64x96xf32>
    %slice3A_2696 = vector.extract_strided_slice %div3A_2591 {offsets = [1664, 0], sizes = [64, 64], strides = [1, 1]} : vector<4096x64xf32> to vector<64x64xf32>
    %slice3A_2697 = vector.extract_strided_slice %add3A_1897 {offsets = [1664, 0], sizes = [64, 96], strides = [1, 1]} : vector<4096x96xf32> to vector<64x96xf32>
    %dot_general3A_2698 = arith.constant dense<0.000000e+00> : vector<64x96xf32>
    %dot_general3A_2699 = tpu.matmul %slice3A_2696, %slice3A_2697, %dot_general3A_2698 {dimension_numbers = #tpu.dot_dimension_numbers<[1], [0], [0], [1], [0, 0, 1, 1], [], []>, transpose_lhs_hint = false} : vector<64x64xf32>, vector<64x96xf32>, vector<64x96xf32> -> vector<64x96xf32>
    %slice3A_2700 = vector.extract_strided_slice %div3A_2591 {offsets = [1728, 0], sizes = [64, 64], strides = [1, 1]} : vector<4096x64xf32> to vector<64x64xf32>
    %slice3A_2701 = vector.extract_strided_slice %add3A_1897 {offsets = [1728, 0], sizes = [64, 96], strides = [1, 1]} : vector<4096x96xf32> to vector<64x96xf32>
    %dot_general3A_2702 = arith.constant dense<0.000000e+00> : vector<64x96xf32>
    %dot_general3A_2703 = tpu.matmul %slice3A_2700, %slice3A_2701, %dot_general3A_2702 {dimension_numbers = #tpu.dot_dimension_numbers<[1], [0], [0], [1], [0, 0, 1, 1], [], []>, transpose_lhs_hint = false} : vector<64x64xf32>, vector<64x96xf32>, vector<64x96xf32> -> vector<64x96xf32>
    %slice3A_2704 = vector.extract_strided_slice %div3A_2591 {offsets = [1792, 0], sizes = [64, 64], strides = [1, 1]} : vector<4096x64xf32> to vector<64x64xf32>
    %slice3A_2705 = vector.extract_strided_slice %add3A_1897 {offsets = [1792, 0], sizes = [64, 96], strides = [1, 1]} : vector<4096x96xf32> to vector<64x96xf32>
    %dot_general3A_2706 = arith.constant dense<0.000000e+00> : vector<64x96xf32>
    %dot_general3A_2707 = tpu.matmul %slice3A_2704, %slice3A_2705, %dot_general3A_2706 {dimension_numbers = #tpu.dot_dimension_numbers<[1], [0], [0], [1], [0, 0, 1, 1], [], []>, transpose_lhs_hint = false} : vector<64x64xf32>, vector<64x96xf32>, vector<64x96xf32> -> vector<64x96xf32>
    %slice3A_2708 = vector.extract_strided_slice %div3A_2591 {offsets = [1856, 0], sizes = [64, 64], strides = [1, 1]} : vector<4096x64xf32> to vector<64x64xf32>
    %slice3A_2709 = vector.extract_strided_slice %add3A_1897 {offsets = [1856, 0], sizes = [64, 96], strides = [1, 1]} : vector<4096x96xf32> to vector<64x96xf32>
    %dot_general3A_2710 = arith.constant dense<0.000000e+00> : vector<64x96xf32>
    %dot_general3A_2711 = tpu.matmul %slice3A_2708, %slice3A_2709, %dot_general3A_2710 {dimension_numbers = #tpu.dot_dimension_numbers<[1], [0], [0], [1], [0, 0, 1, 1], [], []>, transpose_lhs_hint = false} : vector<64x64xf32>, vector<64x96xf32>, vector<64x96xf32> -> vector<64x96xf32>
    %slice3A_2712 = vector.extract_strided_slice %div3A_2591 {offsets = [1920, 0], sizes = [64, 64], strides = [1, 1]} : vector<4096x64xf32> to vector<64x64xf32>
    %slice3A_2713 = vector.extract_strided_slice %add3A_1897 {offsets = [1920, 0], sizes = [64, 96], strides = [1, 1]} : vector<4096x96xf32> to vector<64x96xf32>
    %dot_general3A_2714 = arith.constant dense<0.000000e+00> : vector<64x96xf32>
    %dot_general3A_2715 = tpu.matmul %slice3A_2712, %slice3A_2713, %dot_general3A_2714 {dimension_numbers = #tpu.dot_dimension_numbers<[1], [0], [0], [1], [0, 0, 1, 1], [], []>, transpose_lhs_hint = false} : vector<64x64xf32>, vector<64x96xf32>, vector<64x96xf32> -> vector<64x96xf32>
    %slice3A_2716 = vector.extract_strided_slice %div3A_2591 {offsets = [1984, 0], sizes = [64, 64], strides = [1, 1]} : vector<4096x64xf32> to vector<64x64xf32>
    %slice3A_2717 = vector.extract_strided_slice %add3A_1897 {offsets = [1984, 0], sizes = [64, 96], strides = [1, 1]} : vector<4096x96xf32> to vector<64x96xf32>
    %dot_general3A_2718 = arith.constant dense<0.000000e+00> : vector<64x96xf32>
    %dot_general3A_2719 = tpu.matmul %slice3A_2716, %slice3A_2717, %dot_general3A_2718 {dimension_numbers = #tpu.dot_dimension_numbers<[1], [0], [0], [1], [0, 0, 1, 1], [], []>, transpose_lhs_hint = false} : vector<64x64xf32>, vector<64x96xf32>, vector<64x96xf32> -> vector<64x96xf32>
    %slice3A_2720 = vector.extract_strided_slice %div3A_2591 {offsets = [2048, 0], sizes = [64, 64], strides = [1, 1]} : vector<4096x64xf32> to vector<64x64xf32>
    %slice3A_2721 = vector.extract_strided_slice %add3A_1897 {offsets = [2048, 0], sizes = [64, 96], strides = [1, 1]} : vector<4096x96xf32> to vector<64x96xf32>
    %dot_general3A_2722 = arith.constant dense<0.000000e+00> : vector<64x96xf32>
    %dot_general3A_2723 = tpu.matmul %slice3A_2720, %slice3A_2721, %dot_general3A_2722 {dimension_numbers = #tpu.dot_dimension_numbers<[1], [0], [0], [1], [0, 0, 1, 1], [], []>, transpose_lhs_hint = false} : vector<64x64xf32>, vector<64x96xf32>, vector<64x96xf32> -> vector<64x96xf32>
    %slice3A_2724 = vector.extract_strided_slice %div3A_2591 {offsets = [2112, 0], sizes = [64, 64], strides = [1, 1]} : vector<4096x64xf32> to vector<64x64xf32>
    %slice3A_2725 = vector.extract_strided_slice %add3A_1897 {offsets = [2112, 0], sizes = [64, 96], strides = [1, 1]} : vector<4096x96xf32> to vector<64x96xf32>
    %dot_general3A_2726 = arith.constant dense<0.000000e+00> : vector<64x96xf32>
    %dot_general3A_2727 = tpu.matmul %slice3A_2724, %slice3A_2725, %dot_general3A_2726 {dimension_numbers = #tpu.dot_dimension_numbers<[1], [0], [0], [1], [0, 0, 1, 1], [], []>, transpose_lhs_hint = false} : vector<64x64xf32>, vector<64x96xf32>, vector<64x96xf32> -> vector<64x96xf32>
    %slice3A_2728 = vector.extract_strided_slice %div3A_2591 {offsets = [2176, 0], sizes = [64, 64], strides = [1, 1]} : vector<4096x64xf32> to vector<64x64xf32>
    %slice3A_2729 = vector.extract_strided_slice %add3A_1897 {offsets = [2176, 0], sizes = [64, 96], strides = [1, 1]} : vector<4096x96xf32> to vector<64x96xf32>
    %dot_general3A_2730 = arith.constant dense<0.000000e+00> : vector<64x96xf32>
    %dot_general3A_2731 = tpu.matmul %slice3A_2728, %slice3A_2729, %dot_general3A_2730 {dimension_numbers = #tpu.dot_dimension_numbers<[1], [0], [0], [1], [0, 0, 1, 1], [], []>, transpose_lhs_hint = false} : vector<64x64xf32>, vector<64x96xf32>, vector<64x96xf32> -> vector<64x96xf32>
    %slice3A_2732 = vector.extract_strided_slice %div3A_2591 {offsets = [2240, 0], sizes = [64, 64], strides = [1, 1]} : vector<4096x64xf32> to vector<64x64xf32>
    %slice3A_2733 = vector.extract_strided_slice %add3A_1897 {offsets = [2240, 0], sizes = [64, 96], strides = [1, 1]} : vector<4096x96xf32> to vector<64x96xf32>
    %dot_general3A_2734 = arith.constant dense<0.000000e+00> : vector<64x96xf32>
    %dot_general3A_2735 = tpu.matmul %slice3A_2732, %slice3A_2733, %dot_general3A_2734 {dimension_numbers = #tpu.dot_dimension_numbers<[1], [0], [0], [1], [0, 0, 1, 1], [], []>, transpose_lhs_hint = false} : vector<64x64xf32>, vector<64x96xf32>, vector<64x96xf32> -> vector<64x96xf32>
    %slice3A_2736 = vector.extract_strided_slice %div3A_2591 {offsets = [2304, 0], sizes = [64, 64], strides = [1, 1]} : vector<4096x64xf32> to vector<64x64xf32>
    %slice3A_2737 = vector.extract_strided_slice %add3A_1897 {offsets = [2304, 0], sizes = [64, 96], strides = [1, 1]} : vector<4096x96xf32> to vector<64x96xf32>
    %dot_general3A_2738 = arith.constant dense<0.000000e+00> : vector<64x96xf32>
    %dot_general3A_2739 = tpu.matmul %slice3A_2736, %slice3A_2737, %dot_general3A_2738 {dimension_numbers = #tpu.dot_dimension_numbers<[1], [0], [0], [1], [0, 0, 1, 1], [], []>, transpose_lhs_hint = false} : vector<64x64xf32>, vector<64x96xf32>, vector<64x96xf32> -> vector<64x96xf32>
    %slice3A_2740 = vector.extract_strided_slice %div3A_2591 {offsets = [2368, 0], sizes = [64, 64], strides = [1, 1]} : vector<4096x64xf32> to vector<64x64xf32>
    %slice3A_2741 = vector.extract_strided_slice %add3A_1897 {offsets = [2368, 0], sizes = [64, 96], strides = [1, 1]} : vector<4096x96xf32> to vector<64x96xf32>
    %dot_general3A_2742 = arith.constant dense<0.000000e+00> : vector<64x96xf32>
    %dot_general3A_2743 = tpu.matmul %slice3A_2740, %slice3A_2741, %dot_general3A_2742 {dimension_numbers = #tpu.dot_dimension_numbers<[1], [0], [0], [1], [0, 0, 1, 1], [], []>, transpose_lhs_hint = false} : vector<64x64xf32>, vector<64x96xf32>, vector<64x96xf32> -> vector<64x96xf32>
    %slice3A_2744 = vector.extract_strided_slice %div3A_2591 {offsets = [2432, 0], sizes = [64, 64], strides = [1, 1]} : vector<4096x64xf32> to vector<64x64xf32>
    %slice3A_2745 = vector.extract_strided_slice %add3A_1897 {offsets = [2432, 0], sizes = [64, 96], strides = [1, 1]} : vector<4096x96xf32> to vector<64x96xf32>
    %dot_general3A_2746 = arith.constant dense<0.000000e+00> : vector<64x96xf32>
    %dot_general3A_2747 = tpu.matmul %slice3A_2744, %slice3A_2745, %dot_general3A_2746 {dimension_numbers = #tpu.dot_dimension_numbers<[1], [0], [0], [1], [0, 0, 1, 1], [], []>, transpose_lhs_hint = false} : vector<64x64xf32>, vector<64x96xf32>, vector<64x96xf32> -> vector<64x96xf32>
    %slice3A_2748 = vector.extract_strided_slice %div3A_2591 {offsets = [2496, 0], sizes = [64, 64], strides = [1, 1]} : vector<4096x64xf32> to vector<64x64xf32>
    %slice3A_2749 = vector.extract_strided_slice %add3A_1897 {offsets = [2496, 0], sizes = [64, 96], strides = [1, 1]} : vector<4096x96xf32> to vector<64x96xf32>
    %dot_general3A_2750 = arith.constant dense<0.000000e+00> : vector<64x96xf32>
    %dot_general3A_2751 = tpu.matmul %slice3A_2748, %slice3A_2749, %dot_general3A_2750 {dimension_numbers = #tpu.dot_dimension_numbers<[1], [0], [0], [1], [0, 0, 1, 1], [], []>, transpose_lhs_hint = false} : vector<64x64xf32>, vector<64x96xf32>, vector<64x96xf32> -> vector<64x96xf32>
    %slice3A_2752 = vector.extract_strided_slice %div3A_2591 {offsets = [2560, 0], sizes = [64, 64], strides = [1, 1]} : vector<4096x64xf32> to vector<64x64xf32>
    %slice3A_2753 = vector.extract_strided_slice %add3A_1897 {offsets = [2560, 0], sizes = [64, 96], strides = [1, 1]} : vector<4096x96xf32> to vector<64x96xf32>
    %dot_general3A_2754 = arith.constant dense<0.000000e+00> : vector<64x96xf32>
    %dot_general3A_2755 = tpu.matmul %slice3A_2752, %slice3A_2753, %dot_general3A_2754 {dimension_numbers = #tpu.dot_dimension_numbers<[1], [0], [0], [1], [0, 0, 1, 1], [], []>, transpose_lhs_hint = false} : vector<64x64xf32>, vector<64x96xf32>, vector<64x96xf32> -> vector<64x96xf32>
    %slice3A_2756 = vector.extract_strided_slice %div3A_2591 {offsets = [2624, 0], sizes = [64, 64], strides = [1, 1]} : vector<4096x64xf32> to vector<64x64xf32>
    %slice3A_2757 = vector.extract_strided_slice %add3A_1897 {offsets = [2624, 0], sizes = [64, 96], strides = [1, 1]} : vector<4096x96xf32> to vector<64x96xf32>
    %dot_general3A_2758 = arith.constant dense<0.000000e+00> : vector<64x96xf32>
    %dot_general3A_2759 = tpu.matmul %slice3A_2756, %slice3A_2757, %dot_general3A_2758 {dimension_numbers = #tpu.dot_dimension_numbers<[1], [0], [0], [1], [0, 0, 1, 1], [], []>, transpose_lhs_hint = false} : vector<64x64xf32>, vector<64x96xf32>, vector<64x96xf32> -> vector<64x96xf32>
    %slice3A_2760 = vector.extract_strided_slice %div3A_2591 {offsets = [2688, 0], sizes = [64, 64], strides = [1, 1]} : vector<4096x64xf32> to vector<64x64xf32>
    %slice3A_2761 = vector.extract_strided_slice %add3A_1897 {offsets = [2688, 0], sizes = [64, 96], strides = [1, 1]} : vector<4096x96xf32> to vector<64x96xf32>
    %dot_general3A_2762 = arith.constant dense<0.000000e+00> : vector<64x96xf32>
    %dot_general3A_2763 = tpu.matmul %slice3A_2760, %slice3A_2761, %dot_general3A_2762 {dimension_numbers = #tpu.dot_dimension_numbers<[1], [0], [0], [1], [0, 0, 1, 1], [], []>, transpose_lhs_hint = false} : vector<64x64xf32>, vector<64x96xf32>, vector<64x96xf32> -> vector<64x96xf32>
    %slice3A_2764 = vector.extract_strided_slice %div3A_2591 {offsets = [2752, 0], sizes = [64, 64], strides = [1, 1]} : vector<4096x64xf32> to vector<64x64xf32>
    %slice3A_2765 = vector.extract_strided_slice %add3A_1897 {offsets = [2752, 0], sizes = [64, 96], strides = [1, 1]} : vector<4096x96xf32> to vector<64x96xf32>
    %dot_general3A_2766 = arith.constant dense<0.000000e+00> : vector<64x96xf32>
    %dot_general3A_2767 = tpu.matmul %slice3A_2764, %slice3A_2765, %dot_general3A_2766 {dimension_numbers = #tpu.dot_dimension_numbers<[1], [0], [0], [1], [0, 0, 1, 1], [], []>, transpose_lhs_hint = false} : vector<64x64xf32>, vector<64x96xf32>, vector<64x96xf32> -> vector<64x96xf32>
    %slice3A_2768 = vector.extract_strided_slice %div3A_2591 {offsets = [2816, 0], sizes = [64, 64], strides = [1, 1]} : vector<4096x64xf32> to vector<64x64xf32>
    %slice3A_2769 = vector.extract_strided_slice %add3A_1897 {offsets = [2816, 0], sizes = [64, 96], strides = [1, 1]} : vector<4096x96xf32> to vector<64x96xf32>
    %dot_general3A_2770 = arith.constant dense<0.000000e+00> : vector<64x96xf32>
    %dot_general3A_2771 = tpu.matmul %slice3A_2768, %slice3A_2769, %dot_general3A_2770 {dimension_numbers = #tpu.dot_dimension_numbers<[1], [0], [0], [1], [0, 0, 1, 1], [], []>, transpose_lhs_hint = false} : vector<64x64xf32>, vector<64x96xf32>, vector<64x96xf32> -> vector<64x96xf32>
    %slice3A_2772 = vector.extract_strided_slice %div3A_2591 {offsets = [2880, 0], sizes = [64, 64], strides = [1, 1]} : vector<4096x64xf32> to vector<64x64xf32>
    %slice3A_2773 = vector.extract_strided_slice %add3A_1897 {offsets = [2880, 0], sizes = [64, 96], strides = [1, 1]} : vector<4096x96xf32> to vector<64x96xf32>
    %dot_general3A_2774 = arith.constant dense<0.000000e+00> : vector<64x96xf32>
    %dot_general3A_2775 = tpu.matmul %slice3A_2772, %slice3A_2773, %dot_general3A_2774 {dimension_numbers = #tpu.dot_dimension_numbers<[1], [0], [0], [1], [0, 0, 1, 1], [], []>, transpose_lhs_hint = false} : vector<64x64xf32>, vector<64x96xf32>, vector<64x96xf32> -> vector<64x96xf32>
    %slice3A_2776 = vector.extract_strided_slice %div3A_2591 {offsets = [2944, 0], sizes = [64, 64], strides = [1, 1]} : vector<4096x64xf32> to vector<64x64xf32>
    %slice3A_2777 = vector.extract_strided_slice %add3A_1897 {offsets = [2944, 0], sizes = [64, 96], strides = [1, 1]} : vector<4096x96xf32> to vector<64x96xf32>
    %dot_general3A_2778 = arith.constant dense<0.000000e+00> : vector<64x96xf32>
    %dot_general3A_2779 = tpu.matmul %slice3A_2776, %slice3A_2777, %dot_general3A_2778 {dimension_numbers = #tpu.dot_dimension_numbers<[1], [0], [0], [1], [0, 0, 1, 1], [], []>, transpose_lhs_hint = false} : vector<64x64xf32>, vector<64x96xf32>, vector<64x96xf32> -> vector<64x96xf32>
    %slice3A_2780 = vector.extract_strided_slice %div3A_2591 {offsets = [3008, 0], sizes = [64, 64], strides = [1, 1]} : vector<4096x64xf32> to vector<64x64xf32>
    %slice3A_2781 = vector.extract_strided_slice %add3A_1897 {offsets = [3008, 0], sizes = [64, 96], strides = [1, 1]} : vector<4096x96xf32> to vector<64x96xf32>
    %dot_general3A_2782 = arith.constant dense<0.000000e+00> : vector<64x96xf32>
    %dot_general3A_2783 = tpu.matmul %slice3A_2780, %slice3A_2781, %dot_general3A_2782 {dimension_numbers = #tpu.dot_dimension_numbers<[1], [0], [0], [1], [0, 0, 1, 1], [], []>, transpose_lhs_hint = false} : vector<64x64xf32>, vector<64x96xf32>, vector<64x96xf32> -> vector<64x96xf32>
    %slice3A_2784 = vector.extract_strided_slice %div3A_2591 {offsets = [3072, 0], sizes = [64, 64], strides = [1, 1]} : vector<4096x64xf32> to vector<64x64xf32>
    %slice3A_2785 = vector.extract_strided_slice %add3A_1897 {offsets = [3072, 0], sizes = [64, 96], strides = [1, 1]} : vector<4096x96xf32> to vector<64x96xf32>
    %dot_general3A_2786 = arith.constant dense<0.000000e+00> : vector<64x96xf32>
    %dot_general3A_2787 = tpu.matmul %slice3A_2784, %slice3A_2785, %dot_general3A_2786 {dimension_numbers = #tpu.dot_dimension_numbers<[1], [0], [0], [1], [0, 0, 1, 1], [], []>, transpose_lhs_hint = false} : vector<64x64xf32>, vector<64x96xf32>, vector<64x96xf32> -> vector<64x96xf32>
    %slice3A_2788 = vector.extract_strided_slice %div3A_2591 {offsets = [3136, 0], sizes = [64, 64], strides = [1, 1]} : vector<4096x64xf32> to vector<64x64xf32>
    %slice3A_2789 = vector.extract_strided_slice %add3A_1897 {offsets = [3136, 0], sizes = [64, 96], strides = [1, 1]} : vector<4096x96xf32> to vector<64x96xf32>
    %dot_general3A_2790 = arith.constant dense<0.000000e+00> : vector<64x96xf32>
    %dot_general3A_2791 = tpu.matmul %slice3A_2788, %slice3A_2789, %dot_general3A_2790 {dimension_numbers = #tpu.dot_dimension_numbers<[1], [0], [0], [1], [0, 0, 1, 1], [], []>, transpose_lhs_hint = false} : vector<64x64xf32>, vector<64x96xf32>, vector<64x96xf32> -> vector<64x96xf32>
    %slice3A_2792 = vector.extract_strided_slice %div3A_2591 {offsets = [3200, 0], sizes = [64, 64], strides = [1, 1]} : vector<4096x64xf32> to vector<64x64xf32>
    %slice3A_2793 = vector.extract_strided_slice %add3A_1897 {offsets = [3200, 0], sizes = [64, 96], strides = [1, 1]} : vector<4096x96xf32> to vector<64x96xf32>
    %dot_general3A_2794 = arith.constant dense<0.000000e+00> : vector<64x96xf32>
    %dot_general3A_2795 = tpu.matmul %slice3A_2792, %slice3A_2793, %dot_general3A_2794 {dimension_numbers = #tpu.dot_dimension_numbers<[1], [0], [0], [1], [0, 0, 1, 1], [], []>, transpose_lhs_hint = false} : vector<64x64xf32>, vector<64x96xf32>, vector<64x96xf32> -> vector<64x96xf32>
    %slice3A_2796 = vector.extract_strided_slice %div3A_2591 {offsets = [3264, 0], sizes = [64, 64], strides = [1, 1]} : vector<4096x64xf32> to vector<64x64xf32>
    %slice3A_2797 = vector.extract_strided_slice %add3A_1897 {offsets = [3264, 0], sizes = [64, 96], strides = [1, 1]} : vector<4096x96xf32> to vector<64x96xf32>
    %dot_general3A_2798 = arith.constant dense<0.000000e+00> : vector<64x96xf32>
    %dot_general3A_2799 = tpu.matmul %slice3A_2796, %slice3A_2797, %dot_general3A_2798 {dimension_numbers = #tpu.dot_dimension_numbers<[1], [0], [0], [1], [0, 0, 1, 1], [], []>, transpose_lhs_hint = false} : vector<64x64xf32>, vector<64x96xf32>, vector<64x96xf32> -> vector<64x96xf32>
    %slice3A_2800 = vector.extract_strided_slice %div3A_2591 {offsets = [3328, 0], sizes = [64, 64], strides = [1, 1]} : vector<4096x64xf32> to vector<64x64xf32>
    %slice3A_2801 = vector.extract_strided_slice %add3A_1897 {offsets = [3328, 0], sizes = [64, 96], strides = [1, 1]} : vector<4096x96xf32> to vector<64x96xf32>
    %dot_general3A_2802 = arith.constant dense<0.000000e+00> : vector<64x96xf32>
    %dot_general3A_2803 = tpu.matmul %slice3A_2800, %slice3A_2801, %dot_general3A_2802 {dimension_numbers = #tpu.dot_dimension_numbers<[1], [0], [0], [1], [0, 0, 1, 1], [], []>, transpose_lhs_hint = false} : vector<64x64xf32>, vector<64x96xf32>, vector<64x96xf32> -> vector<64x96xf32>
    %slice3A_2804 = vector.extract_strided_slice %div3A_2591 {offsets = [3392, 0], sizes = [64, 64], strides = [1, 1]} : vector<4096x64xf32> to vector<64x64xf32>
    %slice3A_2805 = vector.extract_strided_slice %add3A_1897 {offsets = [3392, 0], sizes = [64, 96], strides = [1, 1]} : vector<4096x96xf32> to vector<64x96xf32>
    %dot_general3A_2806 = arith.constant dense<0.000000e+00> : vector<64x96xf32>
    %dot_general3A_2807 = tpu.matmul %slice3A_2804, %slice3A_2805, %dot_general3A_2806 {dimension_numbers = #tpu.dot_dimension_numbers<[1], [0], [0], [1], [0, 0, 1, 1], [], []>, transpose_lhs_hint = false} : vector<64x64xf32>, vector<64x96xf32>, vector<64x96xf32> -> vector<64x96xf32>
    %slice3A_2808 = vector.extract_strided_slice %div3A_2591 {offsets = [3456, 0], sizes = [64, 64], strides = [1, 1]} : vector<4096x64xf32> to vector<64x64xf32>
    %slice3A_2809 = vector.extract_strided_slice %add3A_1897 {offsets = [3456, 0], sizes = [64, 96], strides = [1, 1]} : vector<4096x96xf32> to vector<64x96xf32>
    %dot_general3A_2810 = arith.constant dense<0.000000e+00> : vector<64x96xf32>
    %dot_general3A_2811 = tpu.matmul %slice3A_2808, %slice3A_2809, %dot_general3A_2810 {dimension_numbers = #tpu.dot_dimension_numbers<[1], [0], [0], [1], [0, 0, 1, 1], [], []>, transpose_lhs_hint = false} : vector<64x64xf32>, vector<64x96xf32>, vector<64x96xf32> -> vector<64x96xf32>
    %slice3A_2812 = vector.extract_strided_slice %div3A_2591 {offsets = [3520, 0], sizes = [64, 64], strides = [1, 1]} : vector<4096x64xf32> to vector<64x64xf32>
    %slice3A_2813 = vector.extract_strided_slice %add3A_1897 {offsets = [3520, 0], sizes = [64, 96], strides = [1, 1]} : vector<4096x96xf32> to vector<64x96xf32>
    %dot_general3A_2814 = arith.constant dense<0.000000e+00> : vector<64x96xf32>
    %dot_general3A_2815 = tpu.matmul %slice3A_2812, %slice3A_2813, %dot_general3A_2814 {dimension_numbers = #tpu.dot_dimension_numbers<[1], [0], [0], [1], [0, 0, 1, 1], [], []>, transpose_lhs_hint = false} : vector<64x64xf32>, vector<64x96xf32>, vector<64x96xf32> -> vector<64x96xf32>
    %slice3A_2816 = vector.extract_strided_slice %div3A_2591 {offsets = [3584, 0], sizes = [64, 64], strides = [1, 1]} : vector<4096x64xf32> to vector<64x64xf32>
    %slice3A_2817 = vector.extract_strided_slice %add3A_1897 {offsets = [3584, 0], sizes = [64, 96], strides = [1, 1]} : vector<4096x96xf32> to vector<64x96xf32>
    %dot_general3A_2818 = arith.constant dense<0.000000e+00> : vector<64x96xf32>
    %dot_general3A_2819 = tpu.matmul %slice3A_2816, %slice3A_2817, %dot_general3A_2818 {dimension_numbers = #tpu.dot_dimension_numbers<[1], [0], [0], [1], [0, 0, 1, 1], [], []>, transpose_lhs_hint = false} : vector<64x64xf32>, vector<64x96xf32>, vector<64x96xf32> -> vector<64x96xf32>
    %slice3A_2820 = vector.extract_strided_slice %div3A_2591 {offsets = [3648, 0], sizes = [64, 64], strides = [1, 1]} : vector<4096x64xf32> to vector<64x64xf32>
    %slice3A_2821 = vector.extract_strided_slice %add3A_1897 {offsets = [3648, 0], sizes = [64, 96], strides = [1, 1]} : vector<4096x96xf32> to vector<64x96xf32>
    %dot_general3A_2822 = arith.constant dense<0.000000e+00> : vector<64x96xf32>
    %dot_general3A_2823 = tpu.matmul %slice3A_2820, %slice3A_2821, %dot_general3A_2822 {dimension_numbers = #tpu.dot_dimension_numbers<[1], [0], [0], [1], [0, 0, 1, 1], [], []>, transpose_lhs_hint = false} : vector<64x64xf32>, vector<64x96xf32>, vector<64x96xf32> -> vector<64x96xf32>
    %slice3A_2824 = vector.extract_strided_slice %div3A_2591 {offsets = [3712, 0], sizes = [64, 64], strides = [1, 1]} : vector<4096x64xf32> to vector<64x64xf32>
    %slice3A_2825 = vector.extract_strided_slice %add3A_1897 {offsets = [3712, 0], sizes = [64, 96], strides = [1, 1]} : vector<4096x96xf32> to vector<64x96xf32>
    %dot_general3A_2826 = arith.constant dense<0.000000e+00> : vector<64x96xf32>
    %dot_general3A_2827 = tpu.matmul %slice3A_2824, %slice3A_2825, %dot_general3A_2826 {dimension_numbers = #tpu.dot_dimension_numbers<[1], [0], [0], [1], [0, 0, 1, 1], [], []>, transpose_lhs_hint = false} : vector<64x64xf32>, vector<64x96xf32>, vector<64x96xf32> -> vector<64x96xf32>
    %slice3A_2828 = vector.extract_strided_slice %div3A_2591 {offsets = [3776, 0], sizes = [64, 64], strides = [1, 1]} : vector<4096x64xf32> to vector<64x64xf32>
    %slice3A_2829 = vector.extract_strided_slice %add3A_1897 {offsets = [3776, 0], sizes = [64, 96], strides = [1, 1]} : vector<4096x96xf32> to vector<64x96xf32>
    %dot_general3A_2830 = arith.constant dense<0.000000e+00> : vector<64x96xf32>
    %dot_general3A_2831 = tpu.matmul %slice3A_2828, %slice3A_2829, %dot_general3A_2830 {dimension_numbers = #tpu.dot_dimension_numbers<[1], [0], [0], [1], [0, 0, 1, 1], [], []>, transpose_lhs_hint = false} : vector<64x64xf32>, vector<64x96xf32>, vector<64x96xf32> -> vector<64x96xf32>
    %slice3A_2832 = vector.extract_strided_slice %div3A_2591 {offsets = [3840, 0], sizes = [64, 64], strides = [1, 1]} : vector<4096x64xf32> to vector<64x64xf32>
    %slice3A_2833 = vector.extract_strided_slice %add3A_1897 {offsets = [3840, 0], sizes = [64, 96], strides = [1, 1]} : vector<4096x96xf32> to vector<64x96xf32>
    %dot_general3A_2834 = arith.constant dense<0.000000e+00> : vector<64x96xf32>
    %dot_general3A_2835 = tpu.matmul %slice3A_2832, %slice3A_2833, %dot_general3A_2834 {dimension_numbers = #tpu.dot_dimension_numbers<[1], [0], [0], [1], [0, 0, 1, 1], [], []>, transpose_lhs_hint = false} : vector<64x64xf32>, vector<64x96xf32>, vector<64x96xf32> -> vector<64x96xf32>
    %slice3A_2836 = vector.extract_strided_slice %div3A_2591 {offsets = [3904, 0], sizes = [64, 64], strides = [1, 1]} : vector<4096x64xf32> to vector<64x64xf32>
    %slice3A_2837 = vector.extract_strided_slice %add3A_1897 {offsets = [3904, 0], sizes = [64, 96], strides = [1, 1]} : vector<4096x96xf32> to vector<64x96xf32>
    %dot_general3A_2838 = arith.constant dense<0.000000e+00> : vector<64x96xf32>
    %dot_general3A_2839 = tpu.matmul %slice3A_2836, %slice3A_2837, %dot_general3A_2838 {dimension_numbers = #tpu.dot_dimension_numbers<[1], [0], [0], [1], [0, 0, 1, 1], [], []>, transpose_lhs_hint = false} : vector<64x64xf32>, vector<64x96xf32>, vector<64x96xf32> -> vector<64x96xf32>
    %slice3A_2840 = vector.extract_strided_slice %div3A_2591 {offsets = [3968, 0], sizes = [64, 64], strides = [1, 1]} : vector<4096x64xf32> to vector<64x64xf32>
    %slice3A_2841 = vector.extract_strided_slice %add3A_1897 {offsets = [3968, 0], sizes = [64, 96], strides = [1, 1]} : vector<4096x96xf32> to vector<64x96xf32>
    %dot_general3A_2842 = arith.constant dense<0.000000e+00> : vector<64x96xf32>
    %dot_general3A_2843 = tpu.matmul %slice3A_2840, %slice3A_2841, %dot_general3A_2842 {dimension_numbers = #tpu.dot_dimension_numbers<[1], [0], [0], [1], [0, 0, 1, 1], [], []>, transpose_lhs_hint = false} : vector<64x64xf32>, vector<64x96xf32>, vector<64x96xf32> -> vector<64x96xf32>
    %slice3A_2844 = vector.extract_strided_slice %div3A_2591 {offsets = [4032, 0], sizes = [64, 64], strides = [1, 1]} : vector<4096x64xf32> to vector<64x64xf32>
    %slice3A_2845 = vector.extract_strided_slice %add3A_1897 {offsets = [4032, 0], sizes = [64, 96], strides = [1, 1]} : vector<4096x96xf32> to vector<64x96xf32>
    %dot_general3A_2846 = arith.constant dense<0.000000e+00> : vector<64x96xf32>
    %dot_general3A_2847 = tpu.matmul %slice3A_2844, %slice3A_2845, %dot_general3A_2846 {dimension_numbers = #tpu.dot_dimension_numbers<[1], [0], [0], [1], [0, 0, 1, 1], [], []>, transpose_lhs_hint = false} : vector<64x64xf32>, vector<64x96xf32>, vector<64x96xf32> -> vector<64x96xf32>
    %concatenate3A_2848 = tpu.concatenate %dot_general3A_2595, %dot_general3A_2599, %dot_general3A_2603, %dot_general3A_2607, %dot_general3A_2611, %dot_general3A_2615, %dot_general3A_2619, %dot_general3A_2623, %dot_general3A_2627, %dot_general3A_2631, %dot_general3A_2635, %dot_general3A_2639, %dot_general3A_2643, %dot_general3A_2647, %dot_general3A_2651, %dot_general3A_2655, %dot_general3A_2659, %dot_general3A_2663, %dot_general3A_2667, %dot_general3A_2671, %dot_general3A_2675, %dot_general3A_2679, %dot_general3A_2683, %dot_general3A_2687, %dot_general3A_2691, %dot_general3A_2695, %dot_general3A_2699, %dot_general3A_2703, %dot_general3A_2707, %dot_general3A_2711, %dot_general3A_2715, %dot_general3A_2719, %dot_general3A_2723, %dot_general3A_2727, %dot_general3A_2731, %dot_general3A_2735, %dot_general3A_2739, %dot_general3A_2743, %dot_general3A_2747, %dot_general3A_2751, %dot_general3A_2755, %dot_general3A_2759, %dot_general3A_2763, %dot_general3A_2767, %dot_general3A_2771, %dot_general3A_2775, %dot_general3A_2779, %dot_general3A_2783, %dot_general3A_2787, %dot_general3A_2791, %dot_general3A_2795, %dot_general3A_2799, %dot_general3A_2803, %dot_general3A_2807, %dot_general3A_2811, %dot_general3A_2815, %dot_general3A_2819, %dot_general3A_2823, %dot_general3A_2827, %dot_general3A_2831, %dot_general3A_2835, %dot_general3A_2839, %dot_general3A_2843, %dot_general3A_2847 in 0 : vector<64x96xf32>, vector<64x96xf32>, vector<64x96xf32>, vector<64x96xf32>, vector<64x96xf32>, vector<64x96xf32>, vector<64x96xf32>, vector<64x96xf32>, vector<64x96xf32>, vector<64x96xf32>, vector<64x96xf32>, vector<64x96xf32>, vector<64x96xf32>, vector<64x96xf32>, vector<64x96xf32>, vector<64x96xf32>, vector<64x96xf32>, vector<64x96xf32>, vector<64x96xf32>, vector<64x96xf32>, vector<64x96xf32>, vector<64x96xf32>, vector<64x96xf32>, vector<64x96xf32>, vector<64x96xf32>, vector<64x96xf32>, vector<64x96xf32>, vector<64x96xf32>, vector<64x96xf32>, vector<64x96xf32>, vector<64x96xf32>, vector<64x96xf32>, vector<64x96xf32>, vector<64x96xf32>, vector<64x96xf32>, vector<64x96xf32>, vector<64x96xf32>, vector<64x96xf32>, vector<64x96xf32>, vector<64x96xf32>, vector<64x96xf32>, vector<64x96xf32>, vector<64x96xf32>, vector<64x96xf32>, vector<64x96xf32>, vector<64x96xf32>, vector<64x96xf32>, vector<64x96xf32>, vector<64x96xf32>, vector<64x96xf32>, vector<64x96xf32>, vector<64x96xf32>, vector<64x96xf32>, vector<64x96xf32>, vector<64x96xf32>, vector<64x96xf32>, vector<64x96xf32>, vector<64x96xf32>, vector<64x96xf32>, vector<64x96xf32>, vector<64x96xf32>, vector<64x96xf32>, vector<64x96xf32>, vector<64x96xf32> -> vector<4096x96xf32>
    %add3A_2849 = arith.addf %concatenate3A_2848, %add3A_2320 : vector<4096x96xf32>
    %slice3A_2850 = vector.extract_strided_slice %get3A_1877 {offsets = [288, 0], sizes = [96, 96], strides = [1, 1]} : vector<384x96xf32> to vector<96x96xf32>
    %dot_general3A_2851 = arith.constant dense<0.000000e+00> : vector<4096x96xf32>
    %dot_general3A_2852 = tpu.matmul %add3A_2849, %slice3A_2850, %dot_general3A_2851 {dimension_numbers = #tpu.dot_dimension_numbers<[1], [1], [0], [0], [0, 0, 1, 0], [], []>, transpose_lhs_hint = false} : vector<4096x96xf32>, vector<96x96xf32>, vector<4096x96xf32> -> vector<4096x96xf32>
    %slice3A_2853 = vector.extract_strided_slice %get3A_1880 {offsets = [3, 0], sizes = [1, 96], strides = [1, 1]} : vector<16x96xf32> to vector<1x96xf32>
    %add3A_2854 = vector.broadcast %slice3A_2853 : vector<1x96xf32> to vector<4096x96xf32>
    %add3A_2855 = arith.addf %dot_general3A_2852, %add3A_2854 : vector<4096x96xf32>
    %slice3A_2856 = vector.extract_strided_slice %add3A_2855 {offsets = [0, 0], sizes = [64, 96], strides = [1, 1]} : vector<4096x96xf32> to vector<64x96xf32>
    %reshape3A_2857 = vector.shape_cast %slice3A_2856 : vector<64x96xf32> to vector<8x8x96xf32>
    %slice3A_2858 = vector.extract_strided_slice %add3A_2855 {offsets = [64, 0], sizes = [64, 96], strides = [1, 1]} : vector<4096x96xf32> to vector<64x96xf32>
    %reshape3A_2859 = vector.shape_cast %slice3A_2858 : vector<64x96xf32> to vector<8x8x96xf32>
    %slice3A_2860 = vector.extract_strided_slice %add3A_2855 {offsets = [128, 0], sizes = [64, 96], strides = [1, 1]} : vector<4096x96xf32> to vector<64x96xf32>
    %reshape3A_2861 = vector.shape_cast %slice3A_2860 : vector<64x96xf32> to vector<8x8x96xf32>
    %slice3A_2862 = vector.extract_strided_slice %add3A_2855 {offsets = [192, 0], sizes = [64, 96], strides = [1, 1]} : vector<4096x96xf32> to vector<64x96xf32>
    %reshape3A_2863 = vector.shape_cast %slice3A_2862 : vector<64x96xf32> to vector<8x8x96xf32>
    %slice3A_2864 = vector.extract_strided_slice %add3A_2855 {offsets = [256, 0], sizes = [64, 96], strides = [1, 1]} : vector<4096x96xf32> to vector<64x96xf32>
    %reshape3A_2865 = vector.shape_cast %slice3A_2864 : vector<64x96xf32> to vector<8x8x96xf32>
    %slice3A_2866 = vector.extract_strided_slice %add3A_2855 {offsets = [320, 0], sizes = [64, 96], strides = [1, 1]} : vector<4096x96xf32> to vector<64x96xf32>
    %reshape3A_2867 = vector.shape_cast %slice3A_2866 : vector<64x96xf32> to vector<8x8x96xf32>
    %slice3A_2868 = vector.extract_strided_slice %add3A_2855 {offsets = [384, 0], sizes = [64, 96], strides = [1, 1]} : vector<4096x96xf32> to vector<64x96xf32>
    %reshape3A_2869 = vector.shape_cast %slice3A_2868 : vector<64x96xf32> to vector<8x8x96xf32>
    %slice3A_2870 = vector.extract_strided_slice %add3A_2855 {offsets = [448, 0], sizes = [64, 96], strides = [1, 1]} : vector<4096x96xf32> to vector<64x96xf32>
    %reshape3A_2871 = vector.shape_cast %slice3A_2870 : vector<64x96xf32> to vector<8x8x96xf32>
    %slice3A_2872 = vector.extract_strided_slice %add3A_2855 {offsets = [512, 0], sizes = [64, 96], strides = [1, 1]} : vector<4096x96xf32> to vector<64x96xf32>
    %reshape3A_2873 = vector.shape_cast %slice3A_2872 : vector<64x96xf32> to vector<8x8x96xf32>
    %slice3A_2874 = vector.extract_strided_slice %add3A_2855 {offsets = [576, 0], sizes = [64, 96], strides = [1, 1]} : vector<4096x96xf32> to vector<64x96xf32>
    %reshape3A_2875 = vector.shape_cast %slice3A_2874 : vector<64x96xf32> to vector<8x8x96xf32>
    %slice3A_2876 = vector.extract_strided_slice %add3A_2855 {offsets = [640, 0], sizes = [64, 96], strides = [1, 1]} : vector<4096x96xf32> to vector<64x96xf32>
    %reshape3A_2877 = vector.shape_cast %slice3A_2876 : vector<64x96xf32> to vector<8x8x96xf32>
    %slice3A_2878 = vector.extract_strided_slice %add3A_2855 {offsets = [704, 0], sizes = [64, 96], strides = [1, 1]} : vector<4096x96xf32> to vector<64x96xf32>
    %reshape3A_2879 = vector.shape_cast %slice3A_2878 : vector<64x96xf32> to vector<8x8x96xf32>
    %slice3A_2880 = vector.extract_strided_slice %add3A_2855 {offsets = [768, 0], sizes = [64, 96], strides = [1, 1]} : vector<4096x96xf32> to vector<64x96xf32>
    %reshape3A_2881 = vector.shape_cast %slice3A_2880 : vector<64x96xf32> to vector<8x8x96xf32>
    %slice3A_2882 = vector.extract_strided_slice %add3A_2855 {offsets = [832, 0], sizes = [64, 96], strides = [1, 1]} : vector<4096x96xf32> to vector<64x96xf32>
    %reshape3A_2883 = vector.shape_cast %slice3A_2882 : vector<64x96xf32> to vector<8x8x96xf32>
    %slice3A_2884 = vector.extract_strided_slice %add3A_2855 {offsets = [896, 0], sizes = [64, 96], strides = [1, 1]} : vector<4096x96xf32> to vector<64x96xf32>
    %reshape3A_2885 = vector.shape_cast %slice3A_2884 : vector<64x96xf32> to vector<8x8x96xf32>
    %slice3A_2886 = vector.extract_strided_slice %add3A_2855 {offsets = [960, 0], sizes = [64, 96], strides = [1, 1]} : vector<4096x96xf32> to vector<64x96xf32>
    %reshape3A_2887 = vector.shape_cast %slice3A_2886 : vector<64x96xf32> to vector<8x8x96xf32>
    %slice3A_2888 = vector.extract_strided_slice %add3A_2855 {offsets = [1024, 0], sizes = [64, 96], strides = [1, 1]} : vector<4096x96xf32> to vector<64x96xf32>
    %reshape3A_2889 = vector.shape_cast %slice3A_2888 : vector<64x96xf32> to vector<8x8x96xf32>
    %slice3A_2890 = vector.extract_strided_slice %add3A_2855 {offsets = [1088, 0], sizes = [64, 96], strides = [1, 1]} : vector<4096x96xf32> to vector<64x96xf32>
    %reshape3A_2891 = vector.shape_cast %slice3A_2890 : vector<64x96xf32> to vector<8x8x96xf32>
    %slice3A_2892 = vector.extract_strided_slice %add3A_2855 {offsets = [1152, 0], sizes = [64, 96], strides = [1, 1]} : vector<4096x96xf32> to vector<64x96xf32>
    %reshape3A_2893 = vector.shape_cast %slice3A_2892 : vector<64x96xf32> to vector<8x8x96xf32>
    %slice3A_2894 = vector.extract_strided_slice %add3A_2855 {offsets = [1216, 0], sizes = [64, 96], strides = [1, 1]} : vector<4096x96xf32> to vector<64x96xf32>
    %reshape3A_2895 = vector.shape_cast %slice3A_2894 : vector<64x96xf32> to vector<8x8x96xf32>
    %slice3A_2896 = vector.extract_strided_slice %add3A_2855 {offsets = [1280, 0], sizes = [64, 96], strides = [1, 1]} : vector<4096x96xf32> to vector<64x96xf32>
    %reshape3A_2897 = vector.shape_cast %slice3A_2896 : vector<64x96xf32> to vector<8x8x96xf32>
    %slice3A_2898 = vector.extract_strided_slice %add3A_2855 {offsets = [1344, 0], sizes = [64, 96], strides = [1, 1]} : vector<4096x96xf32> to vector<64x96xf32>
    %reshape3A_2899 = vector.shape_cast %slice3A_2898 : vector<64x96xf32> to vector<8x8x96xf32>
    %slice3A_2900 = vector.extract_strided_slice %add3A_2855 {offsets = [1408, 0], sizes = [64, 96], strides = [1, 1]} : vector<4096x96xf32> to vector<64x96xf32>
    %reshape3A_2901 = vector.shape_cast %slice3A_2900 : vector<64x96xf32> to vector<8x8x96xf32>
    %slice3A_2902 = vector.extract_strided_slice %add3A_2855 {offsets = [1472, 0], sizes = [64, 96], strides = [1, 1]} : vector<4096x96xf32> to vector<64x96xf32>
    %reshape3A_2903 = vector.shape_cast %slice3A_2902 : vector<64x96xf32> to vector<8x8x96xf32>
    %slice3A_2904 = vector.extract_strided_slice %add3A_2855 {offsets = [1536, 0], sizes = [64, 96], strides = [1, 1]} : vector<4096x96xf32> to vector<64x96xf32>
    %reshape3A_2905 = vector.shape_cast %slice3A_2904 : vector<64x96xf32> to vector<8x8x96xf32>
    %slice3A_2906 = vector.extract_strided_slice %add3A_2855 {offsets = [1600, 0], sizes = [64, 96], strides = [1, 1]} : vector<4096x96xf32> to vector<64x96xf32>
    %reshape3A_2907 = vector.shape_cast %slice3A_2906 : vector<64x96xf32> to vector<8x8x96xf32>
    %slice3A_2908 = vector.extract_strided_slice %add3A_2855 {offsets = [1664, 0], sizes = [64, 96], strides = [1, 1]} : vector<4096x96xf32> to vector<64x96xf32>
    %reshape3A_2909 = vector.shape_cast %slice3A_2908 : vector<64x96xf32> to vector<8x8x96xf32>
    %slice3A_2910 = vector.extract_strided_slice %add3A_2855 {offsets = [1728, 0], sizes = [64, 96], strides = [1, 1]} : vector<4096x96xf32> to vector<64x96xf32>
    %reshape3A_2911 = vector.shape_cast %slice3A_2910 : vector<64x96xf32> to vector<8x8x96xf32>
    %slice3A_2912 = vector.extract_strided_slice %add3A_2855 {offsets = [1792, 0], sizes = [64, 96], strides = [1, 1]} : vector<4096x96xf32> to vector<64x96xf32>
    %reshape3A_2913 = vector.shape_cast %slice3A_2912 : vector<64x96xf32> to vector<8x8x96xf32>
    %slice3A_2914 = vector.extract_strided_slice %add3A_2855 {offsets = [1856, 0], sizes = [64, 96], strides = [1, 1]} : vector<4096x96xf32> to vector<64x96xf32>
    %reshape3A_2915 = vector.shape_cast %slice3A_2914 : vector<64x96xf32> to vector<8x8x96xf32>
    %slice3A_2916 = vector.extract_strided_slice %add3A_2855 {offsets = [1920, 0], sizes = [64, 96], strides = [1, 1]} : vector<4096x96xf32> to vector<64x96xf32>
    %reshape3A_2917 = vector.shape_cast %slice3A_2916 : vector<64x96xf32> to vector<8x8x96xf32>
    %slice3A_2918 = vector.extract_strided_slice %add3A_2855 {offsets = [1984, 0], sizes = [64, 96], strides = [1, 1]} : vector<4096x96xf32> to vector<64x96xf32>
    %reshape3A_2919 = vector.shape_cast %slice3A_2918 : vector<64x96xf32> to vector<8x8x96xf32>
    %slice3A_2920 = vector.extract_strided_slice %add3A_2855 {offsets = [2048, 0], sizes = [64, 96], strides = [1, 1]} : vector<4096x96xf32> to vector<64x96xf32>
    %reshape3A_2921 = vector.shape_cast %slice3A_2920 : vector<64x96xf32> to vector<8x8x96xf32>
    %slice3A_2922 = vector.extract_strided_slice %add3A_2855 {offsets = [2112, 0], sizes = [64, 96], strides = [1, 1]} : vector<4096x96xf32> to vector<64x96xf32>
    %reshape3A_2923 = vector.shape_cast %slice3A_2922 : vector<64x96xf32> to vector<8x8x96xf32>
    %slice3A_2924 = vector.extract_strided_slice %add3A_2855 {offsets = [2176, 0], sizes = [64, 96], strides = [1, 1]} : vector<4096x96xf32> to vector<64x96xf32>
    %reshape3A_2925 = vector.shape_cast %slice3A_2924 : vector<64x96xf32> to vector<8x8x96xf32>
    %slice3A_2926 = vector.extract_strided_slice %add3A_2855 {offsets = [2240, 0], sizes = [64, 96], strides = [1, 1]} : vector<4096x96xf32> to vector<64x96xf32>
    %reshape3A_2927 = vector.shape_cast %slice3A_2926 : vector<64x96xf32> to vector<8x8x96xf32>
    %slice3A_2928 = vector.extract_strided_slice %add3A_2855 {offsets = [2304, 0], sizes = [64, 96], strides = [1, 1]} : vector<4096x96xf32> to vector<64x96xf32>
    %reshape3A_2929 = vector.shape_cast %slice3A_2928 : vector<64x96xf32> to vector<8x8x96xf32>
    %slice3A_2930 = vector.extract_strided_slice %add3A_2855 {offsets = [2368, 0], sizes = [64, 96], strides = [1, 1]} : vector<4096x96xf32> to vector<64x96xf32>
    %reshape3A_2931 = vector.shape_cast %slice3A_2930 : vector<64x96xf32> to vector<8x8x96xf32>
    %slice3A_2932 = vector.extract_strided_slice %add3A_2855 {offsets = [2432, 0], sizes = [64, 96], strides = [1, 1]} : vector<4096x96xf32> to vector<64x96xf32>
    %reshape3A_2933 = vector.shape_cast %slice3A_2932 : vector<64x96xf32> to vector<8x8x96xf32>
    %slice3A_2934 = vector.extract_strided_slice %add3A_2855 {offsets = [2496, 0], sizes = [64, 96], strides = [1, 1]} : vector<4096x96xf32> to vector<64x96xf32>
    %reshape3A_2935 = vector.shape_cast %slice3A_2934 : vector<64x96xf32> to vector<8x8x96xf32>
    %slice3A_2936 = vector.extract_strided_slice %add3A_2855 {offsets = [2560, 0], sizes = [64, 96], strides = [1, 1]} : vector<4096x96xf32> to vector<64x96xf32>
    %reshape3A_2937 = vector.shape_cast %slice3A_2936 : vector<64x96xf32> to vector<8x8x96xf32>
    %slice3A_2938 = vector.extract_strided_slice %add3A_2855 {offsets = [2624, 0], sizes = [64, 96], strides = [1, 1]} : vector<4096x96xf32> to vector<64x96xf32>
    %reshape3A_2939 = vector.shape_cast %slice3A_2938 : vector<64x96xf32> to vector<8x8x96xf32>
    %slice3A_2940 = vector.extract_strided_slice %add3A_2855 {offsets = [2688, 0], sizes = [64, 96], strides = [1, 1]} : vector<4096x96xf32> to vector<64x96xf32>
    %reshape3A_2941 = vector.shape_cast %slice3A_2940 : vector<64x96xf32> to vector<8x8x96xf32>
    %slice3A_2942 = vector.extract_strided_slice %add3A_2855 {offsets = [2752, 0], sizes = [64, 96], strides = [1, 1]} : vector<4096x96xf32> to vector<64x96xf32>
    %reshape3A_2943 = vector.shape_cast %slice3A_2942 : vector<64x96xf32> to vector<8x8x96xf32>
    %slice3A_2944 = vector.extract_strided_slice %add3A_2855 {offsets = [2816, 0], sizes = [64, 96], strides = [1, 1]} : vector<4096x96xf32> to vector<64x96xf32>
    %reshape3A_2945 = vector.shape_cast %slice3A_2944 : vector<64x96xf32> to vector<8x8x96xf32>
    %slice3A_2946 = vector.extract_strided_slice %add3A_2855 {offsets = [2880, 0], sizes = [64, 96], strides = [1, 1]} : vector<4096x96xf32> to vector<64x96xf32>
    %reshape3A_2947 = vector.shape_cast %slice3A_2946 : vector<64x96xf32> to vector<8x8x96xf32>
    %slice3A_2948 = vector.extract_strided_slice %add3A_2855 {offsets = [2944, 0], sizes = [64, 96], strides = [1, 1]} : vector<4096x96xf32> to vector<64x96xf32>
    %reshape3A_2949 = vector.shape_cast %slice3A_2948 : vector<64x96xf32> to vector<8x8x96xf32>
    %slice3A_2950 = vector.extract_strided_slice %add3A_2855 {offsets = [3008, 0], sizes = [64, 96], strides = [1, 1]} : vector<4096x96xf32> to vector<64x96xf32>
    %reshape3A_2951 = vector.shape_cast %slice3A_2950 : vector<64x96xf32> to vector<8x8x96xf32>
    %slice3A_2952 = vector.extract_strided_slice %add3A_2855 {offsets = [3072, 0], sizes = [64, 96], strides = [1, 1]} : vector<4096x96xf32> to vector<64x96xf32>
    %reshape3A_2953 = vector.shape_cast %slice3A_2952 : vector<64x96xf32> to vector<8x8x96xf32>
    %slice3A_2954 = vector.extract_strided_slice %add3A_2855 {offsets = [3136, 0], sizes = [64, 96], strides = [1, 1]} : vector<4096x96xf32> to vector<64x96xf32>
    %reshape3A_2955 = vector.shape_cast %slice3A_2954 : vector<64x96xf32> to vector<8x8x96xf32>
    %slice3A_2956 = vector.extract_strided_slice %add3A_2855 {offsets = [3200, 0], sizes = [64, 96], strides = [1, 1]} : vector<4096x96xf32> to vector<64x96xf32>
    %reshape3A_2957 = vector.shape_cast %slice3A_2956 : vector<64x96xf32> to vector<8x8x96xf32>
    %slice3A_2958 = vector.extract_strided_slice %add3A_2855 {offsets = [3264, 0], sizes = [64, 96], strides = [1, 1]} : vector<4096x96xf32> to vector<64x96xf32>
    %reshape3A_2959 = vector.shape_cast %slice3A_2958 : vector<64x96xf32> to vector<8x8x96xf32>
    %slice3A_2960 = vector.extract_strided_slice %add3A_2855 {offsets = [3328, 0], sizes = [64, 96], strides = [1, 1]} : vector<4096x96xf32> to vector<64x96xf32>
    %reshape3A_2961 = vector.shape_cast %slice3A_2960 : vector<64x96xf32> to vector<8x8x96xf32>
    %slice3A_2962 = vector.extract_strided_slice %add3A_2855 {offsets = [3392, 0], sizes = [64, 96], strides = [1, 1]} : vector<4096x96xf32> to vector<64x96xf32>
    %reshape3A_2963 = vector.shape_cast %slice3A_2962 : vector<64x96xf32> to vector<8x8x96xf32>
    %slice3A_2964 = vector.extract_strided_slice %add3A_2855 {offsets = [3456, 0], sizes = [64, 96], strides = [1, 1]} : vector<4096x96xf32> to vector<64x96xf32>
    %reshape3A_2965 = vector.shape_cast %slice3A_2964 : vector<64x96xf32> to vector<8x8x96xf32>
    %slice3A_2966 = vector.extract_strided_slice %add3A_2855 {offsets = [3520, 0], sizes = [64, 96], strides = [1, 1]} : vector<4096x96xf32> to vector<64x96xf32>
    %reshape3A_2967 = vector.shape_cast %slice3A_2966 : vector<64x96xf32> to vector<8x8x96xf32>
    %slice3A_2968 = vector.extract_strided_slice %add3A_2855 {offsets = [3584, 0], sizes = [64, 96], strides = [1, 1]} : vector<4096x96xf32> to vector<64x96xf32>
    %reshape3A_2969 = vector.shape_cast %slice3A_2968 : vector<64x96xf32> to vector<8x8x96xf32>
    %slice3A_2970 = vector.extract_strided_slice %add3A_2855 {offsets = [3648, 0], sizes = [64, 96], strides = [1, 1]} : vector<4096x96xf32> to vector<64x96xf32>
    %reshape3A_2971 = vector.shape_cast %slice3A_2970 : vector<64x96xf32> to vector<8x8x96xf32>
    %slice3A_2972 = vector.extract_strided_slice %add3A_2855 {offsets = [3712, 0], sizes = [64, 96], strides = [1, 1]} : vector<4096x96xf32> to vector<64x96xf32>
    %reshape3A_2973 = vector.shape_cast %slice3A_2972 : vector<64x96xf32> to vector<8x8x96xf32>
    %slice3A_2974 = vector.extract_strided_slice %add3A_2855 {offsets = [3776, 0], sizes = [64, 96], strides = [1, 1]} : vector<4096x96xf32> to vector<64x96xf32>
    %reshape3A_2975 = vector.shape_cast %slice3A_2974 : vector<64x96xf32> to vector<8x8x96xf32>
    %slice3A_2976 = vector.extract_strided_slice %add3A_2855 {offsets = [3840, 0], sizes = [64, 96], strides = [1, 1]} : vector<4096x96xf32> to vector<64x96xf32>
    %reshape3A_2977 = vector.shape_cast %slice3A_2976 : vector<64x96xf32> to vector<8x8x96xf32>
    %slice3A_2978 = vector.extract_strided_slice %add3A_2855 {offsets = [3904, 0], sizes = [64, 96], strides = [1, 1]} : vector<4096x96xf32> to vector<64x96xf32>
    %reshape3A_2979 = vector.shape_cast %slice3A_2978 : vector<64x96xf32> to vector<8x8x96xf32>
    %slice3A_2980 = vector.extract_strided_slice %add3A_2855 {offsets = [3968, 0], sizes = [64, 96], strides = [1, 1]} : vector<4096x96xf32> to vector<64x96xf32>
    %reshape3A_2981 = vector.shape_cast %slice3A_2980 : vector<64x96xf32> to vector<8x8x96xf32>
    %slice3A_2982 = vector.extract_strided_slice %add3A_2855 {offsets = [4032, 0], sizes = [64, 96], strides = [1, 1]} : vector<4096x96xf32> to vector<64x96xf32>
    %reshape3A_2983 = vector.shape_cast %slice3A_2982 : vector<64x96xf32> to vector<8x8x96xf32>
    %concatenate3A_2984 = tpu.concatenate %reshape3A_2857, %reshape3A_2859, %reshape3A_2861, %reshape3A_2863, %reshape3A_2865, %reshape3A_2867, %reshape3A_2869, %reshape3A_2871, %reshape3A_2873, %reshape3A_2875, %reshape3A_2877, %reshape3A_2879, %reshape3A_2881, %reshape3A_2883, %reshape3A_2885, %reshape3A_2887, %reshape3A_2889, %reshape3A_2891, %reshape3A_2893, %reshape3A_2895, %reshape3A_2897, %reshape3A_2899, %reshape3A_2901, %reshape3A_2903, %reshape3A_2905, %reshape3A_2907, %reshape3A_2909, %reshape3A_2911, %reshape3A_2913, %reshape3A_2915, %reshape3A_2917, %reshape3A_2919, %reshape3A_2921, %reshape3A_2923, %reshape3A_2925, %reshape3A_2927, %reshape3A_2929, %reshape3A_2931, %reshape3A_2933, %reshape3A_2935, %reshape3A_2937, %reshape3A_2939, %reshape3A_2941, %reshape3A_2943, %reshape3A_2945, %reshape3A_2947, %reshape3A_2949, %reshape3A_2951, %reshape3A_2953, %reshape3A_2955, %reshape3A_2957, %reshape3A_2959, %reshape3A_2961, %reshape3A_2963, %reshape3A_2965, %reshape3A_2967, %reshape3A_2969, %reshape3A_2971, %reshape3A_2973, %reshape3A_2975, %reshape3A_2977, %reshape3A_2979, %reshape3A_2981, %reshape3A_2983 in 1 : vector<8x8x96xf32>, vector<8x8x96xf32>, vector<8x8x96xf32>, vector<8x8x96xf32>, vector<8x8x96xf32>, vector<8x8x96xf32>, vector<8x8x96xf32>, vector<8x8x96xf32>, vector<8x8x96xf32>, vector<8x8x96xf32>, vector<8x8x96xf32>, vector<8x8x96xf32>, vector<8x8x96xf32>, vector<8x8x96xf32>, vector<8x8x96xf32>, vector<8x8x96xf32>, vector<8x8x96xf32>, vector<8x8x96xf32>, vector<8x8x96xf32>, vector<8x8x96xf32>, vector<8x8x96xf32>, vector<8x8x96xf32>, vector<8x8x96xf32>, vector<8x8x96xf32>, vector<8x8x96xf32>, vector<8x8x96xf32>, vector<8x8x96xf32>, vector<8x8x96xf32>, vector<8x8x96xf32>, vector<8x8x96xf32>, vector<8x8x96xf32>, vector<8x8x96xf32>, vector<8x8x96xf32>, vector<8x8x96xf32>, vector<8x8x96xf32>, vector<8x8x96xf32>, vector<8x8x96xf32>, vector<8x8x96xf32>, vector<8x8x96xf32>, vector<8x8x96xf32>, vector<8x8x96xf32>, vector<8x8x96xf32>, vector<8x8x96xf32>, vector<8x8x96xf32>, vector<8x8x96xf32>, vector<8x8x96xf32>, vector<8x8x96xf32>, vector<8x8x96xf32>, vector<8x8x96xf32>, vector<8x8x96xf32>, vector<8x8x96xf32>, vector<8x8x96xf32>, vector<8x8x96xf32>, vector<8x8x96xf32>, vector<8x8x96xf32>, vector<8x8x96xf32>, vector<8x8x96xf32>, vector<8x8x96xf32>, vector<8x8x96xf32>, vector<8x8x96xf32>, vector<8x8x96xf32>, vector<8x8x96xf32>, vector<8x8x96xf32>, vector<8x8x96xf32> -> vector<8x512x96xf32>
    %swap3A = arith.constant 0 : index
    %swap3A_2985 = arith.constant 0 : index
    %swap3A_2986 = arith.constant 0 : index
    %swap3A_2987 = arith.constant 0 : index
    %swap3A_2988 = vector.load %arg198[%swap3A, %swap3A_2985, %swap3A_2986, %swap3A_2987] : memref<1x8x512x96xf32, #tpu.memory_space<vmem>>, vector<1x8x512x96xf32>
    %swap3A_2989 = vector.shape_cast %swap3A_2988 : vector<1x8x512x96xf32> to vector<8x512x96xf32>
    %swap3A_2990 = vector.shape_cast %concatenate3A_2984 : vector<8x512x96xf32> to vector<1x8x512x96xf32>
    tpu.vector_store %arg198[%swap3A, %swap3A_2985, %swap3A_2986, %swap3A_2987], %swap3A_2990 {strides = array<i32>} : memref<1x8x512x96xf32, #tpu.memory_space<vmem>>, vector<1x8x512x96xf32>,
    return
  }
  func.func @transform_0(%arg0: i32, %arg1: memref<12288xi32, #tpu.memory_space<smem>>) -> (i32, i32, i32) {
    %c0_i32 = arith.constant 0 : i32
    %c0_i32_0 = arith.constant 0 : i32
    %c0_i32_1 = arith.constant 0 : i32
    return %arg0, %c0_i32, %c0_i32_0 : i32, i32, i32
  }
  func.func @transform_1(%arg0: i32, %arg1: memref<12288xi32, #tpu.memory_space<smem>>) -> (i32, i32, i32) {
    %mul3A = arith.constant 192 : i32
    %mul3A_0 = arith.muli %mul3A, %arg0 : i32
    %add3A = arith.constant 0 : i32
    %add3A_1 = arith.addi %mul3A_0, %add3A : i32
    %get3A = arith.index_cast %add3A_1 : i32 to index
    %get3A_2 = memref.load %arg1[%get3A] : memref<12288xi32, #tpu.memory_space<smem>>
    %c0_i32 = arith.constant 0 : i32
    %c0_i32_3 = arith.constant 0 : i32
    %c0_i32_4 = arith.constant 0 : i32
    return %get3A_2, %c0_i32, %c0_i32_3 : i32, i32, i32
  }
  func.func @transform_2(%arg0: i32, %arg1: memref<12288xi32, #tpu.memory_space<smem>>) -> (i32, i32, i32) {
    %mul3A = arith.constant 192 : i32
    %mul3A_0 = arith.muli %mul3A, %arg0 : i32
    %add3A = arith.constant 1 : i32
    %add3A_1 = arith.addi %mul3A_0, %add3A : i32
    %get3A = arith.index_cast %add3A_1 : i32 to index
    %get3A_2 = memref.load %arg1[%get3A] : memref<12288xi32, #tpu.memory_space<smem>>
    %c0_i32 = arith.constant 0 : i32
    %c0_i32_3 = arith.constant 0 : i32
    %c0_i32_4 = arith.constant 0 : i32
    return %get3A_2, %c0_i32, %c0_i32_3 : i32, i32, i32
  }
  func.func @transform_3(%arg0: i32, %arg1: memref<12288xi32, #tpu.memory_space<smem>>) -> (i32, i32, i32) {
    %mul3A = arith.constant 192 : i32
    %mul3A_0 = arith.muli %mul3A, %arg0 : i32
    %add3A = arith.constant 2 : i32
    %add3A_1 = arith.addi %mul3A_0, %add3A : i32
    %get3A = arith.index_cast %add3A_1 : i32 to index
    %get3A_2 = memref.load %arg1[%get3A] : memref<12288xi32, #tpu.memory_space<smem>>
    %c0_i32 = arith.constant 0 : i32
    %c0_i32_3 = arith.constant 0 : i32
    %c0_i32_4 = arith.constant 0 : i32
    return %get3A_2, %c0_i32, %c0_i32_3 : i32, i32, i32
  }
  func.func @transform_4(%arg0: i32, %arg1: memref<12288xi32, #tpu.memory_space<smem>>) -> (i32, i32, i32) {
    %mul3A = arith.constant 192 : i32
    %mul3A_0 = arith.muli %mul3A, %arg0 : i32
    %add3A = arith.constant 3 : i32
    %add3A_1 = arith.addi %mul3A_0, %add3A : i32
    %get3A = arith.index_cast %add3A_1 : i32 to index
    %get3A_2 = memref.load %arg1[%get3A] : memref<12288xi32, #tpu.memory_space<smem>>
    %c0_i32 = arith.constant 0 : i32
    %c0_i32_3 = arith.constant 0 : i32
    %c0_i32_4 = arith.constant 0 : i32
    return %get3A_2, %c0_i32, %c0_i32_3 : i32, i32, i32
  }
  func.func @transform_5(%arg0: i32, %arg1: memref<12288xi32, #tpu.memory_space<smem>>) -> (i32, i32, i32) {
    %mul3A = arith.constant 192 : i32
    %mul3A_0 = arith.muli %mul3A, %arg0 : i32
    %add3A = arith.constant 4 : i32
    %add3A_1 = arith.addi %mul3A_0, %add3A : i32
    %get3A = arith.index_cast %add3A_1 : i32 to index
    %get3A_2 = memref.load %arg1[%get3A] : memref<12288xi32, #tpu.memory_space<smem>>
    %c0_i32 = arith.constant 0 : i32
    %c0_i32_3 = arith.constant 0 : i32
    %c0_i32_4 = arith.constant 0 : i32
    return %get3A_2, %c0_i32, %c0_i32_3 : i32, i32, i32
  }
  func.func @transform_6(%arg0: i32, %arg1: memref<12288xi32, #tpu.memory_space<smem>>) -> (i32, i32, i32) {
    %mul3A = arith.constant 192 : i32
    %mul3A_0 = arith.muli %mul3A, %arg0 : i32
    %add3A = arith.constant 5 : i32
    %add3A_1 = arith.addi %mul3A_0, %add3A : i32
    %get3A = arith.index_cast %add3A_1 : i32 to index
    %get3A_2 = memref.load %arg1[%get3A] : memref<12288xi32, #tpu.memory_space<smem>>
    %c0_i32 = arith.constant 0 : i32
    %c0_i32_3 = arith.constant 0 : i32
    %c0_i32_4 = arith.constant 0 : i32
    return %get3A_2, %c0_i32, %c0_i32_3 : i32, i32, i32
  }
  func.func @transform_7(%arg0: i32, %arg1: memref<12288xi32, #tpu.memory_space<smem>>) -> (i32, i32, i32) {
    %mul3A = arith.constant 192 : i32
    %mul3A_0 = arith.muli %mul3A, %arg0 : i32
    %add3A = arith.constant 6 : i32
    %add3A_1 = arith.addi %mul3A_0, %add3A : i32
    %get3A = arith.index_cast %add3A_1 : i32 to index
    %get3A_2 = memref.load %arg1[%get3A] : memref<12288xi32, #tpu.memory_space<smem>>
    %c0_i32 = arith.constant 0 : i32
    %c0_i32_3 = arith.constant 0 : i32
    %c0_i32_4 = arith.constant 0 : i32
    return %get3A_2, %c0_i32, %c0_i32_3 : i32, i32, i32
  }
  func.func @transform_8(%arg0: i32, %arg1: memref<12288xi32, #tpu.memory_space<smem>>) -> (i32, i32, i32) {
    %mul3A = arith.constant 192 : i32
    %mul3A_0 = arith.muli %mul3A, %arg0 : i32
    %add3A = arith.constant 7 : i32
    %add3A_1 = arith.addi %mul3A_0, %add3A : i32
    %get3A = arith.index_cast %add3A_1 : i32 to index
    %get3A_2 = memref.load %arg1[%get3A] : memref<12288xi32, #tpu.memory_space<smem>>
    %c0_i32 = arith.constant 0 : i32
    %c0_i32_3 = arith.constant 0 : i32
    %c0_i32_4 = arith.constant 0 : i32
    return %get3A_2, %c0_i32, %c0_i32_3 : i32, i32, i32
  }
  func.func @transform_9(%arg0: i32, %arg1: memref<12288xi32, #tpu.memory_space<smem>>) -> (i32, i32, i32) {
    %mul3A = arith.constant 192 : i32
    %mul3A_0 = arith.muli %mul3A, %arg0 : i32
    %add3A = arith.constant 8 : i32
    %add3A_1 = arith.addi %mul3A_0, %add3A : i32
    %get3A = arith.index_cast %add3A_1 : i32 to index
    %get3A_2 = memref.load %arg1[%get3A] : memref<12288xi32, #tpu.memory_space<smem>>
    %c0_i32 = arith.constant 0 : i32
    %c0_i32_3 = arith.constant 0 : i32
    %c0_i32_4 = arith.constant 0 : i32
    return %get3A_2, %c0_i32, %c0_i32_3 : i32, i32, i32
  }
  func.func @transform_10(%arg0: i32, %arg1: memref<12288xi32, #tpu.memory_space<smem>>) -> (i32, i32, i32) {
    %mul3A = arith.constant 192 : i32
    %mul3A_0 = arith.muli %mul3A, %arg0 : i32
    %add3A = arith.constant 9 : i32
    %add3A_1 = arith.addi %mul3A_0, %add3A : i32
    %get3A = arith.index_cast %add3A_1 : i32 to index
    %get3A_2 = memref.load %arg1[%get3A] : memref<12288xi32, #tpu.memory_space<smem>>
    %c0_i32 = arith.constant 0 : i32
    %c0_i32_3 = arith.constant 0 : i32
    %c0_i32_4 = arith.constant 0 : i32
    return %get3A_2, %c0_i32, %c0_i32_3 : i32, i32, i32
  }
  func.func @transform_11(%arg0: i32, %arg1: memref<12288xi32, #tpu.memory_space<smem>>) -> (i32, i32, i32) {
    %mul3A = arith.constant 192 : i32
    %mul3A_0 = arith.muli %mul3A, %arg0 : i32
    %add3A = arith.constant 10 : i32
    %add3A_1 = arith.addi %mul3A_0, %add3A : i32
    %get3A = arith.index_cast %add3A_1 : i32 to index
    %get3A_2 = memref.load %arg1[%get3A] : memref<12288xi32, #tpu.memory_space<smem>>
    %c0_i32 = arith.constant 0 : i32
    %c0_i32_3 = arith.constant 0 : i32
    %c0_i32_4 = arith.constant 0 : i32
    return %get3A_2, %c0_i32, %c0_i32_3 : i32, i32, i32
  }
  func.func @transform_12(%arg0: i32, %arg1: memref<12288xi32, #tpu.memory_space<smem>>) -> (i32, i32, i32) {
    %mul3A = arith.constant 192 : i32
    %mul3A_0 = arith.muli %mul3A, %arg0 : i32
    %add3A = arith.constant 11 : i32
    %add3A_1 = arith.addi %mul3A_0, %add3A : i32
    %get3A = arith.index_cast %add3A_1 : i32 to index
    %get3A_2 = memref.load %arg1[%get3A] : memref<12288xi32, #tpu.memory_space<smem>>
    %c0_i32 = arith.constant 0 : i32
    %c0_i32_3 = arith.constant 0 : i32
    %c0_i32_4 = arith.constant 0 : i32
    return %get3A_2, %c0_i32, %c0_i32_3 : i32, i32, i32
  }
  func.func @transform_13(%arg0: i32, %arg1: memref<12288xi32, #tpu.memory_space<smem>>) -> (i32, i32, i32) {
    %mul3A = arith.constant 192 : i32
    %mul3A_0 = arith.muli %mul3A, %arg0 : i32
    %add3A = arith.constant 12 : i32
    %add3A_1 = arith.addi %mul3A_0, %add3A : i32
    %get3A = arith.index_cast %add3A_1 : i32 to index
    %get3A_2 = memref.load %arg1[%get3A] : memref<12288xi32, #tpu.memory_space<smem>>
    %c0_i32 = arith.constant 0 : i32
    %c0_i32_3 = arith.constant 0 : i32
    %c0_i32_4 = arith.constant 0 : i32
    return %get3A_2, %c0_i32, %c0_i32_3 : i32, i32, i32
  }
  func.func @transform_14(%arg0: i32, %arg1: memref<12288xi32, #tpu.memory_space<smem>>) -> (i32, i32, i32) {
    %mul3A = arith.constant 192 : i32
    %mul3A_0 = arith.muli %mul3A, %arg0 : i32
    %add3A = arith.constant 13 : i32
    %add3A_1 = arith.addi %mul3A_0, %add3A : i32
    %get3A = arith.index_cast %add3A_1 : i32 to index
    %get3A_2 = memref.load %arg1[%get3A] : memref<12288xi32, #tpu.memory_space<smem>>
    %c0_i32 = arith.constant 0 : i32
    %c0_i32_3 = arith.constant 0 : i32
    %c0_i32_4 = arith.constant 0 : i32
    return %get3A_2, %c0_i32, %c0_i32_3 : i32, i32, i32
  }
  func.func @transform_15(%arg0: i32, %arg1: memref<12288xi32, #tpu.memory_space<smem>>) -> (i32, i32, i32) {
    %mul3A = arith.constant 192 : i32
    %mul3A_0 = arith.muli %mul3A, %arg0 : i32
    %add3A = arith.constant 14 : i32
    %add3A_1 = arith.addi %mul3A_0, %add3A : i32
    %get3A = arith.index_cast %add3A_1 : i32 to index
    %get3A_2 = memref.load %arg1[%get3A] : memref<12288xi32, #tpu.memory_space<smem>>
    %c0_i32 = arith.constant 0 : i32
    %c0_i32_3 = arith.constant 0 : i32
    %c0_i32_4 = arith.constant 0 : i32
    return %get3A_2, %c0_i32, %c0_i32_3 : i32, i32, i32
  }
  func.func @transform_16(%arg0: i32, %arg1: memref<12288xi32, #tpu.memory_space<smem>>) -> (i32, i32, i32) {
    %mul3A = arith.constant 192 : i32
    %mul3A_0 = arith.muli %mul3A, %arg0 : i32
    %add3A = arith.constant 15 : i32
    %add3A_1 = arith.addi %mul3A_0, %add3A : i32
    %get3A = arith.index_cast %add3A_1 : i32 to index
    %get3A_2 = memref.load %arg1[%get3A] : memref<12288xi32, #tpu.memory_space<smem>>
    %c0_i32 = arith.constant 0 : i32
    %c0_i32_3 = arith.constant 0 : i32
    %c0_i32_4 = arith.constant 0 : i32
    return %get3A_2, %c0_i32, %c0_i32_3 : i32, i32, i32
  }
  func.func @transform_17(%arg0: i32, %arg1: memref<12288xi32, #tpu.memory_space<smem>>) -> (i32, i32, i32) {
    %mul3A = arith.constant 192 : i32
    %mul3A_0 = arith.muli %mul3A, %arg0 : i32
    %add3A = arith.constant 16 : i32
    %add3A_1 = arith.addi %mul3A_0, %add3A : i32
    %get3A = arith.index_cast %add3A_1 : i32 to index
    %get3A_2 = memref.load %arg1[%get3A] : memref<12288xi32, #tpu.memory_space<smem>>
    %c0_i32 = arith.constant 0 : i32
    %c0_i32_3 = arith.constant 0 : i32
    %c0_i32_4 = arith.constant 0 : i32
    return %get3A_2, %c0_i32, %c0_i32_3 : i32, i32, i32
  }
  func.func @transform_18(%arg0: i32, %arg1: memref<12288xi32, #tpu.memory_space<smem>>) -> (i32, i32, i32) {
    %mul3A = arith.constant 192 : i32
    %mul3A_0 = arith.muli %mul3A, %arg0 : i32
    %add3A = arith.constant 17 : i32
    %add3A_1 = arith.addi %mul3A_0, %add3A : i32
    %get3A = arith.index_cast %add3A_1 : i32 to index
    %get3A_2 = memref.load %arg1[%get3A] : memref<12288xi32, #tpu.memory_space<smem>>
    %c0_i32 = arith.constant 0 : i32
    %c0_i32_3 = arith.constant 0 : i32
    %c0_i32_4 = arith.constant 0 : i32
    return %get3A_2, %c0_i32, %c0_i32_3 : i32, i32, i32
  }
  func.func @transform_19(%arg0: i32, %arg1: memref<12288xi32, #tpu.memory_space<smem>>) -> (i32, i32, i32) {
    %mul3A = arith.constant 192 : i32
    %mul3A_0 = arith.muli %mul3A, %arg0 : i32
    %add3A = arith.constant 18 : i32
    %add3A_1 = arith.addi %mul3A_0, %add3A : i32
    %get3A = arith.index_cast %add3A_1 : i32 to index
    %get3A_2 = memref.load %arg1[%get3A] : memref<12288xi32, #tpu.memory_space<smem>>
    %c0_i32 = arith.constant 0 : i32
    %c0_i32_3 = arith.constant 0 : i32
    %c0_i32_4 = arith.constant 0 : i32
    return %get3A_2, %c0_i32, %c0_i32_3 : i32, i32, i32
  }
  func.func @transform_20(%arg0: i32, %arg1: memref<12288xi32, #tpu.memory_space<smem>>) -> (i32, i32, i32) {
    %mul3A = arith.constant 192 : i32
    %mul3A_0 = arith.muli %mul3A, %arg0 : i32
    %add3A = arith.constant 19 : i32
    %add3A_1 = arith.addi %mul3A_0, %add3A : i32
    %get3A = arith.index_cast %add3A_1 : i32 to index
    %get3A_2 = memref.load %arg1[%get3A] : memref<12288xi32, #tpu.memory_space<smem>>
    %c0_i32 = arith.constant 0 : i32
    %c0_i32_3 = arith.constant 0 : i32
    %c0_i32_4 = arith.constant 0 : i32
    return %get3A_2, %c0_i32, %c0_i32_3 : i32, i32, i32
  }
  func.func @transform_21(%arg0: i32, %arg1: memref<12288xi32, #tpu.memory_space<smem>>) -> (i32, i32, i32) {
    %mul3A = arith.constant 192 : i32
    %mul3A_0 = arith.muli %mul3A, %arg0 : i32
    %add3A = arith.constant 20 : i32
    %add3A_1 = arith.addi %mul3A_0, %add3A : i32
    %get3A = arith.index_cast %add3A_1 : i32 to index
    %get3A_2 = memref.load %arg1[%get3A] : memref<12288xi32, #tpu.memory_space<smem>>
    %c0_i32 = arith.constant 0 : i32
    %c0_i32_3 = arith.constant 0 : i32
    %c0_i32_4 = arith.constant 0 : i32
    return %get3A_2, %c0_i32, %c0_i32_3 : i32, i32, i32
  }
  func.func @transform_22(%arg0: i32, %arg1: memref<12288xi32, #tpu.memory_space<smem>>) -> (i32, i32, i32) {
    %mul3A = arith.constant 192 : i32
    %mul3A_0 = arith.muli %mul3A, %arg0 : i32
    %add3A = arith.constant 21 : i32
    %add3A_1 = arith.addi %mul3A_0, %add3A : i32
    %get3A = arith.index_cast %add3A_1 : i32 to index
    %get3A_2 = memref.load %arg1[%get3A] : memref<12288xi32, #tpu.memory_space<smem>>
    %c0_i32 = arith.constant 0 : i32
    %c0_i32_3 = arith.constant 0 : i32
    %c0_i32_4 = arith.constant 0 : i32
    return %get3A_2, %c0_i32, %c0_i32_3 : i32, i32, i32
  }
  func.func @transform_23(%arg0: i32, %arg1: memref<12288xi32, #tpu.memory_space<smem>>) -> (i32, i32, i32) {
    %mul3A = arith.constant 192 : i32
    %mul3A_0 = arith.muli %mul3A, %arg0 : i32
    %add3A = arith.constant 22 : i32
    %add3A_1 = arith.addi %mul3A_0, %add3A : i32
    %get3A = arith.index_cast %add3A_1 : i32 to index
    %get3A_2 = memref.load %arg1[%get3A] : memref<12288xi32, #tpu.memory_space<smem>>
    %c0_i32 = arith.constant 0 : i32
    %c0_i32_3 = arith.constant 0 : i32
    %c0_i32_4 = arith.constant 0 : i32
    return %get3A_2, %c0_i32, %c0_i32_3 : i32, i32, i32
  }
  func.func @transform_24(%arg0: i32, %arg1: memref<12288xi32, #tpu.memory_space<smem>>) -> (i32, i32, i32) {
    %mul3A = arith.constant 192 : i32
    %mul3A_0 = arith.muli %mul3A, %arg0 : i32
    %add3A = arith.constant 23 : i32
    %add3A_1 = arith.addi %mul3A_0, %add3A : i32
    %get3A = arith.index_cast %add3A_1 : i32 to index
    %get3A_2 = memref.load %arg1[%get3A] : memref<12288xi32, #tpu.memory_space<smem>>
    %c0_i32 = arith.constant 0 : i32
    %c0_i32_3 = arith.constant 0 : i32
    %c0_i32_4 = arith.constant 0 : i32
    return %get3A_2, %c0_i32, %c0_i32_3 : i32, i32, i32
  }
  func.func @transform_25(%arg0: i32, %arg1: memref<12288xi32, #tpu.memory_space<smem>>) -> (i32, i32, i32) {
    %mul3A = arith.constant 192 : i32
    %mul3A_0 = arith.muli %mul3A, %arg0 : i32
    %add3A = arith.constant 24 : i32
    %add3A_1 = arith.addi %mul3A_0, %add3A : i32
    %get3A = arith.index_cast %add3A_1 : i32 to index
    %get3A_2 = memref.load %arg1[%get3A] : memref<12288xi32, #tpu.memory_space<smem>>
    %c0_i32 = arith.constant 0 : i32
    %c0_i32_3 = arith.constant 0 : i32
    %c0_i32_4 = arith.constant 0 : i32
    return %get3A_2, %c0_i32, %c0_i32_3 : i32, i32, i32
  }
  func.func @transform_26(%arg0: i32, %arg1: memref<12288xi32, #tpu.memory_space<smem>>) -> (i32, i32, i32) {
    %mul3A = arith.constant 192 : i32
    %mul3A_0 = arith.muli %mul3A, %arg0 : i32
    %add3A = arith.constant 25 : i32
    %add3A_1 = arith.addi %mul3A_0, %add3A : i32
    %get3A = arith.index_cast %add3A_1 : i32 to index
    %get3A_2 = memref.load %arg1[%get3A] : memref<12288xi32, #tpu.memory_space<smem>>
    %c0_i32 = arith.constant 0 : i32
    %c0_i32_3 = arith.constant 0 : i32
    %c0_i32_4 = arith.constant 0 : i32
    return %get3A_2, %c0_i32, %c0_i32_3 : i32, i32, i32
  }
  func.func @transform_27(%arg0: i32, %arg1: memref<12288xi32, #tpu.memory_space<smem>>) -> (i32, i32, i32) {
    %mul3A = arith.constant 192 : i32
    %mul3A_0 = arith.muli %mul3A, %arg0 : i32
    %add3A = arith.constant 26 : i32
    %add3A_1 = arith.addi %mul3A_0, %add3A : i32
    %get3A = arith.index_cast %add3A_1 : i32 to index
    %get3A_2 = memref.load %arg1[%get3A] : memref<12288xi32, #tpu.memory_space<smem>>
    %c0_i32 = arith.constant 0 : i32
    %c0_i32_3 = arith.constant 0 : i32
    %c0_i32_4 = arith.constant 0 : i32
    return %get3A_2, %c0_i32, %c0_i32_3 : i32, i32, i32
  }
  func.func @transform_28(%arg0: i32, %arg1: memref<12288xi32, #tpu.memory_space<smem>>) -> (i32, i32, i32) {
    %mul3A = arith.constant 192 : i32
    %mul3A_0 = arith.muli %mul3A, %arg0 : i32
    %add3A = arith.constant 27 : i32
    %add3A_1 = arith.addi %mul3A_0, %add3A : i32
    %get3A = arith.index_cast %add3A_1 : i32 to index
    %get3A_2 = memref.load %arg1[%get3A] : memref<12288xi32, #tpu.memory_space<smem>>
    %c0_i32 = arith.constant 0 : i32
    %c0_i32_3 = arith.constant 0 : i32
    %c0_i32_4 = arith.constant 0 : i32
    return %get3A_2, %c0_i32, %c0_i32_3 : i32, i32, i32
  }
  func.func @transform_29(%arg0: i32, %arg1: memref<12288xi32, #tpu.memory_space<smem>>) -> (i32, i32, i32) {
    %mul3A = arith.constant 192 : i32
    %mul3A_0 = arith.muli %mul3A, %arg0 : i32
    %add3A = arith.constant 28 : i32
    %add3A_1 = arith.addi %mul3A_0, %add3A : i32
    %get3A = arith.index_cast %add3A_1 : i32 to index
    %get3A_2 = memref.load %arg1[%get3A] : memref<12288xi32, #tpu.memory_space<smem>>
    %c0_i32 = arith.constant 0 : i32
    %c0_i32_3 = arith.constant 0 : i32
    %c0_i32_4 = arith.constant 0 : i32
    return %get3A_2, %c0_i32, %c0_i32_3 : i32, i32, i32
  }
  func.func @transform_30(%arg0: i32, %arg1: memref<12288xi32, #tpu.memory_space<smem>>) -> (i32, i32, i32) {
    %mul3A = arith.constant 192 : i32
    %mul3A_0 = arith.muli %mul3A, %arg0 : i32
    %add3A = arith.constant 29 : i32
    %add3A_1 = arith.addi %mul3A_0, %add3A : i32
    %get3A = arith.index_cast %add3A_1 : i32 to index
    %get3A_2 = memref.load %arg1[%get3A] : memref<12288xi32, #tpu.memory_space<smem>>
    %c0_i32 = arith.constant 0 : i32
    %c0_i32_3 = arith.constant 0 : i32
    %c0_i32_4 = arith.constant 0 : i32
    return %get3A_2, %c0_i32, %c0_i32_3 : i32, i32, i32
  }
  func.func @transform_31(%arg0: i32, %arg1: memref<12288xi32, #tpu.memory_space<smem>>) -> (i32, i32, i32) {
    %mul3A = arith.constant 192 : i32
    %mul3A_0 = arith.muli %mul3A, %arg0 : i32
    %add3A = arith.constant 30 : i32
    %add3A_1 = arith.addi %mul3A_0, %add3A : i32
    %get3A = arith.index_cast %add3A_1 : i32 to index
    %get3A_2 = memref.load %arg1[%get3A] : memref<12288xi32, #tpu.memory_space<smem>>
    %c0_i32 = arith.constant 0 : i32
    %c0_i32_3 = arith.constant 0 : i32
    %c0_i32_4 = arith.constant 0 : i32
    return %get3A_2, %c0_i32, %c0_i32_3 : i32, i32, i32
  }
  func.func @transform_32(%arg0: i32, %arg1: memref<12288xi32, #tpu.memory_space<smem>>) -> (i32, i32, i32) {
    %mul3A = arith.constant 192 : i32
    %mul3A_0 = arith.muli %mul3A, %arg0 : i32
    %add3A = arith.constant 31 : i32
    %add3A_1 = arith.addi %mul3A_0, %add3A : i32
    %get3A = arith.index_cast %add3A_1 : i32 to index
    %get3A_2 = memref.load %arg1[%get3A] : memref<12288xi32, #tpu.memory_space<smem>>
    %c0_i32 = arith.constant 0 : i32
    %c0_i32_3 = arith.constant 0 : i32
    %c0_i32_4 = arith.constant 0 : i32
    return %get3A_2, %c0_i32, %c0_i32_3 : i32, i32, i32
  }
  func.func @transform_33(%arg0: i32, %arg1: memref<12288xi32, #tpu.memory_space<smem>>) -> (i32, i32, i32) {
    %mul3A = arith.constant 192 : i32
    %mul3A_0 = arith.muli %mul3A, %arg0 : i32
    %add3A = arith.constant 32 : i32
    %add3A_1 = arith.addi %mul3A_0, %add3A : i32
    %get3A = arith.index_cast %add3A_1 : i32 to index
    %get3A_2 = memref.load %arg1[%get3A] : memref<12288xi32, #tpu.memory_space<smem>>
    %c0_i32 = arith.constant 0 : i32
    %c0_i32_3 = arith.constant 0 : i32
    %c0_i32_4 = arith.constant 0 : i32
    return %get3A_2, %c0_i32, %c0_i32_3 : i32, i32, i32
  }
  func.func @transform_34(%arg0: i32, %arg1: memref<12288xi32, #tpu.memory_space<smem>>) -> (i32, i32, i32) {
    %mul3A = arith.constant 192 : i32
    %mul3A_0 = arith.muli %mul3A, %arg0 : i32
    %add3A = arith.constant 33 : i32
    %add3A_1 = arith.addi %mul3A_0, %add3A : i32
    %get3A = arith.index_cast %add3A_1 : i32 to index
    %get3A_2 = memref.load %arg1[%get3A] : memref<12288xi32, #tpu.memory_space<smem>>
    %c0_i32 = arith.constant 0 : i32
    %c0_i32_3 = arith.constant 0 : i32
    %c0_i32_4 = arith.constant 0 : i32
    return %get3A_2, %c0_i32, %c0_i32_3 : i32, i32, i32
  }
  func.func @transform_35(%arg0: i32, %arg1: memref<12288xi32, #tpu.memory_space<smem>>) -> (i32, i32, i32) {
    %mul3A = arith.constant 192 : i32
    %mul3A_0 = arith.muli %mul3A, %arg0 : i32
    %add3A = arith.constant 34 : i32
    %add3A_1 = arith.addi %mul3A_0, %add3A : i32
    %get3A = arith.index_cast %add3A_1 : i32 to index
    %get3A_2 = memref.load %arg1[%get3A] : memref<12288xi32, #tpu.memory_space<smem>>
    %c0_i32 = arith.constant 0 : i32
    %c0_i32_3 = arith.constant 0 : i32
    %c0_i32_4 = arith.constant 0 : i32
    return %get3A_2, %c0_i32, %c0_i32_3 : i32, i32, i32
  }
  func.func @transform_36(%arg0: i32, %arg1: memref<12288xi32, #tpu.memory_space<smem>>) -> (i32, i32, i32) {
    %mul3A = arith.constant 192 : i32
    %mul3A_0 = arith.muli %mul3A, %arg0 : i32
    %add3A = arith.constant 35 : i32
    %add3A_1 = arith.addi %mul3A_0, %add3A : i32
    %get3A = arith.index_cast %add3A_1 : i32 to index
    %get3A_2 = memref.load %arg1[%get3A] : memref<12288xi32, #tpu.memory_space<smem>>
    %c0_i32 = arith.constant 0 : i32
    %c0_i32_3 = arith.constant 0 : i32
    %c0_i32_4 = arith.constant 0 : i32
    return %get3A_2, %c0_i32, %c0_i32_3 : i32, i32, i32
  }
  func.func @transform_37(%arg0: i32, %arg1: memref<12288xi32, #tpu.memory_space<smem>>) -> (i32, i32, i32) {
    %mul3A = arith.constant 192 : i32
    %mul3A_0 = arith.muli %mul3A, %arg0 : i32
    %add3A = arith.constant 36 : i32
    %add3A_1 = arith.addi %mul3A_0, %add3A : i32
    %get3A = arith.index_cast %add3A_1 : i32 to index
    %get3A_2 = memref.load %arg1[%get3A] : memref<12288xi32, #tpu.memory_space<smem>>
    %c0_i32 = arith.constant 0 : i32
    %c0_i32_3 = arith.constant 0 : i32
    %c0_i32_4 = arith.constant 0 : i32
    return %get3A_2, %c0_i32, %c0_i32_3 : i32, i32, i32
  }
  func.func @transform_38(%arg0: i32, %arg1: memref<12288xi32, #tpu.memory_space<smem>>) -> (i32, i32, i32) {
    %mul3A = arith.constant 192 : i32
    %mul3A_0 = arith.muli %mul3A, %arg0 : i32
    %add3A = arith.constant 37 : i32
    %add3A_1 = arith.addi %mul3A_0, %add3A : i32
    %get3A = arith.index_cast %add3A_1 : i32 to index
    %get3A_2 = memref.load %arg1[%get3A] : memref<12288xi32, #tpu.memory_space<smem>>
    %c0_i32 = arith.constant 0 : i32
    %c0_i32_3 = arith.constant 0 : i32
    %c0_i32_4 = arith.constant 0 : i32
    return %get3A_2, %c0_i32, %c0_i32_3 : i32, i32, i32
  }
  func.func @transform_39(%arg0: i32, %arg1: memref<12288xi32, #tpu.memory_space<smem>>) -> (i32, i32, i32) {
    %mul3A = arith.constant 192 : i32
    %mul3A_0 = arith.muli %mul3A, %arg0 : i32
    %add3A = arith.constant 38 : i32
    %add3A_1 = arith.addi %mul3A_0, %add3A : i32
    %get3A = arith.index_cast %add3A_1 : i32 to index
    %get3A_2 = memref.load %arg1[%get3A] : memref<12288xi32, #tpu.memory_space<smem>>
    %c0_i32 = arith.constant 0 : i32
    %c0_i32_3 = arith.constant 0 : i32
    %c0_i32_4 = arith.constant 0 : i32
    return %get3A_2, %c0_i32, %c0_i32_3 : i32, i32, i32
  }
  func.func @transform_40(%arg0: i32, %arg1: memref<12288xi32, #tpu.memory_space<smem>>) -> (i32, i32, i32) {
    %mul3A = arith.constant 192 : i32
    %mul3A_0 = arith.muli %mul3A, %arg0 : i32
    %add3A = arith.constant 39 : i32
    %add3A_1 = arith.addi %mul3A_0, %add3A : i32
    %get3A = arith.index_cast %add3A_1 : i32 to index
    %get3A_2 = memref.load %arg1[%get3A] : memref<12288xi32, #tpu.memory_space<smem>>
    %c0_i32 = arith.constant 0 : i32
    %c0_i32_3 = arith.constant 0 : i32
    %c0_i32_4 = arith.constant 0 : i32
    return %get3A_2, %c0_i32, %c0_i32_3 : i32, i32, i32
  }
  func.func @transform_41(%arg0: i32, %arg1: memref<12288xi32, #tpu.memory_space<smem>>) -> (i32, i32, i32) {
    %mul3A = arith.constant 192 : i32
    %mul3A_0 = arith.muli %mul3A, %arg0 : i32
    %add3A = arith.constant 40 : i32
    %add3A_1 = arith.addi %mul3A_0, %add3A : i32
    %get3A = arith.index_cast %add3A_1 : i32 to index
    %get3A_2 = memref.load %arg1[%get3A] : memref<12288xi32, #tpu.memory_space<smem>>
    %c0_i32 = arith.constant 0 : i32
    %c0_i32_3 = arith.constant 0 : i32
    %c0_i32_4 = arith.constant 0 : i32
    return %get3A_2, %c0_i32, %c0_i32_3 : i32, i32, i32
  }
  func.func @transform_42(%arg0: i32, %arg1: memref<12288xi32, #tpu.memory_space<smem>>) -> (i32, i32, i32) {
    %mul3A = arith.constant 192 : i32
    %mul3A_0 = arith.muli %mul3A, %arg0 : i32
    %add3A = arith.constant 41 : i32
    %add3A_1 = arith.addi %mul3A_0, %add3A : i32
    %get3A = arith.index_cast %add3A_1 : i32 to index
    %get3A_2 = memref.load %arg1[%get3A] : memref<12288xi32, #tpu.memory_space<smem>>
    %c0_i32 = arith.constant 0 : i32
    %c0_i32_3 = arith.constant 0 : i32
    %c0_i32_4 = arith.constant 0 : i32
    return %get3A_2, %c0_i32, %c0_i32_3 : i32, i32, i32
  }
  func.func @transform_43(%arg0: i32, %arg1: memref<12288xi32, #tpu.memory_space<smem>>) -> (i32, i32, i32) {
    %mul3A = arith.constant 192 : i32
    %mul3A_0 = arith.muli %mul3A, %arg0 : i32
    %add3A = arith.constant 42 : i32
    %add3A_1 = arith.addi %mul3A_0, %add3A : i32
    %get3A = arith.index_cast %add3A_1 : i32 to index
    %get3A_2 = memref.load %arg1[%get3A] : memref<12288xi32, #tpu.memory_space<smem>>
    %c0_i32 = arith.constant 0 : i32
    %c0_i32_3 = arith.constant 0 : i32
    %c0_i32_4 = arith.constant 0 : i32
    return %get3A_2, %c0_i32, %c0_i32_3 : i32, i32, i32
  }
  func.func @transform_44(%arg0: i32, %arg1: memref<12288xi32, #tpu.memory_space<smem>>) -> (i32, i32, i32) {
    %mul3A = arith.constant 192 : i32
    %mul3A_0 = arith.muli %mul3A, %arg0 : i32
    %add3A = arith.constant 43 : i32
    %add3A_1 = arith.addi %mul3A_0, %add3A : i32
    %get3A = arith.index_cast %add3A_1 : i32 to index
    %get3A_2 = memref.load %arg1[%get3A] : memref<12288xi32, #tpu.memory_space<smem>>
    %c0_i32 = arith.constant 0 : i32
    %c0_i32_3 = arith.constant 0 : i32
    %c0_i32_4 = arith.constant 0 : i32
    return %get3A_2, %c0_i32, %c0_i32_3 : i32, i32, i32
  }
  func.func @transform_45(%arg0: i32, %arg1: memref<12288xi32, #tpu.memory_space<smem>>) -> (i32, i32, i32) {
    %mul3A = arith.constant 192 : i32
    %mul3A_0 = arith.muli %mul3A, %arg0 : i32
    %add3A = arith.constant 44 : i32
    %add3A_1 = arith.addi %mul3A_0, %add3A : i32
    %get3A = arith.index_cast %add3A_1 : i32 to index
    %get3A_2 = memref.load %arg1[%get3A] : memref<12288xi32, #tpu.memory_space<smem>>
    %c0_i32 = arith.constant 0 : i32
    %c0_i32_3 = arith.constant 0 : i32
    %c0_i32_4 = arith.constant 0 : i32
    return %get3A_2, %c0_i32, %c0_i32_3 : i32, i32, i32
  }
  func.func @transform_46(%arg0: i32, %arg1: memref<12288xi32, #tpu.memory_space<smem>>) -> (i32, i32, i32) {
    %mul3A = arith.constant 192 : i32
    %mul3A_0 = arith.muli %mul3A, %arg0 : i32
    %add3A = arith.constant 45 : i32
    %add3A_1 = arith.addi %mul3A_0, %add3A : i32
    %get3A = arith.index_cast %add3A_1 : i32 to index
    %get3A_2 = memref.load %arg1[%get3A] : memref<12288xi32, #tpu.memory_space<smem>>
    %c0_i32 = arith.constant 0 : i32
    %c0_i32_3 = arith.constant 0 : i32
    %c0_i32_4 = arith.constant 0 : i32
    return %get3A_2, %c0_i32, %c0_i32_3 : i32, i32, i32
  }
  func.func @transform_47(%arg0: i32, %arg1: memref<12288xi32, #tpu.memory_space<smem>>) -> (i32, i32, i32) {
    %mul3A = arith.constant 192 : i32
    %mul3A_0 = arith.muli %mul3A, %arg0 : i32
    %add3A = arith.constant 46 : i32
    %add3A_1 = arith.addi %mul3A_0, %add3A : i32
    %get3A = arith.index_cast %add3A_1 : i32 to index
    %get3A_2 = memref.load %arg1[%get3A] : memref<12288xi32, #tpu.memory_space<smem>>
    %c0_i32 = arith.constant 0 : i32
    %c0_i32_3 = arith.constant 0 : i32
    %c0_i32_4 = arith.constant 0 : i32
    return %get3A_2, %c0_i32, %c0_i32_3 : i32, i32, i32
  }
  func.func @transform_48(%arg0: i32, %arg1: memref<12288xi32, #tpu.memory_space<smem>>) -> (i32, i32, i32) {
    %mul3A = arith.constant 192 : i32
    %mul3A_0 = arith.muli %mul3A, %arg0 : i32
    %add3A = arith.constant 47 : i32
    %add3A_1 = arith.addi %mul3A_0, %add3A : i32
    %get3A = arith.index_cast %add3A_1 : i32 to index
    %get3A_2 = memref.load %arg1[%get3A] : memref<12288xi32, #tpu.memory_space<smem>>
    %c0_i32 = arith.constant 0 : i32
    %c0_i32_3 = arith.constant 0 : i32
    %c0_i32_4 = arith.constant 0 : i32
    return %get3A_2, %c0_i32, %c0_i32_3 : i32, i32, i32
  }
  func.func @transform_49(%arg0: i32, %arg1: memref<12288xi32, #tpu.memory_space<smem>>) -> (i32, i32, i32) {
    %mul3A = arith.constant 192 : i32
    %mul3A_0 = arith.muli %mul3A, %arg0 : i32
    %add3A = arith.constant 48 : i32
    %add3A_1 = arith.addi %mul3A_0, %add3A : i32
    %get3A = arith.index_cast %add3A_1 : i32 to index
    %get3A_2 = memref.load %arg1[%get3A] : memref<12288xi32, #tpu.memory_space<smem>>
    %c0_i32 = arith.constant 0 : i32
    %c0_i32_3 = arith.constant 0 : i32
    %c0_i32_4 = arith.constant 0 : i32
    return %get3A_2, %c0_i32, %c0_i32_3 : i32, i32, i32
  }
  func.func @transform_50(%arg0: i32, %arg1: memref<12288xi32, #tpu.memory_space<smem>>) -> (i32, i32, i32) {
    %mul3A = arith.constant 192 : i32
    %mul3A_0 = arith.muli %mul3A, %arg0 : i32
    %add3A = arith.constant 49 : i32
    %add3A_1 = arith.addi %mul3A_0, %add3A : i32
    %get3A = arith.index_cast %add3A_1 : i32 to index
    %get3A_2 = memref.load %arg1[%get3A] : memref<12288xi32, #tpu.memory_space<smem>>
    %c0_i32 = arith.constant 0 : i32
    %c0_i32_3 = arith.constant 0 : i32
    %c0_i32_4 = arith.constant 0 : i32
    return %get3A_2, %c0_i32, %c0_i32_3 : i32, i32, i32
  }
  func.func @transform_51(%arg0: i32, %arg1: memref<12288xi32, #tpu.memory_space<smem>>) -> (i32, i32, i32) {
    %mul3A = arith.constant 192 : i32
    %mul3A_0 = arith.muli %mul3A, %arg0 : i32
    %add3A = arith.constant 50 : i32
    %add3A_1 = arith.addi %mul3A_0, %add3A : i32
    %get3A = arith.index_cast %add3A_1 : i32 to index
    %get3A_2 = memref.load %arg1[%get3A] : memref<12288xi32, #tpu.memory_space<smem>>
    %c0_i32 = arith.constant 0 : i32
    %c0_i32_3 = arith.constant 0 : i32
    %c0_i32_4 = arith.constant 0 : i32
    return %get3A_2, %c0_i32, %c0_i32_3 : i32, i32, i32
  }
  func.func @transform_52(%arg0: i32, %arg1: memref<12288xi32, #tpu.memory_space<smem>>) -> (i32, i32, i32) {
    %mul3A = arith.constant 192 : i32
    %mul3A_0 = arith.muli %mul3A, %arg0 : i32
    %add3A = arith.constant 51 : i32
    %add3A_1 = arith.addi %mul3A_0, %add3A : i32
    %get3A = arith.index_cast %add3A_1 : i32 to index
    %get3A_2 = memref.load %arg1[%get3A] : memref<12288xi32, #tpu.memory_space<smem>>
    %c0_i32 = arith.constant 0 : i32
    %c0_i32_3 = arith.constant 0 : i32
    %c0_i32_4 = arith.constant 0 : i32
    return %get3A_2, %c0_i32, %c0_i32_3 : i32, i32, i32
  }
  func.func @transform_53(%arg0: i32, %arg1: memref<12288xi32, #tpu.memory_space<smem>>) -> (i32, i32, i32) {
    %mul3A = arith.constant 192 : i32
    %mul3A_0 = arith.muli %mul3A, %arg0 : i32
    %add3A = arith.constant 52 : i32
    %add3A_1 = arith.addi %mul3A_0, %add3A : i32
    %get3A = arith.index_cast %add3A_1 : i32 to index
    %get3A_2 = memref.load %arg1[%get3A] : memref<12288xi32, #tpu.memory_space<smem>>
    %c0_i32 = arith.constant 0 : i32
    %c0_i32_3 = arith.constant 0 : i32
    %c0_i32_4 = arith.constant 0 : i32
    return %get3A_2, %c0_i32, %c0_i32_3 : i32, i32, i32
  }
  func.func @transform_54(%arg0: i32, %arg1: memref<12288xi32, #tpu.memory_space<smem>>) -> (i32, i32, i32) {
    %mul3A = arith.constant 192 : i32
    %mul3A_0 = arith.muli %mul3A, %arg0 : i32
    %add3A = arith.constant 53 : i32
    %add3A_1 = arith.addi %mul3A_0, %add3A : i32
    %get3A = arith.index_cast %add3A_1 : i32 to index
    %get3A_2 = memref.load %arg1[%get3A] : memref<12288xi32, #tpu.memory_space<smem>>
    %c0_i32 = arith.constant 0 : i32
    %c0_i32_3 = arith.constant 0 : i32
    %c0_i32_4 = arith.constant 0 : i32
    return %get3A_2, %c0_i32, %c0_i32_3 : i32, i32, i32
  }
  func.func @transform_55(%arg0: i32, %arg1: memref<12288xi32, #tpu.memory_space<smem>>) -> (i32, i32, i32) {
    %mul3A = arith.constant 192 : i32
    %mul3A_0 = arith.muli %mul3A, %arg0 : i32
    %add3A = arith.constant 54 : i32
    %add3A_1 = arith.addi %mul3A_0, %add3A : i32
    %get3A = arith.index_cast %add3A_1 : i32 to index
    %get3A_2 = memref.load %arg1[%get3A] : memref<12288xi32, #tpu.memory_space<smem>>
    %c0_i32 = arith.constant 0 : i32
    %c0_i32_3 = arith.constant 0 : i32
    %c0_i32_4 = arith.constant 0 : i32
    return %get3A_2, %c0_i32, %c0_i32_3 : i32, i32, i32
  }
  func.func @transform_56(%arg0: i32, %arg1: memref<12288xi32, #tpu.memory_space<smem>>) -> (i32, i32, i32) {
    %mul3A = arith.constant 192 : i32
    %mul3A_0 = arith.muli %mul3A, %arg0 : i32
    %add3A = arith.constant 55 : i32
    %add3A_1 = arith.addi %mul3A_0, %add3A : i32
    %get3A = arith.index_cast %add3A_1 : i32 to index
    %get3A_2 = memref.load %arg1[%get3A] : memref<12288xi32, #tpu.memory_space<smem>>
    %c0_i32 = arith.constant 0 : i32
    %c0_i32_3 = arith.constant 0 : i32
    %c0_i32_4 = arith.constant 0 : i32
    return %get3A_2, %c0_i32, %c0_i32_3 : i32, i32, i32
  }
  func.func @transform_57(%arg0: i32, %arg1: memref<12288xi32, #tpu.memory_space<smem>>) -> (i32, i32, i32) {
    %mul3A = arith.constant 192 : i32
    %mul3A_0 = arith.muli %mul3A, %arg0 : i32
    %add3A = arith.constant 56 : i32
    %add3A_1 = arith.addi %mul3A_0, %add3A : i32
    %get3A = arith.index_cast %add3A_1 : i32 to index
    %get3A_2 = memref.load %arg1[%get3A] : memref<12288xi32, #tpu.memory_space<smem>>
    %c0_i32 = arith.constant 0 : i32
    %c0_i32_3 = arith.constant 0 : i32
    %c0_i32_4 = arith.constant 0 : i32
    return %get3A_2, %c0_i32, %c0_i32_3 : i32, i32, i32
  }
  func.func @transform_58(%arg0: i32, %arg1: memref<12288xi32, #tpu.memory_space<smem>>) -> (i32, i32, i32) {
    %mul3A = arith.constant 192 : i32
    %mul3A_0 = arith.muli %mul3A, %arg0 : i32
    %add3A = arith.constant 57 : i32
    %add3A_1 = arith.addi %mul3A_0, %add3A : i32
    %get3A = arith.index_cast %add3A_1 : i32 to index
    %get3A_2 = memref.load %arg1[%get3A] : memref<12288xi32, #tpu.memory_space<smem>>
    %c0_i32 = arith.constant 0 : i32
    %c0_i32_3 = arith.constant 0 : i32
    %c0_i32_4 = arith.constant 0 : i32
    return %get3A_2, %c0_i32, %c0_i32_3 : i32, i32, i32
  }
  func.func @transform_59(%arg0: i32, %arg1: memref<12288xi32, #tpu.memory_space<smem>>) -> (i32, i32, i32) {
    %mul3A = arith.constant 192 : i32
    %mul3A_0 = arith.muli %mul3A, %arg0 : i32
    %add3A = arith.constant 58 : i32
    %add3A_1 = arith.addi %mul3A_0, %add3A : i32
    %get3A = arith.index_cast %add3A_1 : i32 to index
    %get3A_2 = memref.load %arg1[%get3A] : memref<12288xi32, #tpu.memory_space<smem>>
    %c0_i32 = arith.constant 0 : i32
    %c0_i32_3 = arith.constant 0 : i32
    %c0_i32_4 = arith.constant 0 : i32
    return %get3A_2, %c0_i32, %c0_i32_3 : i32, i32, i32
  }
  func.func @transform_60(%arg0: i32, %arg1: memref<12288xi32, #tpu.memory_space<smem>>) -> (i32, i32, i32) {
    %mul3A = arith.constant 192 : i32
    %mul3A_0 = arith.muli %mul3A, %arg0 : i32
    %add3A = arith.constant 59 : i32
    %add3A_1 = arith.addi %mul3A_0, %add3A : i32
    %get3A = arith.index_cast %add3A_1 : i32 to index
    %get3A_2 = memref.load %arg1[%get3A] : memref<12288xi32, #tpu.memory_space<smem>>
    %c0_i32 = arith.constant 0 : i32
    %c0_i32_3 = arith.constant 0 : i32
    %c0_i32_4 = arith.constant 0 : i32
    return %get3A_2, %c0_i32, %c0_i32_3 : i32, i32, i32
  }
  func.func @transform_61(%arg0: i32, %arg1: memref<12288xi32, #tpu.memory_space<smem>>) -> (i32, i32, i32) {
    %mul3A = arith.constant 192 : i32
    %mul3A_0 = arith.muli %mul3A, %arg0 : i32
    %add3A = arith.constant 60 : i32
    %add3A_1 = arith.addi %mul3A_0, %add3A : i32
    %get3A = arith.index_cast %add3A_1 : i32 to index
    %get3A_2 = memref.load %arg1[%get3A] : memref<12288xi32, #tpu.memory_space<smem>>
    %c0_i32 = arith.constant 0 : i32
    %c0_i32_3 = arith.constant 0 : i32
    %c0_i32_4 = arith.constant 0 : i32
    return %get3A_2, %c0_i32, %c0_i32_3 : i32, i32, i32
  }
  func.func @transform_62(%arg0: i32, %arg1: memref<12288xi32, #tpu.memory_space<smem>>) -> (i32, i32, i32) {
    %mul3A = arith.constant 192 : i32
    %mul3A_0 = arith.muli %mul3A, %arg0 : i32
    %add3A = arith.constant 61 : i32
    %add3A_1 = arith.addi %mul3A_0, %add3A : i32
    %get3A = arith.index_cast %add3A_1 : i32 to index
    %get3A_2 = memref.load %arg1[%get3A] : memref<12288xi32, #tpu.memory_space<smem>>
    %c0_i32 = arith.constant 0 : i32
    %c0_i32_3 = arith.constant 0 : i32
    %c0_i32_4 = arith.constant 0 : i32
    return %get3A_2, %c0_i32, %c0_i32_3 : i32, i32, i32
  }
  func.func @transform_63(%arg0: i32, %arg1: memref<12288xi32, #tpu.memory_space<smem>>) -> (i32, i32, i32) {
    %mul3A = arith.constant 192 : i32
    %mul3A_0 = arith.muli %mul3A, %arg0 : i32
    %add3A = arith.constant 62 : i32
    %add3A_1 = arith.addi %mul3A_0, %add3A : i32
    %get3A = arith.index_cast %add3A_1 : i32 to index
    %get3A_2 = memref.load %arg1[%get3A] : memref<12288xi32, #tpu.memory_space<smem>>
    %c0_i32 = arith.constant 0 : i32
    %c0_i32_3 = arith.constant 0 : i32
    %c0_i32_4 = arith.constant 0 : i32
    return %get3A_2, %c0_i32, %c0_i32_3 : i32, i32, i32
  }
  func.func @transform_64(%arg0: i32, %arg1: memref<12288xi32, #tpu.memory_space<smem>>) -> (i32, i32, i32) {
    %mul3A = arith.constant 192 : i32
    %mul3A_0 = arith.muli %mul3A, %arg0 : i32
    %add3A = arith.constant 63 : i32
    %add3A_1 = arith.addi %mul3A_0, %add3A : i32
    %get3A = arith.index_cast %add3A_1 : i32 to index
    %get3A_2 = memref.load %arg1[%get3A] : memref<12288xi32, #tpu.memory_space<smem>>
    %c0_i32 = arith.constant 0 : i32
    %c0_i32_3 = arith.constant 0 : i32
    %c0_i32_4 = arith.constant 0 : i32
    return %get3A_2, %c0_i32, %c0_i32_3 : i32, i32, i32
  }
  func.func @transform_65(%arg0: i32, %arg1: memref<12288xi32, #tpu.memory_space<smem>>) -> (i32, i32, i32) {
    %mul3A = arith.constant 192 : i32
    %mul3A_0 = arith.muli %mul3A, %arg0 : i32
    %add3A = arith.constant 64 : i32
    %add3A_1 = arith.addi %mul3A_0, %add3A : i32
    %get3A = arith.index_cast %add3A_1 : i32 to index
    %get3A_2 = memref.load %arg1[%get3A] : memref<12288xi32, #tpu.memory_space<smem>>
    %c0_i32 = arith.constant 0 : i32
    %c0_i32_3 = arith.constant 0 : i32
    %c0_i32_4 = arith.constant 0 : i32
    return %get3A_2, %c0_i32, %c0_i32_3 : i32, i32, i32
  }
  func.func @transform_66(%arg0: i32, %arg1: memref<12288xi32, #tpu.memory_space<smem>>) -> (i32, i32, i32) {
    %mul3A = arith.constant 192 : i32
    %mul3A_0 = arith.muli %mul3A, %arg0 : i32
    %add3A = arith.constant 65 : i32
    %add3A_1 = arith.addi %mul3A_0, %add3A : i32
    %get3A = arith.index_cast %add3A_1 : i32 to index
    %get3A_2 = memref.load %arg1[%get3A] : memref<12288xi32, #tpu.memory_space<smem>>
    %c0_i32 = arith.constant 0 : i32
    %c0_i32_3 = arith.constant 0 : i32
    %c0_i32_4 = arith.constant 0 : i32
    return %get3A_2, %c0_i32, %c0_i32_3 : i32, i32, i32
  }
  func.func @transform_67(%arg0: i32, %arg1: memref<12288xi32, #tpu.memory_space<smem>>) -> (i32, i32, i32) {
    %mul3A = arith.constant 192 : i32
    %mul3A_0 = arith.muli %mul3A, %arg0 : i32
    %add3A = arith.constant 66 : i32
    %add3A_1 = arith.addi %mul3A_0, %add3A : i32
    %get3A = arith.index_cast %add3A_1 : i32 to index
    %get3A_2 = memref.load %arg1[%get3A] : memref<12288xi32, #tpu.memory_space<smem>>
    %c0_i32 = arith.constant 0 : i32
    %c0_i32_3 = arith.constant 0 : i32
    %c0_i32_4 = arith.constant 0 : i32
    return %get3A_2, %c0_i32, %c0_i32_3 : i32, i32, i32
  }
  func.func @transform_68(%arg0: i32, %arg1: memref<12288xi32, #tpu.memory_space<smem>>) -> (i32, i32, i32) {
    %mul3A = arith.constant 192 : i32
    %mul3A_0 = arith.muli %mul3A, %arg0 : i32
    %add3A = arith.constant 67 : i32
    %add3A_1 = arith.addi %mul3A_0, %add3A : i32
    %get3A = arith.index_cast %add3A_1 : i32 to index
    %get3A_2 = memref.load %arg1[%get3A] : memref<12288xi32, #tpu.memory_space<smem>>
    %c0_i32 = arith.constant 0 : i32
    %c0_i32_3 = arith.constant 0 : i32
    %c0_i32_4 = arith.constant 0 : i32
    return %get3A_2, %c0_i32, %c0_i32_3 : i32, i32, i32
  }
  func.func @transform_69(%arg0: i32, %arg1: memref<12288xi32, #tpu.memory_space<smem>>) -> (i32, i32, i32) {
    %mul3A = arith.constant 192 : i32
    %mul3A_0 = arith.muli %mul3A, %arg0 : i32
    %add3A = arith.constant 68 : i32
    %add3A_1 = arith.addi %mul3A_0, %add3A : i32
    %get3A = arith.index_cast %add3A_1 : i32 to index
    %get3A_2 = memref.load %arg1[%get3A] : memref<12288xi32, #tpu.memory_space<smem>>
    %c0_i32 = arith.constant 0 : i32
    %c0_i32_3 = arith.constant 0 : i32
    %c0_i32_4 = arith.constant 0 : i32
    return %get3A_2, %c0_i32, %c0_i32_3 : i32, i32, i32
  }
  func.func @transform_70(%arg0: i32, %arg1: memref<12288xi32, #tpu.memory_space<smem>>) -> (i32, i32, i32) {
    %mul3A = arith.constant 192 : i32
    %mul3A_0 = arith.muli %mul3A, %arg0 : i32
    %add3A = arith.constant 69 : i32
    %add3A_1 = arith.addi %mul3A_0, %add3A : i32
    %get3A = arith.index_cast %add3A_1 : i32 to index
    %get3A_2 = memref.load %arg1[%get3A] : memref<12288xi32, #tpu.memory_space<smem>>
    %c0_i32 = arith.constant 0 : i32
    %c0_i32_3 = arith.constant 0 : i32
    %c0_i32_4 = arith.constant 0 : i32
    return %get3A_2, %c0_i32, %c0_i32_3 : i32, i32, i32
  }
  func.func @transform_71(%arg0: i32, %arg1: memref<12288xi32, #tpu.memory_space<smem>>) -> (i32, i32, i32) {
    %mul3A = arith.constant 192 : i32
    %mul3A_0 = arith.muli %mul3A, %arg0 : i32
    %add3A = arith.constant 70 : i32
    %add3A_1 = arith.addi %mul3A_0, %add3A : i32
    %get3A = arith.index_cast %add3A_1 : i32 to index
    %get3A_2 = memref.load %arg1[%get3A] : memref<12288xi32, #tpu.memory_space<smem>>
    %c0_i32 = arith.constant 0 : i32
    %c0_i32_3 = arith.constant 0 : i32
    %c0_i32_4 = arith.constant 0 : i32
    return %get3A_2, %c0_i32, %c0_i32_3 : i32, i32, i32
  }
  func.func @transform_72(%arg0: i32, %arg1: memref<12288xi32, #tpu.memory_space<smem>>) -> (i32, i32, i32) {
    %mul3A = arith.constant 192 : i32
    %mul3A_0 = arith.muli %mul3A, %arg0 : i32
    %add3A = arith.constant 71 : i32
    %add3A_1 = arith.addi %mul3A_0, %add3A : i32
    %get3A = arith.index_cast %add3A_1 : i32 to index
    %get3A_2 = memref.load %arg1[%get3A] : memref<12288xi32, #tpu.memory_space<smem>>
    %c0_i32 = arith.constant 0 : i32
    %c0_i32_3 = arith.constant 0 : i32
    %c0_i32_4 = arith.constant 0 : i32
    return %get3A_2, %c0_i32, %c0_i32_3 : i32, i32, i32
  }
  func.func @transform_73(%arg0: i32, %arg1: memref<12288xi32, #tpu.memory_space<smem>>) -> (i32, i32, i32) {
    %mul3A = arith.constant 192 : i32
    %mul3A_0 = arith.muli %mul3A, %arg0 : i32
    %add3A = arith.constant 72 : i32
    %add3A_1 = arith.addi %mul3A_0, %add3A : i32
    %get3A = arith.index_cast %add3A_1 : i32 to index
    %get3A_2 = memref.load %arg1[%get3A] : memref<12288xi32, #tpu.memory_space<smem>>
    %c0_i32 = arith.constant 0 : i32
    %c0_i32_3 = arith.constant 0 : i32
    %c0_i32_4 = arith.constant 0 : i32
    return %get3A_2, %c0_i32, %c0_i32_3 : i32, i32, i32
  }
  func.func @transform_74(%arg0: i32, %arg1: memref<12288xi32, #tpu.memory_space<smem>>) -> (i32, i32, i32) {
    %mul3A = arith.constant 192 : i32
    %mul3A_0 = arith.muli %mul3A, %arg0 : i32
    %add3A = arith.constant 73 : i32
    %add3A_1 = arith.addi %mul3A_0, %add3A : i32
    %get3A = arith.index_cast %add3A_1 : i32 to index
    %get3A_2 = memref.load %arg1[%get3A] : memref<12288xi32, #tpu.memory_space<smem>>
    %c0_i32 = arith.constant 0 : i32
    %c0_i32_3 = arith.constant 0 : i32
    %c0_i32_4 = arith.constant 0 : i32
    return %get3A_2, %c0_i32, %c0_i32_3 : i32, i32, i32
  }
  func.func @transform_75(%arg0: i32, %arg1: memref<12288xi32, #tpu.memory_space<smem>>) -> (i32, i32, i32) {
    %mul3A = arith.constant 192 : i32
    %mul3A_0 = arith.muli %mul3A, %arg0 : i32
    %add3A = arith.constant 74 : i32
    %add3A_1 = arith.addi %mul3A_0, %add3A : i32
    %get3A = arith.index_cast %add3A_1 : i32 to index
    %get3A_2 = memref.load %arg1[%get3A] : memref<12288xi32, #tpu.memory_space<smem>>
    %c0_i32 = arith.constant 0 : i32
    %c0_i32_3 = arith.constant 0 : i32
    %c0_i32_4 = arith.constant 0 : i32
    return %get3A_2, %c0_i32, %c0_i32_3 : i32, i32, i32
  }
  func.func @transform_76(%arg0: i32, %arg1: memref<12288xi32, #tpu.memory_space<smem>>) -> (i32, i32, i32) {
    %mul3A = arith.constant 192 : i32
    %mul3A_0 = arith.muli %mul3A, %arg0 : i32
    %add3A = arith.constant 75 : i32
    %add3A_1 = arith.addi %mul3A_0, %add3A : i32
    %get3A = arith.index_cast %add3A_1 : i32 to index
    %get3A_2 = memref.load %arg1[%get3A] : memref<12288xi32, #tpu.memory_space<smem>>
    %c0_i32 = arith.constant 0 : i32
    %c0_i32_3 = arith.constant 0 : i32
    %c0_i32_4 = arith.constant 0 : i32
    return %get3A_2, %c0_i32, %c0_i32_3 : i32, i32, i32
  }
  func.func @transform_77(%arg0: i32, %arg1: memref<12288xi32, #tpu.memory_space<smem>>) -> (i32, i32, i32) {
    %mul3A = arith.constant 192 : i32
    %mul3A_0 = arith.muli %mul3A, %arg0 : i32
    %add3A = arith.constant 76 : i32
    %add3A_1 = arith.addi %mul3A_0, %add3A : i32
    %get3A = arith.index_cast %add3A_1 : i32 to index
    %get3A_2 = memref.load %arg1[%get3A] : memref<12288xi32, #tpu.memory_space<smem>>
    %c0_i32 = arith.constant 0 : i32
    %c0_i32_3 = arith.constant 0 : i32
    %c0_i32_4 = arith.constant 0 : i32
    return %get3A_2, %c0_i32, %c0_i32_3 : i32, i32, i32
  }
  func.func @transform_78(%arg0: i32, %arg1: memref<12288xi32, #tpu.memory_space<smem>>) -> (i32, i32, i32) {
    %mul3A = arith.constant 192 : i32
    %mul3A_0 = arith.muli %mul3A, %arg0 : i32
    %add3A = arith.constant 77 : i32
    %add3A_1 = arith.addi %mul3A_0, %add3A : i32
    %get3A = arith.index_cast %add3A_1 : i32 to index
    %get3A_2 = memref.load %arg1[%get3A] : memref<12288xi32, #tpu.memory_space<smem>>
    %c0_i32 = arith.constant 0 : i32
    %c0_i32_3 = arith.constant 0 : i32
    %c0_i32_4 = arith.constant 0 : i32
    return %get3A_2, %c0_i32, %c0_i32_3 : i32, i32, i32
  }
  func.func @transform_79(%arg0: i32, %arg1: memref<12288xi32, #tpu.memory_space<smem>>) -> (i32, i32, i32) {
    %mul3A = arith.constant 192 : i32
    %mul3A_0 = arith.muli %mul3A, %arg0 : i32
    %add3A = arith.constant 78 : i32
    %add3A_1 = arith.addi %mul3A_0, %add3A : i32
    %get3A = arith.index_cast %add3A_1 : i32 to index
    %get3A_2 = memref.load %arg1[%get3A] : memref<12288xi32, #tpu.memory_space<smem>>
    %c0_i32 = arith.constant 0 : i32
    %c0_i32_3 = arith.constant 0 : i32
    %c0_i32_4 = arith.constant 0 : i32
    return %get3A_2, %c0_i32, %c0_i32_3 : i32, i32, i32
  }
  func.func @transform_80(%arg0: i32, %arg1: memref<12288xi32, #tpu.memory_space<smem>>) -> (i32, i32, i32) {
    %mul3A = arith.constant 192 : i32
    %mul3A_0 = arith.muli %mul3A, %arg0 : i32
    %add3A = arith.constant 79 : i32
    %add3A_1 = arith.addi %mul3A_0, %add3A : i32
    %get3A = arith.index_cast %add3A_1 : i32 to index
    %get3A_2 = memref.load %arg1[%get3A] : memref<12288xi32, #tpu.memory_space<smem>>
    %c0_i32 = arith.constant 0 : i32
    %c0_i32_3 = arith.constant 0 : i32
    %c0_i32_4 = arith.constant 0 : i32
    return %get3A_2, %c0_i32, %c0_i32_3 : i32, i32, i32
  }
  func.func @transform_81(%arg0: i32, %arg1: memref<12288xi32, #tpu.memory_space<smem>>) -> (i32, i32, i32) {
    %mul3A = arith.constant 192 : i32
    %mul3A_0 = arith.muli %mul3A, %arg0 : i32
    %add3A = arith.constant 80 : i32
    %add3A_1 = arith.addi %mul3A_0, %add3A : i32
    %get3A = arith.index_cast %add3A_1 : i32 to index
    %get3A_2 = memref.load %arg1[%get3A] : memref<12288xi32, #tpu.memory_space<smem>>
    %c0_i32 = arith.constant 0 : i32
    %c0_i32_3 = arith.constant 0 : i32
    %c0_i32_4 = arith.constant 0 : i32
    return %get3A_2, %c0_i32, %c0_i32_3 : i32, i32, i32
  }
  func.func @transform_82(%arg0: i32, %arg1: memref<12288xi32, #tpu.memory_space<smem>>) -> (i32, i32, i32) {
    %mul3A = arith.constant 192 : i32
    %mul3A_0 = arith.muli %mul3A, %arg0 : i32
    %add3A = arith.constant 81 : i32
    %add3A_1 = arith.addi %mul3A_0, %add3A : i32
    %get3A = arith.index_cast %add3A_1 : i32 to index
    %get3A_2 = memref.load %arg1[%get3A] : memref<12288xi32, #tpu.memory_space<smem>>
    %c0_i32 = arith.constant 0 : i32
    %c0_i32_3 = arith.constant 0 : i32
    %c0_i32_4 = arith.constant 0 : i32
    return %get3A_2, %c0_i32, %c0_i32_3 : i32, i32, i32
  }
  func.func @transform_83(%arg0: i32, %arg1: memref<12288xi32, #tpu.memory_space<smem>>) -> (i32, i32, i32) {
    %mul3A = arith.constant 192 : i32
    %mul3A_0 = arith.muli %mul3A, %arg0 : i32
    %add3A = arith.constant 82 : i32
    %add3A_1 = arith.addi %mul3A_0, %add3A : i32
    %get3A = arith.index_cast %add3A_1 : i32 to index
    %get3A_2 = memref.load %arg1[%get3A] : memref<12288xi32, #tpu.memory_space<smem>>
    %c0_i32 = arith.constant 0 : i32
    %c0_i32_3 = arith.constant 0 : i32
    %c0_i32_4 = arith.constant 0 : i32
    return %get3A_2, %c0_i32, %c0_i32_3 : i32, i32, i32
  }
  func.func @transform_84(%arg0: i32, %arg1: memref<12288xi32, #tpu.memory_space<smem>>) -> (i32, i32, i32) {
    %mul3A = arith.constant 192 : i32
    %mul3A_0 = arith.muli %mul3A, %arg0 : i32
    %add3A = arith.constant 83 : i32
    %add3A_1 = arith.addi %mul3A_0, %add3A : i32
    %get3A = arith.index_cast %add3A_1 : i32 to index
    %get3A_2 = memref.load %arg1[%get3A] : memref<12288xi32, #tpu.memory_space<smem>>
    %c0_i32 = arith.constant 0 : i32
    %c0_i32_3 = arith.constant 0 : i32
    %c0_i32_4 = arith.constant 0 : i32
    return %get3A_2, %c0_i32, %c0_i32_3 : i32, i32, i32
  }
  func.func @transform_85(%arg0: i32, %arg1: memref<12288xi32, #tpu.memory_space<smem>>) -> (i32, i32, i32) {
    %mul3A = arith.constant 192 : i32
    %mul3A_0 = arith.muli %mul3A, %arg0 : i32
    %add3A = arith.constant 84 : i32
    %add3A_1 = arith.addi %mul3A_0, %add3A : i32
    %get3A = arith.index_cast %add3A_1 : i32 to index
    %get3A_2 = memref.load %arg1[%get3A] : memref<12288xi32, #tpu.memory_space<smem>>
    %c0_i32 = arith.constant 0 : i32
    %c0_i32_3 = arith.constant 0 : i32
    %c0_i32_4 = arith.constant 0 : i32
    return %get3A_2, %c0_i32, %c0_i32_3 : i32, i32, i32
  }
  func.func @transform_86(%arg0: i32, %arg1: memref<12288xi32, #tpu.memory_space<smem>>) -> (i32, i32, i32) {
    %mul3A = arith.constant 192 : i32
    %mul3A_0 = arith.muli %mul3A, %arg0 : i32
    %add3A = arith.constant 85 : i32
    %add3A_1 = arith.addi %mul3A_0, %add3A : i32
    %get3A = arith.index_cast %add3A_1 : i32 to index
    %get3A_2 = memref.load %arg1[%get3A] : memref<12288xi32, #tpu.memory_space<smem>>
    %c0_i32 = arith.constant 0 : i32
    %c0_i32_3 = arith.constant 0 : i32
    %c0_i32_4 = arith.constant 0 : i32
    return %get3A_2, %c0_i32, %c0_i32_3 : i32, i32, i32
  }
  func.func @transform_87(%arg0: i32, %arg1: memref<12288xi32, #tpu.memory_space<smem>>) -> (i32, i32, i32) {
    %mul3A = arith.constant 192 : i32
    %mul3A_0 = arith.muli %mul3A, %arg0 : i32
    %add3A = arith.constant 86 : i32
    %add3A_1 = arith.addi %mul3A_0, %add3A : i32
    %get3A = arith.index_cast %add3A_1 : i32 to index
    %get3A_2 = memref.load %arg1[%get3A] : memref<12288xi32, #tpu.memory_space<smem>>
    %c0_i32 = arith.constant 0 : i32
    %c0_i32_3 = arith.constant 0 : i32
    %c0_i32_4 = arith.constant 0 : i32
    return %get3A_2, %c0_i32, %c0_i32_3 : i32, i32, i32
  }
  func.func @transform_88(%arg0: i32, %arg1: memref<12288xi32, #tpu.memory_space<smem>>) -> (i32, i32, i32) {
    %mul3A = arith.constant 192 : i32
    %mul3A_0 = arith.muli %mul3A, %arg0 : i32
    %add3A = arith.constant 87 : i32
    %add3A_1 = arith.addi %mul3A_0, %add3A : i32
    %get3A = arith.index_cast %add3A_1 : i32 to index
    %get3A_2 = memref.load %arg1[%get3A] : memref<12288xi32, #tpu.memory_space<smem>>
    %c0_i32 = arith.constant 0 : i32
    %c0_i32_3 = arith.constant 0 : i32
    %c0_i32_4 = arith.constant 0 : i32
    return %get3A_2, %c0_i32, %c0_i32_3 : i32, i32, i32
  }
  func.func @transform_89(%arg0: i32, %arg1: memref<12288xi32, #tpu.memory_space<smem>>) -> (i32, i32, i32) {
    %mul3A = arith.constant 192 : i32
    %mul3A_0 = arith.muli %mul3A, %arg0 : i32
    %add3A = arith.constant 88 : i32
    %add3A_1 = arith.addi %mul3A_0, %add3A : i32
    %get3A = arith.index_cast %add3A_1 : i32 to index
    %get3A_2 = memref.load %arg1[%get3A] : memref<12288xi32, #tpu.memory_space<smem>>
    %c0_i32 = arith.constant 0 : i32
    %c0_i32_3 = arith.constant 0 : i32
    %c0_i32_4 = arith.constant 0 : i32
    return %get3A_2, %c0_i32, %c0_i32_3 : i32, i32, i32
  }
  func.func @transform_90(%arg0: i32, %arg1: memref<12288xi32, #tpu.memory_space<smem>>) -> (i32, i32, i32) {
    %mul3A = arith.constant 192 : i32
    %mul3A_0 = arith.muli %mul3A, %arg0 : i32
    %add3A = arith.constant 89 : i32
    %add3A_1 = arith.addi %mul3A_0, %add3A : i32
    %get3A = arith.index_cast %add3A_1 : i32 to index
    %get3A_2 = memref.load %arg1[%get3A] : memref<12288xi32, #tpu.memory_space<smem>>
    %c0_i32 = arith.constant 0 : i32
    %c0_i32_3 = arith.constant 0 : i32
    %c0_i32_4 = arith.constant 0 : i32
    return %get3A_2, %c0_i32, %c0_i32_3 : i32, i32, i32
  }
  func.func @transform_91(%arg0: i32, %arg1: memref<12288xi32, #tpu.memory_space<smem>>) -> (i32, i32, i32) {
    %mul3A = arith.constant 192 : i32
    %mul3A_0 = arith.muli %mul3A, %arg0 : i32
    %add3A = arith.constant 90 : i32
    %add3A_1 = arith.addi %mul3A_0, %add3A : i32
    %get3A = arith.index_cast %add3A_1 : i32 to index
    %get3A_2 = memref.load %arg1[%get3A] : memref<12288xi32, #tpu.memory_space<smem>>
    %c0_i32 = arith.constant 0 : i32
    %c0_i32_3 = arith.constant 0 : i32
    %c0_i32_4 = arith.constant 0 : i32
    return %get3A_2, %c0_i32, %c0_i32_3 : i32, i32, i32
  }
  func.func @transform_92(%arg0: i32, %arg1: memref<12288xi32, #tpu.memory_space<smem>>) -> (i32, i32, i32) {
    %mul3A = arith.constant 192 : i32
    %mul3A_0 = arith.muli %mul3A, %arg0 : i32
    %add3A = arith.constant 91 : i32
    %add3A_1 = arith.addi %mul3A_0, %add3A : i32
    %get3A = arith.index_cast %add3A_1 : i32 to index
    %get3A_2 = memref.load %arg1[%get3A] : memref<12288xi32, #tpu.memory_space<smem>>
    %c0_i32 = arith.constant 0 : i32
    %c0_i32_3 = arith.constant 0 : i32
    %c0_i32_4 = arith.constant 0 : i32
    return %get3A_2, %c0_i32, %c0_i32_3 : i32, i32, i32
  }
  func.func @transform_93(%arg0: i32, %arg1: memref<12288xi32, #tpu.memory_space<smem>>) -> (i32, i32, i32) {
    %mul3A = arith.constant 192 : i32
    %mul3A_0 = arith.muli %mul3A, %arg0 : i32
    %add3A = arith.constant 92 : i32
    %add3A_1 = arith.addi %mul3A_0, %add3A : i32
    %get3A = arith.index_cast %add3A_1 : i32 to index
    %get3A_2 = memref.load %arg1[%get3A] : memref<12288xi32, #tpu.memory_space<smem>>
    %c0_i32 = arith.constant 0 : i32
    %c0_i32_3 = arith.constant 0 : i32
    %c0_i32_4 = arith.constant 0 : i32
    return %get3A_2, %c0_i32, %c0_i32_3 : i32, i32, i32
  }
  func.func @transform_94(%arg0: i32, %arg1: memref<12288xi32, #tpu.memory_space<smem>>) -> (i32, i32, i32) {
    %mul3A = arith.constant 192 : i32
    %mul3A_0 = arith.muli %mul3A, %arg0 : i32
    %add3A = arith.constant 93 : i32
    %add3A_1 = arith.addi %mul3A_0, %add3A : i32
    %get3A = arith.index_cast %add3A_1 : i32 to index
    %get3A_2 = memref.load %arg1[%get3A] : memref<12288xi32, #tpu.memory_space<smem>>
    %c0_i32 = arith.constant 0 : i32
    %c0_i32_3 = arith.constant 0 : i32
    %c0_i32_4 = arith.constant 0 : i32
    return %get3A_2, %c0_i32, %c0_i32_3 : i32, i32, i32
  }
  func.func @transform_95(%arg0: i32, %arg1: memref<12288xi32, #tpu.memory_space<smem>>) -> (i32, i32, i32) {
    %mul3A = arith.constant 192 : i32
    %mul3A_0 = arith.muli %mul3A, %arg0 : i32
    %add3A = arith.constant 94 : i32
    %add3A_1 = arith.addi %mul3A_0, %add3A : i32
    %get3A = arith.index_cast %add3A_1 : i32 to index
    %get3A_2 = memref.load %arg1[%get3A] : memref<12288xi32, #tpu.memory_space<smem>>
    %c0_i32 = arith.constant 0 : i32
    %c0_i32_3 = arith.constant 0 : i32
    %c0_i32_4 = arith.constant 0 : i32
    return %get3A_2, %c0_i32, %c0_i32_3 : i32, i32, i32
  }
  func.func @transform_96(%arg0: i32, %arg1: memref<12288xi32, #tpu.memory_space<smem>>) -> (i32, i32, i32) {
    %mul3A = arith.constant 192 : i32
    %mul3A_0 = arith.muli %mul3A, %arg0 : i32
    %add3A = arith.constant 95 : i32
    %add3A_1 = arith.addi %mul3A_0, %add3A : i32
    %get3A = arith.index_cast %add3A_1 : i32 to index
    %get3A_2 = memref.load %arg1[%get3A] : memref<12288xi32, #tpu.memory_space<smem>>
    %c0_i32 = arith.constant 0 : i32
    %c0_i32_3 = arith.constant 0 : i32
    %c0_i32_4 = arith.constant 0 : i32
    return %get3A_2, %c0_i32, %c0_i32_3 : i32, i32, i32
  }
  func.func @transform_97(%arg0: i32, %arg1: memref<12288xi32, #tpu.memory_space<smem>>) -> (i32, i32, i32) {
    %mul3A = arith.constant 192 : i32
    %mul3A_0 = arith.muli %mul3A, %arg0 : i32
    %add3A = arith.constant 96 : i32
    %add3A_1 = arith.addi %mul3A_0, %add3A : i32
    %get3A = arith.index_cast %add3A_1 : i32 to index
    %get3A_2 = memref.load %arg1[%get3A] : memref<12288xi32, #tpu.memory_space<smem>>
    %c0_i32 = arith.constant 0 : i32
    %c0_i32_3 = arith.constant 0 : i32
    %c0_i32_4 = arith.constant 0 : i32
    return %get3A_2, %c0_i32, %c0_i32_3 : i32, i32, i32
  }
  func.func @transform_98(%arg0: i32, %arg1: memref<12288xi32, #tpu.memory_space<smem>>) -> (i32, i32, i32) {
    %mul3A = arith.constant 192 : i32
    %mul3A_0 = arith.muli %mul3A, %arg0 : i32
    %add3A = arith.constant 97 : i32
    %add3A_1 = arith.addi %mul3A_0, %add3A : i32
    %get3A = arith.index_cast %add3A_1 : i32 to index
    %get3A_2 = memref.load %arg1[%get3A] : memref<12288xi32, #tpu.memory_space<smem>>
    %c0_i32 = arith.constant 0 : i32
    %c0_i32_3 = arith.constant 0 : i32
    %c0_i32_4 = arith.constant 0 : i32
    return %get3A_2, %c0_i32, %c0_i32_3 : i32, i32, i32
  }
  func.func @transform_99(%arg0: i32, %arg1: memref<12288xi32, #tpu.memory_space<smem>>) -> (i32, i32, i32) {
    %mul3A = arith.constant 192 : i32
    %mul3A_0 = arith.muli %mul3A, %arg0 : i32
    %add3A = arith.constant 98 : i32
    %add3A_1 = arith.addi %mul3A_0, %add3A : i32
    %get3A = arith.index_cast %add3A_1 : i32 to index
    %get3A_2 = memref.load %arg1[%get3A] : memref<12288xi32, #tpu.memory_space<smem>>
    %c0_i32 = arith.constant 0 : i32
    %c0_i32_3 = arith.constant 0 : i32
    %c0_i32_4 = arith.constant 0 : i32
    return %get3A_2, %c0_i32, %c0_i32_3 : i32, i32, i32
  }
  func.func @transform_100(%arg0: i32, %arg1: memref<12288xi32, #tpu.memory_space<smem>>) -> (i32, i32, i32) {
    %mul3A = arith.constant 192 : i32
    %mul3A_0 = arith.muli %mul3A, %arg0 : i32
    %add3A = arith.constant 99 : i32
    %add3A_1 = arith.addi %mul3A_0, %add3A : i32
    %get3A = arith.index_cast %add3A_1 : i32 to index
    %get3A_2 = memref.load %arg1[%get3A] : memref<12288xi32, #tpu.memory_space<smem>>
    %c0_i32 = arith.constant 0 : i32
    %c0_i32_3 = arith.constant 0 : i32
    %c0_i32_4 = arith.constant 0 : i32
    return %get3A_2, %c0_i32, %c0_i32_3 : i32, i32, i32
  }
  func.func @transform_101(%arg0: i32, %arg1: memref<12288xi32, #tpu.memory_space<smem>>) -> (i32, i32, i32) {
    %mul3A = arith.constant 192 : i32
    %mul3A_0 = arith.muli %mul3A, %arg0 : i32
    %add3A = arith.constant 100 : i32
    %add3A_1 = arith.addi %mul3A_0, %add3A : i32
    %get3A = arith.index_cast %add3A_1 : i32 to index
    %get3A_2 = memref.load %arg1[%get3A] : memref<12288xi32, #tpu.memory_space<smem>>
    %c0_i32 = arith.constant 0 : i32
    %c0_i32_3 = arith.constant 0 : i32
    %c0_i32_4 = arith.constant 0 : i32
    return %get3A_2, %c0_i32, %c0_i32_3 : i32, i32, i32
  }
  func.func @transform_102(%arg0: i32, %arg1: memref<12288xi32, #tpu.memory_space<smem>>) -> (i32, i32, i32) {
    %mul3A = arith.constant 192 : i32
    %mul3A_0 = arith.muli %mul3A, %arg0 : i32
    %add3A = arith.constant 101 : i32
    %add3A_1 = arith.addi %mul3A_0, %add3A : i32
    %get3A = arith.index_cast %add3A_1 : i32 to index
    %get3A_2 = memref.load %arg1[%get3A] : memref<12288xi32, #tpu.memory_space<smem>>
    %c0_i32 = arith.constant 0 : i32
    %c0_i32_3 = arith.constant 0 : i32
    %c0_i32_4 = arith.constant 0 : i32
    return %get3A_2, %c0_i32, %c0_i32_3 : i32, i32, i32
  }
  func.func @transform_103(%arg0: i32, %arg1: memref<12288xi32, #tpu.memory_space<smem>>) -> (i32, i32, i32) {
    %mul3A = arith.constant 192 : i32
    %mul3A_0 = arith.muli %mul3A, %arg0 : i32
    %add3A = arith.constant 102 : i32
    %add3A_1 = arith.addi %mul3A_0, %add3A : i32
    %get3A = arith.index_cast %add3A_1 : i32 to index
    %get3A_2 = memref.load %arg1[%get3A] : memref<12288xi32, #tpu.memory_space<smem>>
    %c0_i32 = arith.constant 0 : i32
    %c0_i32_3 = arith.constant 0 : i32
    %c0_i32_4 = arith.constant 0 : i32
    return %get3A_2, %c0_i32, %c0_i32_3 : i32, i32, i32
  }
  func.func @transform_104(%arg0: i32, %arg1: memref<12288xi32, #tpu.memory_space<smem>>) -> (i32, i32, i32) {
    %mul3A = arith.constant 192 : i32
    %mul3A_0 = arith.muli %mul3A, %arg0 : i32
    %add3A = arith.constant 103 : i32
    %add3A_1 = arith.addi %mul3A_0, %add3A : i32
    %get3A = arith.index_cast %add3A_1 : i32 to index
    %get3A_2 = memref.load %arg1[%get3A] : memref<12288xi32, #tpu.memory_space<smem>>
    %c0_i32 = arith.constant 0 : i32
    %c0_i32_3 = arith.constant 0 : i32
    %c0_i32_4 = arith.constant 0 : i32
    return %get3A_2, %c0_i32, %c0_i32_3 : i32, i32, i32
  }
  func.func @transform_105(%arg0: i32, %arg1: memref<12288xi32, #tpu.memory_space<smem>>) -> (i32, i32, i32) {
    %mul3A = arith.constant 192 : i32
    %mul3A_0 = arith.muli %mul3A, %arg0 : i32
    %add3A = arith.constant 104 : i32
    %add3A_1 = arith.addi %mul3A_0, %add3A : i32
    %get3A = arith.index_cast %add3A_1 : i32 to index
    %get3A_2 = memref.load %arg1[%get3A] : memref<12288xi32, #tpu.memory_space<smem>>
    %c0_i32 = arith.constant 0 : i32
    %c0_i32_3 = arith.constant 0 : i32
    %c0_i32_4 = arith.constant 0 : i32
    return %get3A_2, %c0_i32, %c0_i32_3 : i32, i32, i32
  }
  func.func @transform_106(%arg0: i32, %arg1: memref<12288xi32, #tpu.memory_space<smem>>) -> (i32, i32, i32) {
    %mul3A = arith.constant 192 : i32
    %mul3A_0 = arith.muli %mul3A, %arg0 : i32
    %add3A = arith.constant 105 : i32
    %add3A_1 = arith.addi %mul3A_0, %add3A : i32
    %get3A = arith.index_cast %add3A_1 : i32 to index
    %get3A_2 = memref.load %arg1[%get3A] : memref<12288xi32, #tpu.memory_space<smem>>
    %c0_i32 = arith.constant 0 : i32
    %c0_i32_3 = arith.constant 0 : i32
    %c0_i32_4 = arith.constant 0 : i32
    return %get3A_2, %c0_i32, %c0_i32_3 : i32, i32, i32
  }
  func.func @transform_107(%arg0: i32, %arg1: memref<12288xi32, #tpu.memory_space<smem>>) -> (i32, i32, i32) {
    %mul3A = arith.constant 192 : i32
    %mul3A_0 = arith.muli %mul3A, %arg0 : i32
    %add3A = arith.constant 106 : i32
    %add3A_1 = arith.addi %mul3A_0, %add3A : i32
    %get3A = arith.index_cast %add3A_1 : i32 to index
    %get3A_2 = memref.load %arg1[%get3A] : memref<12288xi32, #tpu.memory_space<smem>>
    %c0_i32 = arith.constant 0 : i32
    %c0_i32_3 = arith.constant 0 : i32
    %c0_i32_4 = arith.constant 0 : i32
    return %get3A_2, %c0_i32, %c0_i32_3 : i32, i32, i32
  }
  func.func @transform_108(%arg0: i32, %arg1: memref<12288xi32, #tpu.memory_space<smem>>) -> (i32, i32, i32) {
    %mul3A = arith.constant 192 : i32
    %mul3A_0 = arith.muli %mul3A, %arg0 : i32
    %add3A = arith.constant 107 : i32
    %add3A_1 = arith.addi %mul3A_0, %add3A : i32
    %get3A = arith.index_cast %add3A_1 : i32 to index
    %get3A_2 = memref.load %arg1[%get3A] : memref<12288xi32, #tpu.memory_space<smem>>
    %c0_i32 = arith.constant 0 : i32
    %c0_i32_3 = arith.constant 0 : i32
    %c0_i32_4 = arith.constant 0 : i32
    return %get3A_2, %c0_i32, %c0_i32_3 : i32, i32, i32
  }
  func.func @transform_109(%arg0: i32, %arg1: memref<12288xi32, #tpu.memory_space<smem>>) -> (i32, i32, i32) {
    %mul3A = arith.constant 192 : i32
    %mul3A_0 = arith.muli %mul3A, %arg0 : i32
    %add3A = arith.constant 108 : i32
    %add3A_1 = arith.addi %mul3A_0, %add3A : i32
    %get3A = arith.index_cast %add3A_1 : i32 to index
    %get3A_2 = memref.load %arg1[%get3A] : memref<12288xi32, #tpu.memory_space<smem>>
    %c0_i32 = arith.constant 0 : i32
    %c0_i32_3 = arith.constant 0 : i32
    %c0_i32_4 = arith.constant 0 : i32
    return %get3A_2, %c0_i32, %c0_i32_3 : i32, i32, i32
  }
  func.func @transform_110(%arg0: i32, %arg1: memref<12288xi32, #tpu.memory_space<smem>>) -> (i32, i32, i32) {
    %mul3A = arith.constant 192 : i32
    %mul3A_0 = arith.muli %mul3A, %arg0 : i32
    %add3A = arith.constant 109 : i32
    %add3A_1 = arith.addi %mul3A_0, %add3A : i32
    %get3A = arith.index_cast %add3A_1 : i32 to index
    %get3A_2 = memref.load %arg1[%get3A] : memref<12288xi32, #tpu.memory_space<smem>>
    %c0_i32 = arith.constant 0 : i32
    %c0_i32_3 = arith.constant 0 : i32
    %c0_i32_4 = arith.constant 0 : i32
    return %get3A_2, %c0_i32, %c0_i32_3 : i32, i32, i32
  }
  func.func @transform_111(%arg0: i32, %arg1: memref<12288xi32, #tpu.memory_space<smem>>) -> (i32, i32, i32) {
    %mul3A = arith.constant 192 : i32
    %mul3A_0 = arith.muli %mul3A, %arg0 : i32
    %add3A = arith.constant 110 : i32
    %add3A_1 = arith.addi %mul3A_0, %add3A : i32
    %get3A = arith.index_cast %add3A_1 : i32 to index
    %get3A_2 = memref.load %arg1[%get3A] : memref<12288xi32, #tpu.memory_space<smem>>
    %c0_i32 = arith.constant 0 : i32
    %c0_i32_3 = arith.constant 0 : i32
    %c0_i32_4 = arith.constant 0 : i32
    return %get3A_2, %c0_i32, %c0_i32_3 : i32, i32, i32
  }
  func.func @transform_112(%arg0: i32, %arg1: memref<12288xi32, #tpu.memory_space<smem>>) -> (i32, i32, i32) {
    %mul3A = arith.constant 192 : i32
    %mul3A_0 = arith.muli %mul3A, %arg0 : i32
    %add3A = arith.constant 111 : i32
    %add3A_1 = arith.addi %mul3A_0, %add3A : i32
    %get3A = arith.index_cast %add3A_1 : i32 to index
    %get3A_2 = memref.load %arg1[%get3A] : memref<12288xi32, #tpu.memory_space<smem>>
    %c0_i32 = arith.constant 0 : i32
    %c0_i32_3 = arith.constant 0 : i32
    %c0_i32_4 = arith.constant 0 : i32
    return %get3A_2, %c0_i32, %c0_i32_3 : i32, i32, i32
  }
  func.func @transform_113(%arg0: i32, %arg1: memref<12288xi32, #tpu.memory_space<smem>>) -> (i32, i32, i32) {
    %mul3A = arith.constant 192 : i32
    %mul3A_0 = arith.muli %mul3A, %arg0 : i32
    %add3A = arith.constant 112 : i32
    %add3A_1 = arith.addi %mul3A_0, %add3A : i32
    %get3A = arith.index_cast %add3A_1 : i32 to index
    %get3A_2 = memref.load %arg1[%get3A] : memref<12288xi32, #tpu.memory_space<smem>>
    %c0_i32 = arith.constant 0 : i32
    %c0_i32_3 = arith.constant 0 : i32
    %c0_i32_4 = arith.constant 0 : i32
    return %get3A_2, %c0_i32, %c0_i32_3 : i32, i32, i32
  }
  func.func @transform_114(%arg0: i32, %arg1: memref<12288xi32, #tpu.memory_space<smem>>) -> (i32, i32, i32) {
    %mul3A = arith.constant 192 : i32
    %mul3A_0 = arith.muli %mul3A, %arg0 : i32
    %add3A = arith.constant 113 : i32
    %add3A_1 = arith.addi %mul3A_0, %add3A : i32
    %get3A = arith.index_cast %add3A_1 : i32 to index
    %get3A_2 = memref.load %arg1[%get3A] : memref<12288xi32, #tpu.memory_space<smem>>
    %c0_i32 = arith.constant 0 : i32
    %c0_i32_3 = arith.constant 0 : i32
    %c0_i32_4 = arith.constant 0 : i32
    return %get3A_2, %c0_i32, %c0_i32_3 : i32, i32, i32
  }
  func.func @transform_115(%arg0: i32, %arg1: memref<12288xi32, #tpu.memory_space<smem>>) -> (i32, i32, i32) {
    %mul3A = arith.constant 192 : i32
    %mul3A_0 = arith.muli %mul3A, %arg0 : i32
    %add3A = arith.constant 114 : i32
    %add3A_1 = arith.addi %mul3A_0, %add3A : i32
    %get3A = arith.index_cast %add3A_1 : i32 to index
    %get3A_2 = memref.load %arg1[%get3A] : memref<12288xi32, #tpu.memory_space<smem>>
    %c0_i32 = arith.constant 0 : i32
    %c0_i32_3 = arith.constant 0 : i32
    %c0_i32_4 = arith.constant 0 : i32
    return %get3A_2, %c0_i32, %c0_i32_3 : i32, i32, i32
  }
  func.func @transform_116(%arg0: i32, %arg1: memref<12288xi32, #tpu.memory_space<smem>>) -> (i32, i32, i32) {
    %mul3A = arith.constant 192 : i32
    %mul3A_0 = arith.muli %mul3A, %arg0 : i32
    %add3A = arith.constant 115 : i32
    %add3A_1 = arith.addi %mul3A_0, %add3A : i32
    %get3A = arith.index_cast %add3A_1 : i32 to index
    %get3A_2 = memref.load %arg1[%get3A] : memref<12288xi32, #tpu.memory_space<smem>>
    %c0_i32 = arith.constant 0 : i32
    %c0_i32_3 = arith.constant 0 : i32
    %c0_i32_4 = arith.constant 0 : i32
    return %get3A_2, %c0_i32, %c0_i32_3 : i32, i32, i32
  }
  func.func @transform_117(%arg0: i32, %arg1: memref<12288xi32, #tpu.memory_space<smem>>) -> (i32, i32, i32) {
    %mul3A = arith.constant 192 : i32
    %mul3A_0 = arith.muli %mul3A, %arg0 : i32
    %add3A = arith.constant 116 : i32
    %add3A_1 = arith.addi %mul3A_0, %add3A : i32
    %get3A = arith.index_cast %add3A_1 : i32 to index
    %get3A_2 = memref.load %arg1[%get3A] : memref<12288xi32, #tpu.memory_space<smem>>
    %c0_i32 = arith.constant 0 : i32
    %c0_i32_3 = arith.constant 0 : i32
    %c0_i32_4 = arith.constant 0 : i32
    return %get3A_2, %c0_i32, %c0_i32_3 : i32, i32, i32
  }
  func.func @transform_118(%arg0: i32, %arg1: memref<12288xi32, #tpu.memory_space<smem>>) -> (i32, i32, i32) {
    %mul3A = arith.constant 192 : i32
    %mul3A_0 = arith.muli %mul3A, %arg0 : i32
    %add3A = arith.constant 117 : i32
    %add3A_1 = arith.addi %mul3A_0, %add3A : i32
    %get3A = arith.index_cast %add3A_1 : i32 to index
    %get3A_2 = memref.load %arg1[%get3A] : memref<12288xi32, #tpu.memory_space<smem>>
    %c0_i32 = arith.constant 0 : i32
    %c0_i32_3 = arith.constant 0 : i32
    %c0_i32_4 = arith.constant 0 : i32
    return %get3A_2, %c0_i32, %c0_i32_3 : i32, i32, i32
  }
  func.func @transform_119(%arg0: i32, %arg1: memref<12288xi32, #tpu.memory_space<smem>>) -> (i32, i32, i32) {
    %mul3A = arith.constant 192 : i32
    %mul3A_0 = arith.muli %mul3A, %arg0 : i32
    %add3A = arith.constant 118 : i32
    %add3A_1 = arith.addi %mul3A_0, %add3A : i32
    %get3A = arith.index_cast %add3A_1 : i32 to index
    %get3A_2 = memref.load %arg1[%get3A] : memref<12288xi32, #tpu.memory_space<smem>>
    %c0_i32 = arith.constant 0 : i32
    %c0_i32_3 = arith.constant 0 : i32
    %c0_i32_4 = arith.constant 0 : i32
    return %get3A_2, %c0_i32, %c0_i32_3 : i32, i32, i32
  }
  func.func @transform_120(%arg0: i32, %arg1: memref<12288xi32, #tpu.memory_space<smem>>) -> (i32, i32, i32) {
    %mul3A = arith.constant 192 : i32
    %mul3A_0 = arith.muli %mul3A, %arg0 : i32
    %add3A = arith.constant 119 : i32
    %add3A_1 = arith.addi %mul3A_0, %add3A : i32
    %get3A = arith.index_cast %add3A_1 : i32 to index
    %get3A_2 = memref.load %arg1[%get3A] : memref<12288xi32, #tpu.memory_space<smem>>
    %c0_i32 = arith.constant 0 : i32
    %c0_i32_3 = arith.constant 0 : i32
    %c0_i32_4 = arith.constant 0 : i32
    return %get3A_2, %c0_i32, %c0_i32_3 : i32, i32, i32
  }
  func.func @transform_121(%arg0: i32, %arg1: memref<12288xi32, #tpu.memory_space<smem>>) -> (i32, i32, i32) {
    %mul3A = arith.constant 192 : i32
    %mul3A_0 = arith.muli %mul3A, %arg0 : i32
    %add3A = arith.constant 120 : i32
    %add3A_1 = arith.addi %mul3A_0, %add3A : i32
    %get3A = arith.index_cast %add3A_1 : i32 to index
    %get3A_2 = memref.load %arg1[%get3A] : memref<12288xi32, #tpu.memory_space<smem>>
    %c0_i32 = arith.constant 0 : i32
    %c0_i32_3 = arith.constant 0 : i32
    %c0_i32_4 = arith.constant 0 : i32
    return %get3A_2, %c0_i32, %c0_i32_3 : i32, i32, i32
  }
  func.func @transform_122(%arg0: i32, %arg1: memref<12288xi32, #tpu.memory_space<smem>>) -> (i32, i32, i32) {
    %mul3A = arith.constant 192 : i32
    %mul3A_0 = arith.muli %mul3A, %arg0 : i32
    %add3A = arith.constant 121 : i32
    %add3A_1 = arith.addi %mul3A_0, %add3A : i32
    %get3A = arith.index_cast %add3A_1 : i32 to index
    %get3A_2 = memref.load %arg1[%get3A] : memref<12288xi32, #tpu.memory_space<smem>>
    %c0_i32 = arith.constant 0 : i32
    %c0_i32_3 = arith.constant 0 : i32
    %c0_i32_4 = arith.constant 0 : i32
    return %get3A_2, %c0_i32, %c0_i32_3 : i32, i32, i32
  }
  func.func @transform_123(%arg0: i32, %arg1: memref<12288xi32, #tpu.memory_space<smem>>) -> (i32, i32, i32) {
    %mul3A = arith.constant 192 : i32
    %mul3A_0 = arith.muli %mul3A, %arg0 : i32
    %add3A = arith.constant 122 : i32
    %add3A_1 = arith.addi %mul3A_0, %add3A : i32
    %get3A = arith.index_cast %add3A_1 : i32 to index
    %get3A_2 = memref.load %arg1[%get3A] : memref<12288xi32, #tpu.memory_space<smem>>
    %c0_i32 = arith.constant 0 : i32
    %c0_i32_3 = arith.constant 0 : i32
    %c0_i32_4 = arith.constant 0 : i32
    return %get3A_2, %c0_i32, %c0_i32_3 : i32, i32, i32
  }
  func.func @transform_124(%arg0: i32, %arg1: memref<12288xi32, #tpu.memory_space<smem>>) -> (i32, i32, i32) {
    %mul3A = arith.constant 192 : i32
    %mul3A_0 = arith.muli %mul3A, %arg0 : i32
    %add3A = arith.constant 123 : i32
    %add3A_1 = arith.addi %mul3A_0, %add3A : i32
    %get3A = arith.index_cast %add3A_1 : i32 to index
    %get3A_2 = memref.load %arg1[%get3A] : memref<12288xi32, #tpu.memory_space<smem>>
    %c0_i32 = arith.constant 0 : i32
    %c0_i32_3 = arith.constant 0 : i32
    %c0_i32_4 = arith.constant 0 : i32
    return %get3A_2, %c0_i32, %c0_i32_3 : i32, i32, i32
  }
  func.func @transform_125(%arg0: i32, %arg1: memref<12288xi32, #tpu.memory_space<smem>>) -> (i32, i32, i32) {
    %mul3A = arith.constant 192 : i32
    %mul3A_0 = arith.muli %mul3A, %arg0 : i32
    %add3A = arith.constant 124 : i32
    %add3A_1 = arith.addi %mul3A_0, %add3A : i32
    %get3A = arith.index_cast %add3A_1 : i32 to index
    %get3A_2 = memref.load %arg1[%get3A] : memref<12288xi32, #tpu.memory_space<smem>>
    %c0_i32 = arith.constant 0 : i32
    %c0_i32_3 = arith.constant 0 : i32
    %c0_i32_4 = arith.constant 0 : i32
    return %get3A_2, %c0_i32, %c0_i32_3 : i32, i32, i32
  }
  func.func @transform_126(%arg0: i32, %arg1: memref<12288xi32, #tpu.memory_space<smem>>) -> (i32, i32, i32) {
    %mul3A = arith.constant 192 : i32
    %mul3A_0 = arith.muli %mul3A, %arg0 : i32
    %add3A = arith.constant 125 : i32
    %add3A_1 = arith.addi %mul3A_0, %add3A : i32
    %get3A = arith.index_cast %add3A_1 : i32 to index
    %get3A_2 = memref.load %arg1[%get3A] : memref<12288xi32, #tpu.memory_space<smem>>
    %c0_i32 = arith.constant 0 : i32
    %c0_i32_3 = arith.constant 0 : i32
    %c0_i32_4 = arith.constant 0 : i32
    return %get3A_2, %c0_i32, %c0_i32_3 : i32, i32, i32
  }
  func.func @transform_127(%arg0: i32, %arg1: memref<12288xi32, #tpu.memory_space<smem>>) -> (i32, i32, i32) {
    %mul3A = arith.constant 192 : i32
    %mul3A_0 = arith.muli %mul3A, %arg0 : i32
    %add3A = arith.constant 126 : i32
    %add3A_1 = arith.addi %mul3A_0, %add3A : i32
    %get3A = arith.index_cast %add3A_1 : i32 to index
    %get3A_2 = memref.load %arg1[%get3A] : memref<12288xi32, #tpu.memory_space<smem>>
    %c0_i32 = arith.constant 0 : i32
    %c0_i32_3 = arith.constant 0 : i32
    %c0_i32_4 = arith.constant 0 : i32
    return %get3A_2, %c0_i32, %c0_i32_3 : i32, i32, i32
  }
  func.func @transform_128(%arg0: i32, %arg1: memref<12288xi32, #tpu.memory_space<smem>>) -> (i32, i32, i32) {
    %mul3A = arith.constant 192 : i32
    %mul3A_0 = arith.muli %mul3A, %arg0 : i32
    %add3A = arith.constant 127 : i32
    %add3A_1 = arith.addi %mul3A_0, %add3A : i32
    %get3A = arith.index_cast %add3A_1 : i32 to index
    %get3A_2 = memref.load %arg1[%get3A] : memref<12288xi32, #tpu.memory_space<smem>>
    %c0_i32 = arith.constant 0 : i32
    %c0_i32_3 = arith.constant 0 : i32
    %c0_i32_4 = arith.constant 0 : i32
    return %get3A_2, %c0_i32, %c0_i32_3 : i32, i32, i32
  }
  func.func @transform_129(%arg0: i32, %arg1: memref<12288xi32, #tpu.memory_space<smem>>) -> (i32, i32, i32) {
    %mul3A = arith.constant 192 : i32
    %mul3A_0 = arith.muli %mul3A, %arg0 : i32
    %add3A = arith.constant 128 : i32
    %add3A_1 = arith.addi %mul3A_0, %add3A : i32
    %get3A = arith.index_cast %add3A_1 : i32 to index
    %get3A_2 = memref.load %arg1[%get3A] : memref<12288xi32, #tpu.memory_space<smem>>
    %c0_i32 = arith.constant 0 : i32
    %c0_i32_3 = arith.constant 0 : i32
    %c0_i32_4 = arith.constant 0 : i32
    return %get3A_2, %c0_i32, %c0_i32_3 : i32, i32, i32
  }
  func.func @transform_130(%arg0: i32, %arg1: memref<12288xi32, #tpu.memory_space<smem>>) -> (i32, i32, i32) {
    %mul3A = arith.constant 192 : i32
    %mul3A_0 = arith.muli %mul3A, %arg0 : i32
    %add3A = arith.constant 129 : i32
    %add3A_1 = arith.addi %mul3A_0, %add3A : i32
    %get3A = arith.index_cast %add3A_1 : i32 to index
    %get3A_2 = memref.load %arg1[%get3A] : memref<12288xi32, #tpu.memory_space<smem>>
    %c0_i32 = arith.constant 0 : i32
    %c0_i32_3 = arith.constant 0 : i32
    %c0_i32_4 = arith.constant 0 : i32
    return %get3A_2, %c0_i32, %c0_i32_3 : i32, i32, i32
  }
  func.func @transform_131(%arg0: i32, %arg1: memref<12288xi32, #tpu.memory_space<smem>>) -> (i32, i32, i32) {
    %mul3A = arith.constant 192 : i32
    %mul3A_0 = arith.muli %mul3A, %arg0 : i32
    %add3A = arith.constant 130 : i32
    %add3A_1 = arith.addi %mul3A_0, %add3A : i32
    %get3A = arith.index_cast %add3A_1 : i32 to index
    %get3A_2 = memref.load %arg1[%get3A] : memref<12288xi32, #tpu.memory_space<smem>>
    %c0_i32 = arith.constant 0 : i32
    %c0_i32_3 = arith.constant 0 : i32
    %c0_i32_4 = arith.constant 0 : i32
    return %get3A_2, %c0_i32, %c0_i32_3 : i32, i32, i32
  }
  func.func @transform_132(%arg0: i32, %arg1: memref<12288xi32, #tpu.memory_space<smem>>) -> (i32, i32, i32) {
    %mul3A = arith.constant 192 : i32
    %mul3A_0 = arith.muli %mul3A, %arg0 : i32
    %add3A = arith.constant 131 : i32
    %add3A_1 = arith.addi %mul3A_0, %add3A : i32
    %get3A = arith.index_cast %add3A_1 : i32 to index
    %get3A_2 = memref.load %arg1[%get3A] : memref<12288xi32, #tpu.memory_space<smem>>
    %c0_i32 = arith.constant 0 : i32
    %c0_i32_3 = arith.constant 0 : i32
    %c0_i32_4 = arith.constant 0 : i32
    return %get3A_2, %c0_i32, %c0_i32_3 : i32, i32, i32
  }
  func.func @transform_133(%arg0: i32, %arg1: memref<12288xi32, #tpu.memory_space<smem>>) -> (i32, i32, i32) {
    %mul3A = arith.constant 192 : i32
    %mul3A_0 = arith.muli %mul3A, %arg0 : i32
    %add3A = arith.constant 132 : i32
    %add3A_1 = arith.addi %mul3A_0, %add3A : i32
    %get3A = arith.index_cast %add3A_1 : i32 to index
    %get3A_2 = memref.load %arg1[%get3A] : memref<12288xi32, #tpu.memory_space<smem>>
    %c0_i32 = arith.constant 0 : i32
    %c0_i32_3 = arith.constant 0 : i32
    %c0_i32_4 = arith.constant 0 : i32
    return %get3A_2, %c0_i32, %c0_i32_3 : i32, i32, i32
  }
  func.func @transform_134(%arg0: i32, %arg1: memref<12288xi32, #tpu.memory_space<smem>>) -> (i32, i32, i32) {
    %mul3A = arith.constant 192 : i32
    %mul3A_0 = arith.muli %mul3A, %arg0 : i32
    %add3A = arith.constant 133 : i32
    %add3A_1 = arith.addi %mul3A_0, %add3A : i32
    %get3A = arith.index_cast %add3A_1 : i32 to index
    %get3A_2 = memref.load %arg1[%get3A] : memref<12288xi32, #tpu.memory_space<smem>>
    %c0_i32 = arith.constant 0 : i32
    %c0_i32_3 = arith.constant 0 : i32
    %c0_i32_4 = arith.constant 0 : i32
    return %get3A_2, %c0_i32, %c0_i32_3 : i32, i32, i32
  }
  func.func @transform_135(%arg0: i32, %arg1: memref<12288xi32, #tpu.memory_space<smem>>) -> (i32, i32, i32) {
    %mul3A = arith.constant 192 : i32
    %mul3A_0 = arith.muli %mul3A, %arg0 : i32
    %add3A = arith.constant 134 : i32
    %add3A_1 = arith.addi %mul3A_0, %add3A : i32
    %get3A = arith.index_cast %add3A_1 : i32 to index
    %get3A_2 = memref.load %arg1[%get3A] : memref<12288xi32, #tpu.memory_space<smem>>
    %c0_i32 = arith.constant 0 : i32
    %c0_i32_3 = arith.constant 0 : i32
    %c0_i32_4 = arith.constant 0 : i32
    return %get3A_2, %c0_i32, %c0_i32_3 : i32, i32, i32
  }
  func.func @transform_136(%arg0: i32, %arg1: memref<12288xi32, #tpu.memory_space<smem>>) -> (i32, i32, i32) {
    %mul3A = arith.constant 192 : i32
    %mul3A_0 = arith.muli %mul3A, %arg0 : i32
    %add3A = arith.constant 135 : i32
    %add3A_1 = arith.addi %mul3A_0, %add3A : i32
    %get3A = arith.index_cast %add3A_1 : i32 to index
    %get3A_2 = memref.load %arg1[%get3A] : memref<12288xi32, #tpu.memory_space<smem>>
    %c0_i32 = arith.constant 0 : i32
    %c0_i32_3 = arith.constant 0 : i32
    %c0_i32_4 = arith.constant 0 : i32
    return %get3A_2, %c0_i32, %c0_i32_3 : i32, i32, i32
  }
  func.func @transform_137(%arg0: i32, %arg1: memref<12288xi32, #tpu.memory_space<smem>>) -> (i32, i32, i32) {
    %mul3A = arith.constant 192 : i32
    %mul3A_0 = arith.muli %mul3A, %arg0 : i32
    %add3A = arith.constant 136 : i32
    %add3A_1 = arith.addi %mul3A_0, %add3A : i32
    %get3A = arith.index_cast %add3A_1 : i32 to index
    %get3A_2 = memref.load %arg1[%get3A] : memref<12288xi32, #tpu.memory_space<smem>>
    %c0_i32 = arith.constant 0 : i32
    %c0_i32_3 = arith.constant 0 : i32
    %c0_i32_4 = arith.constant 0 : i32
    return %get3A_2, %c0_i32, %c0_i32_3 : i32, i32, i32
  }
  func.func @transform_138(%arg0: i32, %arg1: memref<12288xi32, #tpu.memory_space<smem>>) -> (i32, i32, i32) {
    %mul3A = arith.constant 192 : i32
    %mul3A_0 = arith.muli %mul3A, %arg0 : i32
    %add3A = arith.constant 137 : i32
    %add3A_1 = arith.addi %mul3A_0, %add3A : i32
    %get3A = arith.index_cast %add3A_1 : i32 to index
    %get3A_2 = memref.load %arg1[%get3A] : memref<12288xi32, #tpu.memory_space<smem>>
    %c0_i32 = arith.constant 0 : i32
    %c0_i32_3 = arith.constant 0 : i32
    %c0_i32_4 = arith.constant 0 : i32
    return %get3A_2, %c0_i32, %c0_i32_3 : i32, i32, i32
  }
  func.func @transform_139(%arg0: i32, %arg1: memref<12288xi32, #tpu.memory_space<smem>>) -> (i32, i32, i32) {
    %mul3A = arith.constant 192 : i32
    %mul3A_0 = arith.muli %mul3A, %arg0 : i32
    %add3A = arith.constant 138 : i32
    %add3A_1 = arith.addi %mul3A_0, %add3A : i32
    %get3A = arith.index_cast %add3A_1 : i32 to index
    %get3A_2 = memref.load %arg1[%get3A] : memref<12288xi32, #tpu.memory_space<smem>>
    %c0_i32 = arith.constant 0 : i32
    %c0_i32_3 = arith.constant 0 : i32
    %c0_i32_4 = arith.constant 0 : i32
    return %get3A_2, %c0_i32, %c0_i32_3 : i32, i32, i32
  }
  func.func @transform_140(%arg0: i32, %arg1: memref<12288xi32, #tpu.memory_space<smem>>) -> (i32, i32, i32) {
    %mul3A = arith.constant 192 : i32
    %mul3A_0 = arith.muli %mul3A, %arg0 : i32
    %add3A = arith.constant 139 : i32
    %add3A_1 = arith.addi %mul3A_0, %add3A : i32
    %get3A = arith.index_cast %add3A_1 : i32 to index
    %get3A_2 = memref.load %arg1[%get3A] : memref<12288xi32, #tpu.memory_space<smem>>
    %c0_i32 = arith.constant 0 : i32
    %c0_i32_3 = arith.constant 0 : i32
    %c0_i32_4 = arith.constant 0 : i32
    return %get3A_2, %c0_i32, %c0_i32_3 : i32, i32, i32
  }
  func.func @transform_141(%arg0: i32, %arg1: memref<12288xi32, #tpu.memory_space<smem>>) -> (i32, i32, i32) {
    %mul3A = arith.constant 192 : i32
    %mul3A_0 = arith.muli %mul3A, %arg0 : i32
    %add3A = arith.constant 140 : i32
    %add3A_1 = arith.addi %mul3A_0, %add3A : i32
    %get3A = arith.index_cast %add3A_1 : i32 to index
    %get3A_2 = memref.load %arg1[%get3A] : memref<12288xi32, #tpu.memory_space<smem>>
    %c0_i32 = arith.constant 0 : i32
    %c0_i32_3 = arith.constant 0 : i32
    %c0_i32_4 = arith.constant 0 : i32
    return %get3A_2, %c0_i32, %c0_i32_3 : i32, i32, i32
  }
  func.func @transform_142(%arg0: i32, %arg1: memref<12288xi32, #tpu.memory_space<smem>>) -> (i32, i32, i32) {
    %mul3A = arith.constant 192 : i32
    %mul3A_0 = arith.muli %mul3A, %arg0 : i32
    %add3A = arith.constant 141 : i32
    %add3A_1 = arith.addi %mul3A_0, %add3A : i32
    %get3A = arith.index_cast %add3A_1 : i32 to index
    %get3A_2 = memref.load %arg1[%get3A] : memref<12288xi32, #tpu.memory_space<smem>>
    %c0_i32 = arith.constant 0 : i32
    %c0_i32_3 = arith.constant 0 : i32
    %c0_i32_4 = arith.constant 0 : i32
    return %get3A_2, %c0_i32, %c0_i32_3 : i32, i32, i32
  }
  func.func @transform_143(%arg0: i32, %arg1: memref<12288xi32, #tpu.memory_space<smem>>) -> (i32, i32, i32) {
    %mul3A = arith.constant 192 : i32
    %mul3A_0 = arith.muli %mul3A, %arg0 : i32
    %add3A = arith.constant 142 : i32
    %add3A_1 = arith.addi %mul3A_0, %add3A : i32
    %get3A = arith.index_cast %add3A_1 : i32 to index
    %get3A_2 = memref.load %arg1[%get3A] : memref<12288xi32, #tpu.memory_space<smem>>
    %c0_i32 = arith.constant 0 : i32
    %c0_i32_3 = arith.constant 0 : i32
    %c0_i32_4 = arith.constant 0 : i32
    return %get3A_2, %c0_i32, %c0_i32_3 : i32, i32, i32
  }
  func.func @transform_144(%arg0: i32, %arg1: memref<12288xi32, #tpu.memory_space<smem>>) -> (i32, i32, i32) {
    %mul3A = arith.constant 192 : i32
    %mul3A_0 = arith.muli %mul3A, %arg0 : i32
    %add3A = arith.constant 143 : i32
    %add3A_1 = arith.addi %mul3A_0, %add3A : i32
    %get3A = arith.index_cast %add3A_1 : i32 to index
    %get3A_2 = memref.load %arg1[%get3A] : memref<12288xi32, #tpu.memory_space<smem>>
    %c0_i32 = arith.constant 0 : i32
    %c0_i32_3 = arith.constant 0 : i32
    %c0_i32_4 = arith.constant 0 : i32
    return %get3A_2, %c0_i32, %c0_i32_3 : i32, i32, i32
  }
  func.func @transform_145(%arg0: i32, %arg1: memref<12288xi32, #tpu.memory_space<smem>>) -> (i32, i32, i32) {
    %mul3A = arith.constant 192 : i32
    %mul3A_0 = arith.muli %mul3A, %arg0 : i32
    %add3A = arith.constant 144 : i32
    %add3A_1 = arith.addi %mul3A_0, %add3A : i32
    %get3A = arith.index_cast %add3A_1 : i32 to index
    %get3A_2 = memref.load %arg1[%get3A] : memref<12288xi32, #tpu.memory_space<smem>>
    %c0_i32 = arith.constant 0 : i32
    %c0_i32_3 = arith.constant 0 : i32
    %c0_i32_4 = arith.constant 0 : i32
    return %get3A_2, %c0_i32, %c0_i32_3 : i32, i32, i32
  }
  func.func @transform_146(%arg0: i32, %arg1: memref<12288xi32, #tpu.memory_space<smem>>) -> (i32, i32, i32) {
    %mul3A = arith.constant 192 : i32
    %mul3A_0 = arith.muli %mul3A, %arg0 : i32
    %add3A = arith.constant 145 : i32
    %add3A_1 = arith.addi %mul3A_0, %add3A : i32
    %get3A = arith.index_cast %add3A_1 : i32 to index
    %get3A_2 = memref.load %arg1[%get3A] : memref<12288xi32, #tpu.memory_space<smem>>
    %c0_i32 = arith.constant 0 : i32
    %c0_i32_3 = arith.constant 0 : i32
    %c0_i32_4 = arith.constant 0 : i32
    return %get3A_2, %c0_i32, %c0_i32_3 : i32, i32, i32
  }
  func.func @transform_147(%arg0: i32, %arg1: memref<12288xi32, #tpu.memory_space<smem>>) -> (i32, i32, i32) {
    %mul3A = arith.constant 192 : i32
    %mul3A_0 = arith.muli %mul3A, %arg0 : i32
    %add3A = arith.constant 146 : i32
    %add3A_1 = arith.addi %mul3A_0, %add3A : i32
    %get3A = arith.index_cast %add3A_1 : i32 to index
    %get3A_2 = memref.load %arg1[%get3A] : memref<12288xi32, #tpu.memory_space<smem>>
    %c0_i32 = arith.constant 0 : i32
    %c0_i32_3 = arith.constant 0 : i32
    %c0_i32_4 = arith.constant 0 : i32
    return %get3A_2, %c0_i32, %c0_i32_3 : i32, i32, i32
  }
  func.func @transform_148(%arg0: i32, %arg1: memref<12288xi32, #tpu.memory_space<smem>>) -> (i32, i32, i32) {
    %mul3A = arith.constant 192 : i32
    %mul3A_0 = arith.muli %mul3A, %arg0 : i32
    %add3A = arith.constant 147 : i32
    %add3A_1 = arith.addi %mul3A_0, %add3A : i32
    %get3A = arith.index_cast %add3A_1 : i32 to index
    %get3A_2 = memref.load %arg1[%get3A] : memref<12288xi32, #tpu.memory_space<smem>>
    %c0_i32 = arith.constant 0 : i32
    %c0_i32_3 = arith.constant 0 : i32
    %c0_i32_4 = arith.constant 0 : i32
    return %get3A_2, %c0_i32, %c0_i32_3 : i32, i32, i32
  }
  func.func @transform_149(%arg0: i32, %arg1: memref<12288xi32, #tpu.memory_space<smem>>) -> (i32, i32, i32) {
    %mul3A = arith.constant 192 : i32
    %mul3A_0 = arith.muli %mul3A, %arg0 : i32
    %add3A = arith.constant 148 : i32
    %add3A_1 = arith.addi %mul3A_0, %add3A : i32
    %get3A = arith.index_cast %add3A_1 : i32 to index
    %get3A_2 = memref.load %arg1[%get3A] : memref<12288xi32, #tpu.memory_space<smem>>
    %c0_i32 = arith.constant 0 : i32
    %c0_i32_3 = arith.constant 0 : i32
    %c0_i32_4 = arith.constant 0 : i32
    return %get3A_2, %c0_i32, %c0_i32_3 : i32, i32, i32
  }
  func.func @transform_150(%arg0: i32, %arg1: memref<12288xi32, #tpu.memory_space<smem>>) -> (i32, i32, i32) {
    %mul3A = arith.constant 192 : i32
    %mul3A_0 = arith.muli %mul3A, %arg0 : i32
    %add3A = arith.constant 149 : i32
    %add3A_1 = arith.addi %mul3A_0, %add3A : i32
    %get3A = arith.index_cast %add3A_1 : i32 to index
    %get3A_2 = memref.load %arg1[%get3A] : memref<12288xi32, #tpu.memory_space<smem>>
    %c0_i32 = arith.constant 0 : i32
    %c0_i32_3 = arith.constant 0 : i32
    %c0_i32_4 = arith.constant 0 : i32
    return %get3A_2, %c0_i32, %c0_i32_3 : i32, i32, i32
  }
  func.func @transform_151(%arg0: i32, %arg1: memref<12288xi32, #tpu.memory_space<smem>>) -> (i32, i32, i32) {
    %mul3A = arith.constant 192 : i32
    %mul3A_0 = arith.muli %mul3A, %arg0 : i32
    %add3A = arith.constant 150 : i32
    %add3A_1 = arith.addi %mul3A_0, %add3A : i32
    %get3A = arith.index_cast %add3A_1 : i32 to index
    %get3A_2 = memref.load %arg1[%get3A] : memref<12288xi32, #tpu.memory_space<smem>>
    %c0_i32 = arith.constant 0 : i32
    %c0_i32_3 = arith.constant 0 : i32
    %c0_i32_4 = arith.constant 0 : i32
    return %get3A_2, %c0_i32, %c0_i32_3 : i32, i32, i32
  }
  func.func @transform_152(%arg0: i32, %arg1: memref<12288xi32, #tpu.memory_space<smem>>) -> (i32, i32, i32) {
    %mul3A = arith.constant 192 : i32
    %mul3A_0 = arith.muli %mul3A, %arg0 : i32
    %add3A = arith.constant 151 : i32
    %add3A_1 = arith.addi %mul3A_0, %add3A : i32
    %get3A = arith.index_cast %add3A_1 : i32 to index
    %get3A_2 = memref.load %arg1[%get3A] : memref<12288xi32, #tpu.memory_space<smem>>
    %c0_i32 = arith.constant 0 : i32
    %c0_i32_3 = arith.constant 0 : i32
    %c0_i32_4 = arith.constant 0 : i32
    return %get3A_2, %c0_i32, %c0_i32_3 : i32, i32, i32
  }
  func.func @transform_153(%arg0: i32, %arg1: memref<12288xi32, #tpu.memory_space<smem>>) -> (i32, i32, i32) {
    %mul3A = arith.constant 192 : i32
    %mul3A_0 = arith.muli %mul3A, %arg0 : i32
    %add3A = arith.constant 152 : i32
    %add3A_1 = arith.addi %mul3A_0, %add3A : i32
    %get3A = arith.index_cast %add3A_1 : i32 to index
    %get3A_2 = memref.load %arg1[%get3A] : memref<12288xi32, #tpu.memory_space<smem>>
    %c0_i32 = arith.constant 0 : i32
    %c0_i32_3 = arith.constant 0 : i32
    %c0_i32_4 = arith.constant 0 : i32
    return %get3A_2, %c0_i32, %c0_i32_3 : i32, i32, i32
  }
  func.func @transform_154(%arg0: i32, %arg1: memref<12288xi32, #tpu.memory_space<smem>>) -> (i32, i32, i32) {
    %mul3A = arith.constant 192 : i32
    %mul3A_0 = arith.muli %mul3A, %arg0 : i32
    %add3A = arith.constant 153 : i32
    %add3A_1 = arith.addi %mul3A_0, %add3A : i32
    %get3A = arith.index_cast %add3A_1 : i32 to index
    %get3A_2 = memref.load %arg1[%get3A] : memref<12288xi32, #tpu.memory_space<smem>>
    %c0_i32 = arith.constant 0 : i32
    %c0_i32_3 = arith.constant 0 : i32
    %c0_i32_4 = arith.constant 0 : i32
    return %get3A_2, %c0_i32, %c0_i32_3 : i32, i32, i32
  }
  func.func @transform_155(%arg0: i32, %arg1: memref<12288xi32, #tpu.memory_space<smem>>) -> (i32, i32, i32) {
    %mul3A = arith.constant 192 : i32
    %mul3A_0 = arith.muli %mul3A, %arg0 : i32
    %add3A = arith.constant 154 : i32
    %add3A_1 = arith.addi %mul3A_0, %add3A : i32
    %get3A = arith.index_cast %add3A_1 : i32 to index
    %get3A_2 = memref.load %arg1[%get3A] : memref<12288xi32, #tpu.memory_space<smem>>
    %c0_i32 = arith.constant 0 : i32
    %c0_i32_3 = arith.constant 0 : i32
    %c0_i32_4 = arith.constant 0 : i32
    return %get3A_2, %c0_i32, %c0_i32_3 : i32, i32, i32
  }
  func.func @transform_156(%arg0: i32, %arg1: memref<12288xi32, #tpu.memory_space<smem>>) -> (i32, i32, i32) {
    %mul3A = arith.constant 192 : i32
    %mul3A_0 = arith.muli %mul3A, %arg0 : i32
    %add3A = arith.constant 155 : i32
    %add3A_1 = arith.addi %mul3A_0, %add3A : i32
    %get3A = arith.index_cast %add3A_1 : i32 to index
    %get3A_2 = memref.load %arg1[%get3A] : memref<12288xi32, #tpu.memory_space<smem>>
    %c0_i32 = arith.constant 0 : i32
    %c0_i32_3 = arith.constant 0 : i32
    %c0_i32_4 = arith.constant 0 : i32
    return %get3A_2, %c0_i32, %c0_i32_3 : i32, i32, i32
  }
  func.func @transform_157(%arg0: i32, %arg1: memref<12288xi32, #tpu.memory_space<smem>>) -> (i32, i32, i32) {
    %mul3A = arith.constant 192 : i32
    %mul3A_0 = arith.muli %mul3A, %arg0 : i32
    %add3A = arith.constant 156 : i32
    %add3A_1 = arith.addi %mul3A_0, %add3A : i32
    %get3A = arith.index_cast %add3A_1 : i32 to index
    %get3A_2 = memref.load %arg1[%get3A] : memref<12288xi32, #tpu.memory_space<smem>>
    %c0_i32 = arith.constant 0 : i32
    %c0_i32_3 = arith.constant 0 : i32
    %c0_i32_4 = arith.constant 0 : i32
    return %get3A_2, %c0_i32, %c0_i32_3 : i32, i32, i32
  }
  func.func @transform_158(%arg0: i32, %arg1: memref<12288xi32, #tpu.memory_space<smem>>) -> (i32, i32, i32) {
    %mul3A = arith.constant 192 : i32
    %mul3A_0 = arith.muli %mul3A, %arg0 : i32
    %add3A = arith.constant 157 : i32
    %add3A_1 = arith.addi %mul3A_0, %add3A : i32
    %get3A = arith.index_cast %add3A_1 : i32 to index
    %get3A_2 = memref.load %arg1[%get3A] : memref<12288xi32, #tpu.memory_space<smem>>
    %c0_i32 = arith.constant 0 : i32
    %c0_i32_3 = arith.constant 0 : i32
    %c0_i32_4 = arith.constant 0 : i32
    return %get3A_2, %c0_i32, %c0_i32_3 : i32, i32, i32
  }
  func.func @transform_159(%arg0: i32, %arg1: memref<12288xi32, #tpu.memory_space<smem>>) -> (i32, i32, i32) {
    %mul3A = arith.constant 192 : i32
    %mul3A_0 = arith.muli %mul3A, %arg0 : i32
    %add3A = arith.constant 158 : i32
    %add3A_1 = arith.addi %mul3A_0, %add3A : i32
    %get3A = arith.index_cast %add3A_1 : i32 to index
    %get3A_2 = memref.load %arg1[%get3A] : memref<12288xi32, #tpu.memory_space<smem>>
    %c0_i32 = arith.constant 0 : i32
    %c0_i32_3 = arith.constant 0 : i32
    %c0_i32_4 = arith.constant 0 : i32
    return %get3A_2, %c0_i32, %c0_i32_3 : i32, i32, i32
  }
  func.func @transform_160(%arg0: i32, %arg1: memref<12288xi32, #tpu.memory_space<smem>>) -> (i32, i32, i32) {
    %mul3A = arith.constant 192 : i32
    %mul3A_0 = arith.muli %mul3A, %arg0 : i32
    %add3A = arith.constant 159 : i32
    %add3A_1 = arith.addi %mul3A_0, %add3A : i32
    %get3A = arith.index_cast %add3A_1 : i32 to index
    %get3A_2 = memref.load %arg1[%get3A] : memref<12288xi32, #tpu.memory_space<smem>>
    %c0_i32 = arith.constant 0 : i32
    %c0_i32_3 = arith.constant 0 : i32
    %c0_i32_4 = arith.constant 0 : i32
    return %get3A_2, %c0_i32, %c0_i32_3 : i32, i32, i32
  }
  func.func @transform_161(%arg0: i32, %arg1: memref<12288xi32, #tpu.memory_space<smem>>) -> (i32, i32, i32) {
    %mul3A = arith.constant 192 : i32
    %mul3A_0 = arith.muli %mul3A, %arg0 : i32
    %add3A = arith.constant 160 : i32
    %add3A_1 = arith.addi %mul3A_0, %add3A : i32
    %get3A = arith.index_cast %add3A_1 : i32 to index
    %get3A_2 = memref.load %arg1[%get3A] : memref<12288xi32, #tpu.memory_space<smem>>
    %c0_i32 = arith.constant 0 : i32
    %c0_i32_3 = arith.constant 0 : i32
    %c0_i32_4 = arith.constant 0 : i32
    return %get3A_2, %c0_i32, %c0_i32_3 : i32, i32, i32
  }
  func.func @transform_162(%arg0: i32, %arg1: memref<12288xi32, #tpu.memory_space<smem>>) -> (i32, i32, i32) {
    %mul3A = arith.constant 192 : i32
    %mul3A_0 = arith.muli %mul3A, %arg0 : i32
    %add3A = arith.constant 161 : i32
    %add3A_1 = arith.addi %mul3A_0, %add3A : i32
    %get3A = arith.index_cast %add3A_1 : i32 to index
    %get3A_2 = memref.load %arg1[%get3A] : memref<12288xi32, #tpu.memory_space<smem>>
    %c0_i32 = arith.constant 0 : i32
    %c0_i32_3 = arith.constant 0 : i32
    %c0_i32_4 = arith.constant 0 : i32
    return %get3A_2, %c0_i32, %c0_i32_3 : i32, i32, i32
  }
  func.func @transform_163(%arg0: i32, %arg1: memref<12288xi32, #tpu.memory_space<smem>>) -> (i32, i32, i32) {
    %mul3A = arith.constant 192 : i32
    %mul3A_0 = arith.muli %mul3A, %arg0 : i32
    %add3A = arith.constant 162 : i32
    %add3A_1 = arith.addi %mul3A_0, %add3A : i32
    %get3A = arith.index_cast %add3A_1 : i32 to index
    %get3A_2 = memref.load %arg1[%get3A] : memref<12288xi32, #tpu.memory_space<smem>>
    %c0_i32 = arith.constant 0 : i32
    %c0_i32_3 = arith.constant 0 : i32
    %c0_i32_4 = arith.constant 0 : i32
    return %get3A_2, %c0_i32, %c0_i32_3 : i32, i32, i32
  }
  func.func @transform_164(%arg0: i32, %arg1: memref<12288xi32, #tpu.memory_space<smem>>) -> (i32, i32, i32) {
    %mul3A = arith.constant 192 : i32
    %mul3A_0 = arith.muli %mul3A, %arg0 : i32
    %add3A = arith.constant 163 : i32
    %add3A_1 = arith.addi %mul3A_0, %add3A : i32
    %get3A = arith.index_cast %add3A_1 : i32 to index
    %get3A_2 = memref.load %arg1[%get3A] : memref<12288xi32, #tpu.memory_space<smem>>
    %c0_i32 = arith.constant 0 : i32
    %c0_i32_3 = arith.constant 0 : i32
    %c0_i32_4 = arith.constant 0 : i32
    return %get3A_2, %c0_i32, %c0_i32_3 : i32, i32, i32
  }
  func.func @transform_165(%arg0: i32, %arg1: memref<12288xi32, #tpu.memory_space<smem>>) -> (i32, i32, i32) {
    %mul3A = arith.constant 192 : i32
    %mul3A_0 = arith.muli %mul3A, %arg0 : i32
    %add3A = arith.constant 164 : i32
    %add3A_1 = arith.addi %mul3A_0, %add3A : i32
    %get3A = arith.index_cast %add3A_1 : i32 to index
    %get3A_2 = memref.load %arg1[%get3A] : memref<12288xi32, #tpu.memory_space<smem>>
    %c0_i32 = arith.constant 0 : i32
    %c0_i32_3 = arith.constant 0 : i32
    %c0_i32_4 = arith.constant 0 : i32
    return %get3A_2, %c0_i32, %c0_i32_3 : i32, i32, i32
  }
  func.func @transform_166(%arg0: i32, %arg1: memref<12288xi32, #tpu.memory_space<smem>>) -> (i32, i32, i32) {
    %mul3A = arith.constant 192 : i32
    %mul3A_0 = arith.muli %mul3A, %arg0 : i32
    %add3A = arith.constant 165 : i32
    %add3A_1 = arith.addi %mul3A_0, %add3A : i32
    %get3A = arith.index_cast %add3A_1 : i32 to index
    %get3A_2 = memref.load %arg1[%get3A] : memref<12288xi32, #tpu.memory_space<smem>>
    %c0_i32 = arith.constant 0 : i32
    %c0_i32_3 = arith.constant 0 : i32
    %c0_i32_4 = arith.constant 0 : i32
    return %get3A_2, %c0_i32, %c0_i32_3 : i32, i32, i32
  }
  func.func @transform_167(%arg0: i32, %arg1: memref<12288xi32, #tpu.memory_space<smem>>) -> (i32, i32, i32) {
    %mul3A = arith.constant 192 : i32
    %mul3A_0 = arith.muli %mul3A, %arg0 : i32
    %add3A = arith.constant 166 : i32
    %add3A_1 = arith.addi %mul3A_0, %add3A : i32
    %get3A = arith.index_cast %add3A_1 : i32 to index
    %get3A_2 = memref.load %arg1[%get3A] : memref<12288xi32, #tpu.memory_space<smem>>
    %c0_i32 = arith.constant 0 : i32
    %c0_i32_3 = arith.constant 0 : i32
    %c0_i32_4 = arith.constant 0 : i32
    return %get3A_2, %c0_i32, %c0_i32_3 : i32, i32, i32
  }
  func.func @transform_168(%arg0: i32, %arg1: memref<12288xi32, #tpu.memory_space<smem>>) -> (i32, i32, i32) {
    %mul3A = arith.constant 192 : i32
    %mul3A_0 = arith.muli %mul3A, %arg0 : i32
    %add3A = arith.constant 167 : i32
    %add3A_1 = arith.addi %mul3A_0, %add3A : i32
    %get3A = arith.index_cast %add3A_1 : i32 to index
    %get3A_2 = memref.load %arg1[%get3A] : memref<12288xi32, #tpu.memory_space<smem>>
    %c0_i32 = arith.constant 0 : i32
    %c0_i32_3 = arith.constant 0 : i32
    %c0_i32_4 = arith.constant 0 : i32
    return %get3A_2, %c0_i32, %c0_i32_3 : i32, i32, i32
  }
  func.func @transform_169(%arg0: i32, %arg1: memref<12288xi32, #tpu.memory_space<smem>>) -> (i32, i32, i32) {
    %mul3A = arith.constant 192 : i32
    %mul3A_0 = arith.muli %mul3A, %arg0 : i32
    %add3A = arith.constant 168 : i32
    %add3A_1 = arith.addi %mul3A_0, %add3A : i32
    %get3A = arith.index_cast %add3A_1 : i32 to index
    %get3A_2 = memref.load %arg1[%get3A] : memref<12288xi32, #tpu.memory_space<smem>>
    %c0_i32 = arith.constant 0 : i32
    %c0_i32_3 = arith.constant 0 : i32
    %c0_i32_4 = arith.constant 0 : i32
    return %get3A_2, %c0_i32, %c0_i32_3 : i32, i32, i32
  }
  func.func @transform_170(%arg0: i32, %arg1: memref<12288xi32, #tpu.memory_space<smem>>) -> (i32, i32, i32) {
    %mul3A = arith.constant 192 : i32
    %mul3A_0 = arith.muli %mul3A, %arg0 : i32
    %add3A = arith.constant 169 : i32
    %add3A_1 = arith.addi %mul3A_0, %add3A : i32
    %get3A = arith.index_cast %add3A_1 : i32 to index
    %get3A_2 = memref.load %arg1[%get3A] : memref<12288xi32, #tpu.memory_space<smem>>
    %c0_i32 = arith.constant 0 : i32
    %c0_i32_3 = arith.constant 0 : i32
    %c0_i32_4 = arith.constant 0 : i32
    return %get3A_2, %c0_i32, %c0_i32_3 : i32, i32, i32
  }
  func.func @transform_171(%arg0: i32, %arg1: memref<12288xi32, #tpu.memory_space<smem>>) -> (i32, i32, i32) {
    %mul3A = arith.constant 192 : i32
    %mul3A_0 = arith.muli %mul3A, %arg0 : i32
    %add3A = arith.constant 170 : i32
    %add3A_1 = arith.addi %mul3A_0, %add3A : i32
    %get3A = arith.index_cast %add3A_1 : i32 to index
    %get3A_2 = memref.load %arg1[%get3A] : memref<12288xi32, #tpu.memory_space<smem>>
    %c0_i32 = arith.constant 0 : i32
    %c0_i32_3 = arith.constant 0 : i32
    %c0_i32_4 = arith.constant 0 : i32
    return %get3A_2, %c0_i32, %c0_i32_3 : i32, i32, i32
  }
  func.func @transform_172(%arg0: i32, %arg1: memref<12288xi32, #tpu.memory_space<smem>>) -> (i32, i32, i32) {
    %mul3A = arith.constant 192 : i32
    %mul3A_0 = arith.muli %mul3A, %arg0 : i32
    %add3A = arith.constant 171 : i32
    %add3A_1 = arith.addi %mul3A_0, %add3A : i32
    %get3A = arith.index_cast %add3A_1 : i32 to index
    %get3A_2 = memref.load %arg1[%get3A] : memref<12288xi32, #tpu.memory_space<smem>>
    %c0_i32 = arith.constant 0 : i32
    %c0_i32_3 = arith.constant 0 : i32
    %c0_i32_4 = arith.constant 0 : i32
    return %get3A_2, %c0_i32, %c0_i32_3 : i32, i32, i32
  }
  func.func @transform_173(%arg0: i32, %arg1: memref<12288xi32, #tpu.memory_space<smem>>) -> (i32, i32, i32) {
    %mul3A = arith.constant 192 : i32
    %mul3A_0 = arith.muli %mul3A, %arg0 : i32
    %add3A = arith.constant 172 : i32
    %add3A_1 = arith.addi %mul3A_0, %add3A : i32
    %get3A = arith.index_cast %add3A_1 : i32 to index
    %get3A_2 = memref.load %arg1[%get3A] : memref<12288xi32, #tpu.memory_space<smem>>
    %c0_i32 = arith.constant 0 : i32
    %c0_i32_3 = arith.constant 0 : i32
    %c0_i32_4 = arith.constant 0 : i32
    return %get3A_2, %c0_i32, %c0_i32_3 : i32, i32, i32
  }
  func.func @transform_174(%arg0: i32, %arg1: memref<12288xi32, #tpu.memory_space<smem>>) -> (i32, i32, i32) {
    %mul3A = arith.constant 192 : i32
    %mul3A_0 = arith.muli %mul3A, %arg0 : i32
    %add3A = arith.constant 173 : i32
    %add3A_1 = arith.addi %mul3A_0, %add3A : i32
    %get3A = arith.index_cast %add3A_1 : i32 to index
    %get3A_2 = memref.load %arg1[%get3A] : memref<12288xi32, #tpu.memory_space<smem>>
    %c0_i32 = arith.constant 0 : i32
    %c0_i32_3 = arith.constant 0 : i32
    %c0_i32_4 = arith.constant 0 : i32
    return %get3A_2, %c0_i32, %c0_i32_3 : i32, i32, i32
  }
  func.func @transform_175(%arg0: i32, %arg1: memref<12288xi32, #tpu.memory_space<smem>>) -> (i32, i32, i32) {
    %mul3A = arith.constant 192 : i32
    %mul3A_0 = arith.muli %mul3A, %arg0 : i32
    %add3A = arith.constant 174 : i32
    %add3A_1 = arith.addi %mul3A_0, %add3A : i32
    %get3A = arith.index_cast %add3A_1 : i32 to index
    %get3A_2 = memref.load %arg1[%get3A] : memref<12288xi32, #tpu.memory_space<smem>>
    %c0_i32 = arith.constant 0 : i32
    %c0_i32_3 = arith.constant 0 : i32
    %c0_i32_4 = arith.constant 0 : i32
    return %get3A_2, %c0_i32, %c0_i32_3 : i32, i32, i32
  }
  func.func @transform_176(%arg0: i32, %arg1: memref<12288xi32, #tpu.memory_space<smem>>) -> (i32, i32, i32) {
    %mul3A = arith.constant 192 : i32
    %mul3A_0 = arith.muli %mul3A, %arg0 : i32
    %add3A = arith.constant 175 : i32
    %add3A_1 = arith.addi %mul3A_0, %add3A : i32
    %get3A = arith.index_cast %add3A_1 : i32 to index
    %get3A_2 = memref.load %arg1[%get3A] : memref<12288xi32, #tpu.memory_space<smem>>
    %c0_i32 = arith.constant 0 : i32
    %c0_i32_3 = arith.constant 0 : i32
    %c0_i32_4 = arith.constant 0 : i32
    return %get3A_2, %c0_i32, %c0_i32_3 : i32, i32, i32
  }
  func.func @transform_177(%arg0: i32, %arg1: memref<12288xi32, #tpu.memory_space<smem>>) -> (i32, i32, i32) {
    %mul3A = arith.constant 192 : i32
    %mul3A_0 = arith.muli %mul3A, %arg0 : i32
    %add3A = arith.constant 176 : i32
    %add3A_1 = arith.addi %mul3A_0, %add3A : i32
    %get3A = arith.index_cast %add3A_1 : i32 to index
    %get3A_2 = memref.load %arg1[%get3A] : memref<12288xi32, #tpu.memory_space<smem>>
    %c0_i32 = arith.constant 0 : i32
    %c0_i32_3 = arith.constant 0 : i32
    %c0_i32_4 = arith.constant 0 : i32
    return %get3A_2, %c0_i32, %c0_i32_3 : i32, i32, i32
  }
  func.func @transform_178(%arg0: i32, %arg1: memref<12288xi32, #tpu.memory_space<smem>>) -> (i32, i32, i32) {
    %mul3A = arith.constant 192 : i32
    %mul3A_0 = arith.muli %mul3A, %arg0 : i32
    %add3A = arith.constant 177 : i32
    %add3A_1 = arith.addi %mul3A_0, %add3A : i32
    %get3A = arith.index_cast %add3A_1 : i32 to index
    %get3A_2 = memref.load %arg1[%get3A] : memref<12288xi32, #tpu.memory_space<smem>>
    %c0_i32 = arith.constant 0 : i32
    %c0_i32_3 = arith.constant 0 : i32
    %c0_i32_4 = arith.constant 0 : i32
    return %get3A_2, %c0_i32, %c0_i32_3 : i32, i32, i32
  }
  func.func @transform_179(%arg0: i32, %arg1: memref<12288xi32, #tpu.memory_space<smem>>) -> (i32, i32, i32) {
    %mul3A = arith.constant 192 : i32
    %mul3A_0 = arith.muli %mul3A, %arg0 : i32
    %add3A = arith.constant 178 : i32
    %add3A_1 = arith.addi %mul3A_0, %add3A : i32
    %get3A = arith.index_cast %add3A_1 : i32 to index
    %get3A_2 = memref.load %arg1[%get3A] : memref<12288xi32, #tpu.memory_space<smem>>
    %c0_i32 = arith.constant 0 : i32
    %c0_i32_3 = arith.constant 0 : i32
    %c0_i32_4 = arith.constant 0 : i32
    return %get3A_2, %c0_i32, %c0_i32_3 : i32, i32, i32
  }
  func.func @transform_180(%arg0: i32, %arg1: memref<12288xi32, #tpu.memory_space<smem>>) -> (i32, i32, i32) {
    %mul3A = arith.constant 192 : i32
    %mul3A_0 = arith.muli %mul3A, %arg0 : i32
    %add3A = arith.constant 179 : i32
    %add3A_1 = arith.addi %mul3A_0, %add3A : i32
    %get3A = arith.index_cast %add3A_1 : i32 to index
    %get3A_2 = memref.load %arg1[%get3A] : memref<12288xi32, #tpu.memory_space<smem>>
    %c0_i32 = arith.constant 0 : i32
    %c0_i32_3 = arith.constant 0 : i32
    %c0_i32_4 = arith.constant 0 : i32
    return %get3A_2, %c0_i32, %c0_i32_3 : i32, i32, i32
  }
  func.func @transform_181(%arg0: i32, %arg1: memref<12288xi32, #tpu.memory_space<smem>>) -> (i32, i32, i32) {
    %mul3A = arith.constant 192 : i32
    %mul3A_0 = arith.muli %mul3A, %arg0 : i32
    %add3A = arith.constant 180 : i32
    %add3A_1 = arith.addi %mul3A_0, %add3A : i32
    %get3A = arith.index_cast %add3A_1 : i32 to index
    %get3A_2 = memref.load %arg1[%get3A] : memref<12288xi32, #tpu.memory_space<smem>>
    %c0_i32 = arith.constant 0 : i32
    %c0_i32_3 = arith.constant 0 : i32
    %c0_i32_4 = arith.constant 0 : i32
    return %get3A_2, %c0_i32, %c0_i32_3 : i32, i32, i32
  }
  func.func @transform_182(%arg0: i32, %arg1: memref<12288xi32, #tpu.memory_space<smem>>) -> (i32, i32, i32) {
    %mul3A = arith.constant 192 : i32
    %mul3A_0 = arith.muli %mul3A, %arg0 : i32
    %add3A = arith.constant 181 : i32
    %add3A_1 = arith.addi %mul3A_0, %add3A : i32
    %get3A = arith.index_cast %add3A_1 : i32 to index
    %get3A_2 = memref.load %arg1[%get3A] : memref<12288xi32, #tpu.memory_space<smem>>
    %c0_i32 = arith.constant 0 : i32
    %c0_i32_3 = arith.constant 0 : i32
    %c0_i32_4 = arith.constant 0 : i32
    return %get3A_2, %c0_i32, %c0_i32_3 : i32, i32, i32
  }
  func.func @transform_183(%arg0: i32, %arg1: memref<12288xi32, #tpu.memory_space<smem>>) -> (i32, i32, i32) {
    %mul3A = arith.constant 192 : i32
    %mul3A_0 = arith.muli %mul3A, %arg0 : i32
    %add3A = arith.constant 182 : i32
    %add3A_1 = arith.addi %mul3A_0, %add3A : i32
    %get3A = arith.index_cast %add3A_1 : i32 to index
    %get3A_2 = memref.load %arg1[%get3A] : memref<12288xi32, #tpu.memory_space<smem>>
    %c0_i32 = arith.constant 0 : i32
    %c0_i32_3 = arith.constant 0 : i32
    %c0_i32_4 = arith.constant 0 : i32
    return %get3A_2, %c0_i32, %c0_i32_3 : i32, i32, i32
  }
  func.func @transform_184(%arg0: i32, %arg1: memref<12288xi32, #tpu.memory_space<smem>>) -> (i32, i32, i32) {
    %mul3A = arith.constant 192 : i32
    %mul3A_0 = arith.muli %mul3A, %arg0 : i32
    %add3A = arith.constant 183 : i32
    %add3A_1 = arith.addi %mul3A_0, %add3A : i32
    %get3A = arith.index_cast %add3A_1 : i32 to index
    %get3A_2 = memref.load %arg1[%get3A] : memref<12288xi32, #tpu.memory_space<smem>>
    %c0_i32 = arith.constant 0 : i32
    %c0_i32_3 = arith.constant 0 : i32
    %c0_i32_4 = arith.constant 0 : i32
    return %get3A_2, %c0_i32, %c0_i32_3 : i32, i32, i32
  }
  func.func @transform_185(%arg0: i32, %arg1: memref<12288xi32, #tpu.memory_space<smem>>) -> (i32, i32, i32) {
    %mul3A = arith.constant 192 : i32
    %mul3A_0 = arith.muli %mul3A, %arg0 : i32
    %add3A = arith.constant 184 : i32
    %add3A_1 = arith.addi %mul3A_0, %add3A : i32
    %get3A = arith.index_cast %add3A_1 : i32 to index
    %get3A_2 = memref.load %arg1[%get3A] : memref<12288xi32, #tpu.memory_space<smem>>
    %c0_i32 = arith.constant 0 : i32
    %c0_i32_3 = arith.constant 0 : i32
    %c0_i32_4 = arith.constant 0 : i32
    return %get3A_2, %c0_i32, %c0_i32_3 : i32, i32, i32
  }
  func.func @transform_186(%arg0: i32, %arg1: memref<12288xi32, #tpu.memory_space<smem>>) -> (i32, i32, i32) {
    %mul3A = arith.constant 192 : i32
    %mul3A_0 = arith.muli %mul3A, %arg0 : i32
    %add3A = arith.constant 185 : i32
    %add3A_1 = arith.addi %mul3A_0, %add3A : i32
    %get3A = arith.index_cast %add3A_1 : i32 to index
    %get3A_2 = memref.load %arg1[%get3A] : memref<12288xi32, #tpu.memory_space<smem>>
    %c0_i32 = arith.constant 0 : i32
    %c0_i32_3 = arith.constant 0 : i32
    %c0_i32_4 = arith.constant 0 : i32
    return %get3A_2, %c0_i32, %c0_i32_3 : i32, i32, i32
  }
  func.func @transform_187(%arg0: i32, %arg1: memref<12288xi32, #tpu.memory_space<smem>>) -> (i32, i32, i32) {
    %mul3A = arith.constant 192 : i32
    %mul3A_0 = arith.muli %mul3A, %arg0 : i32
    %add3A = arith.constant 186 : i32
    %add3A_1 = arith.addi %mul3A_0, %add3A : i32
    %get3A = arith.index_cast %add3A_1 : i32 to index
    %get3A_2 = memref.load %arg1[%get3A] : memref<12288xi32, #tpu.memory_space<smem>>
    %c0_i32 = arith.constant 0 : i32
    %c0_i32_3 = arith.constant 0 : i32
    %c0_i32_4 = arith.constant 0 : i32
    return %get3A_2, %c0_i32, %c0_i32_3 : i32, i32, i32
  }
  func.func @transform_188(%arg0: i32, %arg1: memref<12288xi32, #tpu.memory_space<smem>>) -> (i32, i32, i32) {
    %mul3A = arith.constant 192 : i32
    %mul3A_0 = arith.muli %mul3A, %arg0 : i32
    %add3A = arith.constant 187 : i32
    %add3A_1 = arith.addi %mul3A_0, %add3A : i32
    %get3A = arith.index_cast %add3A_1 : i32 to index
    %get3A_2 = memref.load %arg1[%get3A] : memref<12288xi32, #tpu.memory_space<smem>>
    %c0_i32 = arith.constant 0 : i32
    %c0_i32_3 = arith.constant 0 : i32
    %c0_i32_4 = arith.constant 0 : i32
    return %get3A_2, %c0_i32, %c0_i32_3 : i32, i32, i32
  }
  func.func @transform_189(%arg0: i32, %arg1: memref<12288xi32, #tpu.memory_space<smem>>) -> (i32, i32, i32) {
    %mul3A = arith.constant 192 : i32
    %mul3A_0 = arith.muli %mul3A, %arg0 : i32
    %add3A = arith.constant 188 : i32
    %add3A_1 = arith.addi %mul3A_0, %add3A : i32
    %get3A = arith.index_cast %add3A_1 : i32 to index
    %get3A_2 = memref.load %arg1[%get3A] : memref<12288xi32, #tpu.memory_space<smem>>
    %c0_i32 = arith.constant 0 : i32
    %c0_i32_3 = arith.constant 0 : i32
    %c0_i32_4 = arith.constant 0 : i32
    return %get3A_2, %c0_i32, %c0_i32_3 : i32, i32, i32
  }
  func.func @transform_190(%arg0: i32, %arg1: memref<12288xi32, #tpu.memory_space<smem>>) -> (i32, i32, i32) {
    %mul3A = arith.constant 192 : i32
    %mul3A_0 = arith.muli %mul3A, %arg0 : i32
    %add3A = arith.constant 189 : i32
    %add3A_1 = arith.addi %mul3A_0, %add3A : i32
    %get3A = arith.index_cast %add3A_1 : i32 to index
    %get3A_2 = memref.load %arg1[%get3A] : memref<12288xi32, #tpu.memory_space<smem>>
    %c0_i32 = arith.constant 0 : i32
    %c0_i32_3 = arith.constant 0 : i32
    %c0_i32_4 = arith.constant 0 : i32
    return %get3A_2, %c0_i32, %c0_i32_3 : i32, i32, i32
  }
  func.func @transform_191(%arg0: i32, %arg1: memref<12288xi32, #tpu.memory_space<smem>>) -> (i32, i32, i32) {
    %mul3A = arith.constant 192 : i32
    %mul3A_0 = arith.muli %mul3A, %arg0 : i32
    %add3A = arith.constant 190 : i32
    %add3A_1 = arith.addi %mul3A_0, %add3A : i32
    %get3A = arith.index_cast %add3A_1 : i32 to index
    %get3A_2 = memref.load %arg1[%get3A] : memref<12288xi32, #tpu.memory_space<smem>>
    %c0_i32 = arith.constant 0 : i32
    %c0_i32_3 = arith.constant 0 : i32
    %c0_i32_4 = arith.constant 0 : i32
    return %get3A_2, %c0_i32, %c0_i32_3 : i32, i32, i32
  }
  func.func @transform_192(%arg0: i32, %arg1: memref<12288xi32, #tpu.memory_space<smem>>) -> (i32, i32, i32) {
    %mul3A = arith.constant 192 : i32
    %mul3A_0 = arith.muli %mul3A, %arg0 : i32
    %add3A = arith.constant 191 : i32
    %add3A_1 = arith.addi %mul3A_0, %add3A : i32
    %get3A = arith.index_cast %add3A_1 : i32 to index
    %get3A_2 = memref.load %arg1[%get3A] : memref<12288xi32, #tpu.memory_space<smem>>
    %c0_i32 = arith.constant 0 : i32
    %c0_i32_3 = arith.constant 0 : i32
    %c0_i32_4 = arith.constant 0 : i32
    return %get3A_2, %c0_i32, %c0_i32_3 : i32, i32, i32
  }
  func.func @transform_193(%arg0: i32, %arg1: memref<12288xi32, #tpu.memory_space<smem>>) -> (i32, i32, i32) {
    %c0_i32 = arith.constant 0 : i32
    %c0_i32_0 = arith.constant 0 : i32
    %c0_i32_1 = arith.constant 0 : i32
    return %arg0, %c0_i32, %c0_i32_0 : i32, i32, i32
  }
  func.func @transform_194(%arg0: i32, %arg1: memref<12288xi32, #tpu.memory_space<smem>>) -> (i32, i32) {
    %c0_i32 = arith.constant 0 : i32
    %c0_i32_0 = arith.constant 0 : i32
    %c0_i32_1 = arith.constant 0 : i32
    return %c0_i32, %c0_i32_0 : i32, i32
  }
  func.func @transform_195(%arg0: i32, %arg1: memref<12288xi32, #tpu.memory_space<smem>>) -> (i32, i32) {
    %c0_i32 = arith.constant 0 : i32
    %c0_i32_0 = arith.constant 0 : i32
    %c0_i32_1 = arith.constant 0 : i32
    return %c0_i32, %c0_i32_0 : i32, i32
  }
  func.func @transform_196(%arg0: i32, %arg1: memref<12288xi32, #tpu.memory_space<smem>>) -> (i32, i32, i32, i32) {
    %c0_i32 = arith.constant 0 : i32
    %c0_i32_0 = arith.constant 0 : i32
    %c0_i32_1 = arith.constant 0 : i32
    %c0_i32_2 = arith.constant 0 : i32
    return %c0_i32, %arg0, %c0_i32_0, %c0_i32_1 : i32, i32, i32, i32
  }
}

</mosaic_0001>

<sc_bundles>
// kernel: sparse-core-data-format-call.cloned.1.call-start
scs
called_computation_lowered:
.L_overlay_start_0:
0x0: {  	s2 =	sld [smem:$0x3FD9]  }
0x1: {  	s3 =	sld [smem:$0x3FFE];
	_ =	sdelay $0x1  }
0x2: {  	s1 =	srdreg.scid  }
0x3: {  	s0 =	sand.u32 $0x1, s1  }
0x4: {  	s18 =	sshll.u32 s0, $0xA;
	s2 =	sadd.s32 s3, s2  }
0x5: {  	s2 =	sadd.s32 s2, s18  }
0x6: {  	[smem:$0x3FBD] =	sst s2  }
0x7: {  	_ = 	snop  }
0x8: {  	s2 =	sld [smem:$0x3FD0];
	(tm) =	ssettm $0x1  }
0x9: {  	s19 =	sld [smem:$0x3FFB];
	_ =	sdelay $0x3  }
0xa: {  	_ =	strace s19  }
0xb: {  	s3 =	sld [smem:$0x3FFC];
	_ =	sdelay $0x3  }
0xc: {  	_ =	strace s3  }
0xd: {  	s3 =	sld [smem:$0x3FFD];
	_ =	sdelay $0x3  }
0xe: {  	_ =	strace s3  }
0xf: {  	_ =	strace $0x8FFFFFFF  }
0x10: {  	s20 =	sld [smem:$0x3FDB];
	_ =	sdelay $0x1  }
0x11: {  	s4 =	simm.s32 $_scs_section_size  }
0x12: {  	s5 =	simm.s32 $_size__tile_overlayer_lowered;
	s6 =	simm.s32 $_tile_overlayer_lowered  }
0x13: {  	s23 =	simm.s32 $0x1BFF;
	s22 =	sshll.u32 s6, $0x1;
	s3 =	sadd.s32 s4, s20  }
0x14: {  	s7 =	simm.s32 $0x0;
	s21 =	sshll.u32 s5, $0x1;
	s5 =	sadd.s32 s22, s3  }
0x15: {  	[timem:s7], [sflag:s23] =	dma.local [hbm:s5], s21  }
0x16: {  	_ =	swait.ge [sflag:s23], s21  }
0x17: {  	s4 =	ssub.s32 $0x0, s21;
	[sflag:s23] =	ssyncset.done $0x0  }
0x18: {  	[sflag:s23] =	ssyncadd.s32 s4;
	_ =	sdelay $0x1  }
0x19: {  	s24 =	simm.s32 $0x1B8B  }
0x1a: {  	_ =	swait.ge [sflag:s24], $0x1  }
0x1b: {  	[sflag:s24] =	ssyncset.done $0x0  }
0x1c: {  	s26 =	simm.s32 $0x1B8E;
	s25 =	sld [smem:$0x3FFE];
	[sflag:s24] =	ssyncadd.s32 $0xFFFFFFFF  }
0x1d: {  	s27 =	simm.s32 $execute0_lowered;
	[smem:$0x3FD2] =	sst s26  }
0x1e: {  	s5 =	sshll.u32 s27, $0x1;
	_ =	strace $0x80000046;
	[dreg:$0x1] =	wrdreg $0xFFFFFFFF  }
0x1f: {  	s28 =	simm.s32 $_size_execute0_lowered;
	s3 =	sadd.s32 s3, s5;
	[dreg:$0x0] =	wrdreg $0x0  }
0x20: {  	s5 =	sshll.u32 s28, $0x1;
	[dreg:$0x2] =	wrdreg s3  }
0x21: {  	[dreg:$0x3] =	wrdreg s5  }
0x22: {  	[dreg:$0x4] =	wrdreg $0xC0  }
0x23: {  	_ =	task [dreg:s7], $0x5FFFF  }
0x24: {  	[dreg:$0x1] =	wrdreg $0xFFFFFFFF  }
0x25: {  	[dreg:$0x0] =	wrdreg $0x60  }
0x26: {  	[dreg:$0x2] =	wrdreg s25  }
0x27: {  	[dreg:$0x3] =	wrdreg s2  }
0x28: {  	[dreg:$0x4] =	wrdreg $0x9  }
0x29: {  	_ =	task.clear_ibuf [dreg:s7], $0x5FFFF;
	_ =	strace $0x90000046  }
0x2a: {  	s29 =	simm.s32 $0x9;
	_ =	strace $0x80000048  }
0x2b: {  	_ =	swait.ge [sflag:s29], $0x1  }
0x2c: {  	[sflag:s29] =	ssyncadd.s32 $0xFFFFFFFF  }
0x2d: {  	_ =	strace $0x90000048  }
0x2e: {  	_ =	sfence  }
0x2f: {  	s30 =	sld [smem:$0x0];
	_ =	sdelay $0x2  }
0x30: {  	s31 =	sshll.u32 s1, $0xD;
	s1 =	sshrl.u32 s1, $0x2  }
0x31: {  	s3 =	sand.u32 $0x4000, s31;
	s1 =	sadd.s32 s1, s30  }
0x32: {  	s0 =	sor.u32 s3, s0;
	s1 =	sshll.u32 s1, $0x11  }
0x33: {  	s0 =	sor.u32 s1, s0  }
0x34: {  	s0 =	sadd.s32 $0x8F2B, s0  }
0x35: {  	[sflag:s0] =	ssyncadd.remote.s32 $0x1  }
0x36: {  	_ =	sfence.sel $0xFFFF  }
0x37: {  	[dreg:$0x0] =	wrdreg $0xFFFFFFFF;
	(pc) =	sbr.abs _section_cstart, $3  }
0x38: {  	[dreg:$0x1] =	wrdreg $0xFFFFFFFF  }
0x39: {  	_ =	task.clear_ibuf [dreg:s7], $0x2FFFF;
	_ =	strace $0x9FFFFFFF  }
0x3a: {  	(tm) =	ssettm $0x7FFFFFFF  }
0x3b: {  	_ =	shalt  }
tec
execute0_lowered:
.L_overlay_start_1:
0x0: {  	(tag) =	ssettag $0x1  }
0x1: {  	s1 =	rddreg [dreg:$0x0]  }
0x2: {  	s2 =	rddreg [dreg:$0x1]  }
0x3: {  	s0 =	rddreg [dreg:$0x2]  }
0x4: {  	s4 =	srdreg.scid;
	_ =	strace $0x80000047;
	s6 =	simm.s32 $0x2  }
0x5: {  	s12 =	simm.s32 $0x0;
	p0 =	por $0x0, $0x0;
	s13 =	simm.s32 $0x0  }
.Ltmp0:
0x6: {  	s8 =	simm.s32 $0x0;
	s9 =	simm.s32 $0x0;
	(pc) =	sbr.rel .LBB1_1-.Ltmp0, $4  }
0x7: {  	s10 =	simm.s32 $0x0;
	s3 =	sadd.s32 $0x1600, s1;
	s4 =	sshll.u32 s4, $0x4  }
0x8: {  	s1 =	stileid.u32;
	s5 =	sand.u32 $0x10, s4;
	s4 =	simm.s32 $0x1  }
0x9: {  	s7 =	simm.s32 $0x0;
	s5 =	sor.u32 s1, s5;
	[sflag:s4] =	ssyncpa.u1 $0x0  }
0xa: {  	[sflag:s6] =	ssyncpa.u1 $0x0;
	s6 =	simm.s32 $0x40000;
	s11 =	smov.u32 s5  }
.LBB1_5:
0xb: {  	p1 =	slt.u32 s7, $0x2  }
0xc: {  	s15 =	smov.u32 s13;
	p2 =	sgt.s32 @!p1 s13, $0x1FF;
	s14 =	sshra.s32 @!p1 s13, $0x1F  }
0xd: {  	p3 =	sgt.s32 @!p1 s12, $0x180;
	s16 =	sshra.s32 @!p1 s12, $0x1F;
	p2 =	por !p2, p1  }
0xe: {  	s13 =	sand.u32 @!p1 s14, s13;
	p3 =	por !p3, p1;
	s14 =	smov.u32 s12  }
0xf: {  	s12 =	sand.u32 @!p1 s16, s12;
	s15 =	simm.s32 @p2 $0x1FF;
	s14 =	simm.s32 @p3 $0x180  }
0x10: {  	s16 =	smov.u32 s11;
	s13 =	ssub.s32 @!p1 s15, s13;
	s12 =	ssub.s32 @!p1 s14, s12  }
0x11: {  	s14 =	sadd.s32 @!p1 $0xFFFFFE01, s13;
	s13 =	ssub.s32 @!p1 $0x200, s13;
	s15 =	sadd.s32 @!p1 $0xFFFFFE80, s12  }
0x12: {  	p2 =	sgt.s32 @!p1 s14, $0x0;
	s13 =	smul.u32 @!p1 $0x60, s13;
	p3 =	sgt.s32 @!p1 s15, $0x7F  }
0x13: {  	s12 =	ssub.s32 @!p1 $0x200, s12;
	p2 =	por !p2, p1;
	p3 =	por !p3, p1  }
0x14: {  	s14 =	sadd.s32 $0x80, s10;
	s13 =	simm.s32 @!p2 $0x0;
	s12 =	simm.s32 @!p3 $0x0  }
0x15: {  	p2 =	sgt.s32 s14, $0x1FF;
	s12 =	smul.u32 @!p1 s12, s13;
	s13 =	sadd.s32 $0x20, s11  }
0x16: {  	s16 =	smov.u32 @p2 s13  }
0x17: {  	s7 =	sadd.s32 $0x1, s7;
	s14 =	simm.s32 @p2 $0x0;
	p2 =	sgt.s32 s16, $0x1FF  }
0x18: {  	s16 =	smov.u32 @p2 s5;
	p2 =	sne.s32 s7, $0x42  }
.Ltmp1:
0x19: {  	p0 =	por !p0, !p0;
	(pc) =	sbr.rel @!p2 .LBB1_6-.Ltmp1, $4  }
0x1a: {  	s15 =	simm.s32 @!p1 $0x2;
	s13 =	smov.u32 s9;
	s12 =	sand.u32 @!p1 $0x3FFFFFE0, s12  }
0x1b: {  	s9 =	smov.u32 s11;
	_ =	swait.ge @!p1 [sflag:s15], s12;
	s17 =	ssub.s32 @!p1 $0x0, s12  }
0x1c: {  	s12 =	smov.u32 s8;
	s8 =	smov.u32 s10;
	[sflag:s15] =	ssyncset.done @!p1 $0x0  }
0x1d: {  	s10 =	smov.u32 s14;
	s11 =	smov.u32 s16;
	[sflag:s15] =	ssyncadd.s32 @!p1 s17  }
.LBB1_1:
0x1e: {  	p1 =	sgt.u32 s7, $0x3F  }
0x1f: {  	s14 =	sxor.u32 @!p1 $0xFFFFFFFF, s7;
	s15 =	sshll.u32 @!p1 s11, $0xD;
	s16 =	sshll.u32 @!p1 s10, $0x4  }
0x20: {  	s14 =	sshll.u32 @!p1 s14, $0xE;
	s16 =	sand.u32 @!p1 $0x1FF0, s16;
	s15 =	sadd.s32 @!p1 s3, s15  }
0x21: {  	s14 =	sand.u32 @!p1 $0x4000, s14;
	s15 =	sadd.s32 @!p1 s16, s15;
	s16 =	simm.s32 @!p1 $0x0  }
0x22: {  	[tilespmem:s14], [sflag:$0x1] =	stream.linear.gather @!p1 [hbm4b:s15+s16], $0x4000, $0x38;
	[tilespmem:$0x10100] =	vst v63  }
0x23: {  	p1 =	seq.s32 s7, $0x0  }
0x24: {  	p2 =	seq.s32 @!p1 s7, $0x41  }
0x25: {  	p1 =	por p1, p2  }
.Ltmp2:
0x26: {  	_ = 	snop;
	(pc) =	sbr.rel @p1 .LBB1_5-.Ltmp2, $1  }
0x27: {  	_ =	sdelay $0x3  }
0x28: {  	s14 =	simm.s32 $0x1  }
0x29: {  	_ =	swait.ge [sflag:s4], $0x4000;
	s14 =	simm.s32 @!p0 $0x0  }
0x2a: {  	[sflag:s4] =	ssyncset.done $0x0;
	s15 =	sshll.u32 s14, $0xE  }
0x2b: {  	[sflag:s4] =	ssyncadd.s32 $0xFFFFC000;
	s15 =	sor.u32 $0x40, s15  }
0x2c: {  	s14 =	smul.u32 $0x10200, s14;
	v0 =	vld [tilespmem:s15+$0x30]  }
0x2d: {  	v1 =	vld [tilespmem:s15+$0xFFFFFFD0]  }
0x2e: {  	s14 =	sshrl.u32 s14, $0x2;
	v5 =	vld [tilespmem:s15+$0xFFFFFFE0]  }
0x2f: {  	v6 =	vld [tilespmem:s15+$0xFFFFFFF0];
	s17 =	sor.u32 $0x8000, s14  }
0x30: {  	s31 =	sand.u32 $0x1, s7;
	v4 =	vld [tilespmem:s15+$0x0];
	s16 =	sadd.s32 $0x0, s17  }
0x31: {  	v3 =	vld [tilespmem:s15+$0x10];
	s14 =	smul.u32 $0x10200, s31;
	[tilespmem:s16+$0x3870 ss:$0x81] =	vst.msk $0xffff, v0  }
0x32: {  	v2 =	vld [tilespmem:s15+$0x20];
	[tilespmem:s16+$0x810 ss:$0x81] =	vst.msk $0xffff, v1  }
0x33: {  	s14 =	sshrl.u32 s14, $0x2;
	v0 =	vld [tilespmem:s15+$0xFFFFFFC0];
	[tilespmem:s16+$0x1020 ss:$0x81] =	vst.msk $0xffff, v5;
	s15 =	sadd.s32 $0x80, s15  }
0x34: {  	s18 =	simm.s32 $0x4;
	s19 =	simm.s32 $0x8;
	s14 =	sor.u32 $0x8000, s14;
	[tilespmem:s16+$0x1830 ss:$0x81] =	vst.msk $0xffff, v6;
	v1 =	vld [tilespmem:s15+$0x30]  }
.LBB1_3:
0x35: {  	p1 =	sne.s32 s19, $0x1FC;
	v5 =	vld [tilespmem:s15+$0xFFFFFFD0];
	[tilespmem:s16+$0x2040 ss:$0x81] =	vst.msk $0xffff, v4  }
0x36: {  	v6 =	vld [tilespmem:s15+$0xFFFFFFE0];
	[tilespmem:s16+$0x2850 ss:$0x81] =	vst.msk $0xffff, v3  }
0x37: {  	s20 =	sshra.s32 s18, $0x2;
	s18 =	smov.u32 s19;
	v7 =	vld [tilespmem:s15+$0xFFFFFFF0];
	[tilespmem:s16+$0x3060 ss:$0x81] =	vst.msk $0xffff, v2  }
.Ltmp3:
0x38: {  	v4 =	vld [tilespmem:s15+$0x0];
	[tilespmem:s16+$0x0 ss:$0x81] =	vst.msk $0xffff, v0;
	s16 =	sadd.s32 s20, s17;
	(pc) =	sbr.rel @p1 .LBB1_3-.Ltmp3, $4  }
0x39: {  	v3 =	vld [tilespmem:s15+$0x10];
	[tilespmem:s16+$0x3870 ss:$0x81] =	vst.msk $0xffff, v1  }
0x3a: {  	[tilespmem:s16+$0x810 ss:$0x81] =	vst.msk $0xffff, v5;
	v2 =	vld [tilespmem:s15+$0x20]  }
0x3b: {  	v0 =	vld [tilespmem:s15+$0xFFFFFFC0];
	[tilespmem:s16+$0x1020 ss:$0x81] =	vst.msk $0xffff, v6;
	s15 =	sadd.s32 $0x80, s15  }
0x3c: {  	s19 =	sadd.s32 $0x4, s19;
	v1 =	vld [tilespmem:s15+$0x30];
	[tilespmem:s16+$0x1830 ss:$0x81] =	vst.msk $0xffff, v7  }
0x3d: {  	v5 =	vld [tilespmem:s15+$0xFFFFFFD0]  }
0x3e: {  	v58 =	vld [tilespmem:s15+$0xFFFFFFE0]  }
0x3f: {  	s18 =	sshra.s32 s18, $0x2;
	p1 =	sgt.s32 s9, $0x1FF;
	s19 =	smov.u32 s9;
	v59 =	vld [tilespmem:s15+$0xFFFFFFF0]  }
0x40: {  	s20 =	sshra.s32 s9, $0x1F;
	s22 =	sshra.s32 s8, $0x1F;
	v60 =	vld [tilespmem:s15+$0x0];
	s25 =	sshll.u32 s8, $0x3  }
0x41: {  	[tilespmem:s16+$0x2040 ss:$0x81] =	vst.msk $0xffff, v4;
	v61 =	vld [tilespmem:s15+$0x10];
	s27 =	sshll.u32 s9, $0x7;
	s28 =	sand.u32 $0x78, s8;
	s17 =	sadd.s32 s18, s17  }
0x42: {  	v62 =	vld [tilespmem:s15+$0x20];
	s19 =	simm.s32 @!p1 $0x1FF;
	s21 =	sand.u32 s20, s9;
	[tilespmem:s16+$0x2850 ss:$0x81] =	vst.msk $0xffff, v3;
	p1 =	sgt.s32 s8, $0x180  }
0x43: {  	v63 =	vld [tilespmem:s15+$0xFFFFFFC0];
	s20 =	sand.u32 s22, s8;
	s15 =	sand.u32 $0x380, s27;
	s18 =	ssub.s32 s19, s21;
	[tilespmem:s16+$0x3060 ss:$0x81] =	vst.msk $0xffff, v2  }
0x44: {  	s19 =	smov.u32 s8;
	s21 =	sshll.u32 s9, $0x9;
	s15 =	sor.u32 s28, s15;
	[tilespmem:s16+$0x0 ss:$0x81] =	vst.msk $0xffff, v0  }
0x45: {  	s19 =	simm.s32 @!p1 $0x180;
	s23 =	sand.u32 $0x3F000, s21;
	s24 =	ssub.s32 $0x200, s18;
	[tilespmem:s17+$0x3870 ss:$0x81] =	vst.msk $0xffff, v1  }
0x46: {  	s18 =	sadd.s32 $0xFFFFFE01, s18;
	s19 =	ssub.s32 s19, s20;
	s21 =	smul.u32 $0x60, s24;
	[tilespmem:s17+$0x810 ss:$0x81] =	vst.msk $0xffff, v5  }
0x47: {  	s16 =	sadd.s32 s23, s25;
	p1 =	sgt.s32 s18, $0x0;
	s26 =	sadd.s32 $0xFFFFFE80, s19;
	[tilespmem:s17+$0x1020 ss:$0x81] =	vst.msk $0xffff, v58  }
0x48: {  	[tilespmem:s17+$0x1830 ss:$0x81] =	vst.msk $0xffff, v59;
	s19 =	ssub.s32 $0x200, s19;
	s21 =	simm.s32 @p1 $0x0;
	p1 =	sgt.s32 s26, $0x7F  }
.Ltmp4:
0x49: {  	[tilespmem:s17+$0x2040 ss:$0x81] =	vst.msk $0xffff, v60;
	s16 =	sand.u32 $0x3FC00, s16;
	s19 =	simm.s32 @p1 $0x0;
	(pc) =	sbr.rel .LBB1_5-.Ltmp4, $4  }
0x4a: {  	s30 =	sand.u32 $0x7, s8;
	[tilespmem:s17+$0x2850 ss:$0x81] =	vst.msk $0xffff, v61;
	s15 =	sor.u32 s16, s15;
	s29 =	smul.u32 s19, s21  }
0x4b: {  	[tilespmem:s17+$0x3060 ss:$0x81] =	vst.msk $0xffff, v62;
	s16 =	sshll.u32 s30, $0x12;
	s15 =	sshrl.u32 s15, $0x3  }
0x4c: {  	[tilespmem:s17+$0x0 ss:$0x81] =	vst.msk $0xffff, v63;
	s16 =	sor.u32 $0x80, s16;
	s15 =	sadd.s32 s2, s15;
	s31 =	sand.u32 $0x3FFFFFE0, s29  }
0x4d: {  	[hbm4b:s15+s16] =	stream.strided.scatter [tilespmem:s14], [sflag:$0x2], s31, s6, s16, $0x20;
	[tilespmem:$0x10100] =	vst v63  }
.LBB1_6:
0x4e: {  	_ =	sfence.sel $0x180000  }
0x4f: {  	s2 =	simm.s32 $0x1;
	[bflag:$0x0] =	sbarrier.arrive $0xFFFF  }
0x50: {  	s31 =	simm.s32 $0x2;
	[sflag:s2] =	ssyncpa.u1 $0x1  }
0x51: {  	[sflag:s31] =	ssyncpa.u1 $0x1  }
0x52: {  	p0 =	sne.s32 s1, $0x0;
	_ =	strace $0x90000047  }
0x53: {  	s0 =	sadd.s32 @!p0 $0x100000, s0;
	[bflag:$0x2] =	sbarrier.arrive $0xFFFF  }
0x54: {  	[sflag:s0] =	ssyncadd.tile.s32 @!p0 $0x1;
	_ =	shalt  }
.Lfunc_end1:
_tile_overlayer_lowered:
.L_overlay_start_2:
0x55: {  	(tag) =	ssettag $0x2  }
0x56: {  	s0 =	rddreg [dreg:$0x0];
	s2 =	stileid.u32  }
0x57: {  	s1 =	rddreg [dreg:$0x1];
	p0 =	sne.s32 s2, $0x0  }
0x58: {  	s3 =	rddreg [dreg:$0x2];
	[bflag:$0x3] =	sbarrier.arrive $0xFFFF;
	s2 =	simm.s32 @!p0 $0x1C01  }
0x59: {  	[timem:s3], [sflag:s2] =	dma.local @!p0 [hbm:s0], s1  }
0x5a: {  	s0 =	simm.s32 @!p0 $0x1  }
0x5b: {  	_ =	swait.ge @!p0 [sflag:s0], s1  }
0x5c: {  	s1 =	ssub.s32 @!p0 $0x0, s1;
	[sflag:s0] =	ssyncset.done @!p0 $0x0  }
0x5d: {  	[sflag:s0] =	ssyncadd.s32 @!p0 s1  }
0x5e: {  	[bflag:$0x3] =	sbarrier.arrive $0xFFFF  }
0x5f: {  	_ =	shalt  }

</sc_bundles>
